<compile_context>
chip_gen: v7x
topology: tpu7x:2x2x1
jax: 0.10.2.dev20260603
libtpu: 0.0.44.dev20260713+nightly
codegen_flags: <defaults>
</compile_context>

<pallas_src>
import functools

import jax
import jax.numpy as jnp
from jax import lax
from jax.experimental import pallas as pl
from jax.experimental.pallas import tpu as pltpu
from jax.experimental.pallas import tpu_sc as plsc

N = 5000
NPAD = 5120
M = 50
MPAD = 64
B = 8
NC = 2
NS = 16
PER_TILE = NPAD // NS
VPT = PER_TILE // 16
B_PER_CORE = B // NC

_F32 = jnp.float32
_I32 = jnp.int32


def _softlog(p):
    bits = plsc.bitcast(p, _I32)
    e = (lax.shift_right_logical(bits, 23) & 255) - 127
    mbits = (bits & 0x007FFFFF) | 0x3F800000
    m = plsc.bitcast(mbits, _F32)
    big = m > jnp.float32(1.4142135)
    m = jnp.where(big, m * jnp.float32(0.5), m)
    ef = e.astype(_F32) + jnp.where(big, jnp.float32(1.0), jnp.float32(0.0))
    s = (m - jnp.float32(1.0)) / (m + jnp.float32(1.0))
    z = s * s
    poly = jnp.float32(2.0) + z * (
        jnp.float32(0.6666666) + z * (
            jnp.float32(0.4000001) + z * (
                jnp.float32(0.2857143) + z * jnp.float32(0.22222222))))
    return s * poly + ef * jnp.float32(0.69314718)


def _sc_body(a_h, c_h, g_h, n_h, t_h, out_h,
             anc, areaa, cls_cur, gxy, cnt, forced, colst,
             loc_col, accs, loc_acc, outv, sh_col, sh_acc):
    c = lax.axis_index("c")
    s = lax.axis_index("s")
    base = s * PER_TILE
    basef = base.astype(_F32)

    lane_i = jnp.arange(16, dtype=_I32)
    lane_f = lane_i.astype(_F32)
    lane0 = lane_i == 0
    ones16 = jnp.ones((16,), _F32)
    zeros16 = jnp.zeros((16,), _F32)

    for k in range(4):
        pltpu.sync_copy(a_h.at[pl.ds(k * NPAD + base, PER_TILE)],
                        anc.at[pl.ds(k * PER_TILE, PER_TILE)])
    for v in range(VPT):
        d = pl.ds(v * 16, 16)
        areaa[d] = ((anc[pl.ds(2 * PER_TILE + v * 16, 16)]
                     - anc[pl.ds(0 * PER_TILE + v * 16, 16)])
                    * (anc[pl.ds(3 * PER_TILE + v * 16, 16)]
                       - anc[pl.ds(1 * PER_TILE + v * 16, 16)]))

    pltpu.sync_copy(t_h, outv)
    thr_vec = outv[...]
    pltpu.sync_copy(n_h, accs)

    def batch_body(bi, acc):
        bb = c * B_PER_CORE + bi

        pltpu.sync_copy(g_h.at[pl.ds(bb * 4 * MPAD, 4 * MPAD)],
                        gxy.at[pl.ds(0, 4 * MPAD)])
        for k in range(2):
            pltpu.sync_copy(c_h.at[pl.ds((k * B + bb) * NPAD + base,
                                         PER_TILE)],
                            cls_cur.at[pl.ds(k * PER_TILE, PER_TILE)])

        for q in range(MPAD // 16):
            gx = gxy[pl.ds(0 * MPAD + q * 16, 16)]
            gy = gxy[pl.ds(1 * MPAD + q * 16, 16)]
            gw = gxy[pl.ds(2 * MPAD + q * 16, 16)] * jnp.float32(0.5)
            gh = gxy[pl.ds(3 * MPAD + q * 16, 16)] * jnp.float32(0.5)
            gxy[pl.ds(4 * MPAD + q * 16, 16)] = gx - gw
            gxy[pl.ds(5 * MPAD + q * 16, 16)] = gy - gh
            gxy[pl.ds(6 * MPAD + q * 16, 16)] = gx + gw
            gxy[pl.ds(7 * MPAD + q * 16, 16)] = gy + gh
            gxy[pl.ds(8 * MPAD + q * 16, 16)] = (gw + gw) * (gh + gh)

        for v in range(VPT):
            d = pl.ds(v * 16, 16)
            cnt[d] = zeros16
            forced[d] = zeros16

        bbv = jnp.full((16,), bb, _I32)
        nbv = plsc.load_gather(accs, [bbv])
        nbv = plsc.bitcast(nbv, _I32)

        def j_body(j, carry):
            jv = jnp.full((16,), j, _I32)
            validv = jv < nbv
            g0 = plsc.load_gather(gxy, [jv + jnp.int32(4 * MPAD)])
            g1 = plsc.load_gather(gxy, [jv + jnp.int32(5 * MPAD)])
            g2 = plsc.load_gather(gxy, [jv + jnp.int32(6 * MPAD)])
            g3 = plsc.load_gather(gxy, [jv + jnp.int32(7 * MPAD)])
            g4 = plsc.load_gather(gxy, [jv + jnp.int32(8 * MPAD)])
            vm = jnp.full((16,), jnp.float32(-1e30))
            vix = zeros16
            for v in range(VPT):
                d = pl.ds(v * 16, 16)
                ltx = jnp.maximum(anc[pl.ds(0 * PER_TILE + v * 16, 16)], g0)
                lty = jnp.maximum(anc[pl.ds(1 * PER_TILE + v * 16, 16)], g1)
                rbx = jnp.minimum(anc[pl.ds(2 * PER_TILE + v * 16, 16)], g2)
                rby = jnp.minimum(anc[pl.ds(3 * PER_TILE + v * 16, 16)], g3)
                iw = jnp.maximum(rbx - ltx, jnp.float32(0.0))
                ih = jnp.maximum(rby - lty, jnp.float32(0.0))
                inter = iw * ih
                union = areaa[d] + g4 - inter
                iou = inter / union
                hit = (iou > thr_vec) & validv
                plsc.addupdate(cnt.at[d],
                               jnp.where(hit, jnp.float32(1.0),
                                         jnp.float32(0.0)))
                bet = iou > vm
                vm = jnp.maximum(vm, iou)
                vix = jnp.where(bet, lane_f + jnp.float32(v * 16) + basef, vix)
            m = jnp.max(vm)
            cand = jnp.where(vm == m, vix, jnp.float32(4e9))
            mi = jnp.min(cand)
            plsc.store_scatter(colst, [jv], jnp.full((16,), m), mask=lane0)
            plsc.store_scatter(colst, [jv + jnp.int32(MPAD)],
                               jnp.full((16,), mi), mask=lane0)
            return carry

        lax.fori_loop(0, M, j_body, 0)

        pltpu.sync_copy(colst, sh_col.at[pl.ds((c * NS + s) * 2 * MPAD,
                                               2 * MPAD)])
        plsc.subcore_barrier()
        pltpu.sync_copy(sh_col.at[pl.ds(c * NS * 2 * MPAD, NS * 2 * MPAD)],
                        loc_col)
        plsc.subcore_barrier()

        for jc in range(MPAD // 16):
            gm = jnp.full((16,), jnp.float32(-1e30))
            gi = zeros16
            for r in range(NS):
                rm = loc_col[pl.ds(r * 2 * MPAD + jc * 16, 16)]
                bet = rm > gm
                gm = jnp.maximum(gm, rm)
                gi = jnp.where(bet,
                               loc_col[pl.ds(r * 2 * MPAD + MPAD + jc * 16,
                                             16)],
                               gi)
            jv16 = lane_i + jnp.int32(jc * 16)
            needfix = (jv16 < nbv) & (gm <= thr_vec)
            mine = needfix & (gi >= basef) & (gi < basef
                                              + jnp.float32(PER_TILE))
            li = (gi - basef).astype(_I32)
            plsc.store_scatter(forced, [li], ones16, mask=mine)
            c1v = plsc.load_gather(cls_cur, [li + jnp.int32(PER_TILE)],
                                   mask=mine)
            u1 = jnp.float32(1.0) - c1v
            f1 = -(u1 * u1) * _softlog(c1v)
            acc = acc + jnp.where(mine, jnp.float32(10.0) * f1, zeros16)

        for v in range(VPT):
            d = pl.ds(v * 16, 16)
            cv = cnt[d]
            pos = ((cv > jnp.float32(0.0))
                   | (forced[d] > jnp.float32(0.0)))
            p = jnp.where(pos, cls_cur[pl.ds(PER_TILE + v * 16, 16)],
                          cls_cur[pl.ds(v * 16, 16)])
            u = jnp.float32(1.0) - p
            f = -(u * u) * _softlog(p)
            acc = acc + f * (jnp.float32(1.0) + jnp.float32(10.0) * cv)
        return acc

    acc = lax.fori_loop(0, B_PER_CORE, batch_body, zeros16)

    accs[...] = acc
    pltpu.sync_copy(accs, sh_acc.at[pl.ds((c * NS + s) * 16, 16)])
    plsc.subcore_barrier()

    @pl.when(s == 0)
    def _():
        pltpu.sync_copy(sh_acc.at[pl.ds(c * NS * 16, NS * 16)], loc_acc)
        tot = jnp.zeros((16,), _F32)
        for r in range(NS):
            tot = tot + loc_acc[pl.ds(r * 16, 16)]
        ts = jnp.sum(tot) * jnp.float32(0.01 / B)
        outv[...] = jnp.full((16,), ts)
        pltpu.sync_copy(outv, out_h.at[pl.ds(c * 16, 16)])


@functools.partial(
    pl.kernel,
    out_type=jax.ShapeDtypeStruct((NC * 16,), _F32),
    mesh=plsc.VectorSubcoreMesh(core_axis_name="c", subcore_axis_name="s",
                                num_cores=NC, num_subcores=NS),
    compiler_params=pltpu.CompilerParams(needs_layout_passes=False),
    scratch_types=[
        pltpu.VMEM((4 * PER_TILE,), _F32),
        pltpu.VMEM((PER_TILE,), _F32),
        pltpu.VMEM((2 * PER_TILE,), _F32),
        pltpu.VMEM((9 * MPAD,), _F32),
        pltpu.VMEM((PER_TILE,), _F32),
        pltpu.VMEM((PER_TILE,), _F32),
        pltpu.VMEM((2 * MPAD,), _F32),
        pltpu.VMEM((NS * 2 * MPAD,), _F32),
        pltpu.VMEM((16,), _F32),
        pltpu.VMEM((NS * 16,), _F32),
        pltpu.VMEM((16,), _F32),
        pltpu.VMEM_SHARED((NC * NS * 2 * MPAD,), _F32),
        pltpu.VMEM_SHARED((NC * NS * 16,), _F32),
    ],
)
def _loss_sc(a_h, c_h, g_h, n_h, t_h, out_h, *scratch):
    _sc_body(a_h, c_h, g_h, n_h, t_h, out_h, *scratch)


def kernel(threshhold, batch_classes, anchors, batch_gt, batch_num_objects):
    a = jnp.zeros((4, NPAD), _F32).at[:, :N].set(anchors.T.astype(_F32))
    a = a.reshape(4 * NPAD)
    cme = jnp.transpose(batch_classes.astype(_F32), (2, 0, 1))
    cme = jnp.ones((2, B, NPAD), _F32).at[:, :, :N].set(cme)
    cme = cme.reshape(2 * B * NPAD)
    g = jnp.transpose(batch_gt.astype(_F32), (0, 2, 1))
    g = jnp.zeros((B, 4, MPAD), _F32).at[:, :, :M].set(g)
    g = g.reshape(B * 4 * MPAD)
    nf = jnp.zeros((16,), _I32).at[:B].set(batch_num_objects.astype(_I32))
    nf = lax.bitcast_convert_type(nf, _F32)
    tv = jnp.full((16,), threshhold, _F32)

    out = _loss_sc(a, cme, g, nf, tv)
    class_loss = out[:1] + out[16:17]
    coord_loss = jnp.zeros(1, _F32)
    total_loss = class_loss + coord_loss
    return (total_loss, class_loss, coord_loss)

# --- scband reference (transcript-rebuilt; emitter-appended) ---
"""Pipeline reference for scband-loss-58102317580932 (READ-ONLY COPY).

The authoritative reference and input builder live on the scoring server;
editing this copy changes nothing except your own understanding.
"""

import jax, jax.numpy as jnp
import numpy as np


def from_xywh_to_xyxy(b):
    return jnp.stack([b[:, 0] - b[:, 2] / 2.0,
                      b[:, 1] - b[:, 3] / 2.0,
                      b[:, 0] + b[:, 2] / 2.0,
                      b[:, 1] + b[:, 3] / 2.0], axis=1)


def jaccard(a, b):
    # a: [N,4] xyxy, b: [M,4] xyxy -> [N,M] IoU
    lt = jnp.maximum(a[:, None, :2], b[None, :, :2])
    rb = jnp.minimum(a[:, None, 2:], b[None, :, 2:])
    wh = jnp.clip(rb - lt, 0.0, None)
    inter = wh[..., 0] * wh[..., 1]
    area_a = (a[:, 2] - a[:, 0]) * (a[:, 3] - a[:, 1])
    area_b = (b[:, 2] - b[:, 0]) * (b[:, 3] - b[:, 1])
    union = area_a[:, None] + area_b[None, :] - inter
    return inter / union


def match(threshhold, anchors, gt, valid):
    gt_boxes = from_xywh_to_xyxy(gt)
    ious = jaccard(anchors, gt_boxes)  # [N, num_objects]
    best_gt_idx = jnp.argmax(ious, axis=0)  # best anchor for each gt
    num_objects = gt.shape[0]
    positive_mask = (ious > threshhold) & valid[None, :]
    positive_mask = positive_mask.at[best_gt_idx, jnp.arange(num_objects)].set(valid)
    return positive_mask


def class_loss_fn(classes, positive_mask):
    gamma = 2
    gather_pos = jnp.any(positive_mask, axis=1)
    # mask-select: one column per row (col 1 if positive anchor, else col 0)
    probs = jnp.where(gather_pos, classes[:, 1], classes[:, 0])
    focal_loss = -(1.0 - probs) ** gamma * jnp.log(probs)
    extra = jnp.sum(jnp.where(positive_mask, focal_loss[:, None], 0.0))
    return jnp.sum(focal_loss) + 10.0 * extra


def setup_inputs(seed: int = 0):
    key = jax.random.key(seed)
    k1, k2, k3, k4, k5, k6 = jax.random.split(key, 6)
    B, N, M = 8, 5000, 50
    centers = jax.random.uniform(k1, (N, 2), minval=0.05, maxval=0.95)
    sizes = jax.random.uniform(k2, (N, 2), minval=0.02, maxval=0.2)
    anchors = jnp.concatenate([centers - sizes / 2.0, centers + sizes / 2.0], axis=1)
    batch_classes = jax.random.uniform(k3, (B, N, 2), minval=0.01, maxval=0.99)
    gt_xy = jax.random.uniform(k4, (B, M, 2), minval=0.1, maxval=0.9)
    gt_wh = jax.random.uniform(k5, (B, M, 2), minval=0.02, maxval=0.3)
    batch_gt = jnp.concatenate([gt_xy, gt_wh], axis=2)
    batch_num_objects = jax.random.randint(k6, (B,), 1, M)
    return {"threshhold": 0.5,
            "batch_classes": batch_classes,
            "anchors": anchors,
            "batch_gt": batch_gt,
            "batch_num_objects": batch_num_objects}


def reference(threshhold, batch_classes, anchors, batch_gt, batch_num_objects):
    ALPHA_CLASS = 0.01
    ALPHA_COORD = 1.0
    R = batch_classes.shape[0]
    M = batch_gt.shape[1]
    class_loss = jnp.zeros(1)
    coord_loss = jnp.zeros(1)  # original module never accumulates coord loss (faithful)
    for i in range(R):
        n = batch_num_objects[i]
        gt = batch_gt[i]
        valid = jnp.arange(M) < n
        positive_mask = match(threshhold, anchors, gt, valid)
        class_loss = class_loss + class_loss_fn(batch_classes[i], positive_mask)
    class_loss = class_loss * ALPHA_CLASS / R
    coord_loss = coord_loss * ALPHA_COORD / R
    total_loss = class_loss + coord_loss
    return (total_loss, class_loss, coord_loss)

if __name__ == "__main__":
    import jax
    _d = setup_inputs()
    print(jax.jit(kernel)(*tuple(_d.values())))

</pallas_src>

<mosaic_0001>
#map = affine_map<(d0, d1) -> (0)>
module attributes {stable_mosaic.version = 14 : i64} {
  func.func @_loss_sc(%arg0: i32, %arg1: i32, %arg2: memref<20480xf32, #tpu.memory_space<hbm>>, %arg3: memref<81920xf32, #tpu.memory_space<hbm>>, %arg4: memref<2048xf32, #tpu.memory_space<hbm>>, %arg5: memref<16xf32, #tpu.memory_space<hbm>>, %arg6: memref<16xf32, #tpu.memory_space<hbm>>, %arg7: memref<32xf32, #tpu.memory_space<hbm>>, %arg8: memref<1280xf32, #tpu.memory_space<vmem>>, %arg9: memref<320xf32, #tpu.memory_space<vmem>>, %arg10: memref<640xf32, #tpu.memory_space<vmem>>, %arg11: memref<576xf32, #tpu.memory_space<vmem>>, %arg12: memref<320xf32, #tpu.memory_space<vmem>>, %arg13: memref<320xf32, #tpu.memory_space<vmem>>, %arg14: memref<128xf32, #tpu.memory_space<vmem>>, %arg15: memref<2048xf32, #tpu.memory_space<vmem>>, %arg16: memref<16xf32, #tpu.memory_space<vmem>>, %arg17: memref<256xf32, #tpu.memory_space<vmem>>, %arg18: memref<16xf32, #tpu.memory_space<vmem>>, %arg19: memref<4096xf32, #tpu.memory_space<vmem_shared>>, %arg20: memref<512xf32, #tpu.memory_space<vmem_shared>>) attributes {dimension_semantics = [#tpu.dimension_semantics<core_parallel>, #tpu.dimension_semantics<subcore_parallel>], iteration_bounds = array<i64: 2, 16>, scalar_prefetch = 0 : i64, scratch_operands = 13 : i64, tpu.core_type = #tpu.core_type<sc_vector_subcore>, window_params = [{transform_indices = #map}, {transform_indices = #map}, {transform_indices = #map}, {transform_indices = #map}, {transform_indices = #map}, {transform_indices = #map}]} {
    %mul3A = arith.constant 320 : i32
    %mul3A_0 = arith.muli %arg1, %mul3A : i32
    %convert_element_type3A = arith.sitofp %mul3A_0 : i32 to f32
    %iota3A = tpu.iota {dimensions = array<i32: 0>} : vector<16xi32>
    %convert_element_type3A_1 = arith.sitofp %iota3A : vector<16xi32> to vector<16xf32>
    %eq3A = arith.constant 0 : i32
    %eq3A_2 = vector.broadcast %eq3A : i32 to vector<16xi32>
    %eq3A_3 = arith.cmpi eq, %iota3A, %eq3A_2 : vector<16xi32>
    %broadcast_in_dim3A = arith.constant 1.000000e+00 : f32
    %broadcast_in_dim3A_4 = vector.broadcast %broadcast_in_dim3A : f32 to vector<16xf32>
    %broadcast_in_dim3A_5 = arith.constant 0.000000e+00 : f32
    %broadcast_in_dim3A_6 = vector.broadcast %broadcast_in_dim3A_5 : f32 to vector<16xf32>
    %add3A = arith.constant 0 : i32
    %add3A_7 = arith.addi %add3A, %mul3A_0 : i32
    "tpu.region"() ({
      %run_scoped3A = tpu.sem_alloc : memref<!tpu.dma_semaphore, #tpu.memory_space<semaphore_mem>>
      %dma_start3A = arith.constant 0 : i32
      %dma_start3A_289 = tpu.memref_slice %arg8[%dma_start3A] : memref<1280xf32, #tpu.memory_space<vmem>> -> memref<320xf32, #tpu.memory_space<vmem>>
      %dma_start3A_290 = tpu.memref_slice %arg2[%add3A_7] : memref<20480xf32, #tpu.memory_space<hbm>> -> memref<320xf32, #tpu.memory_space<hbm>>
      %dma_start3A_291 = arith.constant 0 : i32
      %dma_start3A_292 = tpu.memref_slice %arg8[%dma_start3A_291] : memref<1280xf32, #tpu.memory_space<vmem>> -> memref<320xf32, #tpu.memory_space<vmem>>
      %dma_start3A_293 = tpu.memref_slice %arg2[%add3A_7] : memref<20480xf32, #tpu.memory_space<hbm>> -> memref<320xf32, #tpu.memory_space<hbm>>
      tpu.enqueue_dma source(%dma_start3A_293 : memref<320xf32, #tpu.memory_space<hbm>>) target(%dma_start3A_292 : memref<320xf32, #tpu.memory_space<vmem>>) target_semaphore(%run_scoped3A : memref<!tpu.dma_semaphore, #tpu.memory_space<semaphore_mem>>)
      %dma_wait3A = arith.constant 0 : i32
      %dma_wait3A_294 = tpu.memref_slice %arg8[%dma_wait3A] : memref<1280xf32, #tpu.memory_space<vmem>> -> memref<320xf32, #tpu.memory_space<vmem>>
      %dma_wait3A_295 = tpu.memref_slice %arg2[%add3A_7] : memref<20480xf32, #tpu.memory_space<hbm>> -> memref<320xf32, #tpu.memory_space<hbm>>
      %dma_wait3A_296 = arith.constant 0 : i32
      %dma_wait3A_297 = tpu.memref_slice %arg8[%dma_wait3A_296] : memref<1280xf32, #tpu.memory_space<vmem>> -> memref<320xf32, #tpu.memory_space<vmem>>
      %dma_wait3A_298 = tpu.memref_slice %arg2[%add3A_7] : memref<20480xf32, #tpu.memory_space<hbm>> -> memref<320xf32, #tpu.memory_space<hbm>>
      tpu.wait_dma2 semaphore(%run_scoped3A : memref<!tpu.dma_semaphore, #tpu.memory_space<semaphore_mem>>) src(%dma_wait3A_298 : memref<320xf32, #tpu.memory_space<hbm>>) dst(%dma_wait3A_297 : memref<320xf32, #tpu.memory_space<vmem>>)
      tpu.yield
    }) : () -> ()
    %add3A_8 = arith.constant 5120 : i32
    %add3A_9 = arith.addi %add3A_8, %mul3A_0 : i32
    "tpu.region"() ({
      %run_scoped3A = tpu.sem_alloc : memref<!tpu.dma_semaphore, #tpu.memory_space<semaphore_mem>>
      %dma_start3A = arith.constant 320 : i32
      %dma_start3A_289 = tpu.memref_slice %arg8[%dma_start3A] : memref<1280xf32, #tpu.memory_space<vmem>> -> memref<320xf32, #tpu.memory_space<vmem>>
      %dma_start3A_290 = tpu.memref_slice %arg2[%add3A_9] : memref<20480xf32, #tpu.memory_space<hbm>> -> memref<320xf32, #tpu.memory_space<hbm>>
      %dma_start3A_291 = arith.constant 320 : i32
      %dma_start3A_292 = tpu.memref_slice %arg8[%dma_start3A_291] : memref<1280xf32, #tpu.memory_space<vmem>> -> memref<320xf32, #tpu.memory_space<vmem>>
      %dma_start3A_293 = tpu.memref_slice %arg2[%add3A_9] : memref<20480xf32, #tpu.memory_space<hbm>> -> memref<320xf32, #tpu.memory_space<hbm>>
      tpu.enqueue_dma source(%dma_start3A_293 : memref<320xf32, #tpu.memory_space<hbm>>) target(%dma_start3A_292 : memref<320xf32, #tpu.memory_space<vmem>>) target_semaphore(%run_scoped3A : memref<!tpu.dma_semaphore, #tpu.memory_space<semaphore_mem>>)
      %dma_wait3A = arith.constant 320 : i32
      %dma_wait3A_294 = tpu.memref_slice %arg8[%dma_wait3A] : memref<1280xf32, #tpu.memory_space<vmem>> -> memref<320xf32, #tpu.memory_space<vmem>>
      %dma_wait3A_295 = tpu.memref_slice %arg2[%add3A_9] : memref<20480xf32, #tpu.memory_space<hbm>> -> memref<320xf32, #tpu.memory_space<hbm>>
      %dma_wait3A_296 = arith.constant 320 : i32
      %dma_wait3A_297 = tpu.memref_slice %arg8[%dma_wait3A_296] : memref<1280xf32, #tpu.memory_space<vmem>> -> memref<320xf32, #tpu.memory_space<vmem>>
      %dma_wait3A_298 = tpu.memref_slice %arg2[%add3A_9] : memref<20480xf32, #tpu.memory_space<hbm>> -> memref<320xf32, #tpu.memory_space<hbm>>
      tpu.wait_dma2 semaphore(%run_scoped3A : memref<!tpu.dma_semaphore, #tpu.memory_space<semaphore_mem>>) src(%dma_wait3A_298 : memref<320xf32, #tpu.memory_space<hbm>>) dst(%dma_wait3A_297 : memref<320xf32, #tpu.memory_space<vmem>>)
      tpu.yield
    }) : () -> ()
    %add3A_10 = arith.constant 10240 : i32
    %add3A_11 = arith.addi %add3A_10, %mul3A_0 : i32
    "tpu.region"() ({
      %run_scoped3A = tpu.sem_alloc : memref<!tpu.dma_semaphore, #tpu.memory_space<semaphore_mem>>
      %dma_start3A = arith.constant 640 : i32
      %dma_start3A_289 = tpu.memref_slice %arg8[%dma_start3A] : memref<1280xf32, #tpu.memory_space<vmem>> -> memref<320xf32, #tpu.memory_space<vmem>>
      %dma_start3A_290 = tpu.memref_slice %arg2[%add3A_11] : memref<20480xf32, #tpu.memory_space<hbm>> -> memref<320xf32, #tpu.memory_space<hbm>>
      %dma_start3A_291 = arith.constant 640 : i32
      %dma_start3A_292 = tpu.memref_slice %arg8[%dma_start3A_291] : memref<1280xf32, #tpu.memory_space<vmem>> -> memref<320xf32, #tpu.memory_space<vmem>>
      %dma_start3A_293 = tpu.memref_slice %arg2[%add3A_11] : memref<20480xf32, #tpu.memory_space<hbm>> -> memref<320xf32, #tpu.memory_space<hbm>>
      tpu.enqueue_dma source(%dma_start3A_293 : memref<320xf32, #tpu.memory_space<hbm>>) target(%dma_start3A_292 : memref<320xf32, #tpu.memory_space<vmem>>) target_semaphore(%run_scoped3A : memref<!tpu.dma_semaphore, #tpu.memory_space<semaphore_mem>>)
      %dma_wait3A = arith.constant 640 : i32
      %dma_wait3A_294 = tpu.memref_slice %arg8[%dma_wait3A] : memref<1280xf32, #tpu.memory_space<vmem>> -> memref<320xf32, #tpu.memory_space<vmem>>
      %dma_wait3A_295 = tpu.memref_slice %arg2[%add3A_11] : memref<20480xf32, #tpu.memory_space<hbm>> -> memref<320xf32, #tpu.memory_space<hbm>>
      %dma_wait3A_296 = arith.constant 640 : i32
      %dma_wait3A_297 = tpu.memref_slice %arg8[%dma_wait3A_296] : memref<1280xf32, #tpu.memory_space<vmem>> -> memref<320xf32, #tpu.memory_space<vmem>>
      %dma_wait3A_298 = tpu.memref_slice %arg2[%add3A_11] : memref<20480xf32, #tpu.memory_space<hbm>> -> memref<320xf32, #tpu.memory_space<hbm>>
      tpu.wait_dma2 semaphore(%run_scoped3A : memref<!tpu.dma_semaphore, #tpu.memory_space<semaphore_mem>>) src(%dma_wait3A_298 : memref<320xf32, #tpu.memory_space<hbm>>) dst(%dma_wait3A_297 : memref<320xf32, #tpu.memory_space<vmem>>)
      tpu.yield
    }) : () -> ()
    %add3A_12 = arith.constant 15360 : i32
    %add3A_13 = arith.addi %add3A_12, %mul3A_0 : i32
    "tpu.region"() ({
      %run_scoped3A = tpu.sem_alloc : memref<!tpu.dma_semaphore, #tpu.memory_space<semaphore_mem>>
      %dma_start3A = arith.constant 960 : i32
      %dma_start3A_289 = tpu.memref_slice %arg8[%dma_start3A] : memref<1280xf32, #tpu.memory_space<vmem>> -> memref<320xf32, #tpu.memory_space<vmem>>
      %dma_start3A_290 = tpu.memref_slice %arg2[%add3A_13] : memref<20480xf32, #tpu.memory_space<hbm>> -> memref<320xf32, #tpu.memory_space<hbm>>
      %dma_start3A_291 = arith.constant 960 : i32
      %dma_start3A_292 = tpu.memref_slice %arg8[%dma_start3A_291] : memref<1280xf32, #tpu.memory_space<vmem>> -> memref<320xf32, #tpu.memory_space<vmem>>
      %dma_start3A_293 = tpu.memref_slice %arg2[%add3A_13] : memref<20480xf32, #tpu.memory_space<hbm>> -> memref<320xf32, #tpu.memory_space<hbm>>
      tpu.enqueue_dma source(%dma_start3A_293 : memref<320xf32, #tpu.memory_space<hbm>>) target(%dma_start3A_292 : memref<320xf32, #tpu.memory_space<vmem>>) target_semaphore(%run_scoped3A : memref<!tpu.dma_semaphore, #tpu.memory_space<semaphore_mem>>)
      %dma_wait3A = arith.constant 960 : i32
      %dma_wait3A_294 = tpu.memref_slice %arg8[%dma_wait3A] : memref<1280xf32, #tpu.memory_space<vmem>> -> memref<320xf32, #tpu.memory_space<vmem>>
      %dma_wait3A_295 = tpu.memref_slice %arg2[%add3A_13] : memref<20480xf32, #tpu.memory_space<hbm>> -> memref<320xf32, #tpu.memory_space<hbm>>
      %dma_wait3A_296 = arith.constant 960 : i32
      %dma_wait3A_297 = tpu.memref_slice %arg8[%dma_wait3A_296] : memref<1280xf32, #tpu.memory_space<vmem>> -> memref<320xf32, #tpu.memory_space<vmem>>
      %dma_wait3A_298 = tpu.memref_slice %arg2[%add3A_13] : memref<20480xf32, #tpu.memory_space<hbm>> -> memref<320xf32, #tpu.memory_space<hbm>>
      tpu.wait_dma2 semaphore(%run_scoped3A : memref<!tpu.dma_semaphore, #tpu.memory_space<semaphore_mem>>) src(%dma_wait3A_298 : memref<320xf32, #tpu.memory_space<hbm>>) dst(%dma_wait3A_297 : memref<320xf32, #tpu.memory_space<vmem>>)
      tpu.yield
    }) : () -> ()
    %get3A = arith.constant 640 : index
    %get3A_14 = tpu.vector_load %arg8[%get3A] {strides = array<i32>} : memref<1280xf32, #tpu.memory_space<vmem>>, vector<16xf32>,
    %get3A_15 = arith.constant 0 : index
    %get3A_16 = tpu.vector_load %arg8[%get3A_15] {strides = array<i32>} : memref<1280xf32, #tpu.memory_space<vmem>>, vector<16xf32>,
    %sub3A = arith.subf %get3A_14, %get3A_16 : vector<16xf32>
    %get3A_17 = arith.constant 960 : index
    %get3A_18 = tpu.vector_load %arg8[%get3A_17] {strides = array<i32>} : memref<1280xf32, #tpu.memory_space<vmem>>, vector<16xf32>,
    %get3A_19 = arith.constant 320 : index
    %get3A_20 = tpu.vector_load %arg8[%get3A_19] {strides = array<i32>} : memref<1280xf32, #tpu.memory_space<vmem>>, vector<16xf32>,
    %sub3A_21 = arith.subf %get3A_18, %get3A_20 : vector<16xf32>
    %mul3A_22 = arith.mulf %sub3A, %sub3A_21 : vector<16xf32>
    %swap3A = arith.constant 0 : index
    %swap3A_23 = tpu.vector_load %arg9[%swap3A] {strides = array<i32>} : memref<320xf32, #tpu.memory_space<vmem>>, vector<16xf32>,
    tpu.vector_store %arg9[%swap3A], %mul3A_22 {strides = array<i32>} : memref<320xf32, #tpu.memory_space<vmem>>, vector<16xf32>,
    %get3A_24 = arith.constant 656 : index
    %get3A_25 = tpu.vector_load %arg8[%get3A_24] {strides = array<i32>} : memref<1280xf32, #tpu.memory_space<vmem>>, vector<16xf32>,
    %get3A_26 = arith.constant 16 : index
    %get3A_27 = tpu.vector_load %arg8[%get3A_26] {strides = array<i32>} : memref<1280xf32, #tpu.memory_space<vmem>>, vector<16xf32>,
    %sub3A_28 = arith.subf %get3A_25, %get3A_27 : vector<16xf32>
    %get3A_29 = arith.constant 976 : index
    %get3A_30 = tpu.vector_load %arg8[%get3A_29] {strides = array<i32>} : memref<1280xf32, #tpu.memory_space<vmem>>, vector<16xf32>,
    %get3A_31 = arith.constant 336 : index
    %get3A_32 = tpu.vector_load %arg8[%get3A_31] {strides = array<i32>} : memref<1280xf32, #tpu.memory_space<vmem>>, vector<16xf32>,
    %sub3A_33 = arith.subf %get3A_30, %get3A_32 : vector<16xf32>
    %mul3A_34 = arith.mulf %sub3A_28, %sub3A_33 : vector<16xf32>
    %swap3A_35 = arith.constant 16 : index
    %swap3A_36 = tpu.vector_load %arg9[%swap3A_35] {strides = array<i32>} : memref<320xf32, #tpu.memory_space<vmem>>, vector<16xf32>,
    tpu.vector_store %arg9[%swap3A_35], %mul3A_34 {strides = array<i32>} : memref<320xf32, #tpu.memory_space<vmem>>, vector<16xf32>,
    %get3A_37 = arith.constant 672 : index
    %get3A_38 = tpu.vector_load %arg8[%get3A_37] {strides = array<i32>} : memref<1280xf32, #tpu.memory_space<vmem>>, vector<16xf32>,
    %get3A_39 = arith.constant 32 : index
    %get3A_40 = tpu.vector_load %arg8[%get3A_39] {strides = array<i32>} : memref<1280xf32, #tpu.memory_space<vmem>>, vector<16xf32>,
    %sub3A_41 = arith.subf %get3A_38, %get3A_40 : vector<16xf32>
    %get3A_42 = arith.constant 992 : index
    %get3A_43 = tpu.vector_load %arg8[%get3A_42] {strides = array<i32>} : memref<1280xf32, #tpu.memory_space<vmem>>, vector<16xf32>,
    %get3A_44 = arith.constant 352 : index
    %get3A_45 = tpu.vector_load %arg8[%get3A_44] {strides = array<i32>} : memref<1280xf32, #tpu.memory_space<vmem>>, vector<16xf32>,
    %sub3A_46 = arith.subf %get3A_43, %get3A_45 : vector<16xf32>
    %mul3A_47 = arith.mulf %sub3A_41, %sub3A_46 : vector<16xf32>
    %swap3A_48 = arith.constant 32 : index
    %swap3A_49 = tpu.vector_load %arg9[%swap3A_48] {strides = array<i32>} : memref<320xf32, #tpu.memory_space<vmem>>, vector<16xf32>,
    tpu.vector_store %arg9[%swap3A_48], %mul3A_47 {strides = array<i32>} : memref<320xf32, #tpu.memory_space<vmem>>, vector<16xf32>,
    %get3A_50 = arith.constant 688 : index
    %get3A_51 = tpu.vector_load %arg8[%get3A_50] {strides = array<i32>} : memref<1280xf32, #tpu.memory_space<vmem>>, vector<16xf32>,
    %get3A_52 = arith.constant 48 : index
    %get3A_53 = tpu.vector_load %arg8[%get3A_52] {strides = array<i32>} : memref<1280xf32, #tpu.memory_space<vmem>>, vector<16xf32>,
    %sub3A_54 = arith.subf %get3A_51, %get3A_53 : vector<16xf32>
    %get3A_55 = arith.constant 1008 : index
    %get3A_56 = tpu.vector_load %arg8[%get3A_55] {strides = array<i32>} : memref<1280xf32, #tpu.memory_space<vmem>>, vector<16xf32>,
    %get3A_57 = arith.constant 368 : index
    %get3A_58 = tpu.vector_load %arg8[%get3A_57] {strides = array<i32>} : memref<1280xf32, #tpu.memory_space<vmem>>, vector<16xf32>,
    %sub3A_59 = arith.subf %get3A_56, %get3A_58 : vector<16xf32>
    %mul3A_60 = arith.mulf %sub3A_54, %sub3A_59 : vector<16xf32>
    %swap3A_61 = arith.constant 48 : index
    %swap3A_62 = tpu.vector_load %arg9[%swap3A_61] {strides = array<i32>} : memref<320xf32, #tpu.memory_space<vmem>>, vector<16xf32>,
    tpu.vector_store %arg9[%swap3A_61], %mul3A_60 {strides = array<i32>} : memref<320xf32, #tpu.memory_space<vmem>>, vector<16xf32>,
    %get3A_63 = arith.constant 704 : index
    %get3A_64 = tpu.vector_load %arg8[%get3A_63] {strides = array<i32>} : memref<1280xf32, #tpu.memory_space<vmem>>, vector<16xf32>,
    %get3A_65 = arith.constant 64 : index
    %get3A_66 = tpu.vector_load %arg8[%get3A_65] {strides = array<i32>} : memref<1280xf32, #tpu.memory_space<vmem>>, vector<16xf32>,
    %sub3A_67 = arith.subf %get3A_64, %get3A_66 : vector<16xf32>
    %get3A_68 = arith.constant 1024 : index
    %get3A_69 = tpu.vector_load %arg8[%get3A_68] {strides = array<i32>} : memref<1280xf32, #tpu.memory_space<vmem>>, vector<16xf32>,
    %get3A_70 = arith.constant 384 : index
    %get3A_71 = tpu.vector_load %arg8[%get3A_70] {strides = array<i32>} : memref<1280xf32, #tpu.memory_space<vmem>>, vector<16xf32>,
    %sub3A_72 = arith.subf %get3A_69, %get3A_71 : vector<16xf32>
    %mul3A_73 = arith.mulf %sub3A_67, %sub3A_72 : vector<16xf32>
    %swap3A_74 = arith.constant 64 : index
    %swap3A_75 = tpu.vector_load %arg9[%swap3A_74] {strides = array<i32>} : memref<320xf32, #tpu.memory_space<vmem>>, vector<16xf32>,
    tpu.vector_store %arg9[%swap3A_74], %mul3A_73 {strides = array<i32>} : memref<320xf32, #tpu.memory_space<vmem>>, vector<16xf32>,
    %get3A_76 = arith.constant 720 : index
    %get3A_77 = tpu.vector_load %arg8[%get3A_76] {strides = array<i32>} : memref<1280xf32, #tpu.memory_space<vmem>>, vector<16xf32>,
    %get3A_78 = arith.constant 80 : index
    %get3A_79 = tpu.vector_load %arg8[%get3A_78] {strides = array<i32>} : memref<1280xf32, #tpu.memory_space<vmem>>, vector<16xf32>,
    %sub3A_80 = arith.subf %get3A_77, %get3A_79 : vector<16xf32>
    %get3A_81 = arith.constant 1040 : index
    %get3A_82 = tpu.vector_load %arg8[%get3A_81] {strides = array<i32>} : memref<1280xf32, #tpu.memory_space<vmem>>, vector<16xf32>,
    %get3A_83 = arith.constant 400 : index
    %get3A_84 = tpu.vector_load %arg8[%get3A_83] {strides = array<i32>} : memref<1280xf32, #tpu.memory_space<vmem>>, vector<16xf32>,
    %sub3A_85 = arith.subf %get3A_82, %get3A_84 : vector<16xf32>
    %mul3A_86 = arith.mulf %sub3A_80, %sub3A_85 : vector<16xf32>
    %swap3A_87 = arith.constant 80 : index
    %swap3A_88 = tpu.vector_load %arg9[%swap3A_87] {strides = array<i32>} : memref<320xf32, #tpu.memory_space<vmem>>, vector<16xf32>,
    tpu.vector_store %arg9[%swap3A_87], %mul3A_86 {strides = array<i32>} : memref<320xf32, #tpu.memory_space<vmem>>, vector<16xf32>,
    %get3A_89 = arith.constant 736 : index
    %get3A_90 = tpu.vector_load %arg8[%get3A_89] {strides = array<i32>} : memref<1280xf32, #tpu.memory_space<vmem>>, vector<16xf32>,
    %get3A_91 = arith.constant 96 : index
    %get3A_92 = tpu.vector_load %arg8[%get3A_91] {strides = array<i32>} : memref<1280xf32, #tpu.memory_space<vmem>>, vector<16xf32>,
    %sub3A_93 = arith.subf %get3A_90, %get3A_92 : vector<16xf32>
    %get3A_94 = arith.constant 1056 : index
    %get3A_95 = tpu.vector_load %arg8[%get3A_94] {strides = array<i32>} : memref<1280xf32, #tpu.memory_space<vmem>>, vector<16xf32>,
    %get3A_96 = arith.constant 416 : index
    %get3A_97 = tpu.vector_load %arg8[%get3A_96] {strides = array<i32>} : memref<1280xf32, #tpu.memory_space<vmem>>, vector<16xf32>,
    %sub3A_98 = arith.subf %get3A_95, %get3A_97 : vector<16xf32>
    %mul3A_99 = arith.mulf %sub3A_93, %sub3A_98 : vector<16xf32>
    %swap3A_100 = arith.constant 96 : index
    %swap3A_101 = tpu.vector_load %arg9[%swap3A_100] {strides = array<i32>} : memref<320xf32, #tpu.memory_space<vmem>>, vector<16xf32>,
    tpu.vector_store %arg9[%swap3A_100], %mul3A_99 {strides = array<i32>} : memref<320xf32, #tpu.memory_space<vmem>>, vector<16xf32>,
    %get3A_102 = arith.constant 752 : index
    %get3A_103 = tpu.vector_load %arg8[%get3A_102] {strides = array<i32>} : memref<1280xf32, #tpu.memory_space<vmem>>, vector<16xf32>,
    %get3A_104 = arith.constant 112 : index
    %get3A_105 = tpu.vector_load %arg8[%get3A_104] {strides = array<i32>} : memref<1280xf32, #tpu.memory_space<vmem>>, vector<16xf32>,
    %sub3A_106 = arith.subf %get3A_103, %get3A_105 : vector<16xf32>
    %get3A_107 = arith.constant 1072 : index
    %get3A_108 = tpu.vector_load %arg8[%get3A_107] {strides = array<i32>} : memref<1280xf32, #tpu.memory_space<vmem>>, vector<16xf32>,
    %get3A_109 = arith.constant 432 : index
    %get3A_110 = tpu.vector_load %arg8[%get3A_109] {strides = array<i32>} : memref<1280xf32, #tpu.memory_space<vmem>>, vector<16xf32>,
    %sub3A_111 = arith.subf %get3A_108, %get3A_110 : vector<16xf32>
    %mul3A_112 = arith.mulf %sub3A_106, %sub3A_111 : vector<16xf32>
    %swap3A_113 = arith.constant 112 : index
    %swap3A_114 = tpu.vector_load %arg9[%swap3A_113] {strides = array<i32>} : memref<320xf32, #tpu.memory_space<vmem>>, vector<16xf32>,
    tpu.vector_store %arg9[%swap3A_113], %mul3A_112 {strides = array<i32>} : memref<320xf32, #tpu.memory_space<vmem>>, vector<16xf32>,
    %get3A_115 = arith.constant 768 : index
    %get3A_116 = tpu.vector_load %arg8[%get3A_115] {strides = array<i32>} : memref<1280xf32, #tpu.memory_space<vmem>>, vector<16xf32>,
    %get3A_117 = arith.constant 128 : index
    %get3A_118 = tpu.vector_load %arg8[%get3A_117] {strides = array<i32>} : memref<1280xf32, #tpu.memory_space<vmem>>, vector<16xf32>,
    %sub3A_119 = arith.subf %get3A_116, %get3A_118 : vector<16xf32>
    %get3A_120 = arith.constant 1088 : index
    %get3A_121 = tpu.vector_load %arg8[%get3A_120] {strides = array<i32>} : memref<1280xf32, #tpu.memory_space<vmem>>, vector<16xf32>,
    %get3A_122 = arith.constant 448 : index
    %get3A_123 = tpu.vector_load %arg8[%get3A_122] {strides = array<i32>} : memref<1280xf32, #tpu.memory_space<vmem>>, vector<16xf32>,
    %sub3A_124 = arith.subf %get3A_121, %get3A_123 : vector<16xf32>
    %mul3A_125 = arith.mulf %sub3A_119, %sub3A_124 : vector<16xf32>
    %swap3A_126 = arith.constant 128 : index
    %swap3A_127 = tpu.vector_load %arg9[%swap3A_126] {strides = array<i32>} : memref<320xf32, #tpu.memory_space<vmem>>, vector<16xf32>,
    tpu.vector_store %arg9[%swap3A_126], %mul3A_125 {strides = array<i32>} : memref<320xf32, #tpu.memory_space<vmem>>, vector<16xf32>,
    %get3A_128 = arith.constant 784 : index
    %get3A_129 = tpu.vector_load %arg8[%get3A_128] {strides = array<i32>} : memref<1280xf32, #tpu.memory_space<vmem>>, vector<16xf32>,
    %get3A_130 = arith.constant 144 : index
    %get3A_131 = tpu.vector_load %arg8[%get3A_130] {strides = array<i32>} : memref<1280xf32, #tpu.memory_space<vmem>>, vector<16xf32>,
    %sub3A_132 = arith.subf %get3A_129, %get3A_131 : vector<16xf32>
    %get3A_133 = arith.constant 1104 : index
    %get3A_134 = tpu.vector_load %arg8[%get3A_133] {strides = array<i32>} : memref<1280xf32, #tpu.memory_space<vmem>>, vector<16xf32>,
    %get3A_135 = arith.constant 464 : index
    %get3A_136 = tpu.vector_load %arg8[%get3A_135] {strides = array<i32>} : memref<1280xf32, #tpu.memory_space<vmem>>, vector<16xf32>,
    %sub3A_137 = arith.subf %get3A_134, %get3A_136 : vector<16xf32>
    %mul3A_138 = arith.mulf %sub3A_132, %sub3A_137 : vector<16xf32>
    %swap3A_139 = arith.constant 144 : index
    %swap3A_140 = tpu.vector_load %arg9[%swap3A_139] {strides = array<i32>} : memref<320xf32, #tpu.memory_space<vmem>>, vector<16xf32>,
    tpu.vector_store %arg9[%swap3A_139], %mul3A_138 {strides = array<i32>} : memref<320xf32, #tpu.memory_space<vmem>>, vector<16xf32>,
    %get3A_141 = arith.constant 800 : index
    %get3A_142 = tpu.vector_load %arg8[%get3A_141] {strides = array<i32>} : memref<1280xf32, #tpu.memory_space<vmem>>, vector<16xf32>,
    %get3A_143 = arith.constant 160 : index
    %get3A_144 = tpu.vector_load %arg8[%get3A_143] {strides = array<i32>} : memref<1280xf32, #tpu.memory_space<vmem>>, vector<16xf32>,
    %sub3A_145 = arith.subf %get3A_142, %get3A_144 : vector<16xf32>
    %get3A_146 = arith.constant 1120 : index
    %get3A_147 = tpu.vector_load %arg8[%get3A_146] {strides = array<i32>} : memref<1280xf32, #tpu.memory_space<vmem>>, vector<16xf32>,
    %get3A_148 = arith.constant 480 : index
    %get3A_149 = tpu.vector_load %arg8[%get3A_148] {strides = array<i32>} : memref<1280xf32, #tpu.memory_space<vmem>>, vector<16xf32>,
    %sub3A_150 = arith.subf %get3A_147, %get3A_149 : vector<16xf32>
    %mul3A_151 = arith.mulf %sub3A_145, %sub3A_150 : vector<16xf32>
    %swap3A_152 = arith.constant 160 : index
    %swap3A_153 = tpu.vector_load %arg9[%swap3A_152] {strides = array<i32>} : memref<320xf32, #tpu.memory_space<vmem>>, vector<16xf32>,
    tpu.vector_store %arg9[%swap3A_152], %mul3A_151 {strides = array<i32>} : memref<320xf32, #tpu.memory_space<vmem>>, vector<16xf32>,
    %get3A_154 = arith.constant 816 : index
    %get3A_155 = tpu.vector_load %arg8[%get3A_154] {strides = array<i32>} : memref<1280xf32, #tpu.memory_space<vmem>>, vector<16xf32>,
    %get3A_156 = arith.constant 176 : index
    %get3A_157 = tpu.vector_load %arg8[%get3A_156] {strides = array<i32>} : memref<1280xf32, #tpu.memory_space<vmem>>, vector<16xf32>,
    %sub3A_158 = arith.subf %get3A_155, %get3A_157 : vector<16xf32>
    %get3A_159 = arith.constant 1136 : index
    %get3A_160 = tpu.vector_load %arg8[%get3A_159] {strides = array<i32>} : memref<1280xf32, #tpu.memory_space<vmem>>, vector<16xf32>,
    %get3A_161 = arith.constant 496 : index
    %get3A_162 = tpu.vector_load %arg8[%get3A_161] {strides = array<i32>} : memref<1280xf32, #tpu.memory_space<vmem>>, vector<16xf32>,
    %sub3A_163 = arith.subf %get3A_160, %get3A_162 : vector<16xf32>
    %mul3A_164 = arith.mulf %sub3A_158, %sub3A_163 : vector<16xf32>
    %swap3A_165 = arith.constant 176 : index
    %swap3A_166 = tpu.vector_load %arg9[%swap3A_165] {strides = array<i32>} : memref<320xf32, #tpu.memory_space<vmem>>, vector<16xf32>,
    tpu.vector_store %arg9[%swap3A_165], %mul3A_164 {strides = array<i32>} : memref<320xf32, #tpu.memory_space<vmem>>, vector<16xf32>,
    %get3A_167 = arith.constant 832 : index
    %get3A_168 = tpu.vector_load %arg8[%get3A_167] {strides = array<i32>} : memref<1280xf32, #tpu.memory_space<vmem>>, vector<16xf32>,
    %get3A_169 = arith.constant 192 : index
    %get3A_170 = tpu.vector_load %arg8[%get3A_169] {strides = array<i32>} : memref<1280xf32, #tpu.memory_space<vmem>>, vector<16xf32>,
    %sub3A_171 = arith.subf %get3A_168, %get3A_170 : vector<16xf32>
    %get3A_172 = arith.constant 1152 : index
    %get3A_173 = tpu.vector_load %arg8[%get3A_172] {strides = array<i32>} : memref<1280xf32, #tpu.memory_space<vmem>>, vector<16xf32>,
    %get3A_174 = arith.constant 512 : index
    %get3A_175 = tpu.vector_load %arg8[%get3A_174] {strides = array<i32>} : memref<1280xf32, #tpu.memory_space<vmem>>, vector<16xf32>,
    %sub3A_176 = arith.subf %get3A_173, %get3A_175 : vector<16xf32>
    %mul3A_177 = arith.mulf %sub3A_171, %sub3A_176 : vector<16xf32>
    %swap3A_178 = arith.constant 192 : index
    %swap3A_179 = tpu.vector_load %arg9[%swap3A_178] {strides = array<i32>} : memref<320xf32, #tpu.memory_space<vmem>>, vector<16xf32>,
    tpu.vector_store %arg9[%swap3A_178], %mul3A_177 {strides = array<i32>} : memref<320xf32, #tpu.memory_space<vmem>>, vector<16xf32>,
    %get3A_180 = arith.constant 848 : index
    %get3A_181 = tpu.vector_load %arg8[%get3A_180] {strides = array<i32>} : memref<1280xf32, #tpu.memory_space<vmem>>, vector<16xf32>,
    %get3A_182 = arith.constant 208 : index
    %get3A_183 = tpu.vector_load %arg8[%get3A_182] {strides = array<i32>} : memref<1280xf32, #tpu.memory_space<vmem>>, vector<16xf32>,
    %sub3A_184 = arith.subf %get3A_181, %get3A_183 : vector<16xf32>
    %get3A_185 = arith.constant 1168 : index
    %get3A_186 = tpu.vector_load %arg8[%get3A_185] {strides = array<i32>} : memref<1280xf32, #tpu.memory_space<vmem>>, vector<16xf32>,
    %get3A_187 = arith.constant 528 : index
    %get3A_188 = tpu.vector_load %arg8[%get3A_187] {strides = array<i32>} : memref<1280xf32, #tpu.memory_space<vmem>>, vector<16xf32>,
    %sub3A_189 = arith.subf %get3A_186, %get3A_188 : vector<16xf32>
    %mul3A_190 = arith.mulf %sub3A_184, %sub3A_189 : vector<16xf32>
    %swap3A_191 = arith.constant 208 : index
    %swap3A_192 = tpu.vector_load %arg9[%swap3A_191] {strides = array<i32>} : memref<320xf32, #tpu.memory_space<vmem>>, vector<16xf32>,
    tpu.vector_store %arg9[%swap3A_191], %mul3A_190 {strides = array<i32>} : memref<320xf32, #tpu.memory_space<vmem>>, vector<16xf32>,
    %get3A_193 = arith.constant 864 : index
    %get3A_194 = tpu.vector_load %arg8[%get3A_193] {strides = array<i32>} : memref<1280xf32, #tpu.memory_space<vmem>>, vector<16xf32>,
    %get3A_195 = arith.constant 224 : index
    %get3A_196 = tpu.vector_load %arg8[%get3A_195] {strides = array<i32>} : memref<1280xf32, #tpu.memory_space<vmem>>, vector<16xf32>,
    %sub3A_197 = arith.subf %get3A_194, %get3A_196 : vector<16xf32>
    %get3A_198 = arith.constant 1184 : index
    %get3A_199 = tpu.vector_load %arg8[%get3A_198] {strides = array<i32>} : memref<1280xf32, #tpu.memory_space<vmem>>, vector<16xf32>,
    %get3A_200 = arith.constant 544 : index
    %get3A_201 = tpu.vector_load %arg8[%get3A_200] {strides = array<i32>} : memref<1280xf32, #tpu.memory_space<vmem>>, vector<16xf32>,
    %sub3A_202 = arith.subf %get3A_199, %get3A_201 : vector<16xf32>
    %mul3A_203 = arith.mulf %sub3A_197, %sub3A_202 : vector<16xf32>
    %swap3A_204 = arith.constant 224 : index
    %swap3A_205 = tpu.vector_load %arg9[%swap3A_204] {strides = array<i32>} : memref<320xf32, #tpu.memory_space<vmem>>, vector<16xf32>,
    tpu.vector_store %arg9[%swap3A_204], %mul3A_203 {strides = array<i32>} : memref<320xf32, #tpu.memory_space<vmem>>, vector<16xf32>,
    %get3A_206 = arith.constant 880 : index
    %get3A_207 = tpu.vector_load %arg8[%get3A_206] {strides = array<i32>} : memref<1280xf32, #tpu.memory_space<vmem>>, vector<16xf32>,
    %get3A_208 = arith.constant 240 : index
    %get3A_209 = tpu.vector_load %arg8[%get3A_208] {strides = array<i32>} : memref<1280xf32, #tpu.memory_space<vmem>>, vector<16xf32>,
    %sub3A_210 = arith.subf %get3A_207, %get3A_209 : vector<16xf32>
    %get3A_211 = arith.constant 1200 : index
    %get3A_212 = tpu.vector_load %arg8[%get3A_211] {strides = array<i32>} : memref<1280xf32, #tpu.memory_space<vmem>>, vector<16xf32>,
    %get3A_213 = arith.constant 560 : index
    %get3A_214 = tpu.vector_load %arg8[%get3A_213] {strides = array<i32>} : memref<1280xf32, #tpu.memory_space<vmem>>, vector<16xf32>,
    %sub3A_215 = arith.subf %get3A_212, %get3A_214 : vector<16xf32>
    %mul3A_216 = arith.mulf %sub3A_210, %sub3A_215 : vector<16xf32>
    %swap3A_217 = arith.constant 240 : index
    %swap3A_218 = tpu.vector_load %arg9[%swap3A_217] {strides = array<i32>} : memref<320xf32, #tpu.memory_space<vmem>>, vector<16xf32>,
    tpu.vector_store %arg9[%swap3A_217], %mul3A_216 {strides = array<i32>} : memref<320xf32, #tpu.memory_space<vmem>>, vector<16xf32>,
    %get3A_219 = arith.constant 896 : index
    %get3A_220 = tpu.vector_load %arg8[%get3A_219] {strides = array<i32>} : memref<1280xf32, #tpu.memory_space<vmem>>, vector<16xf32>,
    %get3A_221 = arith.constant 256 : index
    %get3A_222 = tpu.vector_load %arg8[%get3A_221] {strides = array<i32>} : memref<1280xf32, #tpu.memory_space<vmem>>, vector<16xf32>,
    %sub3A_223 = arith.subf %get3A_220, %get3A_222 : vector<16xf32>
    %get3A_224 = arith.constant 1216 : index
    %get3A_225 = tpu.vector_load %arg8[%get3A_224] {strides = array<i32>} : memref<1280xf32, #tpu.memory_space<vmem>>, vector<16xf32>,
    %get3A_226 = arith.constant 576 : index
    %get3A_227 = tpu.vector_load %arg8[%get3A_226] {strides = array<i32>} : memref<1280xf32, #tpu.memory_space<vmem>>, vector<16xf32>,
    %sub3A_228 = arith.subf %get3A_225, %get3A_227 : vector<16xf32>
    %mul3A_229 = arith.mulf %sub3A_223, %sub3A_228 : vector<16xf32>
    %swap3A_230 = arith.constant 256 : index
    %swap3A_231 = tpu.vector_load %arg9[%swap3A_230] {strides = array<i32>} : memref<320xf32, #tpu.memory_space<vmem>>, vector<16xf32>,
    tpu.vector_store %arg9[%swap3A_230], %mul3A_229 {strides = array<i32>} : memref<320xf32, #tpu.memory_space<vmem>>, vector<16xf32>,
    %get3A_232 = arith.constant 912 : index
    %get3A_233 = tpu.vector_load %arg8[%get3A_232] {strides = array<i32>} : memref<1280xf32, #tpu.memory_space<vmem>>, vector<16xf32>,
    %get3A_234 = arith.constant 272 : index
    %get3A_235 = tpu.vector_load %arg8[%get3A_234] {strides = array<i32>} : memref<1280xf32, #tpu.memory_space<vmem>>, vector<16xf32>,
    %sub3A_236 = arith.subf %get3A_233, %get3A_235 : vector<16xf32>
    %get3A_237 = arith.constant 1232 : index
    %get3A_238 = tpu.vector_load %arg8[%get3A_237] {strides = array<i32>} : memref<1280xf32, #tpu.memory_space<vmem>>, vector<16xf32>,
    %get3A_239 = arith.constant 592 : index
    %get3A_240 = tpu.vector_load %arg8[%get3A_239] {strides = array<i32>} : memref<1280xf32, #tpu.memory_space<vmem>>, vector<16xf32>,
    %sub3A_241 = arith.subf %get3A_238, %get3A_240 : vector<16xf32>
    %mul3A_242 = arith.mulf %sub3A_236, %sub3A_241 : vector<16xf32>
    %swap3A_243 = arith.constant 272 : index
    %swap3A_244 = tpu.vector_load %arg9[%swap3A_243] {strides = array<i32>} : memref<320xf32, #tpu.memory_space<vmem>>, vector<16xf32>,
    tpu.vector_store %arg9[%swap3A_243], %mul3A_242 {strides = array<i32>} : memref<320xf32, #tpu.memory_space<vmem>>, vector<16xf32>,
    %get3A_245 = arith.constant 928 : index
    %get3A_246 = tpu.vector_load %arg8[%get3A_245] {strides = array<i32>} : memref<1280xf32, #tpu.memory_space<vmem>>, vector<16xf32>,
    %get3A_247 = arith.constant 288 : index
    %get3A_248 = tpu.vector_load %arg8[%get3A_247] {strides = array<i32>} : memref<1280xf32, #tpu.memory_space<vmem>>, vector<16xf32>,
    %sub3A_249 = arith.subf %get3A_246, %get3A_248 : vector<16xf32>
    %get3A_250 = arith.constant 1248 : index
    %get3A_251 = tpu.vector_load %arg8[%get3A_250] {strides = array<i32>} : memref<1280xf32, #tpu.memory_space<vmem>>, vector<16xf32>,
    %get3A_252 = arith.constant 608 : index
    %get3A_253 = tpu.vector_load %arg8[%get3A_252] {strides = array<i32>} : memref<1280xf32, #tpu.memory_space<vmem>>, vector<16xf32>,
    %sub3A_254 = arith.subf %get3A_251, %get3A_253 : vector<16xf32>
    %mul3A_255 = arith.mulf %sub3A_249, %sub3A_254 : vector<16xf32>
    %swap3A_256 = arith.constant 288 : index
    %swap3A_257 = tpu.vector_load %arg9[%swap3A_256] {strides = array<i32>} : memref<320xf32, #tpu.memory_space<vmem>>, vector<16xf32>,
    tpu.vector_store %arg9[%swap3A_256], %mul3A_255 {strides = array<i32>} : memref<320xf32, #tpu.memory_space<vmem>>, vector<16xf32>,
    %get3A_258 = arith.constant 944 : index
    %get3A_259 = tpu.vector_load %arg8[%get3A_258] {strides = array<i32>} : memref<1280xf32, #tpu.memory_space<vmem>>, vector<16xf32>,
    %get3A_260 = arith.constant 304 : index
    %get3A_261 = tpu.vector_load %arg8[%get3A_260] {strides = array<i32>} : memref<1280xf32, #tpu.memory_space<vmem>>, vector<16xf32>,
    %sub3A_262 = arith.subf %get3A_259, %get3A_261 : vector<16xf32>
    %get3A_263 = arith.constant 1264 : index
    %get3A_264 = tpu.vector_load %arg8[%get3A_263] {strides = array<i32>} : memref<1280xf32, #tpu.memory_space<vmem>>, vector<16xf32>,
    %get3A_265 = arith.constant 624 : index
    %get3A_266 = tpu.vector_load %arg8[%get3A_265] {strides = array<i32>} : memref<1280xf32, #tpu.memory_space<vmem>>, vector<16xf32>,
    %sub3A_267 = arith.subf %get3A_264, %get3A_266 : vector<16xf32>
    %mul3A_268 = arith.mulf %sub3A_262, %sub3A_267 : vector<16xf32>
    %swap3A_269 = arith.constant 304 : index
    %swap3A_270 = tpu.vector_load %arg9[%swap3A_269] {strides = array<i32>} : memref<320xf32, #tpu.memory_space<vmem>>, vector<16xf32>,
    tpu.vector_store %arg9[%swap3A_269], %mul3A_268 {strides = array<i32>} : memref<320xf32, #tpu.memory_space<vmem>>, vector<16xf32>,
    "tpu.region"() ({
      %run_scoped3A = tpu.sem_alloc : memref<!tpu.dma_semaphore, #tpu.memory_space<semaphore_mem>>
      tpu.enqueue_dma source(%arg6 : memref<16xf32, #tpu.memory_space<hbm>>) target(%arg18 : memref<16xf32, #tpu.memory_space<vmem>>) target_semaphore(%run_scoped3A : memref<!tpu.dma_semaphore, #tpu.memory_space<semaphore_mem>>)
      tpu.wait_dma2 semaphore(%run_scoped3A : memref<!tpu.dma_semaphore, #tpu.memory_space<semaphore_mem>>) src(%arg6 : memref<16xf32, #tpu.memory_space<hbm>>) dst(%arg18 : memref<16xf32, #tpu.memory_space<vmem>>)
      tpu.yield
    }) : () -> ()
    %get3A_271 = arith.constant 0 : index
    %get3A_272 = tpu.vector_load %arg18[%get3A_271] {strides = array<i32>} : memref<16xf32, #tpu.memory_space<vmem>>, vector<16xf32>,
    "tpu.region"() ({
      %run_scoped3A = tpu.sem_alloc : memref<!tpu.dma_semaphore, #tpu.memory_space<semaphore_mem>>
      tpu.enqueue_dma source(%arg5 : memref<16xf32, #tpu.memory_space<hbm>>) target(%arg16 : memref<16xf32, #tpu.memory_space<vmem>>) target_semaphore(%run_scoped3A : memref<!tpu.dma_semaphore, #tpu.memory_space<semaphore_mem>>)
      tpu.wait_dma2 semaphore(%run_scoped3A : memref<!tpu.dma_semaphore, #tpu.memory_space<semaphore_mem>>) src(%arg5 : memref<16xf32, #tpu.memory_space<hbm>>) dst(%arg16 : memref<16xf32, #tpu.memory_space<vmem>>)
      tpu.yield
    }) : () -> ()
    %scan3A = arith.constant 0 : i32
    %scan3A_273 = arith.constant 4 : i32
    %scan3A_274 = arith.addi %scan3A, %scan3A_273 : i32
    %scan3A_275 = arith.constant 1 : i32
    %scan3A_276 = scf.for %scan3A_289 = %scan3A to %scan3A_274 step %scan3A_275 iter_args(%scan3A_290 = %broadcast_in_dim3A_6) -> (vector<16xf32>)  : i32 {
      %mul3A_291 = arith.constant 4 : i32
      %mul3A_292 = arith.muli %arg0, %mul3A_291 : i32
      %add3A_293 = arith.addi %mul3A_292, %scan3A_289 : i32
      %mul3A_294 = arith.constant 4 : i32
      %mul3A_295 = arith.muli %add3A_293, %mul3A_294 : i32
      %mul3A_296 = arith.constant 64 : i32
      %mul3A_297 = arith.muli %mul3A_295, %mul3A_296 : i32
      "tpu.region"() ({
        %run_scoped3A = tpu.sem_alloc : memref<!tpu.dma_semaphore, #tpu.memory_space<semaphore_mem>>
        %dma_start3A = arith.constant 0 : i32
        %dma_start3A_3242 = tpu.memref_slice %arg11[%dma_start3A] : memref<576xf32, #tpu.memory_space<vmem>> -> memref<256xf32, #tpu.memory_space<vmem>>
        %dma_start3A_3243 = tpu.memref_slice %arg4[%mul3A_297] : memref<2048xf32, #tpu.memory_space<hbm>> -> memref<256xf32, #tpu.memory_space<hbm>>
        %dma_start3A_3244 = arith.constant 0 : i32
        %dma_start3A_3245 = tpu.memref_slice %arg11[%dma_start3A_3244] : memref<576xf32, #tpu.memory_space<vmem>> -> memref<256xf32, #tpu.memory_space<vmem>>
        %dma_start3A_3246 = tpu.memref_slice %arg4[%mul3A_297] : memref<2048xf32, #tpu.memory_space<hbm>> -> memref<256xf32, #tpu.memory_space<hbm>>
        tpu.enqueue_dma source(%dma_start3A_3246 : memref<256xf32, #tpu.memory_space<hbm>>) target(%dma_start3A_3245 : memref<256xf32, #tpu.memory_space<vmem>>) target_semaphore(%run_scoped3A : memref<!tpu.dma_semaphore, #tpu.memory_space<semaphore_mem>>)
        %dma_wait3A = arith.constant 0 : i32
        %dma_wait3A_3247 = tpu.memref_slice %arg11[%dma_wait3A] : memref<576xf32, #tpu.memory_space<vmem>> -> memref<256xf32, #tpu.memory_space<vmem>>
        %dma_wait3A_3248 = tpu.memref_slice %arg4[%mul3A_297] : memref<2048xf32, #tpu.memory_space<hbm>> -> memref<256xf32, #tpu.memory_space<hbm>>
        %dma_wait3A_3249 = arith.constant 0 : i32
        %dma_wait3A_3250 = tpu.memref_slice %arg11[%dma_wait3A_3249] : memref<576xf32, #tpu.memory_space<vmem>> -> memref<256xf32, #tpu.memory_space<vmem>>
        %dma_wait3A_3251 = tpu.memref_slice %arg4[%mul3A_297] : memref<2048xf32, #tpu.memory_space<hbm>> -> memref<256xf32, #tpu.memory_space<hbm>>
        tpu.wait_dma2 semaphore(%run_scoped3A : memref<!tpu.dma_semaphore, #tpu.memory_space<semaphore_mem>>) src(%dma_wait3A_3251 : memref<256xf32, #tpu.memory_space<hbm>>) dst(%dma_wait3A_3250 : memref<256xf32, #tpu.memory_space<vmem>>)
        tpu.yield
      }) : () -> ()
      %add3A_298 = arith.constant 0 : i32
      %add3A_299 = arith.addi %add3A_298, %add3A_293 : i32
      %mul3A_300 = arith.constant 5120 : i32
      %mul3A_301 = arith.muli %add3A_299, %mul3A_300 : i32
      %add3A_302 = arith.addi %mul3A_301, %mul3A_0 : i32
      "tpu.region"() ({
        %run_scoped3A = tpu.sem_alloc : memref<!tpu.dma_semaphore, #tpu.memory_space<semaphore_mem>>
        %dma_start3A = arith.constant 0 : i32
        %dma_start3A_3242 = tpu.memref_slice %arg10[%dma_start3A] : memref<640xf32, #tpu.memory_space<vmem>> -> memref<320xf32, #tpu.memory_space<vmem>>
        %dma_start3A_3243 = tpu.memref_slice %arg3[%add3A_302] : memref<81920xf32, #tpu.memory_space<hbm>> -> memref<320xf32, #tpu.memory_space<hbm>>
        %dma_start3A_3244 = arith.constant 0 : i32
        %dma_start3A_3245 = tpu.memref_slice %arg10[%dma_start3A_3244] : memref<640xf32, #tpu.memory_space<vmem>> -> memref<320xf32, #tpu.memory_space<vmem>>
        %dma_start3A_3246 = tpu.memref_slice %arg3[%add3A_302] : memref<81920xf32, #tpu.memory_space<hbm>> -> memref<320xf32, #tpu.memory_space<hbm>>
        tpu.enqueue_dma source(%dma_start3A_3246 : memref<320xf32, #tpu.memory_space<hbm>>) target(%dma_start3A_3245 : memref<320xf32, #tpu.memory_space<vmem>>) target_semaphore(%run_scoped3A : memref<!tpu.dma_semaphore, #tpu.memory_space<semaphore_mem>>)
        %dma_wait3A = arith.constant 0 : i32
        %dma_wait3A_3247 = tpu.memref_slice %arg10[%dma_wait3A] : memref<640xf32, #tpu.memory_space<vmem>> -> memref<320xf32, #tpu.memory_space<vmem>>
        %dma_wait3A_3248 = tpu.memref_slice %arg3[%add3A_302] : memref<81920xf32, #tpu.memory_space<hbm>> -> memref<320xf32, #tpu.memory_space<hbm>>
        %dma_wait3A_3249 = arith.constant 0 : i32
        %dma_wait3A_3250 = tpu.memref_slice %arg10[%dma_wait3A_3249] : memref<640xf32, #tpu.memory_space<vmem>> -> memref<320xf32, #tpu.memory_space<vmem>>
        %dma_wait3A_3251 = tpu.memref_slice %arg3[%add3A_302] : memref<81920xf32, #tpu.memory_space<hbm>> -> memref<320xf32, #tpu.memory_space<hbm>>
        tpu.wait_dma2 semaphore(%run_scoped3A : memref<!tpu.dma_semaphore, #tpu.memory_space<semaphore_mem>>) src(%dma_wait3A_3251 : memref<320xf32, #tpu.memory_space<hbm>>) dst(%dma_wait3A_3250 : memref<320xf32, #tpu.memory_space<vmem>>)
        tpu.yield
      }) : () -> ()
      %add3A_303 = arith.constant 8 : i32
      %add3A_304 = arith.addi %add3A_303, %add3A_293 : i32
      %mul3A_305 = arith.constant 5120 : i32
      %mul3A_306 = arith.muli %add3A_304, %mul3A_305 : i32
      %add3A_307 = arith.addi %mul3A_306, %mul3A_0 : i32
      "tpu.region"() ({
        %run_scoped3A = tpu.sem_alloc : memref<!tpu.dma_semaphore, #tpu.memory_space<semaphore_mem>>
        %dma_start3A = arith.constant 320 : i32
        %dma_start3A_3242 = tpu.memref_slice %arg10[%dma_start3A] : memref<640xf32, #tpu.memory_space<vmem>> -> memref<320xf32, #tpu.memory_space<vmem>>
        %dma_start3A_3243 = tpu.memref_slice %arg3[%add3A_307] : memref<81920xf32, #tpu.memory_space<hbm>> -> memref<320xf32, #tpu.memory_space<hbm>>
        %dma_start3A_3244 = arith.constant 320 : i32
        %dma_start3A_3245 = tpu.memref_slice %arg10[%dma_start3A_3244] : memref<640xf32, #tpu.memory_space<vmem>> -> memref<320xf32, #tpu.memory_space<vmem>>
        %dma_start3A_3246 = tpu.memref_slice %arg3[%add3A_307] : memref<81920xf32, #tpu.memory_space<hbm>> -> memref<320xf32, #tpu.memory_space<hbm>>
        tpu.enqueue_dma source(%dma_start3A_3246 : memref<320xf32, #tpu.memory_space<hbm>>) target(%dma_start3A_3245 : memref<320xf32, #tpu.memory_space<vmem>>) target_semaphore(%run_scoped3A : memref<!tpu.dma_semaphore, #tpu.memory_space<semaphore_mem>>)
        %dma_wait3A = arith.constant 320 : i32
        %dma_wait3A_3247 = tpu.memref_slice %arg10[%dma_wait3A] : memref<640xf32, #tpu.memory_space<vmem>> -> memref<320xf32, #tpu.memory_space<vmem>>
        %dma_wait3A_3248 = tpu.memref_slice %arg3[%add3A_307] : memref<81920xf32, #tpu.memory_space<hbm>> -> memref<320xf32, #tpu.memory_space<hbm>>
        %dma_wait3A_3249 = arith.constant 320 : i32
        %dma_wait3A_3250 = tpu.memref_slice %arg10[%dma_wait3A_3249] : memref<640xf32, #tpu.memory_space<vmem>> -> memref<320xf32, #tpu.memory_space<vmem>>
        %dma_wait3A_3251 = tpu.memref_slice %arg3[%add3A_307] : memref<81920xf32, #tpu.memory_space<hbm>> -> memref<320xf32, #tpu.memory_space<hbm>>
        tpu.wait_dma2 semaphore(%run_scoped3A : memref<!tpu.dma_semaphore, #tpu.memory_space<semaphore_mem>>) src(%dma_wait3A_3251 : memref<320xf32, #tpu.memory_space<hbm>>) dst(%dma_wait3A_3250 : memref<320xf32, #tpu.memory_space<vmem>>)
        tpu.yield
      }) : () -> ()
      %get3A_308 = arith.constant 0 : index
      %get3A_309 = tpu.vector_load %arg11[%get3A_308] {strides = array<i32>} : memref<576xf32, #tpu.memory_space<vmem>>, vector<16xf32>,
      %get3A_310 = arith.constant 64 : index
      %get3A_311 = tpu.vector_load %arg11[%get3A_310] {strides = array<i32>} : memref<576xf32, #tpu.memory_space<vmem>>, vector<16xf32>,
      %get3A_312 = arith.constant 128 : index
      %get3A_313 = tpu.vector_load %arg11[%get3A_312] {strides = array<i32>} : memref<576xf32, #tpu.memory_space<vmem>>, vector<16xf32>,
      %mul3A_314 = arith.constant 5.000000e-01 : f32
      %mul3A_315 = vector.broadcast %mul3A_314 : f32 to vector<16xf32>
      %mul3A_316 = arith.mulf %get3A_313, %mul3A_315 : vector<16xf32>
      %get3A_317 = arith.constant 192 : index
      %get3A_318 = tpu.vector_load %arg11[%get3A_317] {strides = array<i32>} : memref<576xf32, #tpu.memory_space<vmem>>, vector<16xf32>,
      %mul3A_319 = arith.constant 5.000000e-01 : f32
      %mul3A_320 = vector.broadcast %mul3A_319 : f32 to vector<16xf32>
      %mul3A_321 = arith.mulf %get3A_318, %mul3A_320 : vector<16xf32>
      %sub3A_322 = arith.subf %get3A_309, %mul3A_316 : vector<16xf32>
      %swap3A_323 = arith.constant 256 : index
      %swap3A_324 = tpu.vector_load %arg11[%swap3A_323] {strides = array<i32>} : memref<576xf32, #tpu.memory_space<vmem>>, vector<16xf32>,
      tpu.vector_store %arg11[%swap3A_323], %sub3A_322 {strides = array<i32>} : memref<576xf32, #tpu.memory_space<vmem>>, vector<16xf32>,
      %sub3A_325 = arith.subf %get3A_311, %mul3A_321 : vector<16xf32>
      %swap3A_326 = arith.constant 320 : index
      %swap3A_327 = tpu.vector_load %arg11[%swap3A_326] {strides = array<i32>} : memref<576xf32, #tpu.memory_space<vmem>>, vector<16xf32>,
      tpu.vector_store %arg11[%swap3A_326], %sub3A_325 {strides = array<i32>} : memref<576xf32, #tpu.memory_space<vmem>>, vector<16xf32>,
      %add3A_328 = arith.addf %get3A_309, %mul3A_316 : vector<16xf32>
      %swap3A_329 = arith.constant 384 : index
      %swap3A_330 = tpu.vector_load %arg11[%swap3A_329] {strides = array<i32>} : memref<576xf32, #tpu.memory_space<vmem>>, vector<16xf32>,
      tpu.vector_store %arg11[%swap3A_329], %add3A_328 {strides = array<i32>} : memref<576xf32, #tpu.memory_space<vmem>>, vector<16xf32>,
      %add3A_331 = arith.addf %get3A_311, %mul3A_321 : vector<16xf32>
      %swap3A_332 = arith.constant 448 : index
      %swap3A_333 = tpu.vector_load %arg11[%swap3A_332] {strides = array<i32>} : memref<576xf32, #tpu.memory_space<vmem>>, vector<16xf32>,
      tpu.vector_store %arg11[%swap3A_332], %add3A_331 {strides = array<i32>} : memref<576xf32, #tpu.memory_space<vmem>>, vector<16xf32>,
      %add3A_334 = arith.addf %mul3A_316, %mul3A_316 : vector<16xf32>
      %add3A_335 = arith.addf %mul3A_321, %mul3A_321 : vector<16xf32>
      %mul3A_336 = arith.mulf %add3A_334, %add3A_335 : vector<16xf32>
      %swap3A_337 = arith.constant 512 : index
      %swap3A_338 = tpu.vector_load %arg11[%swap3A_337] {strides = array<i32>} : memref<576xf32, #tpu.memory_space<vmem>>, vector<16xf32>,
      tpu.vector_store %arg11[%swap3A_337], %mul3A_336 {strides = array<i32>} : memref<576xf32, #tpu.memory_space<vmem>>, vector<16xf32>,
      %get3A_339 = arith.constant 16 : index
      %get3A_340 = tpu.vector_load %arg11[%get3A_339] {strides = array<i32>} : memref<576xf32, #tpu.memory_space<vmem>>, vector<16xf32>,
      %get3A_341 = arith.constant 80 : index
      %get3A_342 = tpu.vector_load %arg11[%get3A_341] {strides = array<i32>} : memref<576xf32, #tpu.memory_space<vmem>>, vector<16xf32>,
      %get3A_343 = arith.constant 144 : index
      %get3A_344 = tpu.vector_load %arg11[%get3A_343] {strides = array<i32>} : memref<576xf32, #tpu.memory_space<vmem>>, vector<16xf32>,
      %mul3A_345 = arith.constant 5.000000e-01 : f32
      %mul3A_346 = vector.broadcast %mul3A_345 : f32 to vector<16xf32>
      %mul3A_347 = arith.mulf %get3A_344, %mul3A_346 : vector<16xf32>
      %get3A_348 = arith.constant 208 : index
      %get3A_349 = tpu.vector_load %arg11[%get3A_348] {strides = array<i32>} : memref<576xf32, #tpu.memory_space<vmem>>, vector<16xf32>,
      %mul3A_350 = arith.constant 5.000000e-01 : f32
      %mul3A_351 = vector.broadcast %mul3A_350 : f32 to vector<16xf32>
      %mul3A_352 = arith.mulf %get3A_349, %mul3A_351 : vector<16xf32>
      %sub3A_353 = arith.subf %get3A_340, %mul3A_347 : vector<16xf32>
      %swap3A_354 = arith.constant 272 : index
      %swap3A_355 = tpu.vector_load %arg11[%swap3A_354] {strides = array<i32>} : memref<576xf32, #tpu.memory_space<vmem>>, vector<16xf32>,
      tpu.vector_store %arg11[%swap3A_354], %sub3A_353 {strides = array<i32>} : memref<576xf32, #tpu.memory_space<vmem>>, vector<16xf32>,
      %sub3A_356 = arith.subf %get3A_342, %mul3A_352 : vector<16xf32>
      %swap3A_357 = arith.constant 336 : index
      %swap3A_358 = tpu.vector_load %arg11[%swap3A_357] {strides = array<i32>} : memref<576xf32, #tpu.memory_space<vmem>>, vector<16xf32>,
      tpu.vector_store %arg11[%swap3A_357], %sub3A_356 {strides = array<i32>} : memref<576xf32, #tpu.memory_space<vmem>>, vector<16xf32>,
      %add3A_359 = arith.addf %get3A_340, %mul3A_347 : vector<16xf32>
      %swap3A_360 = arith.constant 400 : index
      %swap3A_361 = tpu.vector_load %arg11[%swap3A_360] {strides = array<i32>} : memref<576xf32, #tpu.memory_space<vmem>>, vector<16xf32>,
      tpu.vector_store %arg11[%swap3A_360], %add3A_359 {strides = array<i32>} : memref<576xf32, #tpu.memory_space<vmem>>, vector<16xf32>,
      %add3A_362 = arith.addf %get3A_342, %mul3A_352 : vector<16xf32>
      %swap3A_363 = arith.constant 464 : index
      %swap3A_364 = tpu.vector_load %arg11[%swap3A_363] {strides = array<i32>} : memref<576xf32, #tpu.memory_space<vmem>>, vector<16xf32>,
      tpu.vector_store %arg11[%swap3A_363], %add3A_362 {strides = array<i32>} : memref<576xf32, #tpu.memory_space<vmem>>, vector<16xf32>,
      %add3A_365 = arith.addf %mul3A_347, %mul3A_347 : vector<16xf32>
      %add3A_366 = arith.addf %mul3A_352, %mul3A_352 : vector<16xf32>
      %mul3A_367 = arith.mulf %add3A_365, %add3A_366 : vector<16xf32>
      %swap3A_368 = arith.constant 528 : index
      %swap3A_369 = tpu.vector_load %arg11[%swap3A_368] {strides = array<i32>} : memref<576xf32, #tpu.memory_space<vmem>>, vector<16xf32>,
      tpu.vector_store %arg11[%swap3A_368], %mul3A_367 {strides = array<i32>} : memref<576xf32, #tpu.memory_space<vmem>>, vector<16xf32>,
      %get3A_370 = arith.constant 32 : index
      %get3A_371 = tpu.vector_load %arg11[%get3A_370] {strides = array<i32>} : memref<576xf32, #tpu.memory_space<vmem>>, vector<16xf32>,
      %get3A_372 = arith.constant 96 : index
      %get3A_373 = tpu.vector_load %arg11[%get3A_372] {strides = array<i32>} : memref<576xf32, #tpu.memory_space<vmem>>, vector<16xf32>,
      %get3A_374 = arith.constant 160 : index
      %get3A_375 = tpu.vector_load %arg11[%get3A_374] {strides = array<i32>} : memref<576xf32, #tpu.memory_space<vmem>>, vector<16xf32>,
      %mul3A_376 = arith.constant 5.000000e-01 : f32
      %mul3A_377 = vector.broadcast %mul3A_376 : f32 to vector<16xf32>
      %mul3A_378 = arith.mulf %get3A_375, %mul3A_377 : vector<16xf32>
      %get3A_379 = arith.constant 224 : index
      %get3A_380 = tpu.vector_load %arg11[%get3A_379] {strides = array<i32>} : memref<576xf32, #tpu.memory_space<vmem>>, vector<16xf32>,
      %mul3A_381 = arith.constant 5.000000e-01 : f32
      %mul3A_382 = vector.broadcast %mul3A_381 : f32 to vector<16xf32>
      %mul3A_383 = arith.mulf %get3A_380, %mul3A_382 : vector<16xf32>
      %sub3A_384 = arith.subf %get3A_371, %mul3A_378 : vector<16xf32>
      %swap3A_385 = arith.constant 288 : index
      %swap3A_386 = tpu.vector_load %arg11[%swap3A_385] {strides = array<i32>} : memref<576xf32, #tpu.memory_space<vmem>>, vector<16xf32>,
      tpu.vector_store %arg11[%swap3A_385], %sub3A_384 {strides = array<i32>} : memref<576xf32, #tpu.memory_space<vmem>>, vector<16xf32>,
      %sub3A_387 = arith.subf %get3A_373, %mul3A_383 : vector<16xf32>
      %swap3A_388 = arith.constant 352 : index
      %swap3A_389 = tpu.vector_load %arg11[%swap3A_388] {strides = array<i32>} : memref<576xf32, #tpu.memory_space<vmem>>, vector<16xf32>,
      tpu.vector_store %arg11[%swap3A_388], %sub3A_387 {strides = array<i32>} : memref<576xf32, #tpu.memory_space<vmem>>, vector<16xf32>,
      %add3A_390 = arith.addf %get3A_371, %mul3A_378 : vector<16xf32>
      %swap3A_391 = arith.constant 416 : index
      %swap3A_392 = tpu.vector_load %arg11[%swap3A_391] {strides = array<i32>} : memref<576xf32, #tpu.memory_space<vmem>>, vector<16xf32>,
      tpu.vector_store %arg11[%swap3A_391], %add3A_390 {strides = array<i32>} : memref<576xf32, #tpu.memory_space<vmem>>, vector<16xf32>,
      %add3A_393 = arith.addf %get3A_373, %mul3A_383 : vector<16xf32>
      %swap3A_394 = arith.constant 480 : index
      %swap3A_395 = tpu.vector_load %arg11[%swap3A_394] {strides = array<i32>} : memref<576xf32, #tpu.memory_space<vmem>>, vector<16xf32>,
      tpu.vector_store %arg11[%swap3A_394], %add3A_393 {strides = array<i32>} : memref<576xf32, #tpu.memory_space<vmem>>, vector<16xf32>,
      %add3A_396 = arith.addf %mul3A_378, %mul3A_378 : vector<16xf32>
      %add3A_397 = arith.addf %mul3A_383, %mul3A_383 : vector<16xf32>
      %mul3A_398 = arith.mulf %add3A_396, %add3A_397 : vector<16xf32>
      %swap3A_399 = arith.constant 544 : index
      %swap3A_400 = tpu.vector_load %arg11[%swap3A_399] {strides = array<i32>} : memref<576xf32, #tpu.memory_space<vmem>>, vector<16xf32>,
      tpu.vector_store %arg11[%swap3A_399], %mul3A_398 {strides = array<i32>} : memref<576xf32, #tpu.memory_space<vmem>>, vector<16xf32>,
      %get3A_401 = arith.constant 48 : index
      %get3A_402 = tpu.vector_load %arg11[%get3A_401] {strides = array<i32>} : memref<576xf32, #tpu.memory_space<vmem>>, vector<16xf32>,
      %get3A_403 = arith.constant 112 : index
      %get3A_404 = tpu.vector_load %arg11[%get3A_403] {strides = array<i32>} : memref<576xf32, #tpu.memory_space<vmem>>, vector<16xf32>,
      %get3A_405 = arith.constant 176 : index
      %get3A_406 = tpu.vector_load %arg11[%get3A_405] {strides = array<i32>} : memref<576xf32, #tpu.memory_space<vmem>>, vector<16xf32>,
      %mul3A_407 = arith.constant 5.000000e-01 : f32
      %mul3A_408 = vector.broadcast %mul3A_407 : f32 to vector<16xf32>
      %mul3A_409 = arith.mulf %get3A_406, %mul3A_408 : vector<16xf32>
      %get3A_410 = arith.constant 240 : index
      %get3A_411 = tpu.vector_load %arg11[%get3A_410] {strides = array<i32>} : memref<576xf32, #tpu.memory_space<vmem>>, vector<16xf32>,
      %mul3A_412 = arith.constant 5.000000e-01 : f32
      %mul3A_413 = vector.broadcast %mul3A_412 : f32 to vector<16xf32>
      %mul3A_414 = arith.mulf %get3A_411, %mul3A_413 : vector<16xf32>
      %sub3A_415 = arith.subf %get3A_402, %mul3A_409 : vector<16xf32>
      %swap3A_416 = arith.constant 304 : index
      %swap3A_417 = tpu.vector_load %arg11[%swap3A_416] {strides = array<i32>} : memref<576xf32, #tpu.memory_space<vmem>>, vector<16xf32>,
      tpu.vector_store %arg11[%swap3A_416], %sub3A_415 {strides = array<i32>} : memref<576xf32, #tpu.memory_space<vmem>>, vector<16xf32>,
      %sub3A_418 = arith.subf %get3A_404, %mul3A_414 : vector<16xf32>
      %swap3A_419 = arith.constant 368 : index
      %swap3A_420 = tpu.vector_load %arg11[%swap3A_419] {strides = array<i32>} : memref<576xf32, #tpu.memory_space<vmem>>, vector<16xf32>,
      tpu.vector_store %arg11[%swap3A_419], %sub3A_418 {strides = array<i32>} : memref<576xf32, #tpu.memory_space<vmem>>, vector<16xf32>,
      %add3A_421 = arith.addf %get3A_402, %mul3A_409 : vector<16xf32>
      %swap3A_422 = arith.constant 432 : index
      %swap3A_423 = tpu.vector_load %arg11[%swap3A_422] {strides = array<i32>} : memref<576xf32, #tpu.memory_space<vmem>>, vector<16xf32>,
      tpu.vector_store %arg11[%swap3A_422], %add3A_421 {strides = array<i32>} : memref<576xf32, #tpu.memory_space<vmem>>, vector<16xf32>,
      %add3A_424 = arith.addf %get3A_404, %mul3A_414 : vector<16xf32>
      %swap3A_425 = arith.constant 496 : index
      %swap3A_426 = tpu.vector_load %arg11[%swap3A_425] {strides = array<i32>} : memref<576xf32, #tpu.memory_space<vmem>>, vector<16xf32>,
      tpu.vector_store %arg11[%swap3A_425], %add3A_424 {strides = array<i32>} : memref<576xf32, #tpu.memory_space<vmem>>, vector<16xf32>,
      %add3A_427 = arith.addf %mul3A_409, %mul3A_409 : vector<16xf32>
      %add3A_428 = arith.addf %mul3A_414, %mul3A_414 : vector<16xf32>
      %mul3A_429 = arith.mulf %add3A_427, %add3A_428 : vector<16xf32>
      %swap3A_430 = arith.constant 560 : index
      %swap3A_431 = tpu.vector_load %arg11[%swap3A_430] {strides = array<i32>} : memref<576xf32, #tpu.memory_space<vmem>>, vector<16xf32>,
      tpu.vector_store %arg11[%swap3A_430], %mul3A_429 {strides = array<i32>} : memref<576xf32, #tpu.memory_space<vmem>>, vector<16xf32>,
      %swap3A_432 = arith.constant 0 : index
      %swap3A_433 = tpu.vector_load %arg12[%swap3A_432] {strides = array<i32>} : memref<320xf32, #tpu.memory_space<vmem>>, vector<16xf32>,
      tpu.vector_store %arg12[%swap3A_432], %broadcast_in_dim3A_6 {strides = array<i32>} : memref<320xf32, #tpu.memory_space<vmem>>, vector<16xf32>,
      %swap3A_434 = arith.constant 0 : index
      %swap3A_435 = tpu.vector_load %arg13[%swap3A_434] {strides = array<i32>} : memref<320xf32, #tpu.memory_space<vmem>>, vector<16xf32>,
      tpu.vector_store %arg13[%swap3A_434], %broadcast_in_dim3A_6 {strides = array<i32>} : memref<320xf32, #tpu.memory_space<vmem>>, vector<16xf32>,
      %swap3A_436 = arith.constant 16 : index
      %swap3A_437 = tpu.vector_load %arg12[%swap3A_436] {strides = array<i32>} : memref<320xf32, #tpu.memory_space<vmem>>, vector<16xf32>,
      tpu.vector_store %arg12[%swap3A_436], %broadcast_in_dim3A_6 {strides = array<i32>} : memref<320xf32, #tpu.memory_space<vmem>>, vector<16xf32>,
      %swap3A_438 = arith.constant 16 : index
      %swap3A_439 = tpu.vector_load %arg13[%swap3A_438] {strides = array<i32>} : memref<320xf32, #tpu.memory_space<vmem>>, vector<16xf32>,
      tpu.vector_store %arg13[%swap3A_438], %broadcast_in_dim3A_6 {strides = array<i32>} : memref<320xf32, #tpu.memory_space<vmem>>, vector<16xf32>,
      %swap3A_440 = arith.constant 32 : index
      %swap3A_441 = tpu.vector_load %arg12[%swap3A_440] {strides = array<i32>} : memref<320xf32, #tpu.memory_space<vmem>>, vector<16xf32>,
      tpu.vector_store %arg12[%swap3A_440], %broadcast_in_dim3A_6 {strides = array<i32>} : memref<320xf32, #tpu.memory_space<vmem>>, vector<16xf32>,
      %swap3A_442 = arith.constant 32 : index
      %swap3A_443 = tpu.vector_load %arg13[%swap3A_442] {strides = array<i32>} : memref<320xf32, #tpu.memory_space<vmem>>, vector<16xf32>,
      tpu.vector_store %arg13[%swap3A_442], %broadcast_in_dim3A_6 {strides = array<i32>} : memref<320xf32, #tpu.memory_space<vmem>>, vector<16xf32>,
      %swap3A_444 = arith.constant 48 : index
      %swap3A_445 = tpu.vector_load %arg12[%swap3A_444] {strides = array<i32>} : memref<320xf32, #tpu.memory_space<vmem>>, vector<16xf32>,
      tpu.vector_store %arg12[%swap3A_444], %broadcast_in_dim3A_6 {strides = array<i32>} : memref<320xf32, #tpu.memory_space<vmem>>, vector<16xf32>,
      %swap3A_446 = arith.constant 48 : index
      %swap3A_447 = tpu.vector_load %arg13[%swap3A_446] {strides = array<i32>} : memref<320xf32, #tpu.memory_space<vmem>>, vector<16xf32>,
      tpu.vector_store %arg13[%swap3A_446], %broadcast_in_dim3A_6 {strides = array<i32>} : memref<320xf32, #tpu.memory_space<vmem>>, vector<16xf32>,
      %swap3A_448 = arith.constant 64 : index
      %swap3A_449 = tpu.vector_load %arg12[%swap3A_448] {strides = array<i32>} : memref<320xf32, #tpu.memory_space<vmem>>, vector<16xf32>,
      tpu.vector_store %arg12[%swap3A_448], %broadcast_in_dim3A_6 {strides = array<i32>} : memref<320xf32, #tpu.memory_space<vmem>>, vector<16xf32>,
      %swap3A_450 = arith.constant 64 : index
      %swap3A_451 = tpu.vector_load %arg13[%swap3A_450] {strides = array<i32>} : memref<320xf32, #tpu.memory_space<vmem>>, vector<16xf32>,
      tpu.vector_store %arg13[%swap3A_450], %broadcast_in_dim3A_6 {strides = array<i32>} : memref<320xf32, #tpu.memory_space<vmem>>, vector<16xf32>,
      %swap3A_452 = arith.constant 80 : index
      %swap3A_453 = tpu.vector_load %arg12[%swap3A_452] {strides = array<i32>} : memref<320xf32, #tpu.memory_space<vmem>>, vector<16xf32>,
      tpu.vector_store %arg12[%swap3A_452], %broadcast_in_dim3A_6 {strides = array<i32>} : memref<320xf32, #tpu.memory_space<vmem>>, vector<16xf32>,
      %swap3A_454 = arith.constant 80 : index
      %swap3A_455 = tpu.vector_load %arg13[%swap3A_454] {strides = array<i32>} : memref<320xf32, #tpu.memory_space<vmem>>, vector<16xf32>,
      tpu.vector_store %arg13[%swap3A_454], %broadcast_in_dim3A_6 {strides = array<i32>} : memref<320xf32, #tpu.memory_space<vmem>>, vector<16xf32>,
      %swap3A_456 = arith.constant 96 : index
      %swap3A_457 = tpu.vector_load %arg12[%swap3A_456] {strides = array<i32>} : memref<320xf32, #tpu.memory_space<vmem>>, vector<16xf32>,
      tpu.vector_store %arg12[%swap3A_456], %broadcast_in_dim3A_6 {strides = array<i32>} : memref<320xf32, #tpu.memory_space<vmem>>, vector<16xf32>,
      %swap3A_458 = arith.constant 96 : index
      %swap3A_459 = tpu.vector_load %arg13[%swap3A_458] {strides = array<i32>} : memref<320xf32, #tpu.memory_space<vmem>>, vector<16xf32>,
      tpu.vector_store %arg13[%swap3A_458], %broadcast_in_dim3A_6 {strides = array<i32>} : memref<320xf32, #tpu.memory_space<vmem>>, vector<16xf32>,
      %swap3A_460 = arith.constant 112 : index
      %swap3A_461 = tpu.vector_load %arg12[%swap3A_460] {strides = array<i32>} : memref<320xf32, #tpu.memory_space<vmem>>, vector<16xf32>,
      tpu.vector_store %arg12[%swap3A_460], %broadcast_in_dim3A_6 {strides = array<i32>} : memref<320xf32, #tpu.memory_space<vmem>>, vector<16xf32>,
      %swap3A_462 = arith.constant 112 : index
      %swap3A_463 = tpu.vector_load %arg13[%swap3A_462] {strides = array<i32>} : memref<320xf32, #tpu.memory_space<vmem>>, vector<16xf32>,
      tpu.vector_store %arg13[%swap3A_462], %broadcast_in_dim3A_6 {strides = array<i32>} : memref<320xf32, #tpu.memory_space<vmem>>, vector<16xf32>,
      %swap3A_464 = arith.constant 128 : index
      %swap3A_465 = tpu.vector_load %arg12[%swap3A_464] {strides = array<i32>} : memref<320xf32, #tpu.memory_space<vmem>>, vector<16xf32>,
      tpu.vector_store %arg12[%swap3A_464], %broadcast_in_dim3A_6 {strides = array<i32>} : memref<320xf32, #tpu.memory_space<vmem>>, vector<16xf32>,
      %swap3A_466 = arith.constant 128 : index
      %swap3A_467 = tpu.vector_load %arg13[%swap3A_466] {strides = array<i32>} : memref<320xf32, #tpu.memory_space<vmem>>, vector<16xf32>,
      tpu.vector_store %arg13[%swap3A_466], %broadcast_in_dim3A_6 {strides = array<i32>} : memref<320xf32, #tpu.memory_space<vmem>>, vector<16xf32>,
      %swap3A_468 = arith.constant 144 : index
      %swap3A_469 = tpu.vector_load %arg12[%swap3A_468] {strides = array<i32>} : memref<320xf32, #tpu.memory_space<vmem>>, vector<16xf32>,
      tpu.vector_store %arg12[%swap3A_468], %broadcast_in_dim3A_6 {strides = array<i32>} : memref<320xf32, #tpu.memory_space<vmem>>, vector<16xf32>,
      %swap3A_470 = arith.constant 144 : index
      %swap3A_471 = tpu.vector_load %arg13[%swap3A_470] {strides = array<i32>} : memref<320xf32, #tpu.memory_space<vmem>>, vector<16xf32>,
      tpu.vector_store %arg13[%swap3A_470], %broadcast_in_dim3A_6 {strides = array<i32>} : memref<320xf32, #tpu.memory_space<vmem>>, vector<16xf32>,
      %swap3A_472 = arith.constant 160 : index
      %swap3A_473 = tpu.vector_load %arg12[%swap3A_472] {strides = array<i32>} : memref<320xf32, #tpu.memory_space<vmem>>, vector<16xf32>,
      tpu.vector_store %arg12[%swap3A_472], %broadcast_in_dim3A_6 {strides = array<i32>} : memref<320xf32, #tpu.memory_space<vmem>>, vector<16xf32>,
      %swap3A_474 = arith.constant 160 : index
      %swap3A_475 = tpu.vector_load %arg13[%swap3A_474] {strides = array<i32>} : memref<320xf32, #tpu.memory_space<vmem>>, vector<16xf32>,
      tpu.vector_store %arg13[%swap3A_474], %broadcast_in_dim3A_6 {strides = array<i32>} : memref<320xf32, #tpu.memory_space<vmem>>, vector<16xf32>,
      %swap3A_476 = arith.constant 176 : index
      %swap3A_477 = tpu.vector_load %arg12[%swap3A_476] {strides = array<i32>} : memref<320xf32, #tpu.memory_space<vmem>>, vector<16xf32>,
      tpu.vector_store %arg12[%swap3A_476], %broadcast_in_dim3A_6 {strides = array<i32>} : memref<320xf32, #tpu.memory_space<vmem>>, vector<16xf32>,
      %swap3A_478 = arith.constant 176 : index
      %swap3A_479 = tpu.vector_load %arg13[%swap3A_478] {strides = array<i32>} : memref<320xf32, #tpu.memory_space<vmem>>, vector<16xf32>,
      tpu.vector_store %arg13[%swap3A_478], %broadcast_in_dim3A_6 {strides = array<i32>} : memref<320xf32, #tpu.memory_space<vmem>>, vector<16xf32>,
      %swap3A_480 = arith.constant 192 : index
      %swap3A_481 = tpu.vector_load %arg12[%swap3A_480] {strides = array<i32>} : memref<320xf32, #tpu.memory_space<vmem>>, vector<16xf32>,
      tpu.vector_store %arg12[%swap3A_480], %broadcast_in_dim3A_6 {strides = array<i32>} : memref<320xf32, #tpu.memory_space<vmem>>, vector<16xf32>,
      %swap3A_482 = arith.constant 192 : index
      %swap3A_483 = tpu.vector_load %arg13[%swap3A_482] {strides = array<i32>} : memref<320xf32, #tpu.memory_space<vmem>>, vector<16xf32>,
      tpu.vector_store %arg13[%swap3A_482], %broadcast_in_dim3A_6 {strides = array<i32>} : memref<320xf32, #tpu.memory_space<vmem>>, vector<16xf32>,
      %swap3A_484 = arith.constant 208 : index
      %swap3A_485 = tpu.vector_load %arg12[%swap3A_484] {strides = array<i32>} : memref<320xf32, #tpu.memory_space<vmem>>, vector<16xf32>,
      tpu.vector_store %arg12[%swap3A_484], %broadcast_in_dim3A_6 {strides = array<i32>} : memref<320xf32, #tpu.memory_space<vmem>>, vector<16xf32>,
      %swap3A_486 = arith.constant 208 : index
      %swap3A_487 = tpu.vector_load %arg13[%swap3A_486] {strides = array<i32>} : memref<320xf32, #tpu.memory_space<vmem>>, vector<16xf32>,
      tpu.vector_store %arg13[%swap3A_486], %broadcast_in_dim3A_6 {strides = array<i32>} : memref<320xf32, #tpu.memory_space<vmem>>, vector<16xf32>,
      %swap3A_488 = arith.constant 224 : index
      %swap3A_489 = tpu.vector_load %arg12[%swap3A_488] {strides = array<i32>} : memref<320xf32, #tpu.memory_space<vmem>>, vector<16xf32>,
      tpu.vector_store %arg12[%swap3A_488], %broadcast_in_dim3A_6 {strides = array<i32>} : memref<320xf32, #tpu.memory_space<vmem>>, vector<16xf32>,
      %swap3A_490 = arith.constant 224 : index
      %swap3A_491 = tpu.vector_load %arg13[%swap3A_490] {strides = array<i32>} : memref<320xf32, #tpu.memory_space<vmem>>, vector<16xf32>,
      tpu.vector_store %arg13[%swap3A_490], %broadcast_in_dim3A_6 {strides = array<i32>} : memref<320xf32, #tpu.memory_space<vmem>>, vector<16xf32>,
      %swap3A_492 = arith.constant 240 : index
      %swap3A_493 = tpu.vector_load %arg12[%swap3A_492] {strides = array<i32>} : memref<320xf32, #tpu.memory_space<vmem>>, vector<16xf32>,
      tpu.vector_store %arg12[%swap3A_492], %broadcast_in_dim3A_6 {strides = array<i32>} : memref<320xf32, #tpu.memory_space<vmem>>, vector<16xf32>,
      %swap3A_494 = arith.constant 240 : index
      %swap3A_495 = tpu.vector_load %arg13[%swap3A_494] {strides = array<i32>} : memref<320xf32, #tpu.memory_space<vmem>>, vector<16xf32>,
      tpu.vector_store %arg13[%swap3A_494], %broadcast_in_dim3A_6 {strides = array<i32>} : memref<320xf32, #tpu.memory_space<vmem>>, vector<16xf32>,
      %swap3A_496 = arith.constant 256 : index
      %swap3A_497 = tpu.vector_load %arg12[%swap3A_496] {strides = array<i32>} : memref<320xf32, #tpu.memory_space<vmem>>, vector<16xf32>,
      tpu.vector_store %arg12[%swap3A_496], %broadcast_in_dim3A_6 {strides = array<i32>} : memref<320xf32, #tpu.memory_space<vmem>>, vector<16xf32>,
      %swap3A_498 = arith.constant 256 : index
      %swap3A_499 = tpu.vector_load %arg13[%swap3A_498] {strides = array<i32>} : memref<320xf32, #tpu.memory_space<vmem>>, vector<16xf32>,
      tpu.vector_store %arg13[%swap3A_498], %broadcast_in_dim3A_6 {strides = array<i32>} : memref<320xf32, #tpu.memory_space<vmem>>, vector<16xf32>,
      %swap3A_500 = arith.constant 272 : index
      %swap3A_501 = tpu.vector_load %arg12[%swap3A_500] {strides = array<i32>} : memref<320xf32, #tpu.memory_space<vmem>>, vector<16xf32>,
      tpu.vector_store %arg12[%swap3A_500], %broadcast_in_dim3A_6 {strides = array<i32>} : memref<320xf32, #tpu.memory_space<vmem>>, vector<16xf32>,
      %swap3A_502 = arith.constant 272 : index
      %swap3A_503 = tpu.vector_load %arg13[%swap3A_502] {strides = array<i32>} : memref<320xf32, #tpu.memory_space<vmem>>, vector<16xf32>,
      tpu.vector_store %arg13[%swap3A_502], %broadcast_in_dim3A_6 {strides = array<i32>} : memref<320xf32, #tpu.memory_space<vmem>>, vector<16xf32>,
      %swap3A_504 = arith.constant 288 : index
      %swap3A_505 = tpu.vector_load %arg12[%swap3A_504] {strides = array<i32>} : memref<320xf32, #tpu.memory_space<vmem>>, vector<16xf32>,
      tpu.vector_store %arg12[%swap3A_504], %broadcast_in_dim3A_6 {strides = array<i32>} : memref<320xf32, #tpu.memory_space<vmem>>, vector<16xf32>,
      %swap3A_506 = arith.constant 288 : index
      %swap3A_507 = tpu.vector_load %arg13[%swap3A_506] {strides = array<i32>} : memref<320xf32, #tpu.memory_space<vmem>>, vector<16xf32>,
      tpu.vector_store %arg13[%swap3A_506], %broadcast_in_dim3A_6 {strides = array<i32>} : memref<320xf32, #tpu.memory_space<vmem>>, vector<16xf32>,
      %swap3A_508 = arith.constant 304 : index
      %swap3A_509 = tpu.vector_load %arg12[%swap3A_508] {strides = array<i32>} : memref<320xf32, #tpu.memory_space<vmem>>, vector<16xf32>,
      tpu.vector_store %arg12[%swap3A_508], %broadcast_in_dim3A_6 {strides = array<i32>} : memref<320xf32, #tpu.memory_space<vmem>>, vector<16xf32>,
      %swap3A_510 = arith.constant 304 : index
      %swap3A_511 = tpu.vector_load %arg13[%swap3A_510] {strides = array<i32>} : memref<320xf32, #tpu.memory_space<vmem>>, vector<16xf32>,
      tpu.vector_store %arg13[%swap3A_510], %broadcast_in_dim3A_6 {strides = array<i32>} : memref<320xf32, #tpu.memory_space<vmem>>, vector<16xf32>,
      %broadcast_in_dim3A_512 = vector.broadcast %add3A_293 : i32 to vector<16xi32>
      %gather3A = tpu.vector_load_idx %arg16[%broadcast_in_dim3A_512] : memref<16xf32, #tpu.memory_space<vmem>>[vector<16xi32>], vector<16xf32>,
      %bitcast3A = vector.bitcast %gather3A : vector<16xf32> to vector<16xi32>
      %scan3A_513 = arith.constant 0 : i32
      %scan3A_514 = arith.constant 0 : i32
      %scan3A_515 = arith.constant 50 : i32
      %scan3A_516 = arith.addi %scan3A_514, %scan3A_515 : i32
      %scan3A_517 = arith.constant 1 : i32
      scf.for %scan3A_3242 = %scan3A_514 to %scan3A_516 step %scan3A_517  : i32 {
        %broadcast_in_dim3A_3243 = vector.broadcast %scan3A_3242 : i32 to vector<16xi32>
        %lt3A_3244 = arith.cmpi slt, %broadcast_in_dim3A_3243, %bitcast3A : vector<16xi32>
        %add3A_3245 = arith.constant 256 : i32
        %add3A_3246 = vector.broadcast %add3A_3245 : i32 to vector<16xi32>
        %add3A_3247 = arith.addi %broadcast_in_dim3A_3243, %add3A_3246 : vector<16xi32>
        %gather3A_3248 = tpu.vector_load_idx %arg11[%add3A_3247] : memref<576xf32, #tpu.memory_space<vmem>>[vector<16xi32>], vector<16xf32>,
        %add3A_3249 = arith.constant 320 : i32
        %add3A_3250 = vector.broadcast %add3A_3249 : i32 to vector<16xi32>
        %add3A_3251 = arith.addi %broadcast_in_dim3A_3243, %add3A_3250 : vector<16xi32>
        %gather3A_3252 = tpu.vector_load_idx %arg11[%add3A_3251] : memref<576xf32, #tpu.memory_space<vmem>>[vector<16xi32>], vector<16xf32>,
        %add3A_3253 = arith.constant 384 : i32
        %add3A_3254 = vector.broadcast %add3A_3253 : i32 to vector<16xi32>
        %add3A_3255 = arith.addi %broadcast_in_dim3A_3243, %add3A_3254 : vector<16xi32>
        %gather3A_3256 = tpu.vector_load_idx %arg11[%add3A_3255] : memref<576xf32, #tpu.memory_space<vmem>>[vector<16xi32>], vector<16xf32>,
        %add3A_3257 = arith.constant 448 : i32
        %add3A_3258 = vector.broadcast %add3A_3257 : i32 to vector<16xi32>
        %add3A_3259 = arith.addi %broadcast_in_dim3A_3243, %add3A_3258 : vector<16xi32>
        %gather3A_3260 = tpu.vector_load_idx %arg11[%add3A_3259] : memref<576xf32, #tpu.memory_space<vmem>>[vector<16xi32>], vector<16xf32>,
        %add3A_3261 = arith.constant 512 : i32
        %add3A_3262 = vector.broadcast %add3A_3261 : i32 to vector<16xi32>
        %add3A_3263 = arith.addi %broadcast_in_dim3A_3243, %add3A_3262 : vector<16xi32>
        %gather3A_3264 = tpu.vector_load_idx %arg11[%add3A_3263] : memref<576xf32, #tpu.memory_space<vmem>>[vector<16xi32>], vector<16xf32>,
        %broadcast_in_dim3A_3265 = arith.constant -1.000000e+30 : f32
        %broadcast_in_dim3A_3266 = vector.broadcast %broadcast_in_dim3A_3265 : f32 to vector<16xf32>
        %get3A_3267 = arith.constant 0 : index
        %get3A_3268 = tpu.vector_load %arg8[%get3A_3267] {strides = array<i32>} : memref<1280xf32, #tpu.memory_space<vmem>>, vector<16xf32>,
        %max3A_3269 = arith.maximumf %get3A_3268, %gather3A_3248 : vector<16xf32>
        %get3A_3270 = arith.constant 320 : index
        %get3A_3271 = tpu.vector_load %arg8[%get3A_3270] {strides = array<i32>} : memref<1280xf32, #tpu.memory_space<vmem>>, vector<16xf32>,
        %max3A_3272 = arith.maximumf %get3A_3271, %gather3A_3252 : vector<16xf32>
        %get3A_3273 = arith.constant 640 : index
        %get3A_3274 = tpu.vector_load %arg8[%get3A_3273] {strides = array<i32>} : memref<1280xf32, #tpu.memory_space<vmem>>, vector<16xf32>,
        %min3A = arith.minimumf %get3A_3274, %gather3A_3256 : vector<16xf32>
        %get3A_3275 = arith.constant 960 : index
        %get3A_3276 = tpu.vector_load %arg8[%get3A_3275] {strides = array<i32>} : memref<1280xf32, #tpu.memory_space<vmem>>, vector<16xf32>,
        %min3A_3277 = arith.minimumf %get3A_3276, %gather3A_3260 : vector<16xf32>
        %sub3A_3278 = arith.subf %min3A, %max3A_3269 : vector<16xf32>
        %max3A_3279 = arith.constant 0.000000e+00 : f32
        %max3A_3280 = vector.broadcast %max3A_3279 : f32 to vector<16xf32>
        %max3A_3281 = arith.maximumf %sub3A_3278, %max3A_3280 : vector<16xf32>
        %sub3A_3282 = arith.subf %min3A_3277, %max3A_3272 : vector<16xf32>
        %max3A_3283 = arith.constant 0.000000e+00 : f32
        %max3A_3284 = vector.broadcast %max3A_3283 : f32 to vector<16xf32>
        %max3A_3285 = arith.maximumf %sub3A_3282, %max3A_3284 : vector<16xf32>
        %mul3A_3286 = arith.mulf %max3A_3281, %max3A_3285 : vector<16xf32>
        %get3A_3287 = arith.constant 0 : index
        %get3A_3288 = tpu.vector_load %arg9[%get3A_3287] {strides = array<i32>} : memref<320xf32, #tpu.memory_space<vmem>>, vector<16xf32>,
        %add3A_3289 = arith.addf %get3A_3288, %gather3A_3264 : vector<16xf32>
        %sub3A_3290 = arith.subf %add3A_3289, %mul3A_3286 : vector<16xf32>
        %div3A_3291 = arith.divf %mul3A_3286, %sub3A_3290 : vector<16xf32>
        %gt3A_3292 = arith.cmpf ogt, %div3A_3291, %get3A_272 : vector<16xf32>
        %and3A_3293 = arith.andi %gt3A_3292, %lt3A_3244 : vector<16xi1>
        %jit3A_3294 = arith.constant 1.000000e+00 : f32
        %jit3A_3295 = arith.constant 0.000000e+00 : f32
        %broadcast_in_dim3A_3296 = vector.broadcast %jit3A_3294 : f32 to vector<16xf32>
        %broadcast_in_dim3A_3297 = vector.broadcast %jit3A_3295 : f32 to vector<16xf32>
        %select_n3A_3298 = arith.select %and3A_3293, %broadcast_in_dim3A_3296, %broadcast_in_dim3A_3297 : vector<16xi1>, vector<16xf32>
        %swap3A_3299 = arith.constant 0 : index
        %swap3A_3300 = tpu.vector_load %arg12[%swap3A_3299] {strides = array<i32>} : memref<320xf32, #tpu.memory_space<vmem>>, vector<16xf32>,
        tpu.vector_store %arg12[%swap3A_3299], %select_n3A_3298 {add = true, strides = array<i32>} : memref<320xf32, #tpu.memory_space<vmem>>, vector<16xf32>,
        %gt3A_3301 = arith.cmpf ogt, %div3A_3291, %broadcast_in_dim3A_3266 : vector<16xf32>
        %max3A_3302 = arith.maximumf %broadcast_in_dim3A_3266, %div3A_3291 : vector<16xf32>
        %add3A_3303 = arith.constant 0.000000e+00 : f32
        %add3A_3304 = vector.broadcast %add3A_3303 : f32 to vector<16xf32>
        %add3A_3305 = arith.addf %convert_element_type3A_1, %add3A_3304 : vector<16xf32>
        %add3A_3306 = vector.broadcast %convert_element_type3A : f32 to vector<16xf32>
        %add3A_3307 = arith.addf %add3A_3305, %add3A_3306 : vector<16xf32>
        %select_n3A_3308 = arith.select %gt3A_3301, %add3A_3307, %broadcast_in_dim3A_6 : vector<16xi1>, vector<16xf32>
        %get3A_3309 = arith.constant 16 : index
        %get3A_3310 = tpu.vector_load %arg8[%get3A_3309] {strides = array<i32>} : memref<1280xf32, #tpu.memory_space<vmem>>, vector<16xf32>,
        %max3A_3311 = arith.maximumf %get3A_3310, %gather3A_3248 : vector<16xf32>
        %get3A_3312 = arith.constant 336 : index
        %get3A_3313 = tpu.vector_load %arg8[%get3A_3312] {strides = array<i32>} : memref<1280xf32, #tpu.memory_space<vmem>>, vector<16xf32>,
        %max3A_3314 = arith.maximumf %get3A_3313, %gather3A_3252 : vector<16xf32>
        %get3A_3315 = arith.constant 656 : index
        %get3A_3316 = tpu.vector_load %arg8[%get3A_3315] {strides = array<i32>} : memref<1280xf32, #tpu.memory_space<vmem>>, vector<16xf32>,
        %min3A_3317 = arith.minimumf %get3A_3316, %gather3A_3256 : vector<16xf32>
        %get3A_3318 = arith.constant 976 : index
        %get3A_3319 = tpu.vector_load %arg8[%get3A_3318] {strides = array<i32>} : memref<1280xf32, #tpu.memory_space<vmem>>, vector<16xf32>,
        %min3A_3320 = arith.minimumf %get3A_3319, %gather3A_3260 : vector<16xf32>
        %sub3A_3321 = arith.subf %min3A_3317, %max3A_3311 : vector<16xf32>
        %max3A_3322 = arith.constant 0.000000e+00 : f32
        %max3A_3323 = vector.broadcast %max3A_3322 : f32 to vector<16xf32>
        %max3A_3324 = arith.maximumf %sub3A_3321, %max3A_3323 : vector<16xf32>
        %sub3A_3325 = arith.subf %min3A_3320, %max3A_3314 : vector<16xf32>
        %max3A_3326 = arith.constant 0.000000e+00 : f32
        %max3A_3327 = vector.broadcast %max3A_3326 : f32 to vector<16xf32>
        %max3A_3328 = arith.maximumf %sub3A_3325, %max3A_3327 : vector<16xf32>
        %mul3A_3329 = arith.mulf %max3A_3324, %max3A_3328 : vector<16xf32>
        %get3A_3330 = arith.constant 16 : index
        %get3A_3331 = tpu.vector_load %arg9[%get3A_3330] {strides = array<i32>} : memref<320xf32, #tpu.memory_space<vmem>>, vector<16xf32>,
        %add3A_3332 = arith.addf %get3A_3331, %gather3A_3264 : vector<16xf32>
        %sub3A_3333 = arith.subf %add3A_3332, %mul3A_3329 : vector<16xf32>
        %div3A_3334 = arith.divf %mul3A_3329, %sub3A_3333 : vector<16xf32>
        %gt3A_3335 = arith.cmpf ogt, %div3A_3334, %get3A_272 : vector<16xf32>
        %and3A_3336 = arith.andi %gt3A_3335, %lt3A_3244 : vector<16xi1>
        %jit3A_3337 = arith.constant 1.000000e+00 : f32
        %jit3A_3338 = arith.constant 0.000000e+00 : f32
        %broadcast_in_dim3A_3339 = vector.broadcast %jit3A_3337 : f32 to vector<16xf32>
        %broadcast_in_dim3A_3340 = vector.broadcast %jit3A_3338 : f32 to vector<16xf32>
        %select_n3A_3341 = arith.select %and3A_3336, %broadcast_in_dim3A_3339, %broadcast_in_dim3A_3340 : vector<16xi1>, vector<16xf32>
        %swap3A_3342 = arith.constant 16 : index
        %swap3A_3343 = tpu.vector_load %arg12[%swap3A_3342] {strides = array<i32>} : memref<320xf32, #tpu.memory_space<vmem>>, vector<16xf32>,
        tpu.vector_store %arg12[%swap3A_3342], %select_n3A_3341 {add = true, strides = array<i32>} : memref<320xf32, #tpu.memory_space<vmem>>, vector<16xf32>,
        %gt3A_3344 = arith.cmpf ogt, %div3A_3334, %max3A_3302 : vector<16xf32>
        %max3A_3345 = arith.maximumf %max3A_3302, %div3A_3334 : vector<16xf32>
        %add3A_3346 = arith.constant 1.600000e+01 : f32
        %add3A_3347 = vector.broadcast %add3A_3346 : f32 to vector<16xf32>
        %add3A_3348 = arith.addf %convert_element_type3A_1, %add3A_3347 : vector<16xf32>
        %add3A_3349 = vector.broadcast %convert_element_type3A : f32 to vector<16xf32>
        %add3A_3350 = arith.addf %add3A_3348, %add3A_3349 : vector<16xf32>
        %select_n3A_3351 = arith.select %gt3A_3344, %add3A_3350, %select_n3A_3308 : vector<16xi1>, vector<16xf32>
        %get3A_3352 = arith.constant 32 : index
        %get3A_3353 = tpu.vector_load %arg8[%get3A_3352] {strides = array<i32>} : memref<1280xf32, #tpu.memory_space<vmem>>, vector<16xf32>,
        %max3A_3354 = arith.maximumf %get3A_3353, %gather3A_3248 : vector<16xf32>
        %get3A_3355 = arith.constant 352 : index
        %get3A_3356 = tpu.vector_load %arg8[%get3A_3355] {strides = array<i32>} : memref<1280xf32, #tpu.memory_space<vmem>>, vector<16xf32>,
        %max3A_3357 = arith.maximumf %get3A_3356, %gather3A_3252 : vector<16xf32>
        %get3A_3358 = arith.constant 672 : index
        %get3A_3359 = tpu.vector_load %arg8[%get3A_3358] {strides = array<i32>} : memref<1280xf32, #tpu.memory_space<vmem>>, vector<16xf32>,
        %min3A_3360 = arith.minimumf %get3A_3359, %gather3A_3256 : vector<16xf32>
        %get3A_3361 = arith.constant 992 : index
        %get3A_3362 = tpu.vector_load %arg8[%get3A_3361] {strides = array<i32>} : memref<1280xf32, #tpu.memory_space<vmem>>, vector<16xf32>,
        %min3A_3363 = arith.minimumf %get3A_3362, %gather3A_3260 : vector<16xf32>
        %sub3A_3364 = arith.subf %min3A_3360, %max3A_3354 : vector<16xf32>
        %max3A_3365 = arith.constant 0.000000e+00 : f32
        %max3A_3366 = vector.broadcast %max3A_3365 : f32 to vector<16xf32>
        %max3A_3367 = arith.maximumf %sub3A_3364, %max3A_3366 : vector<16xf32>
        %sub3A_3368 = arith.subf %min3A_3363, %max3A_3357 : vector<16xf32>
        %max3A_3369 = arith.constant 0.000000e+00 : f32
        %max3A_3370 = vector.broadcast %max3A_3369 : f32 to vector<16xf32>
        %max3A_3371 = arith.maximumf %sub3A_3368, %max3A_3370 : vector<16xf32>
        %mul3A_3372 = arith.mulf %max3A_3367, %max3A_3371 : vector<16xf32>
        %get3A_3373 = arith.constant 32 : index
        %get3A_3374 = tpu.vector_load %arg9[%get3A_3373] {strides = array<i32>} : memref<320xf32, #tpu.memory_space<vmem>>, vector<16xf32>,
        %add3A_3375 = arith.addf %get3A_3374, %gather3A_3264 : vector<16xf32>
        %sub3A_3376 = arith.subf %add3A_3375, %mul3A_3372 : vector<16xf32>
        %div3A_3377 = arith.divf %mul3A_3372, %sub3A_3376 : vector<16xf32>
        %gt3A_3378 = arith.cmpf ogt, %div3A_3377, %get3A_272 : vector<16xf32>
        %and3A_3379 = arith.andi %gt3A_3378, %lt3A_3244 : vector<16xi1>
        %jit3A_3380 = arith.constant 1.000000e+00 : f32
        %jit3A_3381 = arith.constant 0.000000e+00 : f32
        %broadcast_in_dim3A_3382 = vector.broadcast %jit3A_3380 : f32 to vector<16xf32>
        %broadcast_in_dim3A_3383 = vector.broadcast %jit3A_3381 : f32 to vector<16xf32>
        %select_n3A_3384 = arith.select %and3A_3379, %broadcast_in_dim3A_3382, %broadcast_in_dim3A_3383 : vector<16xi1>, vector<16xf32>
        %swap3A_3385 = arith.constant 32 : index
        %swap3A_3386 = tpu.vector_load %arg12[%swap3A_3385] {strides = array<i32>} : memref<320xf32, #tpu.memory_space<vmem>>, vector<16xf32>,
        tpu.vector_store %arg12[%swap3A_3385], %select_n3A_3384 {add = true, strides = array<i32>} : memref<320xf32, #tpu.memory_space<vmem>>, vector<16xf32>,
        %gt3A_3387 = arith.cmpf ogt, %div3A_3377, %max3A_3345 : vector<16xf32>
        %max3A_3388 = arith.maximumf %max3A_3345, %div3A_3377 : vector<16xf32>
        %add3A_3389 = arith.constant 3.200000e+01 : f32
        %add3A_3390 = vector.broadcast %add3A_3389 : f32 to vector<16xf32>
        %add3A_3391 = arith.addf %convert_element_type3A_1, %add3A_3390 : vector<16xf32>
        %add3A_3392 = vector.broadcast %convert_element_type3A : f32 to vector<16xf32>
        %add3A_3393 = arith.addf %add3A_3391, %add3A_3392 : vector<16xf32>
        %select_n3A_3394 = arith.select %gt3A_3387, %add3A_3393, %select_n3A_3351 : vector<16xi1>, vector<16xf32>
        %get3A_3395 = arith.constant 48 : index
        %get3A_3396 = tpu.vector_load %arg8[%get3A_3395] {strides = array<i32>} : memref<1280xf32, #tpu.memory_space<vmem>>, vector<16xf32>,
        %max3A_3397 = arith.maximumf %get3A_3396, %gather3A_3248 : vector<16xf32>
        %get3A_3398 = arith.constant 368 : index
        %get3A_3399 = tpu.vector_load %arg8[%get3A_3398] {strides = array<i32>} : memref<1280xf32, #tpu.memory_space<vmem>>, vector<16xf32>,
        %max3A_3400 = arith.maximumf %get3A_3399, %gather3A_3252 : vector<16xf32>
        %get3A_3401 = arith.constant 688 : index
        %get3A_3402 = tpu.vector_load %arg8[%get3A_3401] {strides = array<i32>} : memref<1280xf32, #tpu.memory_space<vmem>>, vector<16xf32>,
        %min3A_3403 = arith.minimumf %get3A_3402, %gather3A_3256 : vector<16xf32>
        %get3A_3404 = arith.constant 1008 : index
        %get3A_3405 = tpu.vector_load %arg8[%get3A_3404] {strides = array<i32>} : memref<1280xf32, #tpu.memory_space<vmem>>, vector<16xf32>,
        %min3A_3406 = arith.minimumf %get3A_3405, %gather3A_3260 : vector<16xf32>
        %sub3A_3407 = arith.subf %min3A_3403, %max3A_3397 : vector<16xf32>
        %max3A_3408 = arith.constant 0.000000e+00 : f32
        %max3A_3409 = vector.broadcast %max3A_3408 : f32 to vector<16xf32>
        %max3A_3410 = arith.maximumf %sub3A_3407, %max3A_3409 : vector<16xf32>
        %sub3A_3411 = arith.subf %min3A_3406, %max3A_3400 : vector<16xf32>
        %max3A_3412 = arith.constant 0.000000e+00 : f32
        %max3A_3413 = vector.broadcast %max3A_3412 : f32 to vector<16xf32>
        %max3A_3414 = arith.maximumf %sub3A_3411, %max3A_3413 : vector<16xf32>
        %mul3A_3415 = arith.mulf %max3A_3410, %max3A_3414 : vector<16xf32>
        %get3A_3416 = arith.constant 48 : index
        %get3A_3417 = tpu.vector_load %arg9[%get3A_3416] {strides = array<i32>} : memref<320xf32, #tpu.memory_space<vmem>>, vector<16xf32>,
        %add3A_3418 = arith.addf %get3A_3417, %gather3A_3264 : vector<16xf32>
        %sub3A_3419 = arith.subf %add3A_3418, %mul3A_3415 : vector<16xf32>
        %div3A_3420 = arith.divf %mul3A_3415, %sub3A_3419 : vector<16xf32>
        %gt3A_3421 = arith.cmpf ogt, %div3A_3420, %get3A_272 : vector<16xf32>
        %and3A_3422 = arith.andi %gt3A_3421, %lt3A_3244 : vector<16xi1>
        %jit3A_3423 = arith.constant 1.000000e+00 : f32
        %jit3A_3424 = arith.constant 0.000000e+00 : f32
        %broadcast_in_dim3A_3425 = vector.broadcast %jit3A_3423 : f32 to vector<16xf32>
        %broadcast_in_dim3A_3426 = vector.broadcast %jit3A_3424 : f32 to vector<16xf32>
        %select_n3A_3427 = arith.select %and3A_3422, %broadcast_in_dim3A_3425, %broadcast_in_dim3A_3426 : vector<16xi1>, vector<16xf32>
        %swap3A_3428 = arith.constant 48 : index
        %swap3A_3429 = tpu.vector_load %arg12[%swap3A_3428] {strides = array<i32>} : memref<320xf32, #tpu.memory_space<vmem>>, vector<16xf32>,
        tpu.vector_store %arg12[%swap3A_3428], %select_n3A_3427 {add = true, strides = array<i32>} : memref<320xf32, #tpu.memory_space<vmem>>, vector<16xf32>,
        %gt3A_3430 = arith.cmpf ogt, %div3A_3420, %max3A_3388 : vector<16xf32>
        %max3A_3431 = arith.maximumf %max3A_3388, %div3A_3420 : vector<16xf32>
        %add3A_3432 = arith.constant 4.800000e+01 : f32
        %add3A_3433 = vector.broadcast %add3A_3432 : f32 to vector<16xf32>
        %add3A_3434 = arith.addf %convert_element_type3A_1, %add3A_3433 : vector<16xf32>
        %add3A_3435 = vector.broadcast %convert_element_type3A : f32 to vector<16xf32>
        %add3A_3436 = arith.addf %add3A_3434, %add3A_3435 : vector<16xf32>
        %select_n3A_3437 = arith.select %gt3A_3430, %add3A_3436, %select_n3A_3394 : vector<16xi1>, vector<16xf32>
        %get3A_3438 = arith.constant 64 : index
        %get3A_3439 = tpu.vector_load %arg8[%get3A_3438] {strides = array<i32>} : memref<1280xf32, #tpu.memory_space<vmem>>, vector<16xf32>,
        %max3A_3440 = arith.maximumf %get3A_3439, %gather3A_3248 : vector<16xf32>
        %get3A_3441 = arith.constant 384 : index
        %get3A_3442 = tpu.vector_load %arg8[%get3A_3441] {strides = array<i32>} : memref<1280xf32, #tpu.memory_space<vmem>>, vector<16xf32>,
        %max3A_3443 = arith.maximumf %get3A_3442, %gather3A_3252 : vector<16xf32>
        %get3A_3444 = arith.constant 704 : index
        %get3A_3445 = tpu.vector_load %arg8[%get3A_3444] {strides = array<i32>} : memref<1280xf32, #tpu.memory_space<vmem>>, vector<16xf32>,
        %min3A_3446 = arith.minimumf %get3A_3445, %gather3A_3256 : vector<16xf32>
        %get3A_3447 = arith.constant 1024 : index
        %get3A_3448 = tpu.vector_load %arg8[%get3A_3447] {strides = array<i32>} : memref<1280xf32, #tpu.memory_space<vmem>>, vector<16xf32>,
        %min3A_3449 = arith.minimumf %get3A_3448, %gather3A_3260 : vector<16xf32>
        %sub3A_3450 = arith.subf %min3A_3446, %max3A_3440 : vector<16xf32>
        %max3A_3451 = arith.constant 0.000000e+00 : f32
        %max3A_3452 = vector.broadcast %max3A_3451 : f32 to vector<16xf32>
        %max3A_3453 = arith.maximumf %sub3A_3450, %max3A_3452 : vector<16xf32>
        %sub3A_3454 = arith.subf %min3A_3449, %max3A_3443 : vector<16xf32>
        %max3A_3455 = arith.constant 0.000000e+00 : f32
        %max3A_3456 = vector.broadcast %max3A_3455 : f32 to vector<16xf32>
        %max3A_3457 = arith.maximumf %sub3A_3454, %max3A_3456 : vector<16xf32>
        %mul3A_3458 = arith.mulf %max3A_3453, %max3A_3457 : vector<16xf32>
        %get3A_3459 = arith.constant 64 : index
        %get3A_3460 = tpu.vector_load %arg9[%get3A_3459] {strides = array<i32>} : memref<320xf32, #tpu.memory_space<vmem>>, vector<16xf32>,
        %add3A_3461 = arith.addf %get3A_3460, %gather3A_3264 : vector<16xf32>
        %sub3A_3462 = arith.subf %add3A_3461, %mul3A_3458 : vector<16xf32>
        %div3A_3463 = arith.divf %mul3A_3458, %sub3A_3462 : vector<16xf32>
        %gt3A_3464 = arith.cmpf ogt, %div3A_3463, %get3A_272 : vector<16xf32>
        %and3A_3465 = arith.andi %gt3A_3464, %lt3A_3244 : vector<16xi1>
        %jit3A_3466 = arith.constant 1.000000e+00 : f32
        %jit3A_3467 = arith.constant 0.000000e+00 : f32
        %broadcast_in_dim3A_3468 = vector.broadcast %jit3A_3466 : f32 to vector<16xf32>
        %broadcast_in_dim3A_3469 = vector.broadcast %jit3A_3467 : f32 to vector<16xf32>
        %select_n3A_3470 = arith.select %and3A_3465, %broadcast_in_dim3A_3468, %broadcast_in_dim3A_3469 : vector<16xi1>, vector<16xf32>
        %swap3A_3471 = arith.constant 64 : index
        %swap3A_3472 = tpu.vector_load %arg12[%swap3A_3471] {strides = array<i32>} : memref<320xf32, #tpu.memory_space<vmem>>, vector<16xf32>,
        tpu.vector_store %arg12[%swap3A_3471], %select_n3A_3470 {add = true, strides = array<i32>} : memref<320xf32, #tpu.memory_space<vmem>>, vector<16xf32>,
        %gt3A_3473 = arith.cmpf ogt, %div3A_3463, %max3A_3431 : vector<16xf32>
        %max3A_3474 = arith.maximumf %max3A_3431, %div3A_3463 : vector<16xf32>
        %add3A_3475 = arith.constant 6.400000e+01 : f32
        %add3A_3476 = vector.broadcast %add3A_3475 : f32 to vector<16xf32>
        %add3A_3477 = arith.addf %convert_element_type3A_1, %add3A_3476 : vector<16xf32>
        %add3A_3478 = vector.broadcast %convert_element_type3A : f32 to vector<16xf32>
        %add3A_3479 = arith.addf %add3A_3477, %add3A_3478 : vector<16xf32>
        %select_n3A_3480 = arith.select %gt3A_3473, %add3A_3479, %select_n3A_3437 : vector<16xi1>, vector<16xf32>
        %get3A_3481 = arith.constant 80 : index
        %get3A_3482 = tpu.vector_load %arg8[%get3A_3481] {strides = array<i32>} : memref<1280xf32, #tpu.memory_space<vmem>>, vector<16xf32>,
        %max3A_3483 = arith.maximumf %get3A_3482, %gather3A_3248 : vector<16xf32>
        %get3A_3484 = arith.constant 400 : index
        %get3A_3485 = tpu.vector_load %arg8[%get3A_3484] {strides = array<i32>} : memref<1280xf32, #tpu.memory_space<vmem>>, vector<16xf32>,
        %max3A_3486 = arith.maximumf %get3A_3485, %gather3A_3252 : vector<16xf32>
        %get3A_3487 = arith.constant 720 : index
        %get3A_3488 = tpu.vector_load %arg8[%get3A_3487] {strides = array<i32>} : memref<1280xf32, #tpu.memory_space<vmem>>, vector<16xf32>,
        %min3A_3489 = arith.minimumf %get3A_3488, %gather3A_3256 : vector<16xf32>
        %get3A_3490 = arith.constant 1040 : index
        %get3A_3491 = tpu.vector_load %arg8[%get3A_3490] {strides = array<i32>} : memref<1280xf32, #tpu.memory_space<vmem>>, vector<16xf32>,
        %min3A_3492 = arith.minimumf %get3A_3491, %gather3A_3260 : vector<16xf32>
        %sub3A_3493 = arith.subf %min3A_3489, %max3A_3483 : vector<16xf32>
        %max3A_3494 = arith.constant 0.000000e+00 : f32
        %max3A_3495 = vector.broadcast %max3A_3494 : f32 to vector<16xf32>
        %max3A_3496 = arith.maximumf %sub3A_3493, %max3A_3495 : vector<16xf32>
        %sub3A_3497 = arith.subf %min3A_3492, %max3A_3486 : vector<16xf32>
        %max3A_3498 = arith.constant 0.000000e+00 : f32
        %max3A_3499 = vector.broadcast %max3A_3498 : f32 to vector<16xf32>
        %max3A_3500 = arith.maximumf %sub3A_3497, %max3A_3499 : vector<16xf32>
        %mul3A_3501 = arith.mulf %max3A_3496, %max3A_3500 : vector<16xf32>
        %get3A_3502 = arith.constant 80 : index
        %get3A_3503 = tpu.vector_load %arg9[%get3A_3502] {strides = array<i32>} : memref<320xf32, #tpu.memory_space<vmem>>, vector<16xf32>,
        %add3A_3504 = arith.addf %get3A_3503, %gather3A_3264 : vector<16xf32>
        %sub3A_3505 = arith.subf %add3A_3504, %mul3A_3501 : vector<16xf32>
        %div3A_3506 = arith.divf %mul3A_3501, %sub3A_3505 : vector<16xf32>
        %gt3A_3507 = arith.cmpf ogt, %div3A_3506, %get3A_272 : vector<16xf32>
        %and3A_3508 = arith.andi %gt3A_3507, %lt3A_3244 : vector<16xi1>
        %jit3A_3509 = arith.constant 1.000000e+00 : f32
        %jit3A_3510 = arith.constant 0.000000e+00 : f32
        %broadcast_in_dim3A_3511 = vector.broadcast %jit3A_3509 : f32 to vector<16xf32>
        %broadcast_in_dim3A_3512 = vector.broadcast %jit3A_3510 : f32 to vector<16xf32>
        %select_n3A_3513 = arith.select %and3A_3508, %broadcast_in_dim3A_3511, %broadcast_in_dim3A_3512 : vector<16xi1>, vector<16xf32>
        %swap3A_3514 = arith.constant 80 : index
        %swap3A_3515 = tpu.vector_load %arg12[%swap3A_3514] {strides = array<i32>} : memref<320xf32, #tpu.memory_space<vmem>>, vector<16xf32>,
        tpu.vector_store %arg12[%swap3A_3514], %select_n3A_3513 {add = true, strides = array<i32>} : memref<320xf32, #tpu.memory_space<vmem>>, vector<16xf32>,
        %gt3A_3516 = arith.cmpf ogt, %div3A_3506, %max3A_3474 : vector<16xf32>
        %max3A_3517 = arith.maximumf %max3A_3474, %div3A_3506 : vector<16xf32>
        %add3A_3518 = arith.constant 8.000000e+01 : f32
        %add3A_3519 = vector.broadcast %add3A_3518 : f32 to vector<16xf32>
        %add3A_3520 = arith.addf %convert_element_type3A_1, %add3A_3519 : vector<16xf32>
        %add3A_3521 = vector.broadcast %convert_element_type3A : f32 to vector<16xf32>
        %add3A_3522 = arith.addf %add3A_3520, %add3A_3521 : vector<16xf32>
        %select_n3A_3523 = arith.select %gt3A_3516, %add3A_3522, %select_n3A_3480 : vector<16xi1>, vector<16xf32>
        %get3A_3524 = arith.constant 96 : index
        %get3A_3525 = tpu.vector_load %arg8[%get3A_3524] {strides = array<i32>} : memref<1280xf32, #tpu.memory_space<vmem>>, vector<16xf32>,
        %max3A_3526 = arith.maximumf %get3A_3525, %gather3A_3248 : vector<16xf32>
        %get3A_3527 = arith.constant 416 : index
        %get3A_3528 = tpu.vector_load %arg8[%get3A_3527] {strides = array<i32>} : memref<1280xf32, #tpu.memory_space<vmem>>, vector<16xf32>,
        %max3A_3529 = arith.maximumf %get3A_3528, %gather3A_3252 : vector<16xf32>
        %get3A_3530 = arith.constant 736 : index
        %get3A_3531 = tpu.vector_load %arg8[%get3A_3530] {strides = array<i32>} : memref<1280xf32, #tpu.memory_space<vmem>>, vector<16xf32>,
        %min3A_3532 = arith.minimumf %get3A_3531, %gather3A_3256 : vector<16xf32>
        %get3A_3533 = arith.constant 1056 : index
        %get3A_3534 = tpu.vector_load %arg8[%get3A_3533] {strides = array<i32>} : memref<1280xf32, #tpu.memory_space<vmem>>, vector<16xf32>,
        %min3A_3535 = arith.minimumf %get3A_3534, %gather3A_3260 : vector<16xf32>
        %sub3A_3536 = arith.subf %min3A_3532, %max3A_3526 : vector<16xf32>
        %max3A_3537 = arith.constant 0.000000e+00 : f32
        %max3A_3538 = vector.broadcast %max3A_3537 : f32 to vector<16xf32>
        %max3A_3539 = arith.maximumf %sub3A_3536, %max3A_3538 : vector<16xf32>
        %sub3A_3540 = arith.subf %min3A_3535, %max3A_3529 : vector<16xf32>
        %max3A_3541 = arith.constant 0.000000e+00 : f32
        %max3A_3542 = vector.broadcast %max3A_3541 : f32 to vector<16xf32>
        %max3A_3543 = arith.maximumf %sub3A_3540, %max3A_3542 : vector<16xf32>
        %mul3A_3544 = arith.mulf %max3A_3539, %max3A_3543 : vector<16xf32>
        %get3A_3545 = arith.constant 96 : index
        %get3A_3546 = tpu.vector_load %arg9[%get3A_3545] {strides = array<i32>} : memref<320xf32, #tpu.memory_space<vmem>>, vector<16xf32>,
        %add3A_3547 = arith.addf %get3A_3546, %gather3A_3264 : vector<16xf32>
        %sub3A_3548 = arith.subf %add3A_3547, %mul3A_3544 : vector<16xf32>
        %div3A_3549 = arith.divf %mul3A_3544, %sub3A_3548 : vector<16xf32>
        %gt3A_3550 = arith.cmpf ogt, %div3A_3549, %get3A_272 : vector<16xf32>
        %and3A_3551 = arith.andi %gt3A_3550, %lt3A_3244 : vector<16xi1>
        %jit3A_3552 = arith.constant 1.000000e+00 : f32
        %jit3A_3553 = arith.constant 0.000000e+00 : f32
        %broadcast_in_dim3A_3554 = vector.broadcast %jit3A_3552 : f32 to vector<16xf32>
        %broadcast_in_dim3A_3555 = vector.broadcast %jit3A_3553 : f32 to vector<16xf32>
        %select_n3A_3556 = arith.select %and3A_3551, %broadcast_in_dim3A_3554, %broadcast_in_dim3A_3555 : vector<16xi1>, vector<16xf32>
        %swap3A_3557 = arith.constant 96 : index
        %swap3A_3558 = tpu.vector_load %arg12[%swap3A_3557] {strides = array<i32>} : memref<320xf32, #tpu.memory_space<vmem>>, vector<16xf32>,
        tpu.vector_store %arg12[%swap3A_3557], %select_n3A_3556 {add = true, strides = array<i32>} : memref<320xf32, #tpu.memory_space<vmem>>, vector<16xf32>,
        %gt3A_3559 = arith.cmpf ogt, %div3A_3549, %max3A_3517 : vector<16xf32>
        %max3A_3560 = arith.maximumf %max3A_3517, %div3A_3549 : vector<16xf32>
        %add3A_3561 = arith.constant 9.600000e+01 : f32
        %add3A_3562 = vector.broadcast %add3A_3561 : f32 to vector<16xf32>
        %add3A_3563 = arith.addf %convert_element_type3A_1, %add3A_3562 : vector<16xf32>
        %add3A_3564 = vector.broadcast %convert_element_type3A : f32 to vector<16xf32>
        %add3A_3565 = arith.addf %add3A_3563, %add3A_3564 : vector<16xf32>
        %select_n3A_3566 = arith.select %gt3A_3559, %add3A_3565, %select_n3A_3523 : vector<16xi1>, vector<16xf32>
        %get3A_3567 = arith.constant 112 : index
        %get3A_3568 = tpu.vector_load %arg8[%get3A_3567] {strides = array<i32>} : memref<1280xf32, #tpu.memory_space<vmem>>, vector<16xf32>,
        %max3A_3569 = arith.maximumf %get3A_3568, %gather3A_3248 : vector<16xf32>
        %get3A_3570 = arith.constant 432 : index
        %get3A_3571 = tpu.vector_load %arg8[%get3A_3570] {strides = array<i32>} : memref<1280xf32, #tpu.memory_space<vmem>>, vector<16xf32>,
        %max3A_3572 = arith.maximumf %get3A_3571, %gather3A_3252 : vector<16xf32>
        %get3A_3573 = arith.constant 752 : index
        %get3A_3574 = tpu.vector_load %arg8[%get3A_3573] {strides = array<i32>} : memref<1280xf32, #tpu.memory_space<vmem>>, vector<16xf32>,
        %min3A_3575 = arith.minimumf %get3A_3574, %gather3A_3256 : vector<16xf32>
        %get3A_3576 = arith.constant 1072 : index
        %get3A_3577 = tpu.vector_load %arg8[%get3A_3576] {strides = array<i32>} : memref<1280xf32, #tpu.memory_space<vmem>>, vector<16xf32>,
        %min3A_3578 = arith.minimumf %get3A_3577, %gather3A_3260 : vector<16xf32>
        %sub3A_3579 = arith.subf %min3A_3575, %max3A_3569 : vector<16xf32>
        %max3A_3580 = arith.constant 0.000000e+00 : f32
        %max3A_3581 = vector.broadcast %max3A_3580 : f32 to vector<16xf32>
        %max3A_3582 = arith.maximumf %sub3A_3579, %max3A_3581 : vector<16xf32>
        %sub3A_3583 = arith.subf %min3A_3578, %max3A_3572 : vector<16xf32>
        %max3A_3584 = arith.constant 0.000000e+00 : f32
        %max3A_3585 = vector.broadcast %max3A_3584 : f32 to vector<16xf32>
        %max3A_3586 = arith.maximumf %sub3A_3583, %max3A_3585 : vector<16xf32>
        %mul3A_3587 = arith.mulf %max3A_3582, %max3A_3586 : vector<16xf32>
        %get3A_3588 = arith.constant 112 : index
        %get3A_3589 = tpu.vector_load %arg9[%get3A_3588] {strides = array<i32>} : memref<320xf32, #tpu.memory_space<vmem>>, vector<16xf32>,
        %add3A_3590 = arith.addf %get3A_3589, %gather3A_3264 : vector<16xf32>
        %sub3A_3591 = arith.subf %add3A_3590, %mul3A_3587 : vector<16xf32>
        %div3A_3592 = arith.divf %mul3A_3587, %sub3A_3591 : vector<16xf32>
        %gt3A_3593 = arith.cmpf ogt, %div3A_3592, %get3A_272 : vector<16xf32>
        %and3A_3594 = arith.andi %gt3A_3593, %lt3A_3244 : vector<16xi1>
        %jit3A_3595 = arith.constant 1.000000e+00 : f32
        %jit3A_3596 = arith.constant 0.000000e+00 : f32
        %broadcast_in_dim3A_3597 = vector.broadcast %jit3A_3595 : f32 to vector<16xf32>
        %broadcast_in_dim3A_3598 = vector.broadcast %jit3A_3596 : f32 to vector<16xf32>
        %select_n3A_3599 = arith.select %and3A_3594, %broadcast_in_dim3A_3597, %broadcast_in_dim3A_3598 : vector<16xi1>, vector<16xf32>
        %swap3A_3600 = arith.constant 112 : index
        %swap3A_3601 = tpu.vector_load %arg12[%swap3A_3600] {strides = array<i32>} : memref<320xf32, #tpu.memory_space<vmem>>, vector<16xf32>,
        tpu.vector_store %arg12[%swap3A_3600], %select_n3A_3599 {add = true, strides = array<i32>} : memref<320xf32, #tpu.memory_space<vmem>>, vector<16xf32>,
        %gt3A_3602 = arith.cmpf ogt, %div3A_3592, %max3A_3560 : vector<16xf32>
        %max3A_3603 = arith.maximumf %max3A_3560, %div3A_3592 : vector<16xf32>
        %add3A_3604 = arith.constant 1.120000e+02 : f32
        %add3A_3605 = vector.broadcast %add3A_3604 : f32 to vector<16xf32>
        %add3A_3606 = arith.addf %convert_element_type3A_1, %add3A_3605 : vector<16xf32>
        %add3A_3607 = vector.broadcast %convert_element_type3A : f32 to vector<16xf32>
        %add3A_3608 = arith.addf %add3A_3606, %add3A_3607 : vector<16xf32>
        %select_n3A_3609 = arith.select %gt3A_3602, %add3A_3608, %select_n3A_3566 : vector<16xi1>, vector<16xf32>
        %get3A_3610 = arith.constant 128 : index
        %get3A_3611 = tpu.vector_load %arg8[%get3A_3610] {strides = array<i32>} : memref<1280xf32, #tpu.memory_space<vmem>>, vector<16xf32>,
        %max3A_3612 = arith.maximumf %get3A_3611, %gather3A_3248 : vector<16xf32>
        %get3A_3613 = arith.constant 448 : index
        %get3A_3614 = tpu.vector_load %arg8[%get3A_3613] {strides = array<i32>} : memref<1280xf32, #tpu.memory_space<vmem>>, vector<16xf32>,
        %max3A_3615 = arith.maximumf %get3A_3614, %gather3A_3252 : vector<16xf32>
        %get3A_3616 = arith.constant 768 : index
        %get3A_3617 = tpu.vector_load %arg8[%get3A_3616] {strides = array<i32>} : memref<1280xf32, #tpu.memory_space<vmem>>, vector<16xf32>,
        %min3A_3618 = arith.minimumf %get3A_3617, %gather3A_3256 : vector<16xf32>
        %get3A_3619 = arith.constant 1088 : index
        %get3A_3620 = tpu.vector_load %arg8[%get3A_3619] {strides = array<i32>} : memref<1280xf32, #tpu.memory_space<vmem>>, vector<16xf32>,
        %min3A_3621 = arith.minimumf %get3A_3620, %gather3A_3260 : vector<16xf32>
        %sub3A_3622 = arith.subf %min3A_3618, %max3A_3612 : vector<16xf32>
        %max3A_3623 = arith.constant 0.000000e+00 : f32
        %max3A_3624 = vector.broadcast %max3A_3623 : f32 to vector<16xf32>
        %max3A_3625 = arith.maximumf %sub3A_3622, %max3A_3624 : vector<16xf32>
        %sub3A_3626 = arith.subf %min3A_3621, %max3A_3615 : vector<16xf32>
        %max3A_3627 = arith.constant 0.000000e+00 : f32
        %max3A_3628 = vector.broadcast %max3A_3627 : f32 to vector<16xf32>
        %max3A_3629 = arith.maximumf %sub3A_3626, %max3A_3628 : vector<16xf32>
        %mul3A_3630 = arith.mulf %max3A_3625, %max3A_3629 : vector<16xf32>
        %get3A_3631 = arith.constant 128 : index
        %get3A_3632 = tpu.vector_load %arg9[%get3A_3631] {strides = array<i32>} : memref<320xf32, #tpu.memory_space<vmem>>, vector<16xf32>,
        %add3A_3633 = arith.addf %get3A_3632, %gather3A_3264 : vector<16xf32>
        %sub3A_3634 = arith.subf %add3A_3633, %mul3A_3630 : vector<16xf32>
        %div3A_3635 = arith.divf %mul3A_3630, %sub3A_3634 : vector<16xf32>
        %gt3A_3636 = arith.cmpf ogt, %div3A_3635, %get3A_272 : vector<16xf32>
        %and3A_3637 = arith.andi %gt3A_3636, %lt3A_3244 : vector<16xi1>
        %jit3A_3638 = arith.constant 1.000000e+00 : f32
        %jit3A_3639 = arith.constant 0.000000e+00 : f32
        %broadcast_in_dim3A_3640 = vector.broadcast %jit3A_3638 : f32 to vector<16xf32>
        %broadcast_in_dim3A_3641 = vector.broadcast %jit3A_3639 : f32 to vector<16xf32>
        %select_n3A_3642 = arith.select %and3A_3637, %broadcast_in_dim3A_3640, %broadcast_in_dim3A_3641 : vector<16xi1>, vector<16xf32>
        %swap3A_3643 = arith.constant 128 : index
        %swap3A_3644 = tpu.vector_load %arg12[%swap3A_3643] {strides = array<i32>} : memref<320xf32, #tpu.memory_space<vmem>>, vector<16xf32>,
        tpu.vector_store %arg12[%swap3A_3643], %select_n3A_3642 {add = true, strides = array<i32>} : memref<320xf32, #tpu.memory_space<vmem>>, vector<16xf32>,
        %gt3A_3645 = arith.cmpf ogt, %div3A_3635, %max3A_3603 : vector<16xf32>
        %max3A_3646 = arith.maximumf %max3A_3603, %div3A_3635 : vector<16xf32>
        %add3A_3647 = arith.constant 1.280000e+02 : f32
        %add3A_3648 = vector.broadcast %add3A_3647 : f32 to vector<16xf32>
        %add3A_3649 = arith.addf %convert_element_type3A_1, %add3A_3648 : vector<16xf32>
        %add3A_3650 = vector.broadcast %convert_element_type3A : f32 to vector<16xf32>
        %add3A_3651 = arith.addf %add3A_3649, %add3A_3650 : vector<16xf32>
        %select_n3A_3652 = arith.select %gt3A_3645, %add3A_3651, %select_n3A_3609 : vector<16xi1>, vector<16xf32>
        %get3A_3653 = arith.constant 144 : index
        %get3A_3654 = tpu.vector_load %arg8[%get3A_3653] {strides = array<i32>} : memref<1280xf32, #tpu.memory_space<vmem>>, vector<16xf32>,
        %max3A_3655 = arith.maximumf %get3A_3654, %gather3A_3248 : vector<16xf32>
        %get3A_3656 = arith.constant 464 : index
        %get3A_3657 = tpu.vector_load %arg8[%get3A_3656] {strides = array<i32>} : memref<1280xf32, #tpu.memory_space<vmem>>, vector<16xf32>,
        %max3A_3658 = arith.maximumf %get3A_3657, %gather3A_3252 : vector<16xf32>
        %get3A_3659 = arith.constant 784 : index
        %get3A_3660 = tpu.vector_load %arg8[%get3A_3659] {strides = array<i32>} : memref<1280xf32, #tpu.memory_space<vmem>>, vector<16xf32>,
        %min3A_3661 = arith.minimumf %get3A_3660, %gather3A_3256 : vector<16xf32>
        %get3A_3662 = arith.constant 1104 : index
        %get3A_3663 = tpu.vector_load %arg8[%get3A_3662] {strides = array<i32>} : memref<1280xf32, #tpu.memory_space<vmem>>, vector<16xf32>,
        %min3A_3664 = arith.minimumf %get3A_3663, %gather3A_3260 : vector<16xf32>
        %sub3A_3665 = arith.subf %min3A_3661, %max3A_3655 : vector<16xf32>
        %max3A_3666 = arith.constant 0.000000e+00 : f32
        %max3A_3667 = vector.broadcast %max3A_3666 : f32 to vector<16xf32>
        %max3A_3668 = arith.maximumf %sub3A_3665, %max3A_3667 : vector<16xf32>
        %sub3A_3669 = arith.subf %min3A_3664, %max3A_3658 : vector<16xf32>
        %max3A_3670 = arith.constant 0.000000e+00 : f32
        %max3A_3671 = vector.broadcast %max3A_3670 : f32 to vector<16xf32>
        %max3A_3672 = arith.maximumf %sub3A_3669, %max3A_3671 : vector<16xf32>
        %mul3A_3673 = arith.mulf %max3A_3668, %max3A_3672 : vector<16xf32>
        %get3A_3674 = arith.constant 144 : index
        %get3A_3675 = tpu.vector_load %arg9[%get3A_3674] {strides = array<i32>} : memref<320xf32, #tpu.memory_space<vmem>>, vector<16xf32>,
        %add3A_3676 = arith.addf %get3A_3675, %gather3A_3264 : vector<16xf32>
        %sub3A_3677 = arith.subf %add3A_3676, %mul3A_3673 : vector<16xf32>
        %div3A_3678 = arith.divf %mul3A_3673, %sub3A_3677 : vector<16xf32>
        %gt3A_3679 = arith.cmpf ogt, %div3A_3678, %get3A_272 : vector<16xf32>
        %and3A_3680 = arith.andi %gt3A_3679, %lt3A_3244 : vector<16xi1>
        %jit3A_3681 = arith.constant 1.000000e+00 : f32
        %jit3A_3682 = arith.constant 0.000000e+00 : f32
        %broadcast_in_dim3A_3683 = vector.broadcast %jit3A_3681 : f32 to vector<16xf32>
        %broadcast_in_dim3A_3684 = vector.broadcast %jit3A_3682 : f32 to vector<16xf32>
        %select_n3A_3685 = arith.select %and3A_3680, %broadcast_in_dim3A_3683, %broadcast_in_dim3A_3684 : vector<16xi1>, vector<16xf32>
        %swap3A_3686 = arith.constant 144 : index
        %swap3A_3687 = tpu.vector_load %arg12[%swap3A_3686] {strides = array<i32>} : memref<320xf32, #tpu.memory_space<vmem>>, vector<16xf32>,
        tpu.vector_store %arg12[%swap3A_3686], %select_n3A_3685 {add = true, strides = array<i32>} : memref<320xf32, #tpu.memory_space<vmem>>, vector<16xf32>,
        %gt3A_3688 = arith.cmpf ogt, %div3A_3678, %max3A_3646 : vector<16xf32>
        %max3A_3689 = arith.maximumf %max3A_3646, %div3A_3678 : vector<16xf32>
        %add3A_3690 = arith.constant 1.440000e+02 : f32
        %add3A_3691 = vector.broadcast %add3A_3690 : f32 to vector<16xf32>
        %add3A_3692 = arith.addf %convert_element_type3A_1, %add3A_3691 : vector<16xf32>
        %add3A_3693 = vector.broadcast %convert_element_type3A : f32 to vector<16xf32>
        %add3A_3694 = arith.addf %add3A_3692, %add3A_3693 : vector<16xf32>
        %select_n3A_3695 = arith.select %gt3A_3688, %add3A_3694, %select_n3A_3652 : vector<16xi1>, vector<16xf32>
        %get3A_3696 = arith.constant 160 : index
        %get3A_3697 = tpu.vector_load %arg8[%get3A_3696] {strides = array<i32>} : memref<1280xf32, #tpu.memory_space<vmem>>, vector<16xf32>,
        %max3A_3698 = arith.maximumf %get3A_3697, %gather3A_3248 : vector<16xf32>
        %get3A_3699 = arith.constant 480 : index
        %get3A_3700 = tpu.vector_load %arg8[%get3A_3699] {strides = array<i32>} : memref<1280xf32, #tpu.memory_space<vmem>>, vector<16xf32>,
        %max3A_3701 = arith.maximumf %get3A_3700, %gather3A_3252 : vector<16xf32>
        %get3A_3702 = arith.constant 800 : index
        %get3A_3703 = tpu.vector_load %arg8[%get3A_3702] {strides = array<i32>} : memref<1280xf32, #tpu.memory_space<vmem>>, vector<16xf32>,
        %min3A_3704 = arith.minimumf %get3A_3703, %gather3A_3256 : vector<16xf32>
        %get3A_3705 = arith.constant 1120 : index
        %get3A_3706 = tpu.vector_load %arg8[%get3A_3705] {strides = array<i32>} : memref<1280xf32, #tpu.memory_space<vmem>>, vector<16xf32>,
        %min3A_3707 = arith.minimumf %get3A_3706, %gather3A_3260 : vector<16xf32>
        %sub3A_3708 = arith.subf %min3A_3704, %max3A_3698 : vector<16xf32>
        %max3A_3709 = arith.constant 0.000000e+00 : f32
        %max3A_3710 = vector.broadcast %max3A_3709 : f32 to vector<16xf32>
        %max3A_3711 = arith.maximumf %sub3A_3708, %max3A_3710 : vector<16xf32>
        %sub3A_3712 = arith.subf %min3A_3707, %max3A_3701 : vector<16xf32>
        %max3A_3713 = arith.constant 0.000000e+00 : f32
        %max3A_3714 = vector.broadcast %max3A_3713 : f32 to vector<16xf32>
        %max3A_3715 = arith.maximumf %sub3A_3712, %max3A_3714 : vector<16xf32>
        %mul3A_3716 = arith.mulf %max3A_3711, %max3A_3715 : vector<16xf32>
        %get3A_3717 = arith.constant 160 : index
        %get3A_3718 = tpu.vector_load %arg9[%get3A_3717] {strides = array<i32>} : memref<320xf32, #tpu.memory_space<vmem>>, vector<16xf32>,
        %add3A_3719 = arith.addf %get3A_3718, %gather3A_3264 : vector<16xf32>
        %sub3A_3720 = arith.subf %add3A_3719, %mul3A_3716 : vector<16xf32>
        %div3A_3721 = arith.divf %mul3A_3716, %sub3A_3720 : vector<16xf32>
        %gt3A_3722 = arith.cmpf ogt, %div3A_3721, %get3A_272 : vector<16xf32>
        %and3A_3723 = arith.andi %gt3A_3722, %lt3A_3244 : vector<16xi1>
        %jit3A_3724 = arith.constant 1.000000e+00 : f32
        %jit3A_3725 = arith.constant 0.000000e+00 : f32
        %broadcast_in_dim3A_3726 = vector.broadcast %jit3A_3724 : f32 to vector<16xf32>
        %broadcast_in_dim3A_3727 = vector.broadcast %jit3A_3725 : f32 to vector<16xf32>
        %select_n3A_3728 = arith.select %and3A_3723, %broadcast_in_dim3A_3726, %broadcast_in_dim3A_3727 : vector<16xi1>, vector<16xf32>
        %swap3A_3729 = arith.constant 160 : index
        %swap3A_3730 = tpu.vector_load %arg12[%swap3A_3729] {strides = array<i32>} : memref<320xf32, #tpu.memory_space<vmem>>, vector<16xf32>,
        tpu.vector_store %arg12[%swap3A_3729], %select_n3A_3728 {add = true, strides = array<i32>} : memref<320xf32, #tpu.memory_space<vmem>>, vector<16xf32>,
        %gt3A_3731 = arith.cmpf ogt, %div3A_3721, %max3A_3689 : vector<16xf32>
        %max3A_3732 = arith.maximumf %max3A_3689, %div3A_3721 : vector<16xf32>
        %add3A_3733 = arith.constant 1.600000e+02 : f32
        %add3A_3734 = vector.broadcast %add3A_3733 : f32 to vector<16xf32>
        %add3A_3735 = arith.addf %convert_element_type3A_1, %add3A_3734 : vector<16xf32>
        %add3A_3736 = vector.broadcast %convert_element_type3A : f32 to vector<16xf32>
        %add3A_3737 = arith.addf %add3A_3735, %add3A_3736 : vector<16xf32>
        %select_n3A_3738 = arith.select %gt3A_3731, %add3A_3737, %select_n3A_3695 : vector<16xi1>, vector<16xf32>
        %get3A_3739 = arith.constant 176 : index
        %get3A_3740 = tpu.vector_load %arg8[%get3A_3739] {strides = array<i32>} : memref<1280xf32, #tpu.memory_space<vmem>>, vector<16xf32>,
        %max3A_3741 = arith.maximumf %get3A_3740, %gather3A_3248 : vector<16xf32>
        %get3A_3742 = arith.constant 496 : index
        %get3A_3743 = tpu.vector_load %arg8[%get3A_3742] {strides = array<i32>} : memref<1280xf32, #tpu.memory_space<vmem>>, vector<16xf32>,
        %max3A_3744 = arith.maximumf %get3A_3743, %gather3A_3252 : vector<16xf32>
        %get3A_3745 = arith.constant 816 : index
        %get3A_3746 = tpu.vector_load %arg8[%get3A_3745] {strides = array<i32>} : memref<1280xf32, #tpu.memory_space<vmem>>, vector<16xf32>,
        %min3A_3747 = arith.minimumf %get3A_3746, %gather3A_3256 : vector<16xf32>
        %get3A_3748 = arith.constant 1136 : index
        %get3A_3749 = tpu.vector_load %arg8[%get3A_3748] {strides = array<i32>} : memref<1280xf32, #tpu.memory_space<vmem>>, vector<16xf32>,
        %min3A_3750 = arith.minimumf %get3A_3749, %gather3A_3260 : vector<16xf32>
        %sub3A_3751 = arith.subf %min3A_3747, %max3A_3741 : vector<16xf32>
        %max3A_3752 = arith.constant 0.000000e+00 : f32
        %max3A_3753 = vector.broadcast %max3A_3752 : f32 to vector<16xf32>
        %max3A_3754 = arith.maximumf %sub3A_3751, %max3A_3753 : vector<16xf32>
        %sub3A_3755 = arith.subf %min3A_3750, %max3A_3744 : vector<16xf32>
        %max3A_3756 = arith.constant 0.000000e+00 : f32
        %max3A_3757 = vector.broadcast %max3A_3756 : f32 to vector<16xf32>
        %max3A_3758 = arith.maximumf %sub3A_3755, %max3A_3757 : vector<16xf32>
        %mul3A_3759 = arith.mulf %max3A_3754, %max3A_3758 : vector<16xf32>
        %get3A_3760 = arith.constant 176 : index
        %get3A_3761 = tpu.vector_load %arg9[%get3A_3760] {strides = array<i32>} : memref<320xf32, #tpu.memory_space<vmem>>, vector<16xf32>,
        %add3A_3762 = arith.addf %get3A_3761, %gather3A_3264 : vector<16xf32>
        %sub3A_3763 = arith.subf %add3A_3762, %mul3A_3759 : vector<16xf32>
        %div3A_3764 = arith.divf %mul3A_3759, %sub3A_3763 : vector<16xf32>
        %gt3A_3765 = arith.cmpf ogt, %div3A_3764, %get3A_272 : vector<16xf32>
        %and3A_3766 = arith.andi %gt3A_3765, %lt3A_3244 : vector<16xi1>
        %jit3A_3767 = arith.constant 1.000000e+00 : f32
        %jit3A_3768 = arith.constant 0.000000e+00 : f32
        %broadcast_in_dim3A_3769 = vector.broadcast %jit3A_3767 : f32 to vector<16xf32>
        %broadcast_in_dim3A_3770 = vector.broadcast %jit3A_3768 : f32 to vector<16xf32>
        %select_n3A_3771 = arith.select %and3A_3766, %broadcast_in_dim3A_3769, %broadcast_in_dim3A_3770 : vector<16xi1>, vector<16xf32>
        %swap3A_3772 = arith.constant 176 : index
        %swap3A_3773 = tpu.vector_load %arg12[%swap3A_3772] {strides = array<i32>} : memref<320xf32, #tpu.memory_space<vmem>>, vector<16xf32>,
        tpu.vector_store %arg12[%swap3A_3772], %select_n3A_3771 {add = true, strides = array<i32>} : memref<320xf32, #tpu.memory_space<vmem>>, vector<16xf32>,
        %gt3A_3774 = arith.cmpf ogt, %div3A_3764, %max3A_3732 : vector<16xf32>
        %max3A_3775 = arith.maximumf %max3A_3732, %div3A_3764 : vector<16xf32>
        %add3A_3776 = arith.constant 1.760000e+02 : f32
        %add3A_3777 = vector.broadcast %add3A_3776 : f32 to vector<16xf32>
        %add3A_3778 = arith.addf %convert_element_type3A_1, %add3A_3777 : vector<16xf32>
        %add3A_3779 = vector.broadcast %convert_element_type3A : f32 to vector<16xf32>
        %add3A_3780 = arith.addf %add3A_3778, %add3A_3779 : vector<16xf32>
        %select_n3A_3781 = arith.select %gt3A_3774, %add3A_3780, %select_n3A_3738 : vector<16xi1>, vector<16xf32>
        %get3A_3782 = arith.constant 192 : index
        %get3A_3783 = tpu.vector_load %arg8[%get3A_3782] {strides = array<i32>} : memref<1280xf32, #tpu.memory_space<vmem>>, vector<16xf32>,
        %max3A_3784 = arith.maximumf %get3A_3783, %gather3A_3248 : vector<16xf32>
        %get3A_3785 = arith.constant 512 : index
        %get3A_3786 = tpu.vector_load %arg8[%get3A_3785] {strides = array<i32>} : memref<1280xf32, #tpu.memory_space<vmem>>, vector<16xf32>,
        %max3A_3787 = arith.maximumf %get3A_3786, %gather3A_3252 : vector<16xf32>
        %get3A_3788 = arith.constant 832 : index
        %get3A_3789 = tpu.vector_load %arg8[%get3A_3788] {strides = array<i32>} : memref<1280xf32, #tpu.memory_space<vmem>>, vector<16xf32>,
        %min3A_3790 = arith.minimumf %get3A_3789, %gather3A_3256 : vector<16xf32>
        %get3A_3791 = arith.constant 1152 : index
        %get3A_3792 = tpu.vector_load %arg8[%get3A_3791] {strides = array<i32>} : memref<1280xf32, #tpu.memory_space<vmem>>, vector<16xf32>,
        %min3A_3793 = arith.minimumf %get3A_3792, %gather3A_3260 : vector<16xf32>
        %sub3A_3794 = arith.subf %min3A_3790, %max3A_3784 : vector<16xf32>
        %max3A_3795 = arith.constant 0.000000e+00 : f32
        %max3A_3796 = vector.broadcast %max3A_3795 : f32 to vector<16xf32>
        %max3A_3797 = arith.maximumf %sub3A_3794, %max3A_3796 : vector<16xf32>
        %sub3A_3798 = arith.subf %min3A_3793, %max3A_3787 : vector<16xf32>
        %max3A_3799 = arith.constant 0.000000e+00 : f32
        %max3A_3800 = vector.broadcast %max3A_3799 : f32 to vector<16xf32>
        %max3A_3801 = arith.maximumf %sub3A_3798, %max3A_3800 : vector<16xf32>
        %mul3A_3802 = arith.mulf %max3A_3797, %max3A_3801 : vector<16xf32>
        %get3A_3803 = arith.constant 192 : index
        %get3A_3804 = tpu.vector_load %arg9[%get3A_3803] {strides = array<i32>} : memref<320xf32, #tpu.memory_space<vmem>>, vector<16xf32>,
        %add3A_3805 = arith.addf %get3A_3804, %gather3A_3264 : vector<16xf32>
        %sub3A_3806 = arith.subf %add3A_3805, %mul3A_3802 : vector<16xf32>
        %div3A_3807 = arith.divf %mul3A_3802, %sub3A_3806 : vector<16xf32>
        %gt3A_3808 = arith.cmpf ogt, %div3A_3807, %get3A_272 : vector<16xf32>
        %and3A_3809 = arith.andi %gt3A_3808, %lt3A_3244 : vector<16xi1>
        %jit3A_3810 = arith.constant 1.000000e+00 : f32
        %jit3A_3811 = arith.constant 0.000000e+00 : f32
        %broadcast_in_dim3A_3812 = vector.broadcast %jit3A_3810 : f32 to vector<16xf32>
        %broadcast_in_dim3A_3813 = vector.broadcast %jit3A_3811 : f32 to vector<16xf32>
        %select_n3A_3814 = arith.select %and3A_3809, %broadcast_in_dim3A_3812, %broadcast_in_dim3A_3813 : vector<16xi1>, vector<16xf32>
        %swap3A_3815 = arith.constant 192 : index
        %swap3A_3816 = tpu.vector_load %arg12[%swap3A_3815] {strides = array<i32>} : memref<320xf32, #tpu.memory_space<vmem>>, vector<16xf32>,
        tpu.vector_store %arg12[%swap3A_3815], %select_n3A_3814 {add = true, strides = array<i32>} : memref<320xf32, #tpu.memory_space<vmem>>, vector<16xf32>,
        %gt3A_3817 = arith.cmpf ogt, %div3A_3807, %max3A_3775 : vector<16xf32>
        %max3A_3818 = arith.maximumf %max3A_3775, %div3A_3807 : vector<16xf32>
        %add3A_3819 = arith.constant 1.920000e+02 : f32
        %add3A_3820 = vector.broadcast %add3A_3819 : f32 to vector<16xf32>
        %add3A_3821 = arith.addf %convert_element_type3A_1, %add3A_3820 : vector<16xf32>
        %add3A_3822 = vector.broadcast %convert_element_type3A : f32 to vector<16xf32>
        %add3A_3823 = arith.addf %add3A_3821, %add3A_3822 : vector<16xf32>
        %select_n3A_3824 = arith.select %gt3A_3817, %add3A_3823, %select_n3A_3781 : vector<16xi1>, vector<16xf32>
        %get3A_3825 = arith.constant 208 : index
        %get3A_3826 = tpu.vector_load %arg8[%get3A_3825] {strides = array<i32>} : memref<1280xf32, #tpu.memory_space<vmem>>, vector<16xf32>,
        %max3A_3827 = arith.maximumf %get3A_3826, %gather3A_3248 : vector<16xf32>
        %get3A_3828 = arith.constant 528 : index
        %get3A_3829 = tpu.vector_load %arg8[%get3A_3828] {strides = array<i32>} : memref<1280xf32, #tpu.memory_space<vmem>>, vector<16xf32>,
        %max3A_3830 = arith.maximumf %get3A_3829, %gather3A_3252 : vector<16xf32>
        %get3A_3831 = arith.constant 848 : index
        %get3A_3832 = tpu.vector_load %arg8[%get3A_3831] {strides = array<i32>} : memref<1280xf32, #tpu.memory_space<vmem>>, vector<16xf32>,
        %min3A_3833 = arith.minimumf %get3A_3832, %gather3A_3256 : vector<16xf32>
        %get3A_3834 = arith.constant 1168 : index
        %get3A_3835 = tpu.vector_load %arg8[%get3A_3834] {strides = array<i32>} : memref<1280xf32, #tpu.memory_space<vmem>>, vector<16xf32>,
        %min3A_3836 = arith.minimumf %get3A_3835, %gather3A_3260 : vector<16xf32>
        %sub3A_3837 = arith.subf %min3A_3833, %max3A_3827 : vector<16xf32>
        %max3A_3838 = arith.constant 0.000000e+00 : f32
        %max3A_3839 = vector.broadcast %max3A_3838 : f32 to vector<16xf32>
        %max3A_3840 = arith.maximumf %sub3A_3837, %max3A_3839 : vector<16xf32>
        %sub3A_3841 = arith.subf %min3A_3836, %max3A_3830 : vector<16xf32>
        %max3A_3842 = arith.constant 0.000000e+00 : f32
        %max3A_3843 = vector.broadcast %max3A_3842 : f32 to vector<16xf32>
        %max3A_3844 = arith.maximumf %sub3A_3841, %max3A_3843 : vector<16xf32>
        %mul3A_3845 = arith.mulf %max3A_3840, %max3A_3844 : vector<16xf32>
        %get3A_3846 = arith.constant 208 : index
        %get3A_3847 = tpu.vector_load %arg9[%get3A_3846] {strides = array<i32>} : memref<320xf32, #tpu.memory_space<vmem>>, vector<16xf32>,
        %add3A_3848 = arith.addf %get3A_3847, %gather3A_3264 : vector<16xf32>
        %sub3A_3849 = arith.subf %add3A_3848, %mul3A_3845 : vector<16xf32>
        %div3A_3850 = arith.divf %mul3A_3845, %sub3A_3849 : vector<16xf32>
        %gt3A_3851 = arith.cmpf ogt, %div3A_3850, %get3A_272 : vector<16xf32>
        %and3A_3852 = arith.andi %gt3A_3851, %lt3A_3244 : vector<16xi1>
        %jit3A_3853 = arith.constant 1.000000e+00 : f32
        %jit3A_3854 = arith.constant 0.000000e+00 : f32
        %broadcast_in_dim3A_3855 = vector.broadcast %jit3A_3853 : f32 to vector<16xf32>
        %broadcast_in_dim3A_3856 = vector.broadcast %jit3A_3854 : f32 to vector<16xf32>
        %select_n3A_3857 = arith.select %and3A_3852, %broadcast_in_dim3A_3855, %broadcast_in_dim3A_3856 : vector<16xi1>, vector<16xf32>
        %swap3A_3858 = arith.constant 208 : index
        %swap3A_3859 = tpu.vector_load %arg12[%swap3A_3858] {strides = array<i32>} : memref<320xf32, #tpu.memory_space<vmem>>, vector<16xf32>,
        tpu.vector_store %arg12[%swap3A_3858], %select_n3A_3857 {add = true, strides = array<i32>} : memref<320xf32, #tpu.memory_space<vmem>>, vector<16xf32>,
        %gt3A_3860 = arith.cmpf ogt, %div3A_3850, %max3A_3818 : vector<16xf32>
        %max3A_3861 = arith.maximumf %max3A_3818, %div3A_3850 : vector<16xf32>
        %add3A_3862 = arith.constant 2.080000e+02 : f32
        %add3A_3863 = vector.broadcast %add3A_3862 : f32 to vector<16xf32>
        %add3A_3864 = arith.addf %convert_element_type3A_1, %add3A_3863 : vector<16xf32>
        %add3A_3865 = vector.broadcast %convert_element_type3A : f32 to vector<16xf32>
        %add3A_3866 = arith.addf %add3A_3864, %add3A_3865 : vector<16xf32>
        %select_n3A_3867 = arith.select %gt3A_3860, %add3A_3866, %select_n3A_3824 : vector<16xi1>, vector<16xf32>
        %get3A_3868 = arith.constant 224 : index
        %get3A_3869 = tpu.vector_load %arg8[%get3A_3868] {strides = array<i32>} : memref<1280xf32, #tpu.memory_space<vmem>>, vector<16xf32>,
        %max3A_3870 = arith.maximumf %get3A_3869, %gather3A_3248 : vector<16xf32>
        %get3A_3871 = arith.constant 544 : index
        %get3A_3872 = tpu.vector_load %arg8[%get3A_3871] {strides = array<i32>} : memref<1280xf32, #tpu.memory_space<vmem>>, vector<16xf32>,
        %max3A_3873 = arith.maximumf %get3A_3872, %gather3A_3252 : vector<16xf32>
        %get3A_3874 = arith.constant 864 : index
        %get3A_3875 = tpu.vector_load %arg8[%get3A_3874] {strides = array<i32>} : memref<1280xf32, #tpu.memory_space<vmem>>, vector<16xf32>,
        %min3A_3876 = arith.minimumf %get3A_3875, %gather3A_3256 : vector<16xf32>
        %get3A_3877 = arith.constant 1184 : index
        %get3A_3878 = tpu.vector_load %arg8[%get3A_3877] {strides = array<i32>} : memref<1280xf32, #tpu.memory_space<vmem>>, vector<16xf32>,
        %min3A_3879 = arith.minimumf %get3A_3878, %gather3A_3260 : vector<16xf32>
        %sub3A_3880 = arith.subf %min3A_3876, %max3A_3870 : vector<16xf32>
        %max3A_3881 = arith.constant 0.000000e+00 : f32
        %max3A_3882 = vector.broadcast %max3A_3881 : f32 to vector<16xf32>
        %max3A_3883 = arith.maximumf %sub3A_3880, %max3A_3882 : vector<16xf32>
        %sub3A_3884 = arith.subf %min3A_3879, %max3A_3873 : vector<16xf32>
        %max3A_3885 = arith.constant 0.000000e+00 : f32
        %max3A_3886 = vector.broadcast %max3A_3885 : f32 to vector<16xf32>
        %max3A_3887 = arith.maximumf %sub3A_3884, %max3A_3886 : vector<16xf32>
        %mul3A_3888 = arith.mulf %max3A_3883, %max3A_3887 : vector<16xf32>
        %get3A_3889 = arith.constant 224 : index
        %get3A_3890 = tpu.vector_load %arg9[%get3A_3889] {strides = array<i32>} : memref<320xf32, #tpu.memory_space<vmem>>, vector<16xf32>,
        %add3A_3891 = arith.addf %get3A_3890, %gather3A_3264 : vector<16xf32>
        %sub3A_3892 = arith.subf %add3A_3891, %mul3A_3888 : vector<16xf32>
        %div3A_3893 = arith.divf %mul3A_3888, %sub3A_3892 : vector<16xf32>
        %gt3A_3894 = arith.cmpf ogt, %div3A_3893, %get3A_272 : vector<16xf32>
        %and3A_3895 = arith.andi %gt3A_3894, %lt3A_3244 : vector<16xi1>
        %jit3A_3896 = arith.constant 1.000000e+00 : f32
        %jit3A_3897 = arith.constant 0.000000e+00 : f32
        %broadcast_in_dim3A_3898 = vector.broadcast %jit3A_3896 : f32 to vector<16xf32>
        %broadcast_in_dim3A_3899 = vector.broadcast %jit3A_3897 : f32 to vector<16xf32>
        %select_n3A_3900 = arith.select %and3A_3895, %broadcast_in_dim3A_3898, %broadcast_in_dim3A_3899 : vector<16xi1>, vector<16xf32>
        %swap3A_3901 = arith.constant 224 : index
        %swap3A_3902 = tpu.vector_load %arg12[%swap3A_3901] {strides = array<i32>} : memref<320xf32, #tpu.memory_space<vmem>>, vector<16xf32>,
        tpu.vector_store %arg12[%swap3A_3901], %select_n3A_3900 {add = true, strides = array<i32>} : memref<320xf32, #tpu.memory_space<vmem>>, vector<16xf32>,
        %gt3A_3903 = arith.cmpf ogt, %div3A_3893, %max3A_3861 : vector<16xf32>
        %max3A_3904 = arith.maximumf %max3A_3861, %div3A_3893 : vector<16xf32>
        %add3A_3905 = arith.constant 2.240000e+02 : f32
        %add3A_3906 = vector.broadcast %add3A_3905 : f32 to vector<16xf32>
        %add3A_3907 = arith.addf %convert_element_type3A_1, %add3A_3906 : vector<16xf32>
        %add3A_3908 = vector.broadcast %convert_element_type3A : f32 to vector<16xf32>
        %add3A_3909 = arith.addf %add3A_3907, %add3A_3908 : vector<16xf32>
        %select_n3A_3910 = arith.select %gt3A_3903, %add3A_3909, %select_n3A_3867 : vector<16xi1>, vector<16xf32>
        %get3A_3911 = arith.constant 240 : index
        %get3A_3912 = tpu.vector_load %arg8[%get3A_3911] {strides = array<i32>} : memref<1280xf32, #tpu.memory_space<vmem>>, vector<16xf32>,
        %max3A_3913 = arith.maximumf %get3A_3912, %gather3A_3248 : vector<16xf32>
        %get3A_3914 = arith.constant 560 : index
        %get3A_3915 = tpu.vector_load %arg8[%get3A_3914] {strides = array<i32>} : memref<1280xf32, #tpu.memory_space<vmem>>, vector<16xf32>,
        %max3A_3916 = arith.maximumf %get3A_3915, %gather3A_3252 : vector<16xf32>
        %get3A_3917 = arith.constant 880 : index
        %get3A_3918 = tpu.vector_load %arg8[%get3A_3917] {strides = array<i32>} : memref<1280xf32, #tpu.memory_space<vmem>>, vector<16xf32>,
        %min3A_3919 = arith.minimumf %get3A_3918, %gather3A_3256 : vector<16xf32>
        %get3A_3920 = arith.constant 1200 : index
        %get3A_3921 = tpu.vector_load %arg8[%get3A_3920] {strides = array<i32>} : memref<1280xf32, #tpu.memory_space<vmem>>, vector<16xf32>,
        %min3A_3922 = arith.minimumf %get3A_3921, %gather3A_3260 : vector<16xf32>
        %sub3A_3923 = arith.subf %min3A_3919, %max3A_3913 : vector<16xf32>
        %max3A_3924 = arith.constant 0.000000e+00 : f32
        %max3A_3925 = vector.broadcast %max3A_3924 : f32 to vector<16xf32>
        %max3A_3926 = arith.maximumf %sub3A_3923, %max3A_3925 : vector<16xf32>
        %sub3A_3927 = arith.subf %min3A_3922, %max3A_3916 : vector<16xf32>
        %max3A_3928 = arith.constant 0.000000e+00 : f32
        %max3A_3929 = vector.broadcast %max3A_3928 : f32 to vector<16xf32>
        %max3A_3930 = arith.maximumf %sub3A_3927, %max3A_3929 : vector<16xf32>
        %mul3A_3931 = arith.mulf %max3A_3926, %max3A_3930 : vector<16xf32>
        %get3A_3932 = arith.constant 240 : index
        %get3A_3933 = tpu.vector_load %arg9[%get3A_3932] {strides = array<i32>} : memref<320xf32, #tpu.memory_space<vmem>>, vector<16xf32>,
        %add3A_3934 = arith.addf %get3A_3933, %gather3A_3264 : vector<16xf32>
        %sub3A_3935 = arith.subf %add3A_3934, %mul3A_3931 : vector<16xf32>
        %div3A_3936 = arith.divf %mul3A_3931, %sub3A_3935 : vector<16xf32>
        %gt3A_3937 = arith.cmpf ogt, %div3A_3936, %get3A_272 : vector<16xf32>
        %and3A_3938 = arith.andi %gt3A_3937, %lt3A_3244 : vector<16xi1>
        %jit3A_3939 = arith.constant 1.000000e+00 : f32
        %jit3A_3940 = arith.constant 0.000000e+00 : f32
        %broadcast_in_dim3A_3941 = vector.broadcast %jit3A_3939 : f32 to vector<16xf32>
        %broadcast_in_dim3A_3942 = vector.broadcast %jit3A_3940 : f32 to vector<16xf32>
        %select_n3A_3943 = arith.select %and3A_3938, %broadcast_in_dim3A_3941, %broadcast_in_dim3A_3942 : vector<16xi1>, vector<16xf32>
        %swap3A_3944 = arith.constant 240 : index
        %swap3A_3945 = tpu.vector_load %arg12[%swap3A_3944] {strides = array<i32>} : memref<320xf32, #tpu.memory_space<vmem>>, vector<16xf32>,
        tpu.vector_store %arg12[%swap3A_3944], %select_n3A_3943 {add = true, strides = array<i32>} : memref<320xf32, #tpu.memory_space<vmem>>, vector<16xf32>,
        %gt3A_3946 = arith.cmpf ogt, %div3A_3936, %max3A_3904 : vector<16xf32>
        %max3A_3947 = arith.maximumf %max3A_3904, %div3A_3936 : vector<16xf32>
        %add3A_3948 = arith.constant 2.400000e+02 : f32
        %add3A_3949 = vector.broadcast %add3A_3948 : f32 to vector<16xf32>
        %add3A_3950 = arith.addf %convert_element_type3A_1, %add3A_3949 : vector<16xf32>
        %add3A_3951 = vector.broadcast %convert_element_type3A : f32 to vector<16xf32>
        %add3A_3952 = arith.addf %add3A_3950, %add3A_3951 : vector<16xf32>
        %select_n3A_3953 = arith.select %gt3A_3946, %add3A_3952, %select_n3A_3910 : vector<16xi1>, vector<16xf32>
        %get3A_3954 = arith.constant 256 : index
        %get3A_3955 = tpu.vector_load %arg8[%get3A_3954] {strides = array<i32>} : memref<1280xf32, #tpu.memory_space<vmem>>, vector<16xf32>,
        %max3A_3956 = arith.maximumf %get3A_3955, %gather3A_3248 : vector<16xf32>
        %get3A_3957 = arith.constant 576 : index
        %get3A_3958 = tpu.vector_load %arg8[%get3A_3957] {strides = array<i32>} : memref<1280xf32, #tpu.memory_space<vmem>>, vector<16xf32>,
        %max3A_3959 = arith.maximumf %get3A_3958, %gather3A_3252 : vector<16xf32>
        %get3A_3960 = arith.constant 896 : index
        %get3A_3961 = tpu.vector_load %arg8[%get3A_3960] {strides = array<i32>} : memref<1280xf32, #tpu.memory_space<vmem>>, vector<16xf32>,
        %min3A_3962 = arith.minimumf %get3A_3961, %gather3A_3256 : vector<16xf32>
        %get3A_3963 = arith.constant 1216 : index
        %get3A_3964 = tpu.vector_load %arg8[%get3A_3963] {strides = array<i32>} : memref<1280xf32, #tpu.memory_space<vmem>>, vector<16xf32>,
        %min3A_3965 = arith.minimumf %get3A_3964, %gather3A_3260 : vector<16xf32>
        %sub3A_3966 = arith.subf %min3A_3962, %max3A_3956 : vector<16xf32>
        %max3A_3967 = arith.constant 0.000000e+00 : f32
        %max3A_3968 = vector.broadcast %max3A_3967 : f32 to vector<16xf32>
        %max3A_3969 = arith.maximumf %sub3A_3966, %max3A_3968 : vector<16xf32>
        %sub3A_3970 = arith.subf %min3A_3965, %max3A_3959 : vector<16xf32>
        %max3A_3971 = arith.constant 0.000000e+00 : f32
        %max3A_3972 = vector.broadcast %max3A_3971 : f32 to vector<16xf32>
        %max3A_3973 = arith.maximumf %sub3A_3970, %max3A_3972 : vector<16xf32>
        %mul3A_3974 = arith.mulf %max3A_3969, %max3A_3973 : vector<16xf32>
        %get3A_3975 = arith.constant 256 : index
        %get3A_3976 = tpu.vector_load %arg9[%get3A_3975] {strides = array<i32>} : memref<320xf32, #tpu.memory_space<vmem>>, vector<16xf32>,
        %add3A_3977 = arith.addf %get3A_3976, %gather3A_3264 : vector<16xf32>
        %sub3A_3978 = arith.subf %add3A_3977, %mul3A_3974 : vector<16xf32>
        %div3A_3979 = arith.divf %mul3A_3974, %sub3A_3978 : vector<16xf32>
        %gt3A_3980 = arith.cmpf ogt, %div3A_3979, %get3A_272 : vector<16xf32>
        %and3A_3981 = arith.andi %gt3A_3980, %lt3A_3244 : vector<16xi1>
        %jit3A_3982 = arith.constant 1.000000e+00 : f32
        %jit3A_3983 = arith.constant 0.000000e+00 : f32
        %broadcast_in_dim3A_3984 = vector.broadcast %jit3A_3982 : f32 to vector<16xf32>
        %broadcast_in_dim3A_3985 = vector.broadcast %jit3A_3983 : f32 to vector<16xf32>
        %select_n3A_3986 = arith.select %and3A_3981, %broadcast_in_dim3A_3984, %broadcast_in_dim3A_3985 : vector<16xi1>, vector<16xf32>
        %swap3A_3987 = arith.constant 256 : index
        %swap3A_3988 = tpu.vector_load %arg12[%swap3A_3987] {strides = array<i32>} : memref<320xf32, #tpu.memory_space<vmem>>, vector<16xf32>,
        tpu.vector_store %arg12[%swap3A_3987], %select_n3A_3986 {add = true, strides = array<i32>} : memref<320xf32, #tpu.memory_space<vmem>>, vector<16xf32>,
        %gt3A_3989 = arith.cmpf ogt, %div3A_3979, %max3A_3947 : vector<16xf32>
        %max3A_3990 = arith.maximumf %max3A_3947, %div3A_3979 : vector<16xf32>
        %add3A_3991 = arith.constant 2.560000e+02 : f32
        %add3A_3992 = vector.broadcast %add3A_3991 : f32 to vector<16xf32>
        %add3A_3993 = arith.addf %convert_element_type3A_1, %add3A_3992 : vector<16xf32>
        %add3A_3994 = vector.broadcast %convert_element_type3A : f32 to vector<16xf32>
        %add3A_3995 = arith.addf %add3A_3993, %add3A_3994 : vector<16xf32>
        %select_n3A_3996 = arith.select %gt3A_3989, %add3A_3995, %select_n3A_3953 : vector<16xi1>, vector<16xf32>
        %get3A_3997 = arith.constant 272 : index
        %get3A_3998 = tpu.vector_load %arg8[%get3A_3997] {strides = array<i32>} : memref<1280xf32, #tpu.memory_space<vmem>>, vector<16xf32>,
        %max3A_3999 = arith.maximumf %get3A_3998, %gather3A_3248 : vector<16xf32>
        %get3A_4000 = arith.constant 592 : index
        %get3A_4001 = tpu.vector_load %arg8[%get3A_4000] {strides = array<i32>} : memref<1280xf32, #tpu.memory_space<vmem>>, vector<16xf32>,
        %max3A_4002 = arith.maximumf %get3A_4001, %gather3A_3252 : vector<16xf32>
        %get3A_4003 = arith.constant 912 : index
        %get3A_4004 = tpu.vector_load %arg8[%get3A_4003] {strides = array<i32>} : memref<1280xf32, #tpu.memory_space<vmem>>, vector<16xf32>,
        %min3A_4005 = arith.minimumf %get3A_4004, %gather3A_3256 : vector<16xf32>
        %get3A_4006 = arith.constant 1232 : index
        %get3A_4007 = tpu.vector_load %arg8[%get3A_4006] {strides = array<i32>} : memref<1280xf32, #tpu.memory_space<vmem>>, vector<16xf32>,
        %min3A_4008 = arith.minimumf %get3A_4007, %gather3A_3260 : vector<16xf32>
        %sub3A_4009 = arith.subf %min3A_4005, %max3A_3999 : vector<16xf32>
        %max3A_4010 = arith.constant 0.000000e+00 : f32
        %max3A_4011 = vector.broadcast %max3A_4010 : f32 to vector<16xf32>
        %max3A_4012 = arith.maximumf %sub3A_4009, %max3A_4011 : vector<16xf32>
        %sub3A_4013 = arith.subf %min3A_4008, %max3A_4002 : vector<16xf32>
        %max3A_4014 = arith.constant 0.000000e+00 : f32
        %max3A_4015 = vector.broadcast %max3A_4014 : f32 to vector<16xf32>
        %max3A_4016 = arith.maximumf %sub3A_4013, %max3A_4015 : vector<16xf32>
        %mul3A_4017 = arith.mulf %max3A_4012, %max3A_4016 : vector<16xf32>
        %get3A_4018 = arith.constant 272 : index
        %get3A_4019 = tpu.vector_load %arg9[%get3A_4018] {strides = array<i32>} : memref<320xf32, #tpu.memory_space<vmem>>, vector<16xf32>,
        %add3A_4020 = arith.addf %get3A_4019, %gather3A_3264 : vector<16xf32>
        %sub3A_4021 = arith.subf %add3A_4020, %mul3A_4017 : vector<16xf32>
        %div3A_4022 = arith.divf %mul3A_4017, %sub3A_4021 : vector<16xf32>
        %gt3A_4023 = arith.cmpf ogt, %div3A_4022, %get3A_272 : vector<16xf32>
        %and3A_4024 = arith.andi %gt3A_4023, %lt3A_3244 : vector<16xi1>
        %jit3A_4025 = arith.constant 1.000000e+00 : f32
        %jit3A_4026 = arith.constant 0.000000e+00 : f32
        %broadcast_in_dim3A_4027 = vector.broadcast %jit3A_4025 : f32 to vector<16xf32>
        %broadcast_in_dim3A_4028 = vector.broadcast %jit3A_4026 : f32 to vector<16xf32>
        %select_n3A_4029 = arith.select %and3A_4024, %broadcast_in_dim3A_4027, %broadcast_in_dim3A_4028 : vector<16xi1>, vector<16xf32>
        %swap3A_4030 = arith.constant 272 : index
        %swap3A_4031 = tpu.vector_load %arg12[%swap3A_4030] {strides = array<i32>} : memref<320xf32, #tpu.memory_space<vmem>>, vector<16xf32>,
        tpu.vector_store %arg12[%swap3A_4030], %select_n3A_4029 {add = true, strides = array<i32>} : memref<320xf32, #tpu.memory_space<vmem>>, vector<16xf32>,
        %gt3A_4032 = arith.cmpf ogt, %div3A_4022, %max3A_3990 : vector<16xf32>
        %max3A_4033 = arith.maximumf %max3A_3990, %div3A_4022 : vector<16xf32>
        %add3A_4034 = arith.constant 2.720000e+02 : f32
        %add3A_4035 = vector.broadcast %add3A_4034 : f32 to vector<16xf32>
        %add3A_4036 = arith.addf %convert_element_type3A_1, %add3A_4035 : vector<16xf32>
        %add3A_4037 = vector.broadcast %convert_element_type3A : f32 to vector<16xf32>
        %add3A_4038 = arith.addf %add3A_4036, %add3A_4037 : vector<16xf32>
        %select_n3A_4039 = arith.select %gt3A_4032, %add3A_4038, %select_n3A_3996 : vector<16xi1>, vector<16xf32>
        %get3A_4040 = arith.constant 288 : index
        %get3A_4041 = tpu.vector_load %arg8[%get3A_4040] {strides = array<i32>} : memref<1280xf32, #tpu.memory_space<vmem>>, vector<16xf32>,
        %max3A_4042 = arith.maximumf %get3A_4041, %gather3A_3248 : vector<16xf32>
        %get3A_4043 = arith.constant 608 : index
        %get3A_4044 = tpu.vector_load %arg8[%get3A_4043] {strides = array<i32>} : memref<1280xf32, #tpu.memory_space<vmem>>, vector<16xf32>,
        %max3A_4045 = arith.maximumf %get3A_4044, %gather3A_3252 : vector<16xf32>
        %get3A_4046 = arith.constant 928 : index
        %get3A_4047 = tpu.vector_load %arg8[%get3A_4046] {strides = array<i32>} : memref<1280xf32, #tpu.memory_space<vmem>>, vector<16xf32>,
        %min3A_4048 = arith.minimumf %get3A_4047, %gather3A_3256 : vector<16xf32>
        %get3A_4049 = arith.constant 1248 : index
        %get3A_4050 = tpu.vector_load %arg8[%get3A_4049] {strides = array<i32>} : memref<1280xf32, #tpu.memory_space<vmem>>, vector<16xf32>,
        %min3A_4051 = arith.minimumf %get3A_4050, %gather3A_3260 : vector<16xf32>
        %sub3A_4052 = arith.subf %min3A_4048, %max3A_4042 : vector<16xf32>
        %max3A_4053 = arith.constant 0.000000e+00 : f32
        %max3A_4054 = vector.broadcast %max3A_4053 : f32 to vector<16xf32>
        %max3A_4055 = arith.maximumf %sub3A_4052, %max3A_4054 : vector<16xf32>
        %sub3A_4056 = arith.subf %min3A_4051, %max3A_4045 : vector<16xf32>
        %max3A_4057 = arith.constant 0.000000e+00 : f32
        %max3A_4058 = vector.broadcast %max3A_4057 : f32 to vector<16xf32>
        %max3A_4059 = arith.maximumf %sub3A_4056, %max3A_4058 : vector<16xf32>
        %mul3A_4060 = arith.mulf %max3A_4055, %max3A_4059 : vector<16xf32>
        %get3A_4061 = arith.constant 288 : index
        %get3A_4062 = tpu.vector_load %arg9[%get3A_4061] {strides = array<i32>} : memref<320xf32, #tpu.memory_space<vmem>>, vector<16xf32>,
        %add3A_4063 = arith.addf %get3A_4062, %gather3A_3264 : vector<16xf32>
        %sub3A_4064 = arith.subf %add3A_4063, %mul3A_4060 : vector<16xf32>
        %div3A_4065 = arith.divf %mul3A_4060, %sub3A_4064 : vector<16xf32>
        %gt3A_4066 = arith.cmpf ogt, %div3A_4065, %get3A_272 : vector<16xf32>
        %and3A_4067 = arith.andi %gt3A_4066, %lt3A_3244 : vector<16xi1>
        %jit3A_4068 = arith.constant 1.000000e+00 : f32
        %jit3A_4069 = arith.constant 0.000000e+00 : f32
        %broadcast_in_dim3A_4070 = vector.broadcast %jit3A_4068 : f32 to vector<16xf32>
        %broadcast_in_dim3A_4071 = vector.broadcast %jit3A_4069 : f32 to vector<16xf32>
        %select_n3A_4072 = arith.select %and3A_4067, %broadcast_in_dim3A_4070, %broadcast_in_dim3A_4071 : vector<16xi1>, vector<16xf32>
        %swap3A_4073 = arith.constant 288 : index
        %swap3A_4074 = tpu.vector_load %arg12[%swap3A_4073] {strides = array<i32>} : memref<320xf32, #tpu.memory_space<vmem>>, vector<16xf32>,
        tpu.vector_store %arg12[%swap3A_4073], %select_n3A_4072 {add = true, strides = array<i32>} : memref<320xf32, #tpu.memory_space<vmem>>, vector<16xf32>,
        %gt3A_4075 = arith.cmpf ogt, %div3A_4065, %max3A_4033 : vector<16xf32>
        %max3A_4076 = arith.maximumf %max3A_4033, %div3A_4065 : vector<16xf32>
        %add3A_4077 = arith.constant 2.880000e+02 : f32
        %add3A_4078 = vector.broadcast %add3A_4077 : f32 to vector<16xf32>
        %add3A_4079 = arith.addf %convert_element_type3A_1, %add3A_4078 : vector<16xf32>
        %add3A_4080 = vector.broadcast %convert_element_type3A : f32 to vector<16xf32>
        %add3A_4081 = arith.addf %add3A_4079, %add3A_4080 : vector<16xf32>
        %select_n3A_4082 = arith.select %gt3A_4075, %add3A_4081, %select_n3A_4039 : vector<16xi1>, vector<16xf32>
        %get3A_4083 = arith.constant 304 : index
        %get3A_4084 = tpu.vector_load %arg8[%get3A_4083] {strides = array<i32>} : memref<1280xf32, #tpu.memory_space<vmem>>, vector<16xf32>,
        %max3A_4085 = arith.maximumf %get3A_4084, %gather3A_3248 : vector<16xf32>
        %get3A_4086 = arith.constant 624 : index
        %get3A_4087 = tpu.vector_load %arg8[%get3A_4086] {strides = array<i32>} : memref<1280xf32, #tpu.memory_space<vmem>>, vector<16xf32>,
        %max3A_4088 = arith.maximumf %get3A_4087, %gather3A_3252 : vector<16xf32>
        %get3A_4089 = arith.constant 944 : index
        %get3A_4090 = tpu.vector_load %arg8[%get3A_4089] {strides = array<i32>} : memref<1280xf32, #tpu.memory_space<vmem>>, vector<16xf32>,
        %min3A_4091 = arith.minimumf %get3A_4090, %gather3A_3256 : vector<16xf32>
        %get3A_4092 = arith.constant 1264 : index
        %get3A_4093 = tpu.vector_load %arg8[%get3A_4092] {strides = array<i32>} : memref<1280xf32, #tpu.memory_space<vmem>>, vector<16xf32>,
        %min3A_4094 = arith.minimumf %get3A_4093, %gather3A_3260 : vector<16xf32>
        %sub3A_4095 = arith.subf %min3A_4091, %max3A_4085 : vector<16xf32>
        %max3A_4096 = arith.constant 0.000000e+00 : f32
        %max3A_4097 = vector.broadcast %max3A_4096 : f32 to vector<16xf32>
        %max3A_4098 = arith.maximumf %sub3A_4095, %max3A_4097 : vector<16xf32>
        %sub3A_4099 = arith.subf %min3A_4094, %max3A_4088 : vector<16xf32>
        %max3A_4100 = arith.constant 0.000000e+00 : f32
        %max3A_4101 = vector.broadcast %max3A_4100 : f32 to vector<16xf32>
        %max3A_4102 = arith.maximumf %sub3A_4099, %max3A_4101 : vector<16xf32>
        %mul3A_4103 = arith.mulf %max3A_4098, %max3A_4102 : vector<16xf32>
        %get3A_4104 = arith.constant 304 : index
        %get3A_4105 = tpu.vector_load %arg9[%get3A_4104] {strides = array<i32>} : memref<320xf32, #tpu.memory_space<vmem>>, vector<16xf32>,
        %add3A_4106 = arith.addf %get3A_4105, %gather3A_3264 : vector<16xf32>
        %sub3A_4107 = arith.subf %add3A_4106, %mul3A_4103 : vector<16xf32>
        %div3A_4108 = arith.divf %mul3A_4103, %sub3A_4107 : vector<16xf32>
        %gt3A_4109 = arith.cmpf ogt, %div3A_4108, %get3A_272 : vector<16xf32>
        %and3A_4110 = arith.andi %gt3A_4109, %lt3A_3244 : vector<16xi1>
        %jit3A_4111 = arith.constant 1.000000e+00 : f32
        %jit3A_4112 = arith.constant 0.000000e+00 : f32
        %broadcast_in_dim3A_4113 = vector.broadcast %jit3A_4111 : f32 to vector<16xf32>
        %broadcast_in_dim3A_4114 = vector.broadcast %jit3A_4112 : f32 to vector<16xf32>
        %select_n3A_4115 = arith.select %and3A_4110, %broadcast_in_dim3A_4113, %broadcast_in_dim3A_4114 : vector<16xi1>, vector<16xf32>
        %swap3A_4116 = arith.constant 304 : index
        %swap3A_4117 = tpu.vector_load %arg12[%swap3A_4116] {strides = array<i32>} : memref<320xf32, #tpu.memory_space<vmem>>, vector<16xf32>,
        tpu.vector_store %arg12[%swap3A_4116], %select_n3A_4115 {add = true, strides = array<i32>} : memref<320xf32, #tpu.memory_space<vmem>>, vector<16xf32>,
        %gt3A_4118 = arith.cmpf ogt, %div3A_4108, %max3A_4076 : vector<16xf32>
        %max3A_4119 = arith.maximumf %max3A_4076, %div3A_4108 : vector<16xf32>
        %add3A_4120 = arith.constant 3.040000e+02 : f32
        %add3A_4121 = vector.broadcast %add3A_4120 : f32 to vector<16xf32>
        %add3A_4122 = arith.addf %convert_element_type3A_1, %add3A_4121 : vector<16xf32>
        %add3A_4123 = vector.broadcast %convert_element_type3A : f32 to vector<16xf32>
        %add3A_4124 = arith.addf %add3A_4122, %add3A_4123 : vector<16xf32>
        %select_n3A_4125 = arith.select %gt3A_4118, %add3A_4124, %select_n3A_4082 : vector<16xi1>, vector<16xf32>
        %reduce_max3A = arith.constant true
        %reduce_max3A_4126 = vector.broadcast %reduce_max3A : i1 to vector<16xi1>
        %reduce_max3A_4127 = tpu.scan <max>, %max3A_4119 masked %reduce_max3A_4126 : vector<16xf32>, vector<16xi1> -> vector<16xf32>
        %reduce_max3A_4128 = vector.extract %reduce_max3A_4127[15] : f32 from vector<16xf32>
        %eq3A_4129 = vector.broadcast %reduce_max3A_4128 : f32 to vector<16xf32>
        %eq3A_4130 = arith.cmpf oeq, %max3A_4119, %eq3A_4129 : vector<16xf32>
        %jit3A_4131 = arith.constant 4.000000e+09 : f32
        %broadcast_in_dim3A_4132 = vector.broadcast %jit3A_4131 : f32 to vector<16xf32>
        %select_n3A_4133 = arith.select %eq3A_4130, %select_n3A_4125, %broadcast_in_dim3A_4132 : vector<16xi1>, vector<16xf32>
        %reduce_min3A = arith.constant true
        %reduce_min3A_4134 = vector.broadcast %reduce_min3A : i1 to vector<16xi1>
        %reduce_min3A_4135 = tpu.scan <min>, %select_n3A_4133 masked %reduce_min3A_4134 : vector<16xf32>, vector<16xi1> -> vector<16xf32>
        %reduce_min3A_4136 = vector.extract %reduce_min3A_4135[15] : f32 from vector<16xf32>
        %broadcast_in_dim3A_4137 = vector.broadcast %reduce_max3A_4128 : f32 to vector<16xf32>
        tpu.vector_store_idx %arg14[%broadcast_in_dim3A_3243], %broadcast_in_dim3A_4137 masked %eq3A_3 : memref<128xf32, #tpu.memory_space<vmem>>[vector<16xi32>], vector<16xf32>, vector<16xi1>
        %add3A_4138 = arith.constant 64 : i32
        %add3A_4139 = vector.broadcast %add3A_4138 : i32 to vector<16xi32>
        %add3A_4140 = arith.addi %broadcast_in_dim3A_3243, %add3A_4139 : vector<16xi32>
        %broadcast_in_dim3A_4141 = vector.broadcast %reduce_min3A_4136 : f32 to vector<16xf32>
        tpu.vector_store_idx %arg14[%add3A_4140], %broadcast_in_dim3A_4141 masked %eq3A_3 : memref<128xf32, #tpu.memory_space<vmem>>[vector<16xi32>], vector<16xf32>, vector<16xi1>
      }
      %scan3A_518 = arith.constant 50 : i32
      %mul3A_519 = arith.constant 16 : i32
      %mul3A_520 = arith.muli %arg0, %mul3A_519 : i32
      %add3A_521 = arith.addi %mul3A_520, %arg1 : i32
      %mul3A_522 = arith.constant 2 : i32
      %mul3A_523 = arith.muli %add3A_521, %mul3A_522 : i32
      %mul3A_524 = arith.constant 64 : i32
      %mul3A_525 = arith.muli %mul3A_523, %mul3A_524 : i32
      "tpu.region"() ({
        %run_scoped3A = tpu.sem_alloc : memref<!tpu.dma_semaphore, #tpu.memory_space<semaphore_mem>>
        %dma_start3A = tpu.memref_slice %arg19[%mul3A_525] : memref<4096xf32, #tpu.memory_space<vmem_shared>> -> memref<128xf32, #tpu.memory_space<vmem_shared>>
        %dma_start3A_3242 = tpu.memref_slice %arg19[%mul3A_525] : memref<4096xf32, #tpu.memory_space<vmem_shared>> -> memref<128xf32, #tpu.memory_space<vmem_shared>>
        tpu.enqueue_dma source(%arg14 : memref<128xf32, #tpu.memory_space<vmem>>) target(%dma_start3A_3242 : memref<128xf32, #tpu.memory_space<vmem_shared>>) target_semaphore(%run_scoped3A : memref<!tpu.dma_semaphore, #tpu.memory_space<semaphore_mem>>)
        %dma_wait3A = tpu.memref_slice %arg19[%mul3A_525] : memref<4096xf32, #tpu.memory_space<vmem_shared>> -> memref<128xf32, #tpu.memory_space<vmem_shared>>
        %dma_wait3A_3243 = tpu.memref_slice %arg19[%mul3A_525] : memref<4096xf32, #tpu.memory_space<vmem_shared>> -> memref<128xf32, #tpu.memory_space<vmem_shared>>
        tpu.wait_dma2 semaphore(%run_scoped3A : memref<!tpu.dma_semaphore, #tpu.memory_space<semaphore_mem>>) src(%arg14 : memref<128xf32, #tpu.memory_space<vmem>>) dst(%dma_wait3A_3243 : memref<128xf32, #tpu.memory_space<vmem_shared>>)
        tpu.yield
      }) : () -> ()
      %barrier3A_526 = arith.constant 0 : index
      tpu.barrier barrier_id(%barrier3A_526)
      %mul3A_527 = arith.constant 16 : i32
      %mul3A_528 = arith.muli %arg0, %mul3A_527 : i32
      %mul3A_529 = arith.constant 2 : i32
      %mul3A_530 = arith.muli %mul3A_528, %mul3A_529 : i32
      %mul3A_531 = arith.constant 64 : i32
      %mul3A_532 = arith.muli %mul3A_530, %mul3A_531 : i32
      "tpu.region"() ({
        %run_scoped3A = tpu.sem_alloc : memref<!tpu.dma_semaphore, #tpu.memory_space<semaphore_mem>>
        %dma_start3A = tpu.memref_slice %arg19[%mul3A_532] : memref<4096xf32, #tpu.memory_space<vmem_shared>> -> memref<2048xf32, #tpu.memory_space<vmem_shared>>
        %dma_start3A_3242 = tpu.memref_slice %arg19[%mul3A_532] : memref<4096xf32, #tpu.memory_space<vmem_shared>> -> memref<2048xf32, #tpu.memory_space<vmem_shared>>
        tpu.enqueue_dma source(%dma_start3A_3242 : memref<2048xf32, #tpu.memory_space<vmem_shared>>) target(%arg15 : memref<2048xf32, #tpu.memory_space<vmem>>) target_semaphore(%run_scoped3A : memref<!tpu.dma_semaphore, #tpu.memory_space<semaphore_mem>>)
        %dma_wait3A = tpu.memref_slice %arg19[%mul3A_532] : memref<4096xf32, #tpu.memory_space<vmem_shared>> -> memref<2048xf32, #tpu.memory_space<vmem_shared>>
        %dma_wait3A_3243 = tpu.memref_slice %arg19[%mul3A_532] : memref<4096xf32, #tpu.memory_space<vmem_shared>> -> memref<2048xf32, #tpu.memory_space<vmem_shared>>
        tpu.wait_dma2 semaphore(%run_scoped3A : memref<!tpu.dma_semaphore, #tpu.memory_space<semaphore_mem>>) src(%dma_wait3A_3243 : memref<2048xf32, #tpu.memory_space<vmem_shared>>) dst(%arg15 : memref<2048xf32, #tpu.memory_space<vmem>>)
        tpu.yield
      }) : () -> ()
      %barrier3A_533 = arith.constant 0 : index
      tpu.barrier barrier_id(%barrier3A_533)
      %broadcast_in_dim3A_534 = arith.constant -1.000000e+30 : f32
      %broadcast_in_dim3A_535 = vector.broadcast %broadcast_in_dim3A_534 : f32 to vector<16xf32>
      %get3A_536 = arith.constant 0 : index
      %get3A_537 = tpu.vector_load %arg15[%get3A_536] {strides = array<i32>} : memref<2048xf32, #tpu.memory_space<vmem>>, vector<16xf32>,
      %gt3A = arith.cmpf ogt, %get3A_537, %broadcast_in_dim3A_535 : vector<16xf32>
      %max3A = arith.maximumf %broadcast_in_dim3A_535, %get3A_537 : vector<16xf32>
      %get3A_538 = arith.constant 64 : index
      %get3A_539 = tpu.vector_load %arg15[%get3A_538] {strides = array<i32>} : memref<2048xf32, #tpu.memory_space<vmem>>, vector<16xf32>,
      %select_n3A = arith.select %gt3A, %get3A_539, %broadcast_in_dim3A_6 : vector<16xi1>, vector<16xf32>
      %get3A_540 = arith.constant 128 : index
      %get3A_541 = tpu.vector_load %arg15[%get3A_540] {strides = array<i32>} : memref<2048xf32, #tpu.memory_space<vmem>>, vector<16xf32>,
      %gt3A_542 = arith.cmpf ogt, %get3A_541, %max3A : vector<16xf32>
      %max3A_543 = arith.maximumf %max3A, %get3A_541 : vector<16xf32>
      %get3A_544 = arith.constant 192 : index
      %get3A_545 = tpu.vector_load %arg15[%get3A_544] {strides = array<i32>} : memref<2048xf32, #tpu.memory_space<vmem>>, vector<16xf32>,
      %select_n3A_546 = arith.select %gt3A_542, %get3A_545, %select_n3A : vector<16xi1>, vector<16xf32>
      %get3A_547 = arith.constant 256 : index
      %get3A_548 = tpu.vector_load %arg15[%get3A_547] {strides = array<i32>} : memref<2048xf32, #tpu.memory_space<vmem>>, vector<16xf32>,
      %gt3A_549 = arith.cmpf ogt, %get3A_548, %max3A_543 : vector<16xf32>
      %max3A_550 = arith.maximumf %max3A_543, %get3A_548 : vector<16xf32>
      %get3A_551 = arith.constant 320 : index
      %get3A_552 = tpu.vector_load %arg15[%get3A_551] {strides = array<i32>} : memref<2048xf32, #tpu.memory_space<vmem>>, vector<16xf32>,
      %select_n3A_553 = arith.select %gt3A_549, %get3A_552, %select_n3A_546 : vector<16xi1>, vector<16xf32>
      %get3A_554 = arith.constant 384 : index
      %get3A_555 = tpu.vector_load %arg15[%get3A_554] {strides = array<i32>} : memref<2048xf32, #tpu.memory_space<vmem>>, vector<16xf32>,
      %gt3A_556 = arith.cmpf ogt, %get3A_555, %max3A_550 : vector<16xf32>
      %max3A_557 = arith.maximumf %max3A_550, %get3A_555 : vector<16xf32>
      %get3A_558 = arith.constant 448 : index
      %get3A_559 = tpu.vector_load %arg15[%get3A_558] {strides = array<i32>} : memref<2048xf32, #tpu.memory_space<vmem>>, vector<16xf32>,
      %select_n3A_560 = arith.select %gt3A_556, %get3A_559, %select_n3A_553 : vector<16xi1>, vector<16xf32>
      %get3A_561 = arith.constant 512 : index
      %get3A_562 = tpu.vector_load %arg15[%get3A_561] {strides = array<i32>} : memref<2048xf32, #tpu.memory_space<vmem>>, vector<16xf32>,
      %gt3A_563 = arith.cmpf ogt, %get3A_562, %max3A_557 : vector<16xf32>
      %max3A_564 = arith.maximumf %max3A_557, %get3A_562 : vector<16xf32>
      %get3A_565 = arith.constant 576 : index
      %get3A_566 = tpu.vector_load %arg15[%get3A_565] {strides = array<i32>} : memref<2048xf32, #tpu.memory_space<vmem>>, vector<16xf32>,
      %select_n3A_567 = arith.select %gt3A_563, %get3A_566, %select_n3A_560 : vector<16xi1>, vector<16xf32>
      %get3A_568 = arith.constant 640 : index
      %get3A_569 = tpu.vector_load %arg15[%get3A_568] {strides = array<i32>} : memref<2048xf32, #tpu.memory_space<vmem>>, vector<16xf32>,
      %gt3A_570 = arith.cmpf ogt, %get3A_569, %max3A_564 : vector<16xf32>
      %max3A_571 = arith.maximumf %max3A_564, %get3A_569 : vector<16xf32>
      %get3A_572 = arith.constant 704 : index
      %get3A_573 = tpu.vector_load %arg15[%get3A_572] {strides = array<i32>} : memref<2048xf32, #tpu.memory_space<vmem>>, vector<16xf32>,
      %select_n3A_574 = arith.select %gt3A_570, %get3A_573, %select_n3A_567 : vector<16xi1>, vector<16xf32>
      %get3A_575 = arith.constant 768 : index
      %get3A_576 = tpu.vector_load %arg15[%get3A_575] {strides = array<i32>} : memref<2048xf32, #tpu.memory_space<vmem>>, vector<16xf32>,
      %gt3A_577 = arith.cmpf ogt, %get3A_576, %max3A_571 : vector<16xf32>
      %max3A_578 = arith.maximumf %max3A_571, %get3A_576 : vector<16xf32>
      %get3A_579 = arith.constant 832 : index
      %get3A_580 = tpu.vector_load %arg15[%get3A_579] {strides = array<i32>} : memref<2048xf32, #tpu.memory_space<vmem>>, vector<16xf32>,
      %select_n3A_581 = arith.select %gt3A_577, %get3A_580, %select_n3A_574 : vector<16xi1>, vector<16xf32>
      %get3A_582 = arith.constant 896 : index
      %get3A_583 = tpu.vector_load %arg15[%get3A_582] {strides = array<i32>} : memref<2048xf32, #tpu.memory_space<vmem>>, vector<16xf32>,
      %gt3A_584 = arith.cmpf ogt, %get3A_583, %max3A_578 : vector<16xf32>
      %max3A_585 = arith.maximumf %max3A_578, %get3A_583 : vector<16xf32>
      %get3A_586 = arith.constant 960 : index
      %get3A_587 = tpu.vector_load %arg15[%get3A_586] {strides = array<i32>} : memref<2048xf32, #tpu.memory_space<vmem>>, vector<16xf32>,
      %select_n3A_588 = arith.select %gt3A_584, %get3A_587, %select_n3A_581 : vector<16xi1>, vector<16xf32>
      %get3A_589 = arith.constant 1024 : index
      %get3A_590 = tpu.vector_load %arg15[%get3A_589] {strides = array<i32>} : memref<2048xf32, #tpu.memory_space<vmem>>, vector<16xf32>,
      %gt3A_591 = arith.cmpf ogt, %get3A_590, %max3A_585 : vector<16xf32>
      %max3A_592 = arith.maximumf %max3A_585, %get3A_590 : vector<16xf32>
      %get3A_593 = arith.constant 1088 : index
      %get3A_594 = tpu.vector_load %arg15[%get3A_593] {strides = array<i32>} : memref<2048xf32, #tpu.memory_space<vmem>>, vector<16xf32>,
      %select_n3A_595 = arith.select %gt3A_591, %get3A_594, %select_n3A_588 : vector<16xi1>, vector<16xf32>
      %get3A_596 = arith.constant 1152 : index
      %get3A_597 = tpu.vector_load %arg15[%get3A_596] {strides = array<i32>} : memref<2048xf32, #tpu.memory_space<vmem>>, vector<16xf32>,
      %gt3A_598 = arith.cmpf ogt, %get3A_597, %max3A_592 : vector<16xf32>
      %max3A_599 = arith.maximumf %max3A_592, %get3A_597 : vector<16xf32>
      %get3A_600 = arith.constant 1216 : index
      %get3A_601 = tpu.vector_load %arg15[%get3A_600] {strides = array<i32>} : memref<2048xf32, #tpu.memory_space<vmem>>, vector<16xf32>,
      %select_n3A_602 = arith.select %gt3A_598, %get3A_601, %select_n3A_595 : vector<16xi1>, vector<16xf32>
      %get3A_603 = arith.constant 1280 : index
      %get3A_604 = tpu.vector_load %arg15[%get3A_603] {strides = array<i32>} : memref<2048xf32, #tpu.memory_space<vmem>>, vector<16xf32>,
      %gt3A_605 = arith.cmpf ogt, %get3A_604, %max3A_599 : vector<16xf32>
      %max3A_606 = arith.maximumf %max3A_599, %get3A_604 : vector<16xf32>
      %get3A_607 = arith.constant 1344 : index
      %get3A_608 = tpu.vector_load %arg15[%get3A_607] {strides = array<i32>} : memref<2048xf32, #tpu.memory_space<vmem>>, vector<16xf32>,
      %select_n3A_609 = arith.select %gt3A_605, %get3A_608, %select_n3A_602 : vector<16xi1>, vector<16xf32>
      %get3A_610 = arith.constant 1408 : index
      %get3A_611 = tpu.vector_load %arg15[%get3A_610] {strides = array<i32>} : memref<2048xf32, #tpu.memory_space<vmem>>, vector<16xf32>,
      %gt3A_612 = arith.cmpf ogt, %get3A_611, %max3A_606 : vector<16xf32>
      %max3A_613 = arith.maximumf %max3A_606, %get3A_611 : vector<16xf32>
      %get3A_614 = arith.constant 1472 : index
      %get3A_615 = tpu.vector_load %arg15[%get3A_614] {strides = array<i32>} : memref<2048xf32, #tpu.memory_space<vmem>>, vector<16xf32>,
      %select_n3A_616 = arith.select %gt3A_612, %get3A_615, %select_n3A_609 : vector<16xi1>, vector<16xf32>
      %get3A_617 = arith.constant 1536 : index
      %get3A_618 = tpu.vector_load %arg15[%get3A_617] {strides = array<i32>} : memref<2048xf32, #tpu.memory_space<vmem>>, vector<16xf32>,
      %gt3A_619 = arith.cmpf ogt, %get3A_618, %max3A_613 : vector<16xf32>
      %max3A_620 = arith.maximumf %max3A_613, %get3A_618 : vector<16xf32>
      %get3A_621 = arith.constant 1600 : index
      %get3A_622 = tpu.vector_load %arg15[%get3A_621] {strides = array<i32>} : memref<2048xf32, #tpu.memory_space<vmem>>, vector<16xf32>,
      %select_n3A_623 = arith.select %gt3A_619, %get3A_622, %select_n3A_616 : vector<16xi1>, vector<16xf32>
      %get3A_624 = arith.constant 1664 : index
      %get3A_625 = tpu.vector_load %arg15[%get3A_624] {strides = array<i32>} : memref<2048xf32, #tpu.memory_space<vmem>>, vector<16xf32>,
      %gt3A_626 = arith.cmpf ogt, %get3A_625, %max3A_620 : vector<16xf32>
      %max3A_627 = arith.maximumf %max3A_620, %get3A_625 : vector<16xf32>
      %get3A_628 = arith.constant 1728 : index
      %get3A_629 = tpu.vector_load %arg15[%get3A_628] {strides = array<i32>} : memref<2048xf32, #tpu.memory_space<vmem>>, vector<16xf32>,
      %select_n3A_630 = arith.select %gt3A_626, %get3A_629, %select_n3A_623 : vector<16xi1>, vector<16xf32>
      %get3A_631 = arith.constant 1792 : index
      %get3A_632 = tpu.vector_load %arg15[%get3A_631] {strides = array<i32>} : memref<2048xf32, #tpu.memory_space<vmem>>, vector<16xf32>,
      %gt3A_633 = arith.cmpf ogt, %get3A_632, %max3A_627 : vector<16xf32>
      %max3A_634 = arith.maximumf %max3A_627, %get3A_632 : vector<16xf32>
      %get3A_635 = arith.constant 1856 : index
      %get3A_636 = tpu.vector_load %arg15[%get3A_635] {strides = array<i32>} : memref<2048xf32, #tpu.memory_space<vmem>>, vector<16xf32>,
      %select_n3A_637 = arith.select %gt3A_633, %get3A_636, %select_n3A_630 : vector<16xi1>, vector<16xf32>
      %get3A_638 = arith.constant 1920 : index
      %get3A_639 = tpu.vector_load %arg15[%get3A_638] {strides = array<i32>} : memref<2048xf32, #tpu.memory_space<vmem>>, vector<16xf32>,
      %gt3A_640 = arith.cmpf ogt, %get3A_639, %max3A_634 : vector<16xf32>
      %max3A_641 = arith.maximumf %max3A_634, %get3A_639 : vector<16xf32>
      %get3A_642 = arith.constant 1984 : index
      %get3A_643 = tpu.vector_load %arg15[%get3A_642] {strides = array<i32>} : memref<2048xf32, #tpu.memory_space<vmem>>, vector<16xf32>,
      %select_n3A_644 = arith.select %gt3A_640, %get3A_643, %select_n3A_637 : vector<16xi1>, vector<16xf32>
      %add3A_645 = arith.constant 0 : i32
      %add3A_646 = vector.broadcast %add3A_645 : i32 to vector<16xi32>
      %add3A_647 = arith.addi %iota3A, %add3A_646 : vector<16xi32>
      %lt3A = arith.cmpi slt, %add3A_647, %bitcast3A : vector<16xi32>
      %le3A = arith.cmpf ole, %max3A_641, %get3A_272 : vector<16xf32>
      %and3A = arith.andi %lt3A, %le3A : vector<16xi1>
      %ge3A = vector.broadcast %convert_element_type3A : f32 to vector<16xf32>
      %ge3A_648 = arith.cmpf oge, %select_n3A_644, %ge3A : vector<16xf32>
      %and3A_649 = arith.andi %and3A, %ge3A_648 : vector<16xi1>
      %add3A_650 = arith.constant 3.200000e+02 : f32
      %add3A_651 = arith.addf %convert_element_type3A, %add3A_650 : f32
      %lt3A_652 = vector.broadcast %add3A_651 : f32 to vector<16xf32>
      %lt3A_653 = arith.cmpf olt, %select_n3A_644, %lt3A_652 : vector<16xf32>
      %and3A_654 = arith.andi %and3A_649, %lt3A_653 : vector<16xi1>
      %sub3A_655 = vector.broadcast %convert_element_type3A : f32 to vector<16xf32>
      %sub3A_656 = arith.subf %select_n3A_644, %sub3A_655 : vector<16xf32>
      %convert_element_type3A_657 = arith.fptosi %sub3A_656 : vector<16xf32> to vector<16xi32>
      tpu.vector_store_idx %arg13[%convert_element_type3A_657], %broadcast_in_dim3A_4 masked %and3A_654 : memref<320xf32, #tpu.memory_space<vmem>>[vector<16xi32>], vector<16xf32>, vector<16xi1>
      %add3A_658 = arith.constant 320 : i32
      %add3A_659 = vector.broadcast %add3A_658 : i32 to vector<16xi32>
      %add3A_660 = arith.addi %convert_element_type3A_657, %add3A_659 : vector<16xi32>
      %gather3A_661 = tpu.vector_load_idx %arg10[%add3A_660] masked %and3A_654 : memref<640xf32, #tpu.memory_space<vmem>>[vector<16xi32>], vector<16xf32>, vector<16xi1>
      %sub3A_662 = arith.constant 1.000000e+00 : f32
      %sub3A_663 = vector.broadcast %sub3A_662 : f32 to vector<16xf32>
      %sub3A_664 = arith.subf %sub3A_663, %gather3A_661 : vector<16xf32>
      %mul3A_665 = arith.mulf %sub3A_664, %sub3A_664 : vector<16xf32>
      %neg3A = arith.constant 0.000000e+00 : f32
      %neg3A_666 = vector.broadcast %neg3A : f32 to vector<16xf32>
      %neg3A_667 = arith.subf %neg3A_666, %mul3A_665 : vector<16xf32>
      %bitcast3A_668 = vector.bitcast %gather3A_661 : vector<16xf32> to vector<16xi32>
      %shift_right_logical3A = arith.constant 23 : i32
      %shift_right_logical3A_669 = vector.broadcast %shift_right_logical3A : i32 to vector<16xi32>
      %shift_right_logical3A_670 = arith.shrui %bitcast3A_668, %shift_right_logical3A_669 : vector<16xi32>
      %and3A_671 = arith.constant 255 : i32
      %and3A_672 = vector.broadcast %and3A_671 : i32 to vector<16xi32>
      %and3A_673 = arith.andi %shift_right_logical3A_670, %and3A_672 : vector<16xi32>
      %sub3A_674 = arith.constant 127 : i32
      %sub3A_675 = vector.broadcast %sub3A_674 : i32 to vector<16xi32>
      %sub3A_676 = arith.subi %and3A_673, %sub3A_675 : vector<16xi32>
      %and3A_677 = arith.constant 8388607 : i32
      %and3A_678 = vector.broadcast %and3A_677 : i32 to vector<16xi32>
      %and3A_679 = arith.andi %bitcast3A_668, %and3A_678 : vector<16xi32>
      %or3A = arith.constant 1065353216 : i32
      %or3A_680 = vector.broadcast %or3A : i32 to vector<16xi32>
      %or3A_681 = arith.ori %and3A_679, %or3A_680 : vector<16xi32>
      %bitcast3A_682 = vector.bitcast %or3A_681 : vector<16xi32> to vector<16xf32>
      %gt3A_683 = arith.constant 1.41421354 : f32
      %gt3A_684 = vector.broadcast %gt3A_683 : f32 to vector<16xf32>
      %gt3A_685 = arith.cmpf ogt, %bitcast3A_682, %gt3A_684 : vector<16xf32>
      %mul3A_686 = arith.constant 5.000000e-01 : f32
      %mul3A_687 = vector.broadcast %mul3A_686 : f32 to vector<16xf32>
      %mul3A_688 = arith.mulf %bitcast3A_682, %mul3A_687 : vector<16xf32>
      %select_n3A_689 = arith.select %gt3A_685, %mul3A_688, %bitcast3A_682 : vector<16xi1>, vector<16xf32>
      %convert_element_type3A_690 = arith.sitofp %sub3A_676 : vector<16xi32> to vector<16xf32>
      %jit3A = arith.constant 1.000000e+00 : f32
      %jit3A_691 = arith.constant 0.000000e+00 : f32
      %broadcast_in_dim3A_692 = vector.broadcast %jit3A : f32 to vector<16xf32>
      %broadcast_in_dim3A_693 = vector.broadcast %jit3A_691 : f32 to vector<16xf32>
      %select_n3A_694 = arith.select %gt3A_685, %broadcast_in_dim3A_692, %broadcast_in_dim3A_693 : vector<16xi1>, vector<16xf32>
      %add3A_695 = arith.addf %convert_element_type3A_690, %select_n3A_694 : vector<16xf32>
      %sub3A_696 = arith.constant 1.000000e+00 : f32
      %sub3A_697 = vector.broadcast %sub3A_696 : f32 to vector<16xf32>
      %sub3A_698 = arith.subf %select_n3A_689, %sub3A_697 : vector<16xf32>
      %add3A_699 = arith.constant 1.000000e+00 : f32
      %add3A_700 = vector.broadcast %add3A_699 : f32 to vector<16xf32>
      %add3A_701 = arith.addf %select_n3A_689, %add3A_700 : vector<16xf32>
      %div3A = arith.divf %sub3A_698, %add3A_701 : vector<16xf32>
      %mul3A_702 = arith.mulf %div3A, %div3A : vector<16xf32>
      %mul3A_703 = arith.constant 0.222222224 : f32
      %mul3A_704 = vector.broadcast %mul3A_703 : f32 to vector<16xf32>
      %mul3A_705 = arith.mulf %mul3A_702, %mul3A_704 : vector<16xf32>
      %add3A_706 = arith.constant 0.285714298 : f32
      %add3A_707 = vector.broadcast %add3A_706 : f32 to vector<16xf32>
      %add3A_708 = arith.addf %add3A_707, %mul3A_705 : vector<16xf32>
      %mul3A_709 = arith.mulf %mul3A_702, %add3A_708 : vector<16xf32>
      %add3A_710 = arith.constant 0.400000095 : f32
      %add3A_711 = vector.broadcast %add3A_710 : f32 to vector<16xf32>
      %add3A_712 = arith.addf %add3A_711, %mul3A_709 : vector<16xf32>
      %mul3A_713 = arith.mulf %mul3A_702, %add3A_712 : vector<16xf32>
      %add3A_714 = arith.constant 0.666666627 : f32
      %add3A_715 = vector.broadcast %add3A_714 : f32 to vector<16xf32>
      %add3A_716 = arith.addf %add3A_715, %mul3A_713 : vector<16xf32>
      %mul3A_717 = arith.mulf %mul3A_702, %add3A_716 : vector<16xf32>
      %add3A_718 = arith.constant 2.000000e+00 : f32
      %add3A_719 = vector.broadcast %add3A_718 : f32 to vector<16xf32>
      %add3A_720 = arith.addf %add3A_719, %mul3A_717 : vector<16xf32>
      %mul3A_721 = arith.mulf %div3A, %add3A_720 : vector<16xf32>
      %mul3A_722 = arith.constant 0.693147182 : f32
      %mul3A_723 = vector.broadcast %mul3A_722 : f32 to vector<16xf32>
      %mul3A_724 = arith.mulf %add3A_695, %mul3A_723 : vector<16xf32>
      %add3A_725 = arith.addf %mul3A_721, %mul3A_724 : vector<16xf32>
      %mul3A_726 = arith.mulf %neg3A_667, %add3A_725 : vector<16xf32>
      %mul3A_727 = arith.constant 1.000000e+01 : f32
      %mul3A_728 = vector.broadcast %mul3A_727 : f32 to vector<16xf32>
      %mul3A_729 = arith.mulf %mul3A_728, %mul3A_726 : vector<16xf32>
      %select_n3A_730 = arith.select %and3A_654, %mul3A_729, %broadcast_in_dim3A_6 : vector<16xi1>, vector<16xf32>
      %add3A_731 = arith.addf %scan3A_290, %select_n3A_730 : vector<16xf32>
      %broadcast_in_dim3A_732 = arith.constant -1.000000e+30 : f32
      %broadcast_in_dim3A_733 = vector.broadcast %broadcast_in_dim3A_732 : f32 to vector<16xf32>
      %get3A_734 = arith.constant 16 : index
      %get3A_735 = tpu.vector_load %arg15[%get3A_734] {strides = array<i32>} : memref<2048xf32, #tpu.memory_space<vmem>>, vector<16xf32>,
      %gt3A_736 = arith.cmpf ogt, %get3A_735, %broadcast_in_dim3A_733 : vector<16xf32>
      %max3A_737 = arith.maximumf %broadcast_in_dim3A_733, %get3A_735 : vector<16xf32>
      %get3A_738 = arith.constant 80 : index
      %get3A_739 = tpu.vector_load %arg15[%get3A_738] {strides = array<i32>} : memref<2048xf32, #tpu.memory_space<vmem>>, vector<16xf32>,
      %select_n3A_740 = arith.select %gt3A_736, %get3A_739, %broadcast_in_dim3A_6 : vector<16xi1>, vector<16xf32>
      %get3A_741 = arith.constant 144 : index
      %get3A_742 = tpu.vector_load %arg15[%get3A_741] {strides = array<i32>} : memref<2048xf32, #tpu.memory_space<vmem>>, vector<16xf32>,
      %gt3A_743 = arith.cmpf ogt, %get3A_742, %max3A_737 : vector<16xf32>
      %max3A_744 = arith.maximumf %max3A_737, %get3A_742 : vector<16xf32>
      %get3A_745 = arith.constant 208 : index
      %get3A_746 = tpu.vector_load %arg15[%get3A_745] {strides = array<i32>} : memref<2048xf32, #tpu.memory_space<vmem>>, vector<16xf32>,
      %select_n3A_747 = arith.select %gt3A_743, %get3A_746, %select_n3A_740 : vector<16xi1>, vector<16xf32>
      %get3A_748 = arith.constant 272 : index
      %get3A_749 = tpu.vector_load %arg15[%get3A_748] {strides = array<i32>} : memref<2048xf32, #tpu.memory_space<vmem>>, vector<16xf32>,
      %gt3A_750 = arith.cmpf ogt, %get3A_749, %max3A_744 : vector<16xf32>
      %max3A_751 = arith.maximumf %max3A_744, %get3A_749 : vector<16xf32>
      %get3A_752 = arith.constant 336 : index
      %get3A_753 = tpu.vector_load %arg15[%get3A_752] {strides = array<i32>} : memref<2048xf32, #tpu.memory_space<vmem>>, vector<16xf32>,
      %select_n3A_754 = arith.select %gt3A_750, %get3A_753, %select_n3A_747 : vector<16xi1>, vector<16xf32>
      %get3A_755 = arith.constant 400 : index
      %get3A_756 = tpu.vector_load %arg15[%get3A_755] {strides = array<i32>} : memref<2048xf32, #tpu.memory_space<vmem>>, vector<16xf32>,
      %gt3A_757 = arith.cmpf ogt, %get3A_756, %max3A_751 : vector<16xf32>
      %max3A_758 = arith.maximumf %max3A_751, %get3A_756 : vector<16xf32>
      %get3A_759 = arith.constant 464 : index
      %get3A_760 = tpu.vector_load %arg15[%get3A_759] {strides = array<i32>} : memref<2048xf32, #tpu.memory_space<vmem>>, vector<16xf32>,
      %select_n3A_761 = arith.select %gt3A_757, %get3A_760, %select_n3A_754 : vector<16xi1>, vector<16xf32>
      %get3A_762 = arith.constant 528 : index
      %get3A_763 = tpu.vector_load %arg15[%get3A_762] {strides = array<i32>} : memref<2048xf32, #tpu.memory_space<vmem>>, vector<16xf32>,
      %gt3A_764 = arith.cmpf ogt, %get3A_763, %max3A_758 : vector<16xf32>
      %max3A_765 = arith.maximumf %max3A_758, %get3A_763 : vector<16xf32>
      %get3A_766 = arith.constant 592 : index
      %get3A_767 = tpu.vector_load %arg15[%get3A_766] {strides = array<i32>} : memref<2048xf32, #tpu.memory_space<vmem>>, vector<16xf32>,
      %select_n3A_768 = arith.select %gt3A_764, %get3A_767, %select_n3A_761 : vector<16xi1>, vector<16xf32>
      %get3A_769 = arith.constant 656 : index
      %get3A_770 = tpu.vector_load %arg15[%get3A_769] {strides = array<i32>} : memref<2048xf32, #tpu.memory_space<vmem>>, vector<16xf32>,
      %gt3A_771 = arith.cmpf ogt, %get3A_770, %max3A_765 : vector<16xf32>
      %max3A_772 = arith.maximumf %max3A_765, %get3A_770 : vector<16xf32>
      %get3A_773 = arith.constant 720 : index
      %get3A_774 = tpu.vector_load %arg15[%get3A_773] {strides = array<i32>} : memref<2048xf32, #tpu.memory_space<vmem>>, vector<16xf32>,
      %select_n3A_775 = arith.select %gt3A_771, %get3A_774, %select_n3A_768 : vector<16xi1>, vector<16xf32>
      %get3A_776 = arith.constant 784 : index
      %get3A_777 = tpu.vector_load %arg15[%get3A_776] {strides = array<i32>} : memref<2048xf32, #tpu.memory_space<vmem>>, vector<16xf32>,
      %gt3A_778 = arith.cmpf ogt, %get3A_777, %max3A_772 : vector<16xf32>
      %max3A_779 = arith.maximumf %max3A_772, %get3A_777 : vector<16xf32>
      %get3A_780 = arith.constant 848 : index
      %get3A_781 = tpu.vector_load %arg15[%get3A_780] {strides = array<i32>} : memref<2048xf32, #tpu.memory_space<vmem>>, vector<16xf32>,
      %select_n3A_782 = arith.select %gt3A_778, %get3A_781, %select_n3A_775 : vector<16xi1>, vector<16xf32>
      %get3A_783 = arith.constant 912 : index
      %get3A_784 = tpu.vector_load %arg15[%get3A_783] {strides = array<i32>} : memref<2048xf32, #tpu.memory_space<vmem>>, vector<16xf32>,
      %gt3A_785 = arith.cmpf ogt, %get3A_784, %max3A_779 : vector<16xf32>
      %max3A_786 = arith.maximumf %max3A_779, %get3A_784 : vector<16xf32>
      %get3A_787 = arith.constant 976 : index
      %get3A_788 = tpu.vector_load %arg15[%get3A_787] {strides = array<i32>} : memref<2048xf32, #tpu.memory_space<vmem>>, vector<16xf32>,
      %select_n3A_789 = arith.select %gt3A_785, %get3A_788, %select_n3A_782 : vector<16xi1>, vector<16xf32>
      %get3A_790 = arith.constant 1040 : index
      %get3A_791 = tpu.vector_load %arg15[%get3A_790] {strides = array<i32>} : memref<2048xf32, #tpu.memory_space<vmem>>, vector<16xf32>,
      %gt3A_792 = arith.cmpf ogt, %get3A_791, %max3A_786 : vector<16xf32>
      %max3A_793 = arith.maximumf %max3A_786, %get3A_791 : vector<16xf32>
      %get3A_794 = arith.constant 1104 : index
      %get3A_795 = tpu.vector_load %arg15[%get3A_794] {strides = array<i32>} : memref<2048xf32, #tpu.memory_space<vmem>>, vector<16xf32>,
      %select_n3A_796 = arith.select %gt3A_792, %get3A_795, %select_n3A_789 : vector<16xi1>, vector<16xf32>
      %get3A_797 = arith.constant 1168 : index
      %get3A_798 = tpu.vector_load %arg15[%get3A_797] {strides = array<i32>} : memref<2048xf32, #tpu.memory_space<vmem>>, vector<16xf32>,
      %gt3A_799 = arith.cmpf ogt, %get3A_798, %max3A_793 : vector<16xf32>
      %max3A_800 = arith.maximumf %max3A_793, %get3A_798 : vector<16xf32>
      %get3A_801 = arith.constant 1232 : index
      %get3A_802 = tpu.vector_load %arg15[%get3A_801] {strides = array<i32>} : memref<2048xf32, #tpu.memory_space<vmem>>, vector<16xf32>,
      %select_n3A_803 = arith.select %gt3A_799, %get3A_802, %select_n3A_796 : vector<16xi1>, vector<16xf32>
      %get3A_804 = arith.constant 1296 : index
      %get3A_805 = tpu.vector_load %arg15[%get3A_804] {strides = array<i32>} : memref<2048xf32, #tpu.memory_space<vmem>>, vector<16xf32>,
      %gt3A_806 = arith.cmpf ogt, %get3A_805, %max3A_800 : vector<16xf32>
      %max3A_807 = arith.maximumf %max3A_800, %get3A_805 : vector<16xf32>
      %get3A_808 = arith.constant 1360 : index
      %get3A_809 = tpu.vector_load %arg15[%get3A_808] {strides = array<i32>} : memref<2048xf32, #tpu.memory_space<vmem>>, vector<16xf32>,
      %select_n3A_810 = arith.select %gt3A_806, %get3A_809, %select_n3A_803 : vector<16xi1>, vector<16xf32>
      %get3A_811 = arith.constant 1424 : index
      %get3A_812 = tpu.vector_load %arg15[%get3A_811] {strides = array<i32>} : memref<2048xf32, #tpu.memory_space<vmem>>, vector<16xf32>,
      %gt3A_813 = arith.cmpf ogt, %get3A_812, %max3A_807 : vector<16xf32>
      %max3A_814 = arith.maximumf %max3A_807, %get3A_812 : vector<16xf32>
      %get3A_815 = arith.constant 1488 : index
      %get3A_816 = tpu.vector_load %arg15[%get3A_815] {strides = array<i32>} : memref<2048xf32, #tpu.memory_space<vmem>>, vector<16xf32>,
      %select_n3A_817 = arith.select %gt3A_813, %get3A_816, %select_n3A_810 : vector<16xi1>, vector<16xf32>
      %get3A_818 = arith.constant 1552 : index
      %get3A_819 = tpu.vector_load %arg15[%get3A_818] {strides = array<i32>} : memref<2048xf32, #tpu.memory_space<vmem>>, vector<16xf32>,
      %gt3A_820 = arith.cmpf ogt, %get3A_819, %max3A_814 : vector<16xf32>
      %max3A_821 = arith.maximumf %max3A_814, %get3A_819 : vector<16xf32>
      %get3A_822 = arith.constant 1616 : index
      %get3A_823 = tpu.vector_load %arg15[%get3A_822] {strides = array<i32>} : memref<2048xf32, #tpu.memory_space<vmem>>, vector<16xf32>,
      %select_n3A_824 = arith.select %gt3A_820, %get3A_823, %select_n3A_817 : vector<16xi1>, vector<16xf32>
      %get3A_825 = arith.constant 1680 : index
      %get3A_826 = tpu.vector_load %arg15[%get3A_825] {strides = array<i32>} : memref<2048xf32, #tpu.memory_space<vmem>>, vector<16xf32>,
      %gt3A_827 = arith.cmpf ogt, %get3A_826, %max3A_821 : vector<16xf32>
      %max3A_828 = arith.maximumf %max3A_821, %get3A_826 : vector<16xf32>
      %get3A_829 = arith.constant 1744 : index
      %get3A_830 = tpu.vector_load %arg15[%get3A_829] {strides = array<i32>} : memref<2048xf32, #tpu.memory_space<vmem>>, vector<16xf32>,
      %select_n3A_831 = arith.select %gt3A_827, %get3A_830, %select_n3A_824 : vector<16xi1>, vector<16xf32>
      %get3A_832 = arith.constant 1808 : index
      %get3A_833 = tpu.vector_load %arg15[%get3A_832] {strides = array<i32>} : memref<2048xf32, #tpu.memory_space<vmem>>, vector<16xf32>,
      %gt3A_834 = arith.cmpf ogt, %get3A_833, %max3A_828 : vector<16xf32>
      %max3A_835 = arith.maximumf %max3A_828, %get3A_833 : vector<16xf32>
      %get3A_836 = arith.constant 1872 : index
      %get3A_837 = tpu.vector_load %arg15[%get3A_836] {strides = array<i32>} : memref<2048xf32, #tpu.memory_space<vmem>>, vector<16xf32>,
      %select_n3A_838 = arith.select %gt3A_834, %get3A_837, %select_n3A_831 : vector<16xi1>, vector<16xf32>
      %get3A_839 = arith.constant 1936 : index
      %get3A_840 = tpu.vector_load %arg15[%get3A_839] {strides = array<i32>} : memref<2048xf32, #tpu.memory_space<vmem>>, vector<16xf32>,
      %gt3A_841 = arith.cmpf ogt, %get3A_840, %max3A_835 : vector<16xf32>
      %max3A_842 = arith.maximumf %max3A_835, %get3A_840 : vector<16xf32>
      %get3A_843 = arith.constant 2000 : index
      %get3A_844 = tpu.vector_load %arg15[%get3A_843] {strides = array<i32>} : memref<2048xf32, #tpu.memory_space<vmem>>, vector<16xf32>,
      %select_n3A_845 = arith.select %gt3A_841, %get3A_844, %select_n3A_838 : vector<16xi1>, vector<16xf32>
      %add3A_846 = arith.constant 16 : i32
      %add3A_847 = vector.broadcast %add3A_846 : i32 to vector<16xi32>
      %add3A_848 = arith.addi %iota3A, %add3A_847 : vector<16xi32>
      %lt3A_849 = arith.cmpi slt, %add3A_848, %bitcast3A : vector<16xi32>
      %le3A_850 = arith.cmpf ole, %max3A_842, %get3A_272 : vector<16xf32>
      %and3A_851 = arith.andi %lt3A_849, %le3A_850 : vector<16xi1>
      %ge3A_852 = vector.broadcast %convert_element_type3A : f32 to vector<16xf32>
      %ge3A_853 = arith.cmpf oge, %select_n3A_845, %ge3A_852 : vector<16xf32>
      %and3A_854 = arith.andi %and3A_851, %ge3A_853 : vector<16xi1>
      %add3A_855 = arith.constant 3.200000e+02 : f32
      %add3A_856 = arith.addf %convert_element_type3A, %add3A_855 : f32
      %lt3A_857 = vector.broadcast %add3A_856 : f32 to vector<16xf32>
      %lt3A_858 = arith.cmpf olt, %select_n3A_845, %lt3A_857 : vector<16xf32>
      %and3A_859 = arith.andi %and3A_854, %lt3A_858 : vector<16xi1>
      %sub3A_860 = vector.broadcast %convert_element_type3A : f32 to vector<16xf32>
      %sub3A_861 = arith.subf %select_n3A_845, %sub3A_860 : vector<16xf32>
      %convert_element_type3A_862 = arith.fptosi %sub3A_861 : vector<16xf32> to vector<16xi32>
      tpu.vector_store_idx %arg13[%convert_element_type3A_862], %broadcast_in_dim3A_4 masked %and3A_859 : memref<320xf32, #tpu.memory_space<vmem>>[vector<16xi32>], vector<16xf32>, vector<16xi1>
      %add3A_863 = arith.constant 320 : i32
      %add3A_864 = vector.broadcast %add3A_863 : i32 to vector<16xi32>
      %add3A_865 = arith.addi %convert_element_type3A_862, %add3A_864 : vector<16xi32>
      %gather3A_866 = tpu.vector_load_idx %arg10[%add3A_865] masked %and3A_859 : memref<640xf32, #tpu.memory_space<vmem>>[vector<16xi32>], vector<16xf32>, vector<16xi1>
      %sub3A_867 = arith.constant 1.000000e+00 : f32
      %sub3A_868 = vector.broadcast %sub3A_867 : f32 to vector<16xf32>
      %sub3A_869 = arith.subf %sub3A_868, %gather3A_866 : vector<16xf32>
      %mul3A_870 = arith.mulf %sub3A_869, %sub3A_869 : vector<16xf32>
      %neg3A_871 = arith.constant 0.000000e+00 : f32
      %neg3A_872 = vector.broadcast %neg3A_871 : f32 to vector<16xf32>
      %neg3A_873 = arith.subf %neg3A_872, %mul3A_870 : vector<16xf32>
      %bitcast3A_874 = vector.bitcast %gather3A_866 : vector<16xf32> to vector<16xi32>
      %shift_right_logical3A_875 = arith.constant 23 : i32
      %shift_right_logical3A_876 = vector.broadcast %shift_right_logical3A_875 : i32 to vector<16xi32>
      %shift_right_logical3A_877 = arith.shrui %bitcast3A_874, %shift_right_logical3A_876 : vector<16xi32>
      %and3A_878 = arith.constant 255 : i32
      %and3A_879 = vector.broadcast %and3A_878 : i32 to vector<16xi32>
      %and3A_880 = arith.andi %shift_right_logical3A_877, %and3A_879 : vector<16xi32>
      %sub3A_881 = arith.constant 127 : i32
      %sub3A_882 = vector.broadcast %sub3A_881 : i32 to vector<16xi32>
      %sub3A_883 = arith.subi %and3A_880, %sub3A_882 : vector<16xi32>
      %and3A_884 = arith.constant 8388607 : i32
      %and3A_885 = vector.broadcast %and3A_884 : i32 to vector<16xi32>
      %and3A_886 = arith.andi %bitcast3A_874, %and3A_885 : vector<16xi32>
      %or3A_887 = arith.constant 1065353216 : i32
      %or3A_888 = vector.broadcast %or3A_887 : i32 to vector<16xi32>
      %or3A_889 = arith.ori %and3A_886, %or3A_888 : vector<16xi32>
      %bitcast3A_890 = vector.bitcast %or3A_889 : vector<16xi32> to vector<16xf32>
      %gt3A_891 = arith.constant 1.41421354 : f32
      %gt3A_892 = vector.broadcast %gt3A_891 : f32 to vector<16xf32>
      %gt3A_893 = arith.cmpf ogt, %bitcast3A_890, %gt3A_892 : vector<16xf32>
      %mul3A_894 = arith.constant 5.000000e-01 : f32
      %mul3A_895 = vector.broadcast %mul3A_894 : f32 to vector<16xf32>
      %mul3A_896 = arith.mulf %bitcast3A_890, %mul3A_895 : vector<16xf32>
      %select_n3A_897 = arith.select %gt3A_893, %mul3A_896, %bitcast3A_890 : vector<16xi1>, vector<16xf32>
      %convert_element_type3A_898 = arith.sitofp %sub3A_883 : vector<16xi32> to vector<16xf32>
      %jit3A_899 = arith.constant 1.000000e+00 : f32
      %jit3A_900 = arith.constant 0.000000e+00 : f32
      %broadcast_in_dim3A_901 = vector.broadcast %jit3A_899 : f32 to vector<16xf32>
      %broadcast_in_dim3A_902 = vector.broadcast %jit3A_900 : f32 to vector<16xf32>
      %select_n3A_903 = arith.select %gt3A_893, %broadcast_in_dim3A_901, %broadcast_in_dim3A_902 : vector<16xi1>, vector<16xf32>
      %add3A_904 = arith.addf %convert_element_type3A_898, %select_n3A_903 : vector<16xf32>
      %sub3A_905 = arith.constant 1.000000e+00 : f32
      %sub3A_906 = vector.broadcast %sub3A_905 : f32 to vector<16xf32>
      %sub3A_907 = arith.subf %select_n3A_897, %sub3A_906 : vector<16xf32>
      %add3A_908 = arith.constant 1.000000e+00 : f32
      %add3A_909 = vector.broadcast %add3A_908 : f32 to vector<16xf32>
      %add3A_910 = arith.addf %select_n3A_897, %add3A_909 : vector<16xf32>
      %div3A_911 = arith.divf %sub3A_907, %add3A_910 : vector<16xf32>
      %mul3A_912 = arith.mulf %div3A_911, %div3A_911 : vector<16xf32>
      %mul3A_913 = arith.constant 0.222222224 : f32
      %mul3A_914 = vector.broadcast %mul3A_913 : f32 to vector<16xf32>
      %mul3A_915 = arith.mulf %mul3A_912, %mul3A_914 : vector<16xf32>
      %add3A_916 = arith.constant 0.285714298 : f32
      %add3A_917 = vector.broadcast %add3A_916 : f32 to vector<16xf32>
      %add3A_918 = arith.addf %add3A_917, %mul3A_915 : vector<16xf32>
      %mul3A_919 = arith.mulf %mul3A_912, %add3A_918 : vector<16xf32>
      %add3A_920 = arith.constant 0.400000095 : f32
      %add3A_921 = vector.broadcast %add3A_920 : f32 to vector<16xf32>
      %add3A_922 = arith.addf %add3A_921, %mul3A_919 : vector<16xf32>
      %mul3A_923 = arith.mulf %mul3A_912, %add3A_922 : vector<16xf32>
      %add3A_924 = arith.constant 0.666666627 : f32
      %add3A_925 = vector.broadcast %add3A_924 : f32 to vector<16xf32>
      %add3A_926 = arith.addf %add3A_925, %mul3A_923 : vector<16xf32>
      %mul3A_927 = arith.mulf %mul3A_912, %add3A_926 : vector<16xf32>
      %add3A_928 = arith.constant 2.000000e+00 : f32
      %add3A_929 = vector.broadcast %add3A_928 : f32 to vector<16xf32>
      %add3A_930 = arith.addf %add3A_929, %mul3A_927 : vector<16xf32>
      %mul3A_931 = arith.mulf %div3A_911, %add3A_930 : vector<16xf32>
      %mul3A_932 = arith.constant 0.693147182 : f32
      %mul3A_933 = vector.broadcast %mul3A_932 : f32 to vector<16xf32>
      %mul3A_934 = arith.mulf %add3A_904, %mul3A_933 : vector<16xf32>
      %add3A_935 = arith.addf %mul3A_931, %mul3A_934 : vector<16xf32>
      %mul3A_936 = arith.mulf %neg3A_873, %add3A_935 : vector<16xf32>
      %mul3A_937 = arith.constant 1.000000e+01 : f32
      %mul3A_938 = vector.broadcast %mul3A_937 : f32 to vector<16xf32>
      %mul3A_939 = arith.mulf %mul3A_938, %mul3A_936 : vector<16xf32>
      %select_n3A_940 = arith.select %and3A_859, %mul3A_939, %broadcast_in_dim3A_6 : vector<16xi1>, vector<16xf32>
      %add3A_941 = arith.addf %add3A_731, %select_n3A_940 : vector<16xf32>
      %broadcast_in_dim3A_942 = arith.constant -1.000000e+30 : f32
      %broadcast_in_dim3A_943 = vector.broadcast %broadcast_in_dim3A_942 : f32 to vector<16xf32>
      %get3A_944 = arith.constant 32 : index
      %get3A_945 = tpu.vector_load %arg15[%get3A_944] {strides = array<i32>} : memref<2048xf32, #tpu.memory_space<vmem>>, vector<16xf32>,
      %gt3A_946 = arith.cmpf ogt, %get3A_945, %broadcast_in_dim3A_943 : vector<16xf32>
      %max3A_947 = arith.maximumf %broadcast_in_dim3A_943, %get3A_945 : vector<16xf32>
      %get3A_948 = arith.constant 96 : index
      %get3A_949 = tpu.vector_load %arg15[%get3A_948] {strides = array<i32>} : memref<2048xf32, #tpu.memory_space<vmem>>, vector<16xf32>,
      %select_n3A_950 = arith.select %gt3A_946, %get3A_949, %broadcast_in_dim3A_6 : vector<16xi1>, vector<16xf32>
      %get3A_951 = arith.constant 160 : index
      %get3A_952 = tpu.vector_load %arg15[%get3A_951] {strides = array<i32>} : memref<2048xf32, #tpu.memory_space<vmem>>, vector<16xf32>,
      %gt3A_953 = arith.cmpf ogt, %get3A_952, %max3A_947 : vector<16xf32>
      %max3A_954 = arith.maximumf %max3A_947, %get3A_952 : vector<16xf32>
      %get3A_955 = arith.constant 224 : index
      %get3A_956 = tpu.vector_load %arg15[%get3A_955] {strides = array<i32>} : memref<2048xf32, #tpu.memory_space<vmem>>, vector<16xf32>,
      %select_n3A_957 = arith.select %gt3A_953, %get3A_956, %select_n3A_950 : vector<16xi1>, vector<16xf32>
      %get3A_958 = arith.constant 288 : index
      %get3A_959 = tpu.vector_load %arg15[%get3A_958] {strides = array<i32>} : memref<2048xf32, #tpu.memory_space<vmem>>, vector<16xf32>,
      %gt3A_960 = arith.cmpf ogt, %get3A_959, %max3A_954 : vector<16xf32>
      %max3A_961 = arith.maximumf %max3A_954, %get3A_959 : vector<16xf32>
      %get3A_962 = arith.constant 352 : index
      %get3A_963 = tpu.vector_load %arg15[%get3A_962] {strides = array<i32>} : memref<2048xf32, #tpu.memory_space<vmem>>, vector<16xf32>,
      %select_n3A_964 = arith.select %gt3A_960, %get3A_963, %select_n3A_957 : vector<16xi1>, vector<16xf32>
      %get3A_965 = arith.constant 416 : index
      %get3A_966 = tpu.vector_load %arg15[%get3A_965] {strides = array<i32>} : memref<2048xf32, #tpu.memory_space<vmem>>, vector<16xf32>,
      %gt3A_967 = arith.cmpf ogt, %get3A_966, %max3A_961 : vector<16xf32>
      %max3A_968 = arith.maximumf %max3A_961, %get3A_966 : vector<16xf32>
      %get3A_969 = arith.constant 480 : index
      %get3A_970 = tpu.vector_load %arg15[%get3A_969] {strides = array<i32>} : memref<2048xf32, #tpu.memory_space<vmem>>, vector<16xf32>,
      %select_n3A_971 = arith.select %gt3A_967, %get3A_970, %select_n3A_964 : vector<16xi1>, vector<16xf32>
      %get3A_972 = arith.constant 544 : index
      %get3A_973 = tpu.vector_load %arg15[%get3A_972] {strides = array<i32>} : memref<2048xf32, #tpu.memory_space<vmem>>, vector<16xf32>,
      %gt3A_974 = arith.cmpf ogt, %get3A_973, %max3A_968 : vector<16xf32>
      %max3A_975 = arith.maximumf %max3A_968, %get3A_973 : vector<16xf32>
      %get3A_976 = arith.constant 608 : index
      %get3A_977 = tpu.vector_load %arg15[%get3A_976] {strides = array<i32>} : memref<2048xf32, #tpu.memory_space<vmem>>, vector<16xf32>,
      %select_n3A_978 = arith.select %gt3A_974, %get3A_977, %select_n3A_971 : vector<16xi1>, vector<16xf32>
      %get3A_979 = arith.constant 672 : index
      %get3A_980 = tpu.vector_load %arg15[%get3A_979] {strides = array<i32>} : memref<2048xf32, #tpu.memory_space<vmem>>, vector<16xf32>,
      %gt3A_981 = arith.cmpf ogt, %get3A_980, %max3A_975 : vector<16xf32>
      %max3A_982 = arith.maximumf %max3A_975, %get3A_980 : vector<16xf32>
      %get3A_983 = arith.constant 736 : index
      %get3A_984 = tpu.vector_load %arg15[%get3A_983] {strides = array<i32>} : memref<2048xf32, #tpu.memory_space<vmem>>, vector<16xf32>,
      %select_n3A_985 = arith.select %gt3A_981, %get3A_984, %select_n3A_978 : vector<16xi1>, vector<16xf32>
      %get3A_986 = arith.constant 800 : index
      %get3A_987 = tpu.vector_load %arg15[%get3A_986] {strides = array<i32>} : memref<2048xf32, #tpu.memory_space<vmem>>, vector<16xf32>,
      %gt3A_988 = arith.cmpf ogt, %get3A_987, %max3A_982 : vector<16xf32>
      %max3A_989 = arith.maximumf %max3A_982, %get3A_987 : vector<16xf32>
      %get3A_990 = arith.constant 864 : index
      %get3A_991 = tpu.vector_load %arg15[%get3A_990] {strides = array<i32>} : memref<2048xf32, #tpu.memory_space<vmem>>, vector<16xf32>,
      %select_n3A_992 = arith.select %gt3A_988, %get3A_991, %select_n3A_985 : vector<16xi1>, vector<16xf32>
      %get3A_993 = arith.constant 928 : index
      %get3A_994 = tpu.vector_load %arg15[%get3A_993] {strides = array<i32>} : memref<2048xf32, #tpu.memory_space<vmem>>, vector<16xf32>,
      %gt3A_995 = arith.cmpf ogt, %get3A_994, %max3A_989 : vector<16xf32>
      %max3A_996 = arith.maximumf %max3A_989, %get3A_994 : vector<16xf32>
      %get3A_997 = arith.constant 992 : index
      %get3A_998 = tpu.vector_load %arg15[%get3A_997] {strides = array<i32>} : memref<2048xf32, #tpu.memory_space<vmem>>, vector<16xf32>,
      %select_n3A_999 = arith.select %gt3A_995, %get3A_998, %select_n3A_992 : vector<16xi1>, vector<16xf32>
      %get3A_1000 = arith.constant 1056 : index
      %get3A_1001 = tpu.vector_load %arg15[%get3A_1000] {strides = array<i32>} : memref<2048xf32, #tpu.memory_space<vmem>>, vector<16xf32>,
      %gt3A_1002 = arith.cmpf ogt, %get3A_1001, %max3A_996 : vector<16xf32>
      %max3A_1003 = arith.maximumf %max3A_996, %get3A_1001 : vector<16xf32>
      %get3A_1004 = arith.constant 1120 : index
      %get3A_1005 = tpu.vector_load %arg15[%get3A_1004] {strides = array<i32>} : memref<2048xf32, #tpu.memory_space<vmem>>, vector<16xf32>,
      %select_n3A_1006 = arith.select %gt3A_1002, %get3A_1005, %select_n3A_999 : vector<16xi1>, vector<16xf32>
      %get3A_1007 = arith.constant 1184 : index
      %get3A_1008 = tpu.vector_load %arg15[%get3A_1007] {strides = array<i32>} : memref<2048xf32, #tpu.memory_space<vmem>>, vector<16xf32>,
      %gt3A_1009 = arith.cmpf ogt, %get3A_1008, %max3A_1003 : vector<16xf32>
      %max3A_1010 = arith.maximumf %max3A_1003, %get3A_1008 : vector<16xf32>
      %get3A_1011 = arith.constant 1248 : index
      %get3A_1012 = tpu.vector_load %arg15[%get3A_1011] {strides = array<i32>} : memref<2048xf32, #tpu.memory_space<vmem>>, vector<16xf32>,
      %select_n3A_1013 = arith.select %gt3A_1009, %get3A_1012, %select_n3A_1006 : vector<16xi1>, vector<16xf32>
      %get3A_1014 = arith.constant 1312 : index
      %get3A_1015 = tpu.vector_load %arg15[%get3A_1014] {strides = array<i32>} : memref<2048xf32, #tpu.memory_space<vmem>>, vector<16xf32>,
      %gt3A_1016 = arith.cmpf ogt, %get3A_1015, %max3A_1010 : vector<16xf32>
      %max3A_1017 = arith.maximumf %max3A_1010, %get3A_1015 : vector<16xf32>
      %get3A_1018 = arith.constant 1376 : index
      %get3A_1019 = tpu.vector_load %arg15[%get3A_1018] {strides = array<i32>} : memref<2048xf32, #tpu.memory_space<vmem>>, vector<16xf32>,
      %select_n3A_1020 = arith.select %gt3A_1016, %get3A_1019, %select_n3A_1013 : vector<16xi1>, vector<16xf32>
      %get3A_1021 = arith.constant 1440 : index
      %get3A_1022 = tpu.vector_load %arg15[%get3A_1021] {strides = array<i32>} : memref<2048xf32, #tpu.memory_space<vmem>>, vector<16xf32>,
      %gt3A_1023 = arith.cmpf ogt, %get3A_1022, %max3A_1017 : vector<16xf32>
      %max3A_1024 = arith.maximumf %max3A_1017, %get3A_1022 : vector<16xf32>
      %get3A_1025 = arith.constant 1504 : index
      %get3A_1026 = tpu.vector_load %arg15[%get3A_1025] {strides = array<i32>} : memref<2048xf32, #tpu.memory_space<vmem>>, vector<16xf32>,
      %select_n3A_1027 = arith.select %gt3A_1023, %get3A_1026, %select_n3A_1020 : vector<16xi1>, vector<16xf32>
      %get3A_1028 = arith.constant 1568 : index
      %get3A_1029 = tpu.vector_load %arg15[%get3A_1028] {strides = array<i32>} : memref<2048xf32, #tpu.memory_space<vmem>>, vector<16xf32>,
      %gt3A_1030 = arith.cmpf ogt, %get3A_1029, %max3A_1024 : vector<16xf32>
      %max3A_1031 = arith.maximumf %max3A_1024, %get3A_1029 : vector<16xf32>
      %get3A_1032 = arith.constant 1632 : index
      %get3A_1033 = tpu.vector_load %arg15[%get3A_1032] {strides = array<i32>} : memref<2048xf32, #tpu.memory_space<vmem>>, vector<16xf32>,
      %select_n3A_1034 = arith.select %gt3A_1030, %get3A_1033, %select_n3A_1027 : vector<16xi1>, vector<16xf32>
      %get3A_1035 = arith.constant 1696 : index
      %get3A_1036 = tpu.vector_load %arg15[%get3A_1035] {strides = array<i32>} : memref<2048xf32, #tpu.memory_space<vmem>>, vector<16xf32>,
      %gt3A_1037 = arith.cmpf ogt, %get3A_1036, %max3A_1031 : vector<16xf32>
      %max3A_1038 = arith.maximumf %max3A_1031, %get3A_1036 : vector<16xf32>
      %get3A_1039 = arith.constant 1760 : index
      %get3A_1040 = tpu.vector_load %arg15[%get3A_1039] {strides = array<i32>} : memref<2048xf32, #tpu.memory_space<vmem>>, vector<16xf32>,
      %select_n3A_1041 = arith.select %gt3A_1037, %get3A_1040, %select_n3A_1034 : vector<16xi1>, vector<16xf32>
      %get3A_1042 = arith.constant 1824 : index
      %get3A_1043 = tpu.vector_load %arg15[%get3A_1042] {strides = array<i32>} : memref<2048xf32, #tpu.memory_space<vmem>>, vector<16xf32>,
      %gt3A_1044 = arith.cmpf ogt, %get3A_1043, %max3A_1038 : vector<16xf32>
      %max3A_1045 = arith.maximumf %max3A_1038, %get3A_1043 : vector<16xf32>
      %get3A_1046 = arith.constant 1888 : index
      %get3A_1047 = tpu.vector_load %arg15[%get3A_1046] {strides = array<i32>} : memref<2048xf32, #tpu.memory_space<vmem>>, vector<16xf32>,
      %select_n3A_1048 = arith.select %gt3A_1044, %get3A_1047, %select_n3A_1041 : vector<16xi1>, vector<16xf32>
      %get3A_1049 = arith.constant 1952 : index
      %get3A_1050 = tpu.vector_load %arg15[%get3A_1049] {strides = array<i32>} : memref<2048xf32, #tpu.memory_space<vmem>>, vector<16xf32>,
      %gt3A_1051 = arith.cmpf ogt, %get3A_1050, %max3A_1045 : vector<16xf32>
      %max3A_1052 = arith.maximumf %max3A_1045, %get3A_1050 : vector<16xf32>
      %get3A_1053 = arith.constant 2016 : index
      %get3A_1054 = tpu.vector_load %arg15[%get3A_1053] {strides = array<i32>} : memref<2048xf32, #tpu.memory_space<vmem>>, vector<16xf32>,
      %select_n3A_1055 = arith.select %gt3A_1051, %get3A_1054, %select_n3A_1048 : vector<16xi1>, vector<16xf32>
      %add3A_1056 = arith.constant 32 : i32
      %add3A_1057 = vector.broadcast %add3A_1056 : i32 to vector<16xi32>
      %add3A_1058 = arith.addi %iota3A, %add3A_1057 : vector<16xi32>
      %lt3A_1059 = arith.cmpi slt, %add3A_1058, %bitcast3A : vector<16xi32>
      %le3A_1060 = arith.cmpf ole, %max3A_1052, %get3A_272 : vector<16xf32>
      %and3A_1061 = arith.andi %lt3A_1059, %le3A_1060 : vector<16xi1>
      %ge3A_1062 = vector.broadcast %convert_element_type3A : f32 to vector<16xf32>
      %ge3A_1063 = arith.cmpf oge, %select_n3A_1055, %ge3A_1062 : vector<16xf32>
      %and3A_1064 = arith.andi %and3A_1061, %ge3A_1063 : vector<16xi1>
      %add3A_1065 = arith.constant 3.200000e+02 : f32
      %add3A_1066 = arith.addf %convert_element_type3A, %add3A_1065 : f32
      %lt3A_1067 = vector.broadcast %add3A_1066 : f32 to vector<16xf32>
      %lt3A_1068 = arith.cmpf olt, %select_n3A_1055, %lt3A_1067 : vector<16xf32>
      %and3A_1069 = arith.andi %and3A_1064, %lt3A_1068 : vector<16xi1>
      %sub3A_1070 = vector.broadcast %convert_element_type3A : f32 to vector<16xf32>
      %sub3A_1071 = arith.subf %select_n3A_1055, %sub3A_1070 : vector<16xf32>
      %convert_element_type3A_1072 = arith.fptosi %sub3A_1071 : vector<16xf32> to vector<16xi32>
      tpu.vector_store_idx %arg13[%convert_element_type3A_1072], %broadcast_in_dim3A_4 masked %and3A_1069 : memref<320xf32, #tpu.memory_space<vmem>>[vector<16xi32>], vector<16xf32>, vector<16xi1>
      %add3A_1073 = arith.constant 320 : i32
      %add3A_1074 = vector.broadcast %add3A_1073 : i32 to vector<16xi32>
      %add3A_1075 = arith.addi %convert_element_type3A_1072, %add3A_1074 : vector<16xi32>
      %gather3A_1076 = tpu.vector_load_idx %arg10[%add3A_1075] masked %and3A_1069 : memref<640xf32, #tpu.memory_space<vmem>>[vector<16xi32>], vector<16xf32>, vector<16xi1>
      %sub3A_1077 = arith.constant 1.000000e+00 : f32
      %sub3A_1078 = vector.broadcast %sub3A_1077 : f32 to vector<16xf32>
      %sub3A_1079 = arith.subf %sub3A_1078, %gather3A_1076 : vector<16xf32>
      %mul3A_1080 = arith.mulf %sub3A_1079, %sub3A_1079 : vector<16xf32>
      %neg3A_1081 = arith.constant 0.000000e+00 : f32
      %neg3A_1082 = vector.broadcast %neg3A_1081 : f32 to vector<16xf32>
      %neg3A_1083 = arith.subf %neg3A_1082, %mul3A_1080 : vector<16xf32>
      %bitcast3A_1084 = vector.bitcast %gather3A_1076 : vector<16xf32> to vector<16xi32>
      %shift_right_logical3A_1085 = arith.constant 23 : i32
      %shift_right_logical3A_1086 = vector.broadcast %shift_right_logical3A_1085 : i32 to vector<16xi32>
      %shift_right_logical3A_1087 = arith.shrui %bitcast3A_1084, %shift_right_logical3A_1086 : vector<16xi32>
      %and3A_1088 = arith.constant 255 : i32
      %and3A_1089 = vector.broadcast %and3A_1088 : i32 to vector<16xi32>
      %and3A_1090 = arith.andi %shift_right_logical3A_1087, %and3A_1089 : vector<16xi32>
      %sub3A_1091 = arith.constant 127 : i32
      %sub3A_1092 = vector.broadcast %sub3A_1091 : i32 to vector<16xi32>
      %sub3A_1093 = arith.subi %and3A_1090, %sub3A_1092 : vector<16xi32>
      %and3A_1094 = arith.constant 8388607 : i32
      %and3A_1095 = vector.broadcast %and3A_1094 : i32 to vector<16xi32>
      %and3A_1096 = arith.andi %bitcast3A_1084, %and3A_1095 : vector<16xi32>
      %or3A_1097 = arith.constant 1065353216 : i32
      %or3A_1098 = vector.broadcast %or3A_1097 : i32 to vector<16xi32>
      %or3A_1099 = arith.ori %and3A_1096, %or3A_1098 : vector<16xi32>
      %bitcast3A_1100 = vector.bitcast %or3A_1099 : vector<16xi32> to vector<16xf32>
      %gt3A_1101 = arith.constant 1.41421354 : f32
      %gt3A_1102 = vector.broadcast %gt3A_1101 : f32 to vector<16xf32>
      %gt3A_1103 = arith.cmpf ogt, %bitcast3A_1100, %gt3A_1102 : vector<16xf32>
      %mul3A_1104 = arith.constant 5.000000e-01 : f32
      %mul3A_1105 = vector.broadcast %mul3A_1104 : f32 to vector<16xf32>
      %mul3A_1106 = arith.mulf %bitcast3A_1100, %mul3A_1105 : vector<16xf32>
      %select_n3A_1107 = arith.select %gt3A_1103, %mul3A_1106, %bitcast3A_1100 : vector<16xi1>, vector<16xf32>
      %convert_element_type3A_1108 = arith.sitofp %sub3A_1093 : vector<16xi32> to vector<16xf32>
      %jit3A_1109 = arith.constant 1.000000e+00 : f32
      %jit3A_1110 = arith.constant 0.000000e+00 : f32
      %broadcast_in_dim3A_1111 = vector.broadcast %jit3A_1109 : f32 to vector<16xf32>
      %broadcast_in_dim3A_1112 = vector.broadcast %jit3A_1110 : f32 to vector<16xf32>
      %select_n3A_1113 = arith.select %gt3A_1103, %broadcast_in_dim3A_1111, %broadcast_in_dim3A_1112 : vector<16xi1>, vector<16xf32>
      %add3A_1114 = arith.addf %convert_element_type3A_1108, %select_n3A_1113 : vector<16xf32>
      %sub3A_1115 = arith.constant 1.000000e+00 : f32
      %sub3A_1116 = vector.broadcast %sub3A_1115 : f32 to vector<16xf32>
      %sub3A_1117 = arith.subf %select_n3A_1107, %sub3A_1116 : vector<16xf32>
      %add3A_1118 = arith.constant 1.000000e+00 : f32
      %add3A_1119 = vector.broadcast %add3A_1118 : f32 to vector<16xf32>
      %add3A_1120 = arith.addf %select_n3A_1107, %add3A_1119 : vector<16xf32>
      %div3A_1121 = arith.divf %sub3A_1117, %add3A_1120 : vector<16xf32>
      %mul3A_1122 = arith.mulf %div3A_1121, %div3A_1121 : vector<16xf32>
      %mul3A_1123 = arith.constant 0.222222224 : f32
      %mul3A_1124 = vector.broadcast %mul3A_1123 : f32 to vector<16xf32>
      %mul3A_1125 = arith.mulf %mul3A_1122, %mul3A_1124 : vector<16xf32>
      %add3A_1126 = arith.constant 0.285714298 : f32
      %add3A_1127 = vector.broadcast %add3A_1126 : f32 to vector<16xf32>
      %add3A_1128 = arith.addf %add3A_1127, %mul3A_1125 : vector<16xf32>
      %mul3A_1129 = arith.mulf %mul3A_1122, %add3A_1128 : vector<16xf32>
      %add3A_1130 = arith.constant 0.400000095 : f32
      %add3A_1131 = vector.broadcast %add3A_1130 : f32 to vector<16xf32>
      %add3A_1132 = arith.addf %add3A_1131, %mul3A_1129 : vector<16xf32>
      %mul3A_1133 = arith.mulf %mul3A_1122, %add3A_1132 : vector<16xf32>
      %add3A_1134 = arith.constant 0.666666627 : f32
      %add3A_1135 = vector.broadcast %add3A_1134 : f32 to vector<16xf32>
      %add3A_1136 = arith.addf %add3A_1135, %mul3A_1133 : vector<16xf32>
      %mul3A_1137 = arith.mulf %mul3A_1122, %add3A_1136 : vector<16xf32>
      %add3A_1138 = arith.constant 2.000000e+00 : f32
      %add3A_1139 = vector.broadcast %add3A_1138 : f32 to vector<16xf32>
      %add3A_1140 = arith.addf %add3A_1139, %mul3A_1137 : vector<16xf32>
      %mul3A_1141 = arith.mulf %div3A_1121, %add3A_1140 : vector<16xf32>
      %mul3A_1142 = arith.constant 0.693147182 : f32
      %mul3A_1143 = vector.broadcast %mul3A_1142 : f32 to vector<16xf32>
      %mul3A_1144 = arith.mulf %add3A_1114, %mul3A_1143 : vector<16xf32>
      %add3A_1145 = arith.addf %mul3A_1141, %mul3A_1144 : vector<16xf32>
      %mul3A_1146 = arith.mulf %neg3A_1083, %add3A_1145 : vector<16xf32>
      %mul3A_1147 = arith.constant 1.000000e+01 : f32
      %mul3A_1148 = vector.broadcast %mul3A_1147 : f32 to vector<16xf32>
      %mul3A_1149 = arith.mulf %mul3A_1148, %mul3A_1146 : vector<16xf32>
      %select_n3A_1150 = arith.select %and3A_1069, %mul3A_1149, %broadcast_in_dim3A_6 : vector<16xi1>, vector<16xf32>
      %add3A_1151 = arith.addf %add3A_941, %select_n3A_1150 : vector<16xf32>
      %broadcast_in_dim3A_1152 = arith.constant -1.000000e+30 : f32
      %broadcast_in_dim3A_1153 = vector.broadcast %broadcast_in_dim3A_1152 : f32 to vector<16xf32>
      %get3A_1154 = arith.constant 48 : index
      %get3A_1155 = tpu.vector_load %arg15[%get3A_1154] {strides = array<i32>} : memref<2048xf32, #tpu.memory_space<vmem>>, vector<16xf32>,
      %gt3A_1156 = arith.cmpf ogt, %get3A_1155, %broadcast_in_dim3A_1153 : vector<16xf32>
      %max3A_1157 = arith.maximumf %broadcast_in_dim3A_1153, %get3A_1155 : vector<16xf32>
      %get3A_1158 = arith.constant 112 : index
      %get3A_1159 = tpu.vector_load %arg15[%get3A_1158] {strides = array<i32>} : memref<2048xf32, #tpu.memory_space<vmem>>, vector<16xf32>,
      %select_n3A_1160 = arith.select %gt3A_1156, %get3A_1159, %broadcast_in_dim3A_6 : vector<16xi1>, vector<16xf32>
      %get3A_1161 = arith.constant 176 : index
      %get3A_1162 = tpu.vector_load %arg15[%get3A_1161] {strides = array<i32>} : memref<2048xf32, #tpu.memory_space<vmem>>, vector<16xf32>,
      %gt3A_1163 = arith.cmpf ogt, %get3A_1162, %max3A_1157 : vector<16xf32>
      %max3A_1164 = arith.maximumf %max3A_1157, %get3A_1162 : vector<16xf32>
      %get3A_1165 = arith.constant 240 : index
      %get3A_1166 = tpu.vector_load %arg15[%get3A_1165] {strides = array<i32>} : memref<2048xf32, #tpu.memory_space<vmem>>, vector<16xf32>,
      %select_n3A_1167 = arith.select %gt3A_1163, %get3A_1166, %select_n3A_1160 : vector<16xi1>, vector<16xf32>
      %get3A_1168 = arith.constant 304 : index
      %get3A_1169 = tpu.vector_load %arg15[%get3A_1168] {strides = array<i32>} : memref<2048xf32, #tpu.memory_space<vmem>>, vector<16xf32>,
      %gt3A_1170 = arith.cmpf ogt, %get3A_1169, %max3A_1164 : vector<16xf32>
      %max3A_1171 = arith.maximumf %max3A_1164, %get3A_1169 : vector<16xf32>
      %get3A_1172 = arith.constant 368 : index
      %get3A_1173 = tpu.vector_load %arg15[%get3A_1172] {strides = array<i32>} : memref<2048xf32, #tpu.memory_space<vmem>>, vector<16xf32>,
      %select_n3A_1174 = arith.select %gt3A_1170, %get3A_1173, %select_n3A_1167 : vector<16xi1>, vector<16xf32>
      %get3A_1175 = arith.constant 432 : index
      %get3A_1176 = tpu.vector_load %arg15[%get3A_1175] {strides = array<i32>} : memref<2048xf32, #tpu.memory_space<vmem>>, vector<16xf32>,
      %gt3A_1177 = arith.cmpf ogt, %get3A_1176, %max3A_1171 : vector<16xf32>
      %max3A_1178 = arith.maximumf %max3A_1171, %get3A_1176 : vector<16xf32>
      %get3A_1179 = arith.constant 496 : index
      %get3A_1180 = tpu.vector_load %arg15[%get3A_1179] {strides = array<i32>} : memref<2048xf32, #tpu.memory_space<vmem>>, vector<16xf32>,
      %select_n3A_1181 = arith.select %gt3A_1177, %get3A_1180, %select_n3A_1174 : vector<16xi1>, vector<16xf32>
      %get3A_1182 = arith.constant 560 : index
      %get3A_1183 = tpu.vector_load %arg15[%get3A_1182] {strides = array<i32>} : memref<2048xf32, #tpu.memory_space<vmem>>, vector<16xf32>,
      %gt3A_1184 = arith.cmpf ogt, %get3A_1183, %max3A_1178 : vector<16xf32>
      %max3A_1185 = arith.maximumf %max3A_1178, %get3A_1183 : vector<16xf32>
      %get3A_1186 = arith.constant 624 : index
      %get3A_1187 = tpu.vector_load %arg15[%get3A_1186] {strides = array<i32>} : memref<2048xf32, #tpu.memory_space<vmem>>, vector<16xf32>,
      %select_n3A_1188 = arith.select %gt3A_1184, %get3A_1187, %select_n3A_1181 : vector<16xi1>, vector<16xf32>
      %get3A_1189 = arith.constant 688 : index
      %get3A_1190 = tpu.vector_load %arg15[%get3A_1189] {strides = array<i32>} : memref<2048xf32, #tpu.memory_space<vmem>>, vector<16xf32>,
      %gt3A_1191 = arith.cmpf ogt, %get3A_1190, %max3A_1185 : vector<16xf32>
      %max3A_1192 = arith.maximumf %max3A_1185, %get3A_1190 : vector<16xf32>
      %get3A_1193 = arith.constant 752 : index
      %get3A_1194 = tpu.vector_load %arg15[%get3A_1193] {strides = array<i32>} : memref<2048xf32, #tpu.memory_space<vmem>>, vector<16xf32>,
      %select_n3A_1195 = arith.select %gt3A_1191, %get3A_1194, %select_n3A_1188 : vector<16xi1>, vector<16xf32>
      %get3A_1196 = arith.constant 816 : index
      %get3A_1197 = tpu.vector_load %arg15[%get3A_1196] {strides = array<i32>} : memref<2048xf32, #tpu.memory_space<vmem>>, vector<16xf32>,
      %gt3A_1198 = arith.cmpf ogt, %get3A_1197, %max3A_1192 : vector<16xf32>
      %max3A_1199 = arith.maximumf %max3A_1192, %get3A_1197 : vector<16xf32>
      %get3A_1200 = arith.constant 880 : index
      %get3A_1201 = tpu.vector_load %arg15[%get3A_1200] {strides = array<i32>} : memref<2048xf32, #tpu.memory_space<vmem>>, vector<16xf32>,
      %select_n3A_1202 = arith.select %gt3A_1198, %get3A_1201, %select_n3A_1195 : vector<16xi1>, vector<16xf32>
      %get3A_1203 = arith.constant 944 : index
      %get3A_1204 = tpu.vector_load %arg15[%get3A_1203] {strides = array<i32>} : memref<2048xf32, #tpu.memory_space<vmem>>, vector<16xf32>,
      %gt3A_1205 = arith.cmpf ogt, %get3A_1204, %max3A_1199 : vector<16xf32>
      %max3A_1206 = arith.maximumf %max3A_1199, %get3A_1204 : vector<16xf32>
      %get3A_1207 = arith.constant 1008 : index
      %get3A_1208 = tpu.vector_load %arg15[%get3A_1207] {strides = array<i32>} : memref<2048xf32, #tpu.memory_space<vmem>>, vector<16xf32>,
      %select_n3A_1209 = arith.select %gt3A_1205, %get3A_1208, %select_n3A_1202 : vector<16xi1>, vector<16xf32>
      %get3A_1210 = arith.constant 1072 : index
      %get3A_1211 = tpu.vector_load %arg15[%get3A_1210] {strides = array<i32>} : memref<2048xf32, #tpu.memory_space<vmem>>, vector<16xf32>,
      %gt3A_1212 = arith.cmpf ogt, %get3A_1211, %max3A_1206 : vector<16xf32>
      %max3A_1213 = arith.maximumf %max3A_1206, %get3A_1211 : vector<16xf32>
      %get3A_1214 = arith.constant 1136 : index
      %get3A_1215 = tpu.vector_load %arg15[%get3A_1214] {strides = array<i32>} : memref<2048xf32, #tpu.memory_space<vmem>>, vector<16xf32>,
      %select_n3A_1216 = arith.select %gt3A_1212, %get3A_1215, %select_n3A_1209 : vector<16xi1>, vector<16xf32>
      %get3A_1217 = arith.constant 1200 : index
      %get3A_1218 = tpu.vector_load %arg15[%get3A_1217] {strides = array<i32>} : memref<2048xf32, #tpu.memory_space<vmem>>, vector<16xf32>,
      %gt3A_1219 = arith.cmpf ogt, %get3A_1218, %max3A_1213 : vector<16xf32>
      %max3A_1220 = arith.maximumf %max3A_1213, %get3A_1218 : vector<16xf32>
      %get3A_1221 = arith.constant 1264 : index
      %get3A_1222 = tpu.vector_load %arg15[%get3A_1221] {strides = array<i32>} : memref<2048xf32, #tpu.memory_space<vmem>>, vector<16xf32>,
      %select_n3A_1223 = arith.select %gt3A_1219, %get3A_1222, %select_n3A_1216 : vector<16xi1>, vector<16xf32>
      %get3A_1224 = arith.constant 1328 : index
      %get3A_1225 = tpu.vector_load %arg15[%get3A_1224] {strides = array<i32>} : memref<2048xf32, #tpu.memory_space<vmem>>, vector<16xf32>,
      %gt3A_1226 = arith.cmpf ogt, %get3A_1225, %max3A_1220 : vector<16xf32>
      %max3A_1227 = arith.maximumf %max3A_1220, %get3A_1225 : vector<16xf32>
      %get3A_1228 = arith.constant 1392 : index
      %get3A_1229 = tpu.vector_load %arg15[%get3A_1228] {strides = array<i32>} : memref<2048xf32, #tpu.memory_space<vmem>>, vector<16xf32>,
      %select_n3A_1230 = arith.select %gt3A_1226, %get3A_1229, %select_n3A_1223 : vector<16xi1>, vector<16xf32>
      %get3A_1231 = arith.constant 1456 : index
      %get3A_1232 = tpu.vector_load %arg15[%get3A_1231] {strides = array<i32>} : memref<2048xf32, #tpu.memory_space<vmem>>, vector<16xf32>,
      %gt3A_1233 = arith.cmpf ogt, %get3A_1232, %max3A_1227 : vector<16xf32>
      %max3A_1234 = arith.maximumf %max3A_1227, %get3A_1232 : vector<16xf32>
      %get3A_1235 = arith.constant 1520 : index
      %get3A_1236 = tpu.vector_load %arg15[%get3A_1235] {strides = array<i32>} : memref<2048xf32, #tpu.memory_space<vmem>>, vector<16xf32>,
      %select_n3A_1237 = arith.select %gt3A_1233, %get3A_1236, %select_n3A_1230 : vector<16xi1>, vector<16xf32>
      %get3A_1238 = arith.constant 1584 : index
      %get3A_1239 = tpu.vector_load %arg15[%get3A_1238] {strides = array<i32>} : memref<2048xf32, #tpu.memory_space<vmem>>, vector<16xf32>,
      %gt3A_1240 = arith.cmpf ogt, %get3A_1239, %max3A_1234 : vector<16xf32>
      %max3A_1241 = arith.maximumf %max3A_1234, %get3A_1239 : vector<16xf32>
      %get3A_1242 = arith.constant 1648 : index
      %get3A_1243 = tpu.vector_load %arg15[%get3A_1242] {strides = array<i32>} : memref<2048xf32, #tpu.memory_space<vmem>>, vector<16xf32>,
      %select_n3A_1244 = arith.select %gt3A_1240, %get3A_1243, %select_n3A_1237 : vector<16xi1>, vector<16xf32>
      %get3A_1245 = arith.constant 1712 : index
      %get3A_1246 = tpu.vector_load %arg15[%get3A_1245] {strides = array<i32>} : memref<2048xf32, #tpu.memory_space<vmem>>, vector<16xf32>,
      %gt3A_1247 = arith.cmpf ogt, %get3A_1246, %max3A_1241 : vector<16xf32>
      %max3A_1248 = arith.maximumf %max3A_1241, %get3A_1246 : vector<16xf32>
      %get3A_1249 = arith.constant 1776 : index
      %get3A_1250 = tpu.vector_load %arg15[%get3A_1249] {strides = array<i32>} : memref<2048xf32, #tpu.memory_space<vmem>>, vector<16xf32>,
      %select_n3A_1251 = arith.select %gt3A_1247, %get3A_1250, %select_n3A_1244 : vector<16xi1>, vector<16xf32>
      %get3A_1252 = arith.constant 1840 : index
      %get3A_1253 = tpu.vector_load %arg15[%get3A_1252] {strides = array<i32>} : memref<2048xf32, #tpu.memory_space<vmem>>, vector<16xf32>,
      %gt3A_1254 = arith.cmpf ogt, %get3A_1253, %max3A_1248 : vector<16xf32>
      %max3A_1255 = arith.maximumf %max3A_1248, %get3A_1253 : vector<16xf32>
      %get3A_1256 = arith.constant 1904 : index
      %get3A_1257 = tpu.vector_load %arg15[%get3A_1256] {strides = array<i32>} : memref<2048xf32, #tpu.memory_space<vmem>>, vector<16xf32>,
      %select_n3A_1258 = arith.select %gt3A_1254, %get3A_1257, %select_n3A_1251 : vector<16xi1>, vector<16xf32>
      %get3A_1259 = arith.constant 1968 : index
      %get3A_1260 = tpu.vector_load %arg15[%get3A_1259] {strides = array<i32>} : memref<2048xf32, #tpu.memory_space<vmem>>, vector<16xf32>,
      %gt3A_1261 = arith.cmpf ogt, %get3A_1260, %max3A_1255 : vector<16xf32>
      %max3A_1262 = arith.maximumf %max3A_1255, %get3A_1260 : vector<16xf32>
      %get3A_1263 = arith.constant 2032 : index
      %get3A_1264 = tpu.vector_load %arg15[%get3A_1263] {strides = array<i32>} : memref<2048xf32, #tpu.memory_space<vmem>>, vector<16xf32>,
      %select_n3A_1265 = arith.select %gt3A_1261, %get3A_1264, %select_n3A_1258 : vector<16xi1>, vector<16xf32>
      %add3A_1266 = arith.constant 48 : i32
      %add3A_1267 = vector.broadcast %add3A_1266 : i32 to vector<16xi32>
      %add3A_1268 = arith.addi %iota3A, %add3A_1267 : vector<16xi32>
      %lt3A_1269 = arith.cmpi slt, %add3A_1268, %bitcast3A : vector<16xi32>
      %le3A_1270 = arith.cmpf ole, %max3A_1262, %get3A_272 : vector<16xf32>
      %and3A_1271 = arith.andi %lt3A_1269, %le3A_1270 : vector<16xi1>
      %ge3A_1272 = vector.broadcast %convert_element_type3A : f32 to vector<16xf32>
      %ge3A_1273 = arith.cmpf oge, %select_n3A_1265, %ge3A_1272 : vector<16xf32>
      %and3A_1274 = arith.andi %and3A_1271, %ge3A_1273 : vector<16xi1>
      %add3A_1275 = arith.constant 3.200000e+02 : f32
      %add3A_1276 = arith.addf %convert_element_type3A, %add3A_1275 : f32
      %lt3A_1277 = vector.broadcast %add3A_1276 : f32 to vector<16xf32>
      %lt3A_1278 = arith.cmpf olt, %select_n3A_1265, %lt3A_1277 : vector<16xf32>
      %and3A_1279 = arith.andi %and3A_1274, %lt3A_1278 : vector<16xi1>
      %sub3A_1280 = vector.broadcast %convert_element_type3A : f32 to vector<16xf32>
      %sub3A_1281 = arith.subf %select_n3A_1265, %sub3A_1280 : vector<16xf32>
      %convert_element_type3A_1282 = arith.fptosi %sub3A_1281 : vector<16xf32> to vector<16xi32>
      tpu.vector_store_idx %arg13[%convert_element_type3A_1282], %broadcast_in_dim3A_4 masked %and3A_1279 : memref<320xf32, #tpu.memory_space<vmem>>[vector<16xi32>], vector<16xf32>, vector<16xi1>
      %add3A_1283 = arith.constant 320 : i32
      %add3A_1284 = vector.broadcast %add3A_1283 : i32 to vector<16xi32>
      %add3A_1285 = arith.addi %convert_element_type3A_1282, %add3A_1284 : vector<16xi32>
      %gather3A_1286 = tpu.vector_load_idx %arg10[%add3A_1285] masked %and3A_1279 : memref<640xf32, #tpu.memory_space<vmem>>[vector<16xi32>], vector<16xf32>, vector<16xi1>
      %sub3A_1287 = arith.constant 1.000000e+00 : f32
      %sub3A_1288 = vector.broadcast %sub3A_1287 : f32 to vector<16xf32>
      %sub3A_1289 = arith.subf %sub3A_1288, %gather3A_1286 : vector<16xf32>
      %mul3A_1290 = arith.mulf %sub3A_1289, %sub3A_1289 : vector<16xf32>
      %neg3A_1291 = arith.constant 0.000000e+00 : f32
      %neg3A_1292 = vector.broadcast %neg3A_1291 : f32 to vector<16xf32>
      %neg3A_1293 = arith.subf %neg3A_1292, %mul3A_1290 : vector<16xf32>
      %bitcast3A_1294 = vector.bitcast %gather3A_1286 : vector<16xf32> to vector<16xi32>
      %shift_right_logical3A_1295 = arith.constant 23 : i32
      %shift_right_logical3A_1296 = vector.broadcast %shift_right_logical3A_1295 : i32 to vector<16xi32>
      %shift_right_logical3A_1297 = arith.shrui %bitcast3A_1294, %shift_right_logical3A_1296 : vector<16xi32>
      %and3A_1298 = arith.constant 255 : i32
      %and3A_1299 = vector.broadcast %and3A_1298 : i32 to vector<16xi32>
      %and3A_1300 = arith.andi %shift_right_logical3A_1297, %and3A_1299 : vector<16xi32>
      %sub3A_1301 = arith.constant 127 : i32
      %sub3A_1302 = vector.broadcast %sub3A_1301 : i32 to vector<16xi32>
      %sub3A_1303 = arith.subi %and3A_1300, %sub3A_1302 : vector<16xi32>
      %and3A_1304 = arith.constant 8388607 : i32
      %and3A_1305 = vector.broadcast %and3A_1304 : i32 to vector<16xi32>
      %and3A_1306 = arith.andi %bitcast3A_1294, %and3A_1305 : vector<16xi32>
      %or3A_1307 = arith.constant 1065353216 : i32
      %or3A_1308 = vector.broadcast %or3A_1307 : i32 to vector<16xi32>
      %or3A_1309 = arith.ori %and3A_1306, %or3A_1308 : vector<16xi32>
      %bitcast3A_1310 = vector.bitcast %or3A_1309 : vector<16xi32> to vector<16xf32>
      %gt3A_1311 = arith.constant 1.41421354 : f32
      %gt3A_1312 = vector.broadcast %gt3A_1311 : f32 to vector<16xf32>
      %gt3A_1313 = arith.cmpf ogt, %bitcast3A_1310, %gt3A_1312 : vector<16xf32>
      %mul3A_1314 = arith.constant 5.000000e-01 : f32
      %mul3A_1315 = vector.broadcast %mul3A_1314 : f32 to vector<16xf32>
      %mul3A_1316 = arith.mulf %bitcast3A_1310, %mul3A_1315 : vector<16xf32>
      %select_n3A_1317 = arith.select %gt3A_1313, %mul3A_1316, %bitcast3A_1310 : vector<16xi1>, vector<16xf32>
      %convert_element_type3A_1318 = arith.sitofp %sub3A_1303 : vector<16xi32> to vector<16xf32>
      %jit3A_1319 = arith.constant 1.000000e+00 : f32
      %jit3A_1320 = arith.constant 0.000000e+00 : f32
      %broadcast_in_dim3A_1321 = vector.broadcast %jit3A_1319 : f32 to vector<16xf32>
      %broadcast_in_dim3A_1322 = vector.broadcast %jit3A_1320 : f32 to vector<16xf32>
      %select_n3A_1323 = arith.select %gt3A_1313, %broadcast_in_dim3A_1321, %broadcast_in_dim3A_1322 : vector<16xi1>, vector<16xf32>
      %add3A_1324 = arith.addf %convert_element_type3A_1318, %select_n3A_1323 : vector<16xf32>
      %sub3A_1325 = arith.constant 1.000000e+00 : f32
      %sub3A_1326 = vector.broadcast %sub3A_1325 : f32 to vector<16xf32>
      %sub3A_1327 = arith.subf %select_n3A_1317, %sub3A_1326 : vector<16xf32>
      %add3A_1328 = arith.constant 1.000000e+00 : f32
      %add3A_1329 = vector.broadcast %add3A_1328 : f32 to vector<16xf32>
      %add3A_1330 = arith.addf %select_n3A_1317, %add3A_1329 : vector<16xf32>
      %div3A_1331 = arith.divf %sub3A_1327, %add3A_1330 : vector<16xf32>
      %mul3A_1332 = arith.mulf %div3A_1331, %div3A_1331 : vector<16xf32>
      %mul3A_1333 = arith.constant 0.222222224 : f32
      %mul3A_1334 = vector.broadcast %mul3A_1333 : f32 to vector<16xf32>
      %mul3A_1335 = arith.mulf %mul3A_1332, %mul3A_1334 : vector<16xf32>
      %add3A_1336 = arith.constant 0.285714298 : f32
      %add3A_1337 = vector.broadcast %add3A_1336 : f32 to vector<16xf32>
      %add3A_1338 = arith.addf %add3A_1337, %mul3A_1335 : vector<16xf32>
      %mul3A_1339 = arith.mulf %mul3A_1332, %add3A_1338 : vector<16xf32>
      %add3A_1340 = arith.constant 0.400000095 : f32
      %add3A_1341 = vector.broadcast %add3A_1340 : f32 to vector<16xf32>
      %add3A_1342 = arith.addf %add3A_1341, %mul3A_1339 : vector<16xf32>
      %mul3A_1343 = arith.mulf %mul3A_1332, %add3A_1342 : vector<16xf32>
      %add3A_1344 = arith.constant 0.666666627 : f32
      %add3A_1345 = vector.broadcast %add3A_1344 : f32 to vector<16xf32>
      %add3A_1346 = arith.addf %add3A_1345, %mul3A_1343 : vector<16xf32>
      %mul3A_1347 = arith.mulf %mul3A_1332, %add3A_1346 : vector<16xf32>
      %add3A_1348 = arith.constant 2.000000e+00 : f32
      %add3A_1349 = vector.broadcast %add3A_1348 : f32 to vector<16xf32>
      %add3A_1350 = arith.addf %add3A_1349, %mul3A_1347 : vector<16xf32>
      %mul3A_1351 = arith.mulf %div3A_1331, %add3A_1350 : vector<16xf32>
      %mul3A_1352 = arith.constant 0.693147182 : f32
      %mul3A_1353 = vector.broadcast %mul3A_1352 : f32 to vector<16xf32>
      %mul3A_1354 = arith.mulf %add3A_1324, %mul3A_1353 : vector<16xf32>
      %add3A_1355 = arith.addf %mul3A_1351, %mul3A_1354 : vector<16xf32>
      %mul3A_1356 = arith.mulf %neg3A_1293, %add3A_1355 : vector<16xf32>
      %mul3A_1357 = arith.constant 1.000000e+01 : f32
      %mul3A_1358 = vector.broadcast %mul3A_1357 : f32 to vector<16xf32>
      %mul3A_1359 = arith.mulf %mul3A_1358, %mul3A_1356 : vector<16xf32>
      %select_n3A_1360 = arith.select %and3A_1279, %mul3A_1359, %broadcast_in_dim3A_6 : vector<16xi1>, vector<16xf32>
      %add3A_1361 = arith.addf %add3A_1151, %select_n3A_1360 : vector<16xf32>
      %get3A_1362 = arith.constant 0 : index
      %get3A_1363 = tpu.vector_load %arg12[%get3A_1362] {strides = array<i32>} : memref<320xf32, #tpu.memory_space<vmem>>, vector<16xf32>,
      %gt3A_1364 = arith.constant 0.000000e+00 : f32
      %gt3A_1365 = vector.broadcast %gt3A_1364 : f32 to vector<16xf32>
      %gt3A_1366 = arith.cmpf ogt, %get3A_1363, %gt3A_1365 : vector<16xf32>
      %get3A_1367 = arith.constant 0 : index
      %get3A_1368 = tpu.vector_load %arg13[%get3A_1367] {strides = array<i32>} : memref<320xf32, #tpu.memory_space<vmem>>, vector<16xf32>,
      %gt3A_1369 = arith.constant 0.000000e+00 : f32
      %gt3A_1370 = vector.broadcast %gt3A_1369 : f32 to vector<16xf32>
      %gt3A_1371 = arith.cmpf ogt, %get3A_1368, %gt3A_1370 : vector<16xf32>
      %or3A_1372 = arith.ori %gt3A_1366, %gt3A_1371 : vector<16xi1>
      %get3A_1373 = arith.constant 320 : index
      %get3A_1374 = tpu.vector_load %arg10[%get3A_1373] {strides = array<i32>} : memref<640xf32, #tpu.memory_space<vmem>>, vector<16xf32>,
      %get3A_1375 = arith.constant 0 : index
      %get3A_1376 = tpu.vector_load %arg10[%get3A_1375] {strides = array<i32>} : memref<640xf32, #tpu.memory_space<vmem>>, vector<16xf32>,
      %select_n3A_1377 = arith.select %or3A_1372, %get3A_1374, %get3A_1376 : vector<16xi1>, vector<16xf32>
      %sub3A_1378 = arith.constant 1.000000e+00 : f32
      %sub3A_1379 = vector.broadcast %sub3A_1378 : f32 to vector<16xf32>
      %sub3A_1380 = arith.subf %sub3A_1379, %select_n3A_1377 : vector<16xf32>
      %mul3A_1381 = arith.mulf %sub3A_1380, %sub3A_1380 : vector<16xf32>
      %neg3A_1382 = arith.constant 0.000000e+00 : f32
      %neg3A_1383 = vector.broadcast %neg3A_1382 : f32 to vector<16xf32>
      %neg3A_1384 = arith.subf %neg3A_1383, %mul3A_1381 : vector<16xf32>
      %bitcast3A_1385 = vector.bitcast %select_n3A_1377 : vector<16xf32> to vector<16xi32>
      %shift_right_logical3A_1386 = arith.constant 23 : i32
      %shift_right_logical3A_1387 = vector.broadcast %shift_right_logical3A_1386 : i32 to vector<16xi32>
      %shift_right_logical3A_1388 = arith.shrui %bitcast3A_1385, %shift_right_logical3A_1387 : vector<16xi32>
      %and3A_1389 = arith.constant 255 : i32
      %and3A_1390 = vector.broadcast %and3A_1389 : i32 to vector<16xi32>
      %and3A_1391 = arith.andi %shift_right_logical3A_1388, %and3A_1390 : vector<16xi32>
      %sub3A_1392 = arith.constant 127 : i32
      %sub3A_1393 = vector.broadcast %sub3A_1392 : i32 to vector<16xi32>
      %sub3A_1394 = arith.subi %and3A_1391, %sub3A_1393 : vector<16xi32>
      %and3A_1395 = arith.constant 8388607 : i32
      %and3A_1396 = vector.broadcast %and3A_1395 : i32 to vector<16xi32>
      %and3A_1397 = arith.andi %bitcast3A_1385, %and3A_1396 : vector<16xi32>
      %or3A_1398 = arith.constant 1065353216 : i32
      %or3A_1399 = vector.broadcast %or3A_1398 : i32 to vector<16xi32>
      %or3A_1400 = arith.ori %and3A_1397, %or3A_1399 : vector<16xi32>
      %bitcast3A_1401 = vector.bitcast %or3A_1400 : vector<16xi32> to vector<16xf32>
      %gt3A_1402 = arith.constant 1.41421354 : f32
      %gt3A_1403 = vector.broadcast %gt3A_1402 : f32 to vector<16xf32>
      %gt3A_1404 = arith.cmpf ogt, %bitcast3A_1401, %gt3A_1403 : vector<16xf32>
      %mul3A_1405 = arith.constant 5.000000e-01 : f32
      %mul3A_1406 = vector.broadcast %mul3A_1405 : f32 to vector<16xf32>
      %mul3A_1407 = arith.mulf %bitcast3A_1401, %mul3A_1406 : vector<16xf32>
      %select_n3A_1408 = arith.select %gt3A_1404, %mul3A_1407, %bitcast3A_1401 : vector<16xi1>, vector<16xf32>
      %convert_element_type3A_1409 = arith.sitofp %sub3A_1394 : vector<16xi32> to vector<16xf32>
      %jit3A_1410 = arith.constant 1.000000e+00 : f32
      %jit3A_1411 = arith.constant 0.000000e+00 : f32
      %broadcast_in_dim3A_1412 = vector.broadcast %jit3A_1410 : f32 to vector<16xf32>
      %broadcast_in_dim3A_1413 = vector.broadcast %jit3A_1411 : f32 to vector<16xf32>
      %select_n3A_1414 = arith.select %gt3A_1404, %broadcast_in_dim3A_1412, %broadcast_in_dim3A_1413 : vector<16xi1>, vector<16xf32>
      %add3A_1415 = arith.addf %convert_element_type3A_1409, %select_n3A_1414 : vector<16xf32>
      %sub3A_1416 = arith.constant 1.000000e+00 : f32
      %sub3A_1417 = vector.broadcast %sub3A_1416 : f32 to vector<16xf32>
      %sub3A_1418 = arith.subf %select_n3A_1408, %sub3A_1417 : vector<16xf32>
      %add3A_1419 = arith.constant 1.000000e+00 : f32
      %add3A_1420 = vector.broadcast %add3A_1419 : f32 to vector<16xf32>
      %add3A_1421 = arith.addf %select_n3A_1408, %add3A_1420 : vector<16xf32>
      %div3A_1422 = arith.divf %sub3A_1418, %add3A_1421 : vector<16xf32>
      %mul3A_1423 = arith.mulf %div3A_1422, %div3A_1422 : vector<16xf32>
      %mul3A_1424 = arith.constant 0.222222224 : f32
      %mul3A_1425 = vector.broadcast %mul3A_1424 : f32 to vector<16xf32>
      %mul3A_1426 = arith.mulf %mul3A_1423, %mul3A_1425 : vector<16xf32>
      %add3A_1427 = arith.constant 0.285714298 : f32
      %add3A_1428 = vector.broadcast %add3A_1427 : f32 to vector<16xf32>
      %add3A_1429 = arith.addf %add3A_1428, %mul3A_1426 : vector<16xf32>
      %mul3A_1430 = arith.mulf %mul3A_1423, %add3A_1429 : vector<16xf32>
      %add3A_1431 = arith.constant 0.400000095 : f32
      %add3A_1432 = vector.broadcast %add3A_1431 : f32 to vector<16xf32>
      %add3A_1433 = arith.addf %add3A_1432, %mul3A_1430 : vector<16xf32>
      %mul3A_1434 = arith.mulf %mul3A_1423, %add3A_1433 : vector<16xf32>
      %add3A_1435 = arith.constant 0.666666627 : f32
      %add3A_1436 = vector.broadcast %add3A_1435 : f32 to vector<16xf32>
      %add3A_1437 = arith.addf %add3A_1436, %mul3A_1434 : vector<16xf32>
      %mul3A_1438 = arith.mulf %mul3A_1423, %add3A_1437 : vector<16xf32>
      %add3A_1439 = arith.constant 2.000000e+00 : f32
      %add3A_1440 = vector.broadcast %add3A_1439 : f32 to vector<16xf32>
      %add3A_1441 = arith.addf %add3A_1440, %mul3A_1438 : vector<16xf32>
      %mul3A_1442 = arith.mulf %div3A_1422, %add3A_1441 : vector<16xf32>
      %mul3A_1443 = arith.constant 0.693147182 : f32
      %mul3A_1444 = vector.broadcast %mul3A_1443 : f32 to vector<16xf32>
      %mul3A_1445 = arith.mulf %add3A_1415, %mul3A_1444 : vector<16xf32>
      %add3A_1446 = arith.addf %mul3A_1442, %mul3A_1445 : vector<16xf32>
      %mul3A_1447 = arith.mulf %neg3A_1384, %add3A_1446 : vector<16xf32>
      %mul3A_1448 = arith.constant 1.000000e+01 : f32
      %mul3A_1449 = vector.broadcast %mul3A_1448 : f32 to vector<16xf32>
      %mul3A_1450 = arith.mulf %mul3A_1449, %get3A_1363 : vector<16xf32>
      %add3A_1451 = arith.constant 1.000000e+00 : f32
      %add3A_1452 = vector.broadcast %add3A_1451 : f32 to vector<16xf32>
      %add3A_1453 = arith.addf %add3A_1452, %mul3A_1450 : vector<16xf32>
      %mul3A_1454 = arith.mulf %mul3A_1447, %add3A_1453 : vector<16xf32>
      %add3A_1455 = arith.addf %add3A_1361, %mul3A_1454 : vector<16xf32>
      %get3A_1456 = arith.constant 16 : index
      %get3A_1457 = tpu.vector_load %arg12[%get3A_1456] {strides = array<i32>} : memref<320xf32, #tpu.memory_space<vmem>>, vector<16xf32>,
      %gt3A_1458 = arith.constant 0.000000e+00 : f32
      %gt3A_1459 = vector.broadcast %gt3A_1458 : f32 to vector<16xf32>
      %gt3A_1460 = arith.cmpf ogt, %get3A_1457, %gt3A_1459 : vector<16xf32>
      %get3A_1461 = arith.constant 16 : index
      %get3A_1462 = tpu.vector_load %arg13[%get3A_1461] {strides = array<i32>} : memref<320xf32, #tpu.memory_space<vmem>>, vector<16xf32>,
      %gt3A_1463 = arith.constant 0.000000e+00 : f32
      %gt3A_1464 = vector.broadcast %gt3A_1463 : f32 to vector<16xf32>
      %gt3A_1465 = arith.cmpf ogt, %get3A_1462, %gt3A_1464 : vector<16xf32>
      %or3A_1466 = arith.ori %gt3A_1460, %gt3A_1465 : vector<16xi1>
      %get3A_1467 = arith.constant 336 : index
      %get3A_1468 = tpu.vector_load %arg10[%get3A_1467] {strides = array<i32>} : memref<640xf32, #tpu.memory_space<vmem>>, vector<16xf32>,
      %get3A_1469 = arith.constant 16 : index
      %get3A_1470 = tpu.vector_load %arg10[%get3A_1469] {strides = array<i32>} : memref<640xf32, #tpu.memory_space<vmem>>, vector<16xf32>,
      %select_n3A_1471 = arith.select %or3A_1466, %get3A_1468, %get3A_1470 : vector<16xi1>, vector<16xf32>
      %sub3A_1472 = arith.constant 1.000000e+00 : f32
      %sub3A_1473 = vector.broadcast %sub3A_1472 : f32 to vector<16xf32>
      %sub3A_1474 = arith.subf %sub3A_1473, %select_n3A_1471 : vector<16xf32>
      %mul3A_1475 = arith.mulf %sub3A_1474, %sub3A_1474 : vector<16xf32>
      %neg3A_1476 = arith.constant 0.000000e+00 : f32
      %neg3A_1477 = vector.broadcast %neg3A_1476 : f32 to vector<16xf32>
      %neg3A_1478 = arith.subf %neg3A_1477, %mul3A_1475 : vector<16xf32>
      %bitcast3A_1479 = vector.bitcast %select_n3A_1471 : vector<16xf32> to vector<16xi32>
      %shift_right_logical3A_1480 = arith.constant 23 : i32
      %shift_right_logical3A_1481 = vector.broadcast %shift_right_logical3A_1480 : i32 to vector<16xi32>
      %shift_right_logical3A_1482 = arith.shrui %bitcast3A_1479, %shift_right_logical3A_1481 : vector<16xi32>
      %and3A_1483 = arith.constant 255 : i32
      %and3A_1484 = vector.broadcast %and3A_1483 : i32 to vector<16xi32>
      %and3A_1485 = arith.andi %shift_right_logical3A_1482, %and3A_1484 : vector<16xi32>
      %sub3A_1486 = arith.constant 127 : i32
      %sub3A_1487 = vector.broadcast %sub3A_1486 : i32 to vector<16xi32>
      %sub3A_1488 = arith.subi %and3A_1485, %sub3A_1487 : vector<16xi32>
      %and3A_1489 = arith.constant 8388607 : i32
      %and3A_1490 = vector.broadcast %and3A_1489 : i32 to vector<16xi32>
      %and3A_1491 = arith.andi %bitcast3A_1479, %and3A_1490 : vector<16xi32>
      %or3A_1492 = arith.constant 1065353216 : i32
      %or3A_1493 = vector.broadcast %or3A_1492 : i32 to vector<16xi32>
      %or3A_1494 = arith.ori %and3A_1491, %or3A_1493 : vector<16xi32>
      %bitcast3A_1495 = vector.bitcast %or3A_1494 : vector<16xi32> to vector<16xf32>
      %gt3A_1496 = arith.constant 1.41421354 : f32
      %gt3A_1497 = vector.broadcast %gt3A_1496 : f32 to vector<16xf32>
      %gt3A_1498 = arith.cmpf ogt, %bitcast3A_1495, %gt3A_1497 : vector<16xf32>
      %mul3A_1499 = arith.constant 5.000000e-01 : f32
      %mul3A_1500 = vector.broadcast %mul3A_1499 : f32 to vector<16xf32>
      %mul3A_1501 = arith.mulf %bitcast3A_1495, %mul3A_1500 : vector<16xf32>
      %select_n3A_1502 = arith.select %gt3A_1498, %mul3A_1501, %bitcast3A_1495 : vector<16xi1>, vector<16xf32>
      %convert_element_type3A_1503 = arith.sitofp %sub3A_1488 : vector<16xi32> to vector<16xf32>
      %jit3A_1504 = arith.constant 1.000000e+00 : f32
      %jit3A_1505 = arith.constant 0.000000e+00 : f32
      %broadcast_in_dim3A_1506 = vector.broadcast %jit3A_1504 : f32 to vector<16xf32>
      %broadcast_in_dim3A_1507 = vector.broadcast %jit3A_1505 : f32 to vector<16xf32>
      %select_n3A_1508 = arith.select %gt3A_1498, %broadcast_in_dim3A_1506, %broadcast_in_dim3A_1507 : vector<16xi1>, vector<16xf32>
      %add3A_1509 = arith.addf %convert_element_type3A_1503, %select_n3A_1508 : vector<16xf32>
      %sub3A_1510 = arith.constant 1.000000e+00 : f32
      %sub3A_1511 = vector.broadcast %sub3A_1510 : f32 to vector<16xf32>
      %sub3A_1512 = arith.subf %select_n3A_1502, %sub3A_1511 : vector<16xf32>
      %add3A_1513 = arith.constant 1.000000e+00 : f32
      %add3A_1514 = vector.broadcast %add3A_1513 : f32 to vector<16xf32>
      %add3A_1515 = arith.addf %select_n3A_1502, %add3A_1514 : vector<16xf32>
      %div3A_1516 = arith.divf %sub3A_1512, %add3A_1515 : vector<16xf32>
      %mul3A_1517 = arith.mulf %div3A_1516, %div3A_1516 : vector<16xf32>
      %mul3A_1518 = arith.constant 0.222222224 : f32
      %mul3A_1519 = vector.broadcast %mul3A_1518 : f32 to vector<16xf32>
      %mul3A_1520 = arith.mulf %mul3A_1517, %mul3A_1519 : vector<16xf32>
      %add3A_1521 = arith.constant 0.285714298 : f32
      %add3A_1522 = vector.broadcast %add3A_1521 : f32 to vector<16xf32>
      %add3A_1523 = arith.addf %add3A_1522, %mul3A_1520 : vector<16xf32>
      %mul3A_1524 = arith.mulf %mul3A_1517, %add3A_1523 : vector<16xf32>
      %add3A_1525 = arith.constant 0.400000095 : f32
      %add3A_1526 = vector.broadcast %add3A_1525 : f32 to vector<16xf32>
      %add3A_1527 = arith.addf %add3A_1526, %mul3A_1524 : vector<16xf32>
      %mul3A_1528 = arith.mulf %mul3A_1517, %add3A_1527 : vector<16xf32>
      %add3A_1529 = arith.constant 0.666666627 : f32
      %add3A_1530 = vector.broadcast %add3A_1529 : f32 to vector<16xf32>
      %add3A_1531 = arith.addf %add3A_1530, %mul3A_1528 : vector<16xf32>
      %mul3A_1532 = arith.mulf %mul3A_1517, %add3A_1531 : vector<16xf32>
      %add3A_1533 = arith.constant 2.000000e+00 : f32
      %add3A_1534 = vector.broadcast %add3A_1533 : f32 to vector<16xf32>
      %add3A_1535 = arith.addf %add3A_1534, %mul3A_1532 : vector<16xf32>
      %mul3A_1536 = arith.mulf %div3A_1516, %add3A_1535 : vector<16xf32>
      %mul3A_1537 = arith.constant 0.693147182 : f32
      %mul3A_1538 = vector.broadcast %mul3A_1537 : f32 to vector<16xf32>
      %mul3A_1539 = arith.mulf %add3A_1509, %mul3A_1538 : vector<16xf32>
      %add3A_1540 = arith.addf %mul3A_1536, %mul3A_1539 : vector<16xf32>
      %mul3A_1541 = arith.mulf %neg3A_1478, %add3A_1540 : vector<16xf32>
      %mul3A_1542 = arith.constant 1.000000e+01 : f32
      %mul3A_1543 = vector.broadcast %mul3A_1542 : f32 to vector<16xf32>
      %mul3A_1544 = arith.mulf %mul3A_1543, %get3A_1457 : vector<16xf32>
      %add3A_1545 = arith.constant 1.000000e+00 : f32
      %add3A_1546 = vector.broadcast %add3A_1545 : f32 to vector<16xf32>
      %add3A_1547 = arith.addf %add3A_1546, %mul3A_1544 : vector<16xf32>
      %mul3A_1548 = arith.mulf %mul3A_1541, %add3A_1547 : vector<16xf32>
      %add3A_1549 = arith.addf %add3A_1455, %mul3A_1548 : vector<16xf32>
      %get3A_1550 = arith.constant 32 : index
      %get3A_1551 = tpu.vector_load %arg12[%get3A_1550] {strides = array<i32>} : memref<320xf32, #tpu.memory_space<vmem>>, vector<16xf32>,
      %gt3A_1552 = arith.constant 0.000000e+00 : f32
      %gt3A_1553 = vector.broadcast %gt3A_1552 : f32 to vector<16xf32>
      %gt3A_1554 = arith.cmpf ogt, %get3A_1551, %gt3A_1553 : vector<16xf32>
      %get3A_1555 = arith.constant 32 : index
      %get3A_1556 = tpu.vector_load %arg13[%get3A_1555] {strides = array<i32>} : memref<320xf32, #tpu.memory_space<vmem>>, vector<16xf32>,
      %gt3A_1557 = arith.constant 0.000000e+00 : f32
      %gt3A_1558 = vector.broadcast %gt3A_1557 : f32 to vector<16xf32>
      %gt3A_1559 = arith.cmpf ogt, %get3A_1556, %gt3A_1558 : vector<16xf32>
      %or3A_1560 = arith.ori %gt3A_1554, %gt3A_1559 : vector<16xi1>
      %get3A_1561 = arith.constant 352 : index
      %get3A_1562 = tpu.vector_load %arg10[%get3A_1561] {strides = array<i32>} : memref<640xf32, #tpu.memory_space<vmem>>, vector<16xf32>,
      %get3A_1563 = arith.constant 32 : index
      %get3A_1564 = tpu.vector_load %arg10[%get3A_1563] {strides = array<i32>} : memref<640xf32, #tpu.memory_space<vmem>>, vector<16xf32>,
      %select_n3A_1565 = arith.select %or3A_1560, %get3A_1562, %get3A_1564 : vector<16xi1>, vector<16xf32>
      %sub3A_1566 = arith.constant 1.000000e+00 : f32
      %sub3A_1567 = vector.broadcast %sub3A_1566 : f32 to vector<16xf32>
      %sub3A_1568 = arith.subf %sub3A_1567, %select_n3A_1565 : vector<16xf32>
      %mul3A_1569 = arith.mulf %sub3A_1568, %sub3A_1568 : vector<16xf32>
      %neg3A_1570 = arith.constant 0.000000e+00 : f32
      %neg3A_1571 = vector.broadcast %neg3A_1570 : f32 to vector<16xf32>
      %neg3A_1572 = arith.subf %neg3A_1571, %mul3A_1569 : vector<16xf32>
      %bitcast3A_1573 = vector.bitcast %select_n3A_1565 : vector<16xf32> to vector<16xi32>
      %shift_right_logical3A_1574 = arith.constant 23 : i32
      %shift_right_logical3A_1575 = vector.broadcast %shift_right_logical3A_1574 : i32 to vector<16xi32>
      %shift_right_logical3A_1576 = arith.shrui %bitcast3A_1573, %shift_right_logical3A_1575 : vector<16xi32>
      %and3A_1577 = arith.constant 255 : i32
      %and3A_1578 = vector.broadcast %and3A_1577 : i32 to vector<16xi32>
      %and3A_1579 = arith.andi %shift_right_logical3A_1576, %and3A_1578 : vector<16xi32>
      %sub3A_1580 = arith.constant 127 : i32
      %sub3A_1581 = vector.broadcast %sub3A_1580 : i32 to vector<16xi32>
      %sub3A_1582 = arith.subi %and3A_1579, %sub3A_1581 : vector<16xi32>
      %and3A_1583 = arith.constant 8388607 : i32
      %and3A_1584 = vector.broadcast %and3A_1583 : i32 to vector<16xi32>
      %and3A_1585 = arith.andi %bitcast3A_1573, %and3A_1584 : vector<16xi32>
      %or3A_1586 = arith.constant 1065353216 : i32
      %or3A_1587 = vector.broadcast %or3A_1586 : i32 to vector<16xi32>
      %or3A_1588 = arith.ori %and3A_1585, %or3A_1587 : vector<16xi32>
      %bitcast3A_1589 = vector.bitcast %or3A_1588 : vector<16xi32> to vector<16xf32>
      %gt3A_1590 = arith.constant 1.41421354 : f32
      %gt3A_1591 = vector.broadcast %gt3A_1590 : f32 to vector<16xf32>
      %gt3A_1592 = arith.cmpf ogt, %bitcast3A_1589, %gt3A_1591 : vector<16xf32>
      %mul3A_1593 = arith.constant 5.000000e-01 : f32
      %mul3A_1594 = vector.broadcast %mul3A_1593 : f32 to vector<16xf32>
      %mul3A_1595 = arith.mulf %bitcast3A_1589, %mul3A_1594 : vector<16xf32>
      %select_n3A_1596 = arith.select %gt3A_1592, %mul3A_1595, %bitcast3A_1589 : vector<16xi1>, vector<16xf32>
      %convert_element_type3A_1597 = arith.sitofp %sub3A_1582 : vector<16xi32> to vector<16xf32>
      %jit3A_1598 = arith.constant 1.000000e+00 : f32
      %jit3A_1599 = arith.constant 0.000000e+00 : f32
      %broadcast_in_dim3A_1600 = vector.broadcast %jit3A_1598 : f32 to vector<16xf32>
      %broadcast_in_dim3A_1601 = vector.broadcast %jit3A_1599 : f32 to vector<16xf32>
      %select_n3A_1602 = arith.select %gt3A_1592, %broadcast_in_dim3A_1600, %broadcast_in_dim3A_1601 : vector<16xi1>, vector<16xf32>
      %add3A_1603 = arith.addf %convert_element_type3A_1597, %select_n3A_1602 : vector<16xf32>
      %sub3A_1604 = arith.constant 1.000000e+00 : f32
      %sub3A_1605 = vector.broadcast %sub3A_1604 : f32 to vector<16xf32>
      %sub3A_1606 = arith.subf %select_n3A_1596, %sub3A_1605 : vector<16xf32>
      %add3A_1607 = arith.constant 1.000000e+00 : f32
      %add3A_1608 = vector.broadcast %add3A_1607 : f32 to vector<16xf32>
      %add3A_1609 = arith.addf %select_n3A_1596, %add3A_1608 : vector<16xf32>
      %div3A_1610 = arith.divf %sub3A_1606, %add3A_1609 : vector<16xf32>
      %mul3A_1611 = arith.mulf %div3A_1610, %div3A_1610 : vector<16xf32>
      %mul3A_1612 = arith.constant 0.222222224 : f32
      %mul3A_1613 = vector.broadcast %mul3A_1612 : f32 to vector<16xf32>
      %mul3A_1614 = arith.mulf %mul3A_1611, %mul3A_1613 : vector<16xf32>
      %add3A_1615 = arith.constant 0.285714298 : f32
      %add3A_1616 = vector.broadcast %add3A_1615 : f32 to vector<16xf32>
      %add3A_1617 = arith.addf %add3A_1616, %mul3A_1614 : vector<16xf32>
      %mul3A_1618 = arith.mulf %mul3A_1611, %add3A_1617 : vector<16xf32>
      %add3A_1619 = arith.constant 0.400000095 : f32
      %add3A_1620 = vector.broadcast %add3A_1619 : f32 to vector<16xf32>
      %add3A_1621 = arith.addf %add3A_1620, %mul3A_1618 : vector<16xf32>
      %mul3A_1622 = arith.mulf %mul3A_1611, %add3A_1621 : vector<16xf32>
      %add3A_1623 = arith.constant 0.666666627 : f32
      %add3A_1624 = vector.broadcast %add3A_1623 : f32 to vector<16xf32>
      %add3A_1625 = arith.addf %add3A_1624, %mul3A_1622 : vector<16xf32>
      %mul3A_1626 = arith.mulf %mul3A_1611, %add3A_1625 : vector<16xf32>
      %add3A_1627 = arith.constant 2.000000e+00 : f32
      %add3A_1628 = vector.broadcast %add3A_1627 : f32 to vector<16xf32>
      %add3A_1629 = arith.addf %add3A_1628, %mul3A_1626 : vector<16xf32>
      %mul3A_1630 = arith.mulf %div3A_1610, %add3A_1629 : vector<16xf32>
      %mul3A_1631 = arith.constant 0.693147182 : f32
      %mul3A_1632 = vector.broadcast %mul3A_1631 : f32 to vector<16xf32>
      %mul3A_1633 = arith.mulf %add3A_1603, %mul3A_1632 : vector<16xf32>
      %add3A_1634 = arith.addf %mul3A_1630, %mul3A_1633 : vector<16xf32>
      %mul3A_1635 = arith.mulf %neg3A_1572, %add3A_1634 : vector<16xf32>
      %mul3A_1636 = arith.constant 1.000000e+01 : f32
      %mul3A_1637 = vector.broadcast %mul3A_1636 : f32 to vector<16xf32>
      %mul3A_1638 = arith.mulf %mul3A_1637, %get3A_1551 : vector<16xf32>
      %add3A_1639 = arith.constant 1.000000e+00 : f32
      %add3A_1640 = vector.broadcast %add3A_1639 : f32 to vector<16xf32>
      %add3A_1641 = arith.addf %add3A_1640, %mul3A_1638 : vector<16xf32>
      %mul3A_1642 = arith.mulf %mul3A_1635, %add3A_1641 : vector<16xf32>
      %add3A_1643 = arith.addf %add3A_1549, %mul3A_1642 : vector<16xf32>
      %get3A_1644 = arith.constant 48 : index
      %get3A_1645 = tpu.vector_load %arg12[%get3A_1644] {strides = array<i32>} : memref<320xf32, #tpu.memory_space<vmem>>, vector<16xf32>,
      %gt3A_1646 = arith.constant 0.000000e+00 : f32
      %gt3A_1647 = vector.broadcast %gt3A_1646 : f32 to vector<16xf32>
      %gt3A_1648 = arith.cmpf ogt, %get3A_1645, %gt3A_1647 : vector<16xf32>
      %get3A_1649 = arith.constant 48 : index
      %get3A_1650 = tpu.vector_load %arg13[%get3A_1649] {strides = array<i32>} : memref<320xf32, #tpu.memory_space<vmem>>, vector<16xf32>,
      %gt3A_1651 = arith.constant 0.000000e+00 : f32
      %gt3A_1652 = vector.broadcast %gt3A_1651 : f32 to vector<16xf32>
      %gt3A_1653 = arith.cmpf ogt, %get3A_1650, %gt3A_1652 : vector<16xf32>
      %or3A_1654 = arith.ori %gt3A_1648, %gt3A_1653 : vector<16xi1>
      %get3A_1655 = arith.constant 368 : index
      %get3A_1656 = tpu.vector_load %arg10[%get3A_1655] {strides = array<i32>} : memref<640xf32, #tpu.memory_space<vmem>>, vector<16xf32>,
      %get3A_1657 = arith.constant 48 : index
      %get3A_1658 = tpu.vector_load %arg10[%get3A_1657] {strides = array<i32>} : memref<640xf32, #tpu.memory_space<vmem>>, vector<16xf32>,
      %select_n3A_1659 = arith.select %or3A_1654, %get3A_1656, %get3A_1658 : vector<16xi1>, vector<16xf32>
      %sub3A_1660 = arith.constant 1.000000e+00 : f32
      %sub3A_1661 = vector.broadcast %sub3A_1660 : f32 to vector<16xf32>
      %sub3A_1662 = arith.subf %sub3A_1661, %select_n3A_1659 : vector<16xf32>
      %mul3A_1663 = arith.mulf %sub3A_1662, %sub3A_1662 : vector<16xf32>
      %neg3A_1664 = arith.constant 0.000000e+00 : f32
      %neg3A_1665 = vector.broadcast %neg3A_1664 : f32 to vector<16xf32>
      %neg3A_1666 = arith.subf %neg3A_1665, %mul3A_1663 : vector<16xf32>
      %bitcast3A_1667 = vector.bitcast %select_n3A_1659 : vector<16xf32> to vector<16xi32>
      %shift_right_logical3A_1668 = arith.constant 23 : i32
      %shift_right_logical3A_1669 = vector.broadcast %shift_right_logical3A_1668 : i32 to vector<16xi32>
      %shift_right_logical3A_1670 = arith.shrui %bitcast3A_1667, %shift_right_logical3A_1669 : vector<16xi32>
      %and3A_1671 = arith.constant 255 : i32
      %and3A_1672 = vector.broadcast %and3A_1671 : i32 to vector<16xi32>
      %and3A_1673 = arith.andi %shift_right_logical3A_1670, %and3A_1672 : vector<16xi32>
      %sub3A_1674 = arith.constant 127 : i32
      %sub3A_1675 = vector.broadcast %sub3A_1674 : i32 to vector<16xi32>
      %sub3A_1676 = arith.subi %and3A_1673, %sub3A_1675 : vector<16xi32>
      %and3A_1677 = arith.constant 8388607 : i32
      %and3A_1678 = vector.broadcast %and3A_1677 : i32 to vector<16xi32>
      %and3A_1679 = arith.andi %bitcast3A_1667, %and3A_1678 : vector<16xi32>
      %or3A_1680 = arith.constant 1065353216 : i32
      %or3A_1681 = vector.broadcast %or3A_1680 : i32 to vector<16xi32>
      %or3A_1682 = arith.ori %and3A_1679, %or3A_1681 : vector<16xi32>
      %bitcast3A_1683 = vector.bitcast %or3A_1682 : vector<16xi32> to vector<16xf32>
      %gt3A_1684 = arith.constant 1.41421354 : f32
      %gt3A_1685 = vector.broadcast %gt3A_1684 : f32 to vector<16xf32>
      %gt3A_1686 = arith.cmpf ogt, %bitcast3A_1683, %gt3A_1685 : vector<16xf32>
      %mul3A_1687 = arith.constant 5.000000e-01 : f32
      %mul3A_1688 = vector.broadcast %mul3A_1687 : f32 to vector<16xf32>
      %mul3A_1689 = arith.mulf %bitcast3A_1683, %mul3A_1688 : vector<16xf32>
      %select_n3A_1690 = arith.select %gt3A_1686, %mul3A_1689, %bitcast3A_1683 : vector<16xi1>, vector<16xf32>
      %convert_element_type3A_1691 = arith.sitofp %sub3A_1676 : vector<16xi32> to vector<16xf32>
      %jit3A_1692 = arith.constant 1.000000e+00 : f32
      %jit3A_1693 = arith.constant 0.000000e+00 : f32
      %broadcast_in_dim3A_1694 = vector.broadcast %jit3A_1692 : f32 to vector<16xf32>
      %broadcast_in_dim3A_1695 = vector.broadcast %jit3A_1693 : f32 to vector<16xf32>
      %select_n3A_1696 = arith.select %gt3A_1686, %broadcast_in_dim3A_1694, %broadcast_in_dim3A_1695 : vector<16xi1>, vector<16xf32>
      %add3A_1697 = arith.addf %convert_element_type3A_1691, %select_n3A_1696 : vector<16xf32>
      %sub3A_1698 = arith.constant 1.000000e+00 : f32
      %sub3A_1699 = vector.broadcast %sub3A_1698 : f32 to vector<16xf32>
      %sub3A_1700 = arith.subf %select_n3A_1690, %sub3A_1699 : vector<16xf32>
      %add3A_1701 = arith.constant 1.000000e+00 : f32
      %add3A_1702 = vector.broadcast %add3A_1701 : f32 to vector<16xf32>
      %add3A_1703 = arith.addf %select_n3A_1690, %add3A_1702 : vector<16xf32>
      %div3A_1704 = arith.divf %sub3A_1700, %add3A_1703 : vector<16xf32>
      %mul3A_1705 = arith.mulf %div3A_1704, %div3A_1704 : vector<16xf32>
      %mul3A_1706 = arith.constant 0.222222224 : f32
      %mul3A_1707 = vector.broadcast %mul3A_1706 : f32 to vector<16xf32>
      %mul3A_1708 = arith.mulf %mul3A_1705, %mul3A_1707 : vector<16xf32>
      %add3A_1709 = arith.constant 0.285714298 : f32
      %add3A_1710 = vector.broadcast %add3A_1709 : f32 to vector<16xf32>
      %add3A_1711 = arith.addf %add3A_1710, %mul3A_1708 : vector<16xf32>
      %mul3A_1712 = arith.mulf %mul3A_1705, %add3A_1711 : vector<16xf32>
      %add3A_1713 = arith.constant 0.400000095 : f32
      %add3A_1714 = vector.broadcast %add3A_1713 : f32 to vector<16xf32>
      %add3A_1715 = arith.addf %add3A_1714, %mul3A_1712 : vector<16xf32>
      %mul3A_1716 = arith.mulf %mul3A_1705, %add3A_1715 : vector<16xf32>
      %add3A_1717 = arith.constant 0.666666627 : f32
      %add3A_1718 = vector.broadcast %add3A_1717 : f32 to vector<16xf32>
      %add3A_1719 = arith.addf %add3A_1718, %mul3A_1716 : vector<16xf32>
      %mul3A_1720 = arith.mulf %mul3A_1705, %add3A_1719 : vector<16xf32>
      %add3A_1721 = arith.constant 2.000000e+00 : f32
      %add3A_1722 = vector.broadcast %add3A_1721 : f32 to vector<16xf32>
      %add3A_1723 = arith.addf %add3A_1722, %mul3A_1720 : vector<16xf32>
      %mul3A_1724 = arith.mulf %div3A_1704, %add3A_1723 : vector<16xf32>
      %mul3A_1725 = arith.constant 0.693147182 : f32
      %mul3A_1726 = vector.broadcast %mul3A_1725 : f32 to vector<16xf32>
      %mul3A_1727 = arith.mulf %add3A_1697, %mul3A_1726 : vector<16xf32>
      %add3A_1728 = arith.addf %mul3A_1724, %mul3A_1727 : vector<16xf32>
      %mul3A_1729 = arith.mulf %neg3A_1666, %add3A_1728 : vector<16xf32>
      %mul3A_1730 = arith.constant 1.000000e+01 : f32
      %mul3A_1731 = vector.broadcast %mul3A_1730 : f32 to vector<16xf32>
      %mul3A_1732 = arith.mulf %mul3A_1731, %get3A_1645 : vector<16xf32>
      %add3A_1733 = arith.constant 1.000000e+00 : f32
      %add3A_1734 = vector.broadcast %add3A_1733 : f32 to vector<16xf32>
      %add3A_1735 = arith.addf %add3A_1734, %mul3A_1732 : vector<16xf32>
      %mul3A_1736 = arith.mulf %mul3A_1729, %add3A_1735 : vector<16xf32>
      %add3A_1737 = arith.addf %add3A_1643, %mul3A_1736 : vector<16xf32>
      %get3A_1738 = arith.constant 64 : index
      %get3A_1739 = tpu.vector_load %arg12[%get3A_1738] {strides = array<i32>} : memref<320xf32, #tpu.memory_space<vmem>>, vector<16xf32>,
      %gt3A_1740 = arith.constant 0.000000e+00 : f32
      %gt3A_1741 = vector.broadcast %gt3A_1740 : f32 to vector<16xf32>
      %gt3A_1742 = arith.cmpf ogt, %get3A_1739, %gt3A_1741 : vector<16xf32>
      %get3A_1743 = arith.constant 64 : index
      %get3A_1744 = tpu.vector_load %arg13[%get3A_1743] {strides = array<i32>} : memref<320xf32, #tpu.memory_space<vmem>>, vector<16xf32>,
      %gt3A_1745 = arith.constant 0.000000e+00 : f32
      %gt3A_1746 = vector.broadcast %gt3A_1745 : f32 to vector<16xf32>
      %gt3A_1747 = arith.cmpf ogt, %get3A_1744, %gt3A_1746 : vector<16xf32>
      %or3A_1748 = arith.ori %gt3A_1742, %gt3A_1747 : vector<16xi1>
      %get3A_1749 = arith.constant 384 : index
      %get3A_1750 = tpu.vector_load %arg10[%get3A_1749] {strides = array<i32>} : memref<640xf32, #tpu.memory_space<vmem>>, vector<16xf32>,
      %get3A_1751 = arith.constant 64 : index
      %get3A_1752 = tpu.vector_load %arg10[%get3A_1751] {strides = array<i32>} : memref<640xf32, #tpu.memory_space<vmem>>, vector<16xf32>,
      %select_n3A_1753 = arith.select %or3A_1748, %get3A_1750, %get3A_1752 : vector<16xi1>, vector<16xf32>
      %sub3A_1754 = arith.constant 1.000000e+00 : f32
      %sub3A_1755 = vector.broadcast %sub3A_1754 : f32 to vector<16xf32>
      %sub3A_1756 = arith.subf %sub3A_1755, %select_n3A_1753 : vector<16xf32>
      %mul3A_1757 = arith.mulf %sub3A_1756, %sub3A_1756 : vector<16xf32>
      %neg3A_1758 = arith.constant 0.000000e+00 : f32
      %neg3A_1759 = vector.broadcast %neg3A_1758 : f32 to vector<16xf32>
      %neg3A_1760 = arith.subf %neg3A_1759, %mul3A_1757 : vector<16xf32>
      %bitcast3A_1761 = vector.bitcast %select_n3A_1753 : vector<16xf32> to vector<16xi32>
      %shift_right_logical3A_1762 = arith.constant 23 : i32
      %shift_right_logical3A_1763 = vector.broadcast %shift_right_logical3A_1762 : i32 to vector<16xi32>
      %shift_right_logical3A_1764 = arith.shrui %bitcast3A_1761, %shift_right_logical3A_1763 : vector<16xi32>
      %and3A_1765 = arith.constant 255 : i32
      %and3A_1766 = vector.broadcast %and3A_1765 : i32 to vector<16xi32>
      %and3A_1767 = arith.andi %shift_right_logical3A_1764, %and3A_1766 : vector<16xi32>
      %sub3A_1768 = arith.constant 127 : i32
      %sub3A_1769 = vector.broadcast %sub3A_1768 : i32 to vector<16xi32>
      %sub3A_1770 = arith.subi %and3A_1767, %sub3A_1769 : vector<16xi32>
      %and3A_1771 = arith.constant 8388607 : i32
      %and3A_1772 = vector.broadcast %and3A_1771 : i32 to vector<16xi32>
      %and3A_1773 = arith.andi %bitcast3A_1761, %and3A_1772 : vector<16xi32>
      %or3A_1774 = arith.constant 1065353216 : i32
      %or3A_1775 = vector.broadcast %or3A_1774 : i32 to vector<16xi32>
      %or3A_1776 = arith.ori %and3A_1773, %or3A_1775 : vector<16xi32>
      %bitcast3A_1777 = vector.bitcast %or3A_1776 : vector<16xi32> to vector<16xf32>
      %gt3A_1778 = arith.constant 1.41421354 : f32
      %gt3A_1779 = vector.broadcast %gt3A_1778 : f32 to vector<16xf32>
      %gt3A_1780 = arith.cmpf ogt, %bitcast3A_1777, %gt3A_1779 : vector<16xf32>
      %mul3A_1781 = arith.constant 5.000000e-01 : f32
      %mul3A_1782 = vector.broadcast %mul3A_1781 : f32 to vector<16xf32>
      %mul3A_1783 = arith.mulf %bitcast3A_1777, %mul3A_1782 : vector<16xf32>
      %select_n3A_1784 = arith.select %gt3A_1780, %mul3A_1783, %bitcast3A_1777 : vector<16xi1>, vector<16xf32>
      %convert_element_type3A_1785 = arith.sitofp %sub3A_1770 : vector<16xi32> to vector<16xf32>
      %jit3A_1786 = arith.constant 1.000000e+00 : f32
      %jit3A_1787 = arith.constant 0.000000e+00 : f32
      %broadcast_in_dim3A_1788 = vector.broadcast %jit3A_1786 : f32 to vector<16xf32>
      %broadcast_in_dim3A_1789 = vector.broadcast %jit3A_1787 : f32 to vector<16xf32>
      %select_n3A_1790 = arith.select %gt3A_1780, %broadcast_in_dim3A_1788, %broadcast_in_dim3A_1789 : vector<16xi1>, vector<16xf32>
      %add3A_1791 = arith.addf %convert_element_type3A_1785, %select_n3A_1790 : vector<16xf32>
      %sub3A_1792 = arith.constant 1.000000e+00 : f32
      %sub3A_1793 = vector.broadcast %sub3A_1792 : f32 to vector<16xf32>
      %sub3A_1794 = arith.subf %select_n3A_1784, %sub3A_1793 : vector<16xf32>
      %add3A_1795 = arith.constant 1.000000e+00 : f32
      %add3A_1796 = vector.broadcast %add3A_1795 : f32 to vector<16xf32>
      %add3A_1797 = arith.addf %select_n3A_1784, %add3A_1796 : vector<16xf32>
      %div3A_1798 = arith.divf %sub3A_1794, %add3A_1797 : vector<16xf32>
      %mul3A_1799 = arith.mulf %div3A_1798, %div3A_1798 : vector<16xf32>
      %mul3A_1800 = arith.constant 0.222222224 : f32
      %mul3A_1801 = vector.broadcast %mul3A_1800 : f32 to vector<16xf32>
      %mul3A_1802 = arith.mulf %mul3A_1799, %mul3A_1801 : vector<16xf32>
      %add3A_1803 = arith.constant 0.285714298 : f32
      %add3A_1804 = vector.broadcast %add3A_1803 : f32 to vector<16xf32>
      %add3A_1805 = arith.addf %add3A_1804, %mul3A_1802 : vector<16xf32>
      %mul3A_1806 = arith.mulf %mul3A_1799, %add3A_1805 : vector<16xf32>
      %add3A_1807 = arith.constant 0.400000095 : f32
      %add3A_1808 = vector.broadcast %add3A_1807 : f32 to vector<16xf32>
      %add3A_1809 = arith.addf %add3A_1808, %mul3A_1806 : vector<16xf32>
      %mul3A_1810 = arith.mulf %mul3A_1799, %add3A_1809 : vector<16xf32>
      %add3A_1811 = arith.constant 0.666666627 : f32
      %add3A_1812 = vector.broadcast %add3A_1811 : f32 to vector<16xf32>
      %add3A_1813 = arith.addf %add3A_1812, %mul3A_1810 : vector<16xf32>
      %mul3A_1814 = arith.mulf %mul3A_1799, %add3A_1813 : vector<16xf32>
      %add3A_1815 = arith.constant 2.000000e+00 : f32
      %add3A_1816 = vector.broadcast %add3A_1815 : f32 to vector<16xf32>
      %add3A_1817 = arith.addf %add3A_1816, %mul3A_1814 : vector<16xf32>
      %mul3A_1818 = arith.mulf %div3A_1798, %add3A_1817 : vector<16xf32>
      %mul3A_1819 = arith.constant 0.693147182 : f32
      %mul3A_1820 = vector.broadcast %mul3A_1819 : f32 to vector<16xf32>
      %mul3A_1821 = arith.mulf %add3A_1791, %mul3A_1820 : vector<16xf32>
      %add3A_1822 = arith.addf %mul3A_1818, %mul3A_1821 : vector<16xf32>
      %mul3A_1823 = arith.mulf %neg3A_1760, %add3A_1822 : vector<16xf32>
      %mul3A_1824 = arith.constant 1.000000e+01 : f32
      %mul3A_1825 = vector.broadcast %mul3A_1824 : f32 to vector<16xf32>
      %mul3A_1826 = arith.mulf %mul3A_1825, %get3A_1739 : vector<16xf32>
      %add3A_1827 = arith.constant 1.000000e+00 : f32
      %add3A_1828 = vector.broadcast %add3A_1827 : f32 to vector<16xf32>
      %add3A_1829 = arith.addf %add3A_1828, %mul3A_1826 : vector<16xf32>
      %mul3A_1830 = arith.mulf %mul3A_1823, %add3A_1829 : vector<16xf32>
      %add3A_1831 = arith.addf %add3A_1737, %mul3A_1830 : vector<16xf32>
      %get3A_1832 = arith.constant 80 : index
      %get3A_1833 = tpu.vector_load %arg12[%get3A_1832] {strides = array<i32>} : memref<320xf32, #tpu.memory_space<vmem>>, vector<16xf32>,
      %gt3A_1834 = arith.constant 0.000000e+00 : f32
      %gt3A_1835 = vector.broadcast %gt3A_1834 : f32 to vector<16xf32>
      %gt3A_1836 = arith.cmpf ogt, %get3A_1833, %gt3A_1835 : vector<16xf32>
      %get3A_1837 = arith.constant 80 : index
      %get3A_1838 = tpu.vector_load %arg13[%get3A_1837] {strides = array<i32>} : memref<320xf32, #tpu.memory_space<vmem>>, vector<16xf32>,
      %gt3A_1839 = arith.constant 0.000000e+00 : f32
      %gt3A_1840 = vector.broadcast %gt3A_1839 : f32 to vector<16xf32>
      %gt3A_1841 = arith.cmpf ogt, %get3A_1838, %gt3A_1840 : vector<16xf32>
      %or3A_1842 = arith.ori %gt3A_1836, %gt3A_1841 : vector<16xi1>
      %get3A_1843 = arith.constant 400 : index
      %get3A_1844 = tpu.vector_load %arg10[%get3A_1843] {strides = array<i32>} : memref<640xf32, #tpu.memory_space<vmem>>, vector<16xf32>,
      %get3A_1845 = arith.constant 80 : index
      %get3A_1846 = tpu.vector_load %arg10[%get3A_1845] {strides = array<i32>} : memref<640xf32, #tpu.memory_space<vmem>>, vector<16xf32>,
      %select_n3A_1847 = arith.select %or3A_1842, %get3A_1844, %get3A_1846 : vector<16xi1>, vector<16xf32>
      %sub3A_1848 = arith.constant 1.000000e+00 : f32
      %sub3A_1849 = vector.broadcast %sub3A_1848 : f32 to vector<16xf32>
      %sub3A_1850 = arith.subf %sub3A_1849, %select_n3A_1847 : vector<16xf32>
      %mul3A_1851 = arith.mulf %sub3A_1850, %sub3A_1850 : vector<16xf32>
      %neg3A_1852 = arith.constant 0.000000e+00 : f32
      %neg3A_1853 = vector.broadcast %neg3A_1852 : f32 to vector<16xf32>
      %neg3A_1854 = arith.subf %neg3A_1853, %mul3A_1851 : vector<16xf32>
      %bitcast3A_1855 = vector.bitcast %select_n3A_1847 : vector<16xf32> to vector<16xi32>
      %shift_right_logical3A_1856 = arith.constant 23 : i32
      %shift_right_logical3A_1857 = vector.broadcast %shift_right_logical3A_1856 : i32 to vector<16xi32>
      %shift_right_logical3A_1858 = arith.shrui %bitcast3A_1855, %shift_right_logical3A_1857 : vector<16xi32>
      %and3A_1859 = arith.constant 255 : i32
      %and3A_1860 = vector.broadcast %and3A_1859 : i32 to vector<16xi32>
      %and3A_1861 = arith.andi %shift_right_logical3A_1858, %and3A_1860 : vector<16xi32>
      %sub3A_1862 = arith.constant 127 : i32
      %sub3A_1863 = vector.broadcast %sub3A_1862 : i32 to vector<16xi32>
      %sub3A_1864 = arith.subi %and3A_1861, %sub3A_1863 : vector<16xi32>
      %and3A_1865 = arith.constant 8388607 : i32
      %and3A_1866 = vector.broadcast %and3A_1865 : i32 to vector<16xi32>
      %and3A_1867 = arith.andi %bitcast3A_1855, %and3A_1866 : vector<16xi32>
      %or3A_1868 = arith.constant 1065353216 : i32
      %or3A_1869 = vector.broadcast %or3A_1868 : i32 to vector<16xi32>
      %or3A_1870 = arith.ori %and3A_1867, %or3A_1869 : vector<16xi32>
      %bitcast3A_1871 = vector.bitcast %or3A_1870 : vector<16xi32> to vector<16xf32>
      %gt3A_1872 = arith.constant 1.41421354 : f32
      %gt3A_1873 = vector.broadcast %gt3A_1872 : f32 to vector<16xf32>
      %gt3A_1874 = arith.cmpf ogt, %bitcast3A_1871, %gt3A_1873 : vector<16xf32>
      %mul3A_1875 = arith.constant 5.000000e-01 : f32
      %mul3A_1876 = vector.broadcast %mul3A_1875 : f32 to vector<16xf32>
      %mul3A_1877 = arith.mulf %bitcast3A_1871, %mul3A_1876 : vector<16xf32>
      %select_n3A_1878 = arith.select %gt3A_1874, %mul3A_1877, %bitcast3A_1871 : vector<16xi1>, vector<16xf32>
      %convert_element_type3A_1879 = arith.sitofp %sub3A_1864 : vector<16xi32> to vector<16xf32>
      %jit3A_1880 = arith.constant 1.000000e+00 : f32
      %jit3A_1881 = arith.constant 0.000000e+00 : f32
      %broadcast_in_dim3A_1882 = vector.broadcast %jit3A_1880 : f32 to vector<16xf32>
      %broadcast_in_dim3A_1883 = vector.broadcast %jit3A_1881 : f32 to vector<16xf32>
      %select_n3A_1884 = arith.select %gt3A_1874, %broadcast_in_dim3A_1882, %broadcast_in_dim3A_1883 : vector<16xi1>, vector<16xf32>
      %add3A_1885 = arith.addf %convert_element_type3A_1879, %select_n3A_1884 : vector<16xf32>
      %sub3A_1886 = arith.constant 1.000000e+00 : f32
      %sub3A_1887 = vector.broadcast %sub3A_1886 : f32 to vector<16xf32>
      %sub3A_1888 = arith.subf %select_n3A_1878, %sub3A_1887 : vector<16xf32>
      %add3A_1889 = arith.constant 1.000000e+00 : f32
      %add3A_1890 = vector.broadcast %add3A_1889 : f32 to vector<16xf32>
      %add3A_1891 = arith.addf %select_n3A_1878, %add3A_1890 : vector<16xf32>
      %div3A_1892 = arith.divf %sub3A_1888, %add3A_1891 : vector<16xf32>
      %mul3A_1893 = arith.mulf %div3A_1892, %div3A_1892 : vector<16xf32>
      %mul3A_1894 = arith.constant 0.222222224 : f32
      %mul3A_1895 = vector.broadcast %mul3A_1894 : f32 to vector<16xf32>
      %mul3A_1896 = arith.mulf %mul3A_1893, %mul3A_1895 : vector<16xf32>
      %add3A_1897 = arith.constant 0.285714298 : f32
      %add3A_1898 = vector.broadcast %add3A_1897 : f32 to vector<16xf32>
      %add3A_1899 = arith.addf %add3A_1898, %mul3A_1896 : vector<16xf32>
      %mul3A_1900 = arith.mulf %mul3A_1893, %add3A_1899 : vector<16xf32>
      %add3A_1901 = arith.constant 0.400000095 : f32
      %add3A_1902 = vector.broadcast %add3A_1901 : f32 to vector<16xf32>
      %add3A_1903 = arith.addf %add3A_1902, %mul3A_1900 : vector<16xf32>
      %mul3A_1904 = arith.mulf %mul3A_1893, %add3A_1903 : vector<16xf32>
      %add3A_1905 = arith.constant 0.666666627 : f32
      %add3A_1906 = vector.broadcast %add3A_1905 : f32 to vector<16xf32>
      %add3A_1907 = arith.addf %add3A_1906, %mul3A_1904 : vector<16xf32>
      %mul3A_1908 = arith.mulf %mul3A_1893, %add3A_1907 : vector<16xf32>
      %add3A_1909 = arith.constant 2.000000e+00 : f32
      %add3A_1910 = vector.broadcast %add3A_1909 : f32 to vector<16xf32>
      %add3A_1911 = arith.addf %add3A_1910, %mul3A_1908 : vector<16xf32>
      %mul3A_1912 = arith.mulf %div3A_1892, %add3A_1911 : vector<16xf32>
      %mul3A_1913 = arith.constant 0.693147182 : f32
      %mul3A_1914 = vector.broadcast %mul3A_1913 : f32 to vector<16xf32>
      %mul3A_1915 = arith.mulf %add3A_1885, %mul3A_1914 : vector<16xf32>
      %add3A_1916 = arith.addf %mul3A_1912, %mul3A_1915 : vector<16xf32>
      %mul3A_1917 = arith.mulf %neg3A_1854, %add3A_1916 : vector<16xf32>
      %mul3A_1918 = arith.constant 1.000000e+01 : f32
      %mul3A_1919 = vector.broadcast %mul3A_1918 : f32 to vector<16xf32>
      %mul3A_1920 = arith.mulf %mul3A_1919, %get3A_1833 : vector<16xf32>
      %add3A_1921 = arith.constant 1.000000e+00 : f32
      %add3A_1922 = vector.broadcast %add3A_1921 : f32 to vector<16xf32>
      %add3A_1923 = arith.addf %add3A_1922, %mul3A_1920 : vector<16xf32>
      %mul3A_1924 = arith.mulf %mul3A_1917, %add3A_1923 : vector<16xf32>
      %add3A_1925 = arith.addf %add3A_1831, %mul3A_1924 : vector<16xf32>
      %get3A_1926 = arith.constant 96 : index
      %get3A_1927 = tpu.vector_load %arg12[%get3A_1926] {strides = array<i32>} : memref<320xf32, #tpu.memory_space<vmem>>, vector<16xf32>,
      %gt3A_1928 = arith.constant 0.000000e+00 : f32
      %gt3A_1929 = vector.broadcast %gt3A_1928 : f32 to vector<16xf32>
      %gt3A_1930 = arith.cmpf ogt, %get3A_1927, %gt3A_1929 : vector<16xf32>
      %get3A_1931 = arith.constant 96 : index
      %get3A_1932 = tpu.vector_load %arg13[%get3A_1931] {strides = array<i32>} : memref<320xf32, #tpu.memory_space<vmem>>, vector<16xf32>,
      %gt3A_1933 = arith.constant 0.000000e+00 : f32
      %gt3A_1934 = vector.broadcast %gt3A_1933 : f32 to vector<16xf32>
      %gt3A_1935 = arith.cmpf ogt, %get3A_1932, %gt3A_1934 : vector<16xf32>
      %or3A_1936 = arith.ori %gt3A_1930, %gt3A_1935 : vector<16xi1>
      %get3A_1937 = arith.constant 416 : index
      %get3A_1938 = tpu.vector_load %arg10[%get3A_1937] {strides = array<i32>} : memref<640xf32, #tpu.memory_space<vmem>>, vector<16xf32>,
      %get3A_1939 = arith.constant 96 : index
      %get3A_1940 = tpu.vector_load %arg10[%get3A_1939] {strides = array<i32>} : memref<640xf32, #tpu.memory_space<vmem>>, vector<16xf32>,
      %select_n3A_1941 = arith.select %or3A_1936, %get3A_1938, %get3A_1940 : vector<16xi1>, vector<16xf32>
      %sub3A_1942 = arith.constant 1.000000e+00 : f32
      %sub3A_1943 = vector.broadcast %sub3A_1942 : f32 to vector<16xf32>
      %sub3A_1944 = arith.subf %sub3A_1943, %select_n3A_1941 : vector<16xf32>
      %mul3A_1945 = arith.mulf %sub3A_1944, %sub3A_1944 : vector<16xf32>
      %neg3A_1946 = arith.constant 0.000000e+00 : f32
      %neg3A_1947 = vector.broadcast %neg3A_1946 : f32 to vector<16xf32>
      %neg3A_1948 = arith.subf %neg3A_1947, %mul3A_1945 : vector<16xf32>
      %bitcast3A_1949 = vector.bitcast %select_n3A_1941 : vector<16xf32> to vector<16xi32>
      %shift_right_logical3A_1950 = arith.constant 23 : i32
      %shift_right_logical3A_1951 = vector.broadcast %shift_right_logical3A_1950 : i32 to vector<16xi32>
      %shift_right_logical3A_1952 = arith.shrui %bitcast3A_1949, %shift_right_logical3A_1951 : vector<16xi32>
      %and3A_1953 = arith.constant 255 : i32
      %and3A_1954 = vector.broadcast %and3A_1953 : i32 to vector<16xi32>
      %and3A_1955 = arith.andi %shift_right_logical3A_1952, %and3A_1954 : vector<16xi32>
      %sub3A_1956 = arith.constant 127 : i32
      %sub3A_1957 = vector.broadcast %sub3A_1956 : i32 to vector<16xi32>
      %sub3A_1958 = arith.subi %and3A_1955, %sub3A_1957 : vector<16xi32>
      %and3A_1959 = arith.constant 8388607 : i32
      %and3A_1960 = vector.broadcast %and3A_1959 : i32 to vector<16xi32>
      %and3A_1961 = arith.andi %bitcast3A_1949, %and3A_1960 : vector<16xi32>
      %or3A_1962 = arith.constant 1065353216 : i32
      %or3A_1963 = vector.broadcast %or3A_1962 : i32 to vector<16xi32>
      %or3A_1964 = arith.ori %and3A_1961, %or3A_1963 : vector<16xi32>
      %bitcast3A_1965 = vector.bitcast %or3A_1964 : vector<16xi32> to vector<16xf32>
      %gt3A_1966 = arith.constant 1.41421354 : f32
      %gt3A_1967 = vector.broadcast %gt3A_1966 : f32 to vector<16xf32>
      %gt3A_1968 = arith.cmpf ogt, %bitcast3A_1965, %gt3A_1967 : vector<16xf32>
      %mul3A_1969 = arith.constant 5.000000e-01 : f32
      %mul3A_1970 = vector.broadcast %mul3A_1969 : f32 to vector<16xf32>
      %mul3A_1971 = arith.mulf %bitcast3A_1965, %mul3A_1970 : vector<16xf32>
      %select_n3A_1972 = arith.select %gt3A_1968, %mul3A_1971, %bitcast3A_1965 : vector<16xi1>, vector<16xf32>
      %convert_element_type3A_1973 = arith.sitofp %sub3A_1958 : vector<16xi32> to vector<16xf32>
      %jit3A_1974 = arith.constant 1.000000e+00 : f32
      %jit3A_1975 = arith.constant 0.000000e+00 : f32
      %broadcast_in_dim3A_1976 = vector.broadcast %jit3A_1974 : f32 to vector<16xf32>
      %broadcast_in_dim3A_1977 = vector.broadcast %jit3A_1975 : f32 to vector<16xf32>
      %select_n3A_1978 = arith.select %gt3A_1968, %broadcast_in_dim3A_1976, %broadcast_in_dim3A_1977 : vector<16xi1>, vector<16xf32>
      %add3A_1979 = arith.addf %convert_element_type3A_1973, %select_n3A_1978 : vector<16xf32>
      %sub3A_1980 = arith.constant 1.000000e+00 : f32
      %sub3A_1981 = vector.broadcast %sub3A_1980 : f32 to vector<16xf32>
      %sub3A_1982 = arith.subf %select_n3A_1972, %sub3A_1981 : vector<16xf32>
      %add3A_1983 = arith.constant 1.000000e+00 : f32
      %add3A_1984 = vector.broadcast %add3A_1983 : f32 to vector<16xf32>
      %add3A_1985 = arith.addf %select_n3A_1972, %add3A_1984 : vector<16xf32>
      %div3A_1986 = arith.divf %sub3A_1982, %add3A_1985 : vector<16xf32>
      %mul3A_1987 = arith.mulf %div3A_1986, %div3A_1986 : vector<16xf32>
      %mul3A_1988 = arith.constant 0.222222224 : f32
      %mul3A_1989 = vector.broadcast %mul3A_1988 : f32 to vector<16xf32>
      %mul3A_1990 = arith.mulf %mul3A_1987, %mul3A_1989 : vector<16xf32>
      %add3A_1991 = arith.constant 0.285714298 : f32
      %add3A_1992 = vector.broadcast %add3A_1991 : f32 to vector<16xf32>
      %add3A_1993 = arith.addf %add3A_1992, %mul3A_1990 : vector<16xf32>
      %mul3A_1994 = arith.mulf %mul3A_1987, %add3A_1993 : vector<16xf32>
      %add3A_1995 = arith.constant 0.400000095 : f32
      %add3A_1996 = vector.broadcast %add3A_1995 : f32 to vector<16xf32>
      %add3A_1997 = arith.addf %add3A_1996, %mul3A_1994 : vector<16xf32>
      %mul3A_1998 = arith.mulf %mul3A_1987, %add3A_1997 : vector<16xf32>
      %add3A_1999 = arith.constant 0.666666627 : f32
      %add3A_2000 = vector.broadcast %add3A_1999 : f32 to vector<16xf32>
      %add3A_2001 = arith.addf %add3A_2000, %mul3A_1998 : vector<16xf32>
      %mul3A_2002 = arith.mulf %mul3A_1987, %add3A_2001 : vector<16xf32>
      %add3A_2003 = arith.constant 2.000000e+00 : f32
      %add3A_2004 = vector.broadcast %add3A_2003 : f32 to vector<16xf32>
      %add3A_2005 = arith.addf %add3A_2004, %mul3A_2002 : vector<16xf32>
      %mul3A_2006 = arith.mulf %div3A_1986, %add3A_2005 : vector<16xf32>
      %mul3A_2007 = arith.constant 0.693147182 : f32
      %mul3A_2008 = vector.broadcast %mul3A_2007 : f32 to vector<16xf32>
      %mul3A_2009 = arith.mulf %add3A_1979, %mul3A_2008 : vector<16xf32>
      %add3A_2010 = arith.addf %mul3A_2006, %mul3A_2009 : vector<16xf32>
      %mul3A_2011 = arith.mulf %neg3A_1948, %add3A_2010 : vector<16xf32>
      %mul3A_2012 = arith.constant 1.000000e+01 : f32
      %mul3A_2013 = vector.broadcast %mul3A_2012 : f32 to vector<16xf32>
      %mul3A_2014 = arith.mulf %mul3A_2013, %get3A_1927 : vector<16xf32>
      %add3A_2015 = arith.constant 1.000000e+00 : f32
      %add3A_2016 = vector.broadcast %add3A_2015 : f32 to vector<16xf32>
      %add3A_2017 = arith.addf %add3A_2016, %mul3A_2014 : vector<16xf32>
      %mul3A_2018 = arith.mulf %mul3A_2011, %add3A_2017 : vector<16xf32>
      %add3A_2019 = arith.addf %add3A_1925, %mul3A_2018 : vector<16xf32>
      %get3A_2020 = arith.constant 112 : index
      %get3A_2021 = tpu.vector_load %arg12[%get3A_2020] {strides = array<i32>} : memref<320xf32, #tpu.memory_space<vmem>>, vector<16xf32>,
      %gt3A_2022 = arith.constant 0.000000e+00 : f32
      %gt3A_2023 = vector.broadcast %gt3A_2022 : f32 to vector<16xf32>
      %gt3A_2024 = arith.cmpf ogt, %get3A_2021, %gt3A_2023 : vector<16xf32>
      %get3A_2025 = arith.constant 112 : index
      %get3A_2026 = tpu.vector_load %arg13[%get3A_2025] {strides = array<i32>} : memref<320xf32, #tpu.memory_space<vmem>>, vector<16xf32>,
      %gt3A_2027 = arith.constant 0.000000e+00 : f32
      %gt3A_2028 = vector.broadcast %gt3A_2027 : f32 to vector<16xf32>
      %gt3A_2029 = arith.cmpf ogt, %get3A_2026, %gt3A_2028 : vector<16xf32>
      %or3A_2030 = arith.ori %gt3A_2024, %gt3A_2029 : vector<16xi1>
      %get3A_2031 = arith.constant 432 : index
      %get3A_2032 = tpu.vector_load %arg10[%get3A_2031] {strides = array<i32>} : memref<640xf32, #tpu.memory_space<vmem>>, vector<16xf32>,
      %get3A_2033 = arith.constant 112 : index
      %get3A_2034 = tpu.vector_load %arg10[%get3A_2033] {strides = array<i32>} : memref<640xf32, #tpu.memory_space<vmem>>, vector<16xf32>,
      %select_n3A_2035 = arith.select %or3A_2030, %get3A_2032, %get3A_2034 : vector<16xi1>, vector<16xf32>
      %sub3A_2036 = arith.constant 1.000000e+00 : f32
      %sub3A_2037 = vector.broadcast %sub3A_2036 : f32 to vector<16xf32>
      %sub3A_2038 = arith.subf %sub3A_2037, %select_n3A_2035 : vector<16xf32>
      %mul3A_2039 = arith.mulf %sub3A_2038, %sub3A_2038 : vector<16xf32>
      %neg3A_2040 = arith.constant 0.000000e+00 : f32
      %neg3A_2041 = vector.broadcast %neg3A_2040 : f32 to vector<16xf32>
      %neg3A_2042 = arith.subf %neg3A_2041, %mul3A_2039 : vector<16xf32>
      %bitcast3A_2043 = vector.bitcast %select_n3A_2035 : vector<16xf32> to vector<16xi32>
      %shift_right_logical3A_2044 = arith.constant 23 : i32
      %shift_right_logical3A_2045 = vector.broadcast %shift_right_logical3A_2044 : i32 to vector<16xi32>
      %shift_right_logical3A_2046 = arith.shrui %bitcast3A_2043, %shift_right_logical3A_2045 : vector<16xi32>
      %and3A_2047 = arith.constant 255 : i32
      %and3A_2048 = vector.broadcast %and3A_2047 : i32 to vector<16xi32>
      %and3A_2049 = arith.andi %shift_right_logical3A_2046, %and3A_2048 : vector<16xi32>
      %sub3A_2050 = arith.constant 127 : i32
      %sub3A_2051 = vector.broadcast %sub3A_2050 : i32 to vector<16xi32>
      %sub3A_2052 = arith.subi %and3A_2049, %sub3A_2051 : vector<16xi32>
      %and3A_2053 = arith.constant 8388607 : i32
      %and3A_2054 = vector.broadcast %and3A_2053 : i32 to vector<16xi32>
      %and3A_2055 = arith.andi %bitcast3A_2043, %and3A_2054 : vector<16xi32>
      %or3A_2056 = arith.constant 1065353216 : i32
      %or3A_2057 = vector.broadcast %or3A_2056 : i32 to vector<16xi32>
      %or3A_2058 = arith.ori %and3A_2055, %or3A_2057 : vector<16xi32>
      %bitcast3A_2059 = vector.bitcast %or3A_2058 : vector<16xi32> to vector<16xf32>
      %gt3A_2060 = arith.constant 1.41421354 : f32
      %gt3A_2061 = vector.broadcast %gt3A_2060 : f32 to vector<16xf32>
      %gt3A_2062 = arith.cmpf ogt, %bitcast3A_2059, %gt3A_2061 : vector<16xf32>
      %mul3A_2063 = arith.constant 5.000000e-01 : f32
      %mul3A_2064 = vector.broadcast %mul3A_2063 : f32 to vector<16xf32>
      %mul3A_2065 = arith.mulf %bitcast3A_2059, %mul3A_2064 : vector<16xf32>
      %select_n3A_2066 = arith.select %gt3A_2062, %mul3A_2065, %bitcast3A_2059 : vector<16xi1>, vector<16xf32>
      %convert_element_type3A_2067 = arith.sitofp %sub3A_2052 : vector<16xi32> to vector<16xf32>
      %jit3A_2068 = arith.constant 1.000000e+00 : f32
      %jit3A_2069 = arith.constant 0.000000e+00 : f32
      %broadcast_in_dim3A_2070 = vector.broadcast %jit3A_2068 : f32 to vector<16xf32>
      %broadcast_in_dim3A_2071 = vector.broadcast %jit3A_2069 : f32 to vector<16xf32>
      %select_n3A_2072 = arith.select %gt3A_2062, %broadcast_in_dim3A_2070, %broadcast_in_dim3A_2071 : vector<16xi1>, vector<16xf32>
      %add3A_2073 = arith.addf %convert_element_type3A_2067, %select_n3A_2072 : vector<16xf32>
      %sub3A_2074 = arith.constant 1.000000e+00 : f32
      %sub3A_2075 = vector.broadcast %sub3A_2074 : f32 to vector<16xf32>
      %sub3A_2076 = arith.subf %select_n3A_2066, %sub3A_2075 : vector<16xf32>
      %add3A_2077 = arith.constant 1.000000e+00 : f32
      %add3A_2078 = vector.broadcast %add3A_2077 : f32 to vector<16xf32>
      %add3A_2079 = arith.addf %select_n3A_2066, %add3A_2078 : vector<16xf32>
      %div3A_2080 = arith.divf %sub3A_2076, %add3A_2079 : vector<16xf32>
      %mul3A_2081 = arith.mulf %div3A_2080, %div3A_2080 : vector<16xf32>
      %mul3A_2082 = arith.constant 0.222222224 : f32
      %mul3A_2083 = vector.broadcast %mul3A_2082 : f32 to vector<16xf32>
      %mul3A_2084 = arith.mulf %mul3A_2081, %mul3A_2083 : vector<16xf32>
      %add3A_2085 = arith.constant 0.285714298 : f32
      %add3A_2086 = vector.broadcast %add3A_2085 : f32 to vector<16xf32>
      %add3A_2087 = arith.addf %add3A_2086, %mul3A_2084 : vector<16xf32>
      %mul3A_2088 = arith.mulf %mul3A_2081, %add3A_2087 : vector<16xf32>
      %add3A_2089 = arith.constant 0.400000095 : f32
      %add3A_2090 = vector.broadcast %add3A_2089 : f32 to vector<16xf32>
      %add3A_2091 = arith.addf %add3A_2090, %mul3A_2088 : vector<16xf32>
      %mul3A_2092 = arith.mulf %mul3A_2081, %add3A_2091 : vector<16xf32>
      %add3A_2093 = arith.constant 0.666666627 : f32
      %add3A_2094 = vector.broadcast %add3A_2093 : f32 to vector<16xf32>
      %add3A_2095 = arith.addf %add3A_2094, %mul3A_2092 : vector<16xf32>
      %mul3A_2096 = arith.mulf %mul3A_2081, %add3A_2095 : vector<16xf32>
      %add3A_2097 = arith.constant 2.000000e+00 : f32
      %add3A_2098 = vector.broadcast %add3A_2097 : f32 to vector<16xf32>
      %add3A_2099 = arith.addf %add3A_2098, %mul3A_2096 : vector<16xf32>
      %mul3A_2100 = arith.mulf %div3A_2080, %add3A_2099 : vector<16xf32>
      %mul3A_2101 = arith.constant 0.693147182 : f32
      %mul3A_2102 = vector.broadcast %mul3A_2101 : f32 to vector<16xf32>
      %mul3A_2103 = arith.mulf %add3A_2073, %mul3A_2102 : vector<16xf32>
      %add3A_2104 = arith.addf %mul3A_2100, %mul3A_2103 : vector<16xf32>
      %mul3A_2105 = arith.mulf %neg3A_2042, %add3A_2104 : vector<16xf32>
      %mul3A_2106 = arith.constant 1.000000e+01 : f32
      %mul3A_2107 = vector.broadcast %mul3A_2106 : f32 to vector<16xf32>
      %mul3A_2108 = arith.mulf %mul3A_2107, %get3A_2021 : vector<16xf32>
      %add3A_2109 = arith.constant 1.000000e+00 : f32
      %add3A_2110 = vector.broadcast %add3A_2109 : f32 to vector<16xf32>
      %add3A_2111 = arith.addf %add3A_2110, %mul3A_2108 : vector<16xf32>
      %mul3A_2112 = arith.mulf %mul3A_2105, %add3A_2111 : vector<16xf32>
      %add3A_2113 = arith.addf %add3A_2019, %mul3A_2112 : vector<16xf32>
      %get3A_2114 = arith.constant 128 : index
      %get3A_2115 = tpu.vector_load %arg12[%get3A_2114] {strides = array<i32>} : memref<320xf32, #tpu.memory_space<vmem>>, vector<16xf32>,
      %gt3A_2116 = arith.constant 0.000000e+00 : f32
      %gt3A_2117 = vector.broadcast %gt3A_2116 : f32 to vector<16xf32>
      %gt3A_2118 = arith.cmpf ogt, %get3A_2115, %gt3A_2117 : vector<16xf32>
      %get3A_2119 = arith.constant 128 : index
      %get3A_2120 = tpu.vector_load %arg13[%get3A_2119] {strides = array<i32>} : memref<320xf32, #tpu.memory_space<vmem>>, vector<16xf32>,
      %gt3A_2121 = arith.constant 0.000000e+00 : f32
      %gt3A_2122 = vector.broadcast %gt3A_2121 : f32 to vector<16xf32>
      %gt3A_2123 = arith.cmpf ogt, %get3A_2120, %gt3A_2122 : vector<16xf32>
      %or3A_2124 = arith.ori %gt3A_2118, %gt3A_2123 : vector<16xi1>
      %get3A_2125 = arith.constant 448 : index
      %get3A_2126 = tpu.vector_load %arg10[%get3A_2125] {strides = array<i32>} : memref<640xf32, #tpu.memory_space<vmem>>, vector<16xf32>,
      %get3A_2127 = arith.constant 128 : index
      %get3A_2128 = tpu.vector_load %arg10[%get3A_2127] {strides = array<i32>} : memref<640xf32, #tpu.memory_space<vmem>>, vector<16xf32>,
      %select_n3A_2129 = arith.select %or3A_2124, %get3A_2126, %get3A_2128 : vector<16xi1>, vector<16xf32>
      %sub3A_2130 = arith.constant 1.000000e+00 : f32
      %sub3A_2131 = vector.broadcast %sub3A_2130 : f32 to vector<16xf32>
      %sub3A_2132 = arith.subf %sub3A_2131, %select_n3A_2129 : vector<16xf32>
      %mul3A_2133 = arith.mulf %sub3A_2132, %sub3A_2132 : vector<16xf32>
      %neg3A_2134 = arith.constant 0.000000e+00 : f32
      %neg3A_2135 = vector.broadcast %neg3A_2134 : f32 to vector<16xf32>
      %neg3A_2136 = arith.subf %neg3A_2135, %mul3A_2133 : vector<16xf32>
      %bitcast3A_2137 = vector.bitcast %select_n3A_2129 : vector<16xf32> to vector<16xi32>
      %shift_right_logical3A_2138 = arith.constant 23 : i32
      %shift_right_logical3A_2139 = vector.broadcast %shift_right_logical3A_2138 : i32 to vector<16xi32>
      %shift_right_logical3A_2140 = arith.shrui %bitcast3A_2137, %shift_right_logical3A_2139 : vector<16xi32>
      %and3A_2141 = arith.constant 255 : i32
      %and3A_2142 = vector.broadcast %and3A_2141 : i32 to vector<16xi32>
      %and3A_2143 = arith.andi %shift_right_logical3A_2140, %and3A_2142 : vector<16xi32>
      %sub3A_2144 = arith.constant 127 : i32
      %sub3A_2145 = vector.broadcast %sub3A_2144 : i32 to vector<16xi32>
      %sub3A_2146 = arith.subi %and3A_2143, %sub3A_2145 : vector<16xi32>
      %and3A_2147 = arith.constant 8388607 : i32
      %and3A_2148 = vector.broadcast %and3A_2147 : i32 to vector<16xi32>
      %and3A_2149 = arith.andi %bitcast3A_2137, %and3A_2148 : vector<16xi32>
      %or3A_2150 = arith.constant 1065353216 : i32
      %or3A_2151 = vector.broadcast %or3A_2150 : i32 to vector<16xi32>
      %or3A_2152 = arith.ori %and3A_2149, %or3A_2151 : vector<16xi32>
      %bitcast3A_2153 = vector.bitcast %or3A_2152 : vector<16xi32> to vector<16xf32>
      %gt3A_2154 = arith.constant 1.41421354 : f32
      %gt3A_2155 = vector.broadcast %gt3A_2154 : f32 to vector<16xf32>
      %gt3A_2156 = arith.cmpf ogt, %bitcast3A_2153, %gt3A_2155 : vector<16xf32>
      %mul3A_2157 = arith.constant 5.000000e-01 : f32
      %mul3A_2158 = vector.broadcast %mul3A_2157 : f32 to vector<16xf32>
      %mul3A_2159 = arith.mulf %bitcast3A_2153, %mul3A_2158 : vector<16xf32>
      %select_n3A_2160 = arith.select %gt3A_2156, %mul3A_2159, %bitcast3A_2153 : vector<16xi1>, vector<16xf32>
      %convert_element_type3A_2161 = arith.sitofp %sub3A_2146 : vector<16xi32> to vector<16xf32>
      %jit3A_2162 = arith.constant 1.000000e+00 : f32
      %jit3A_2163 = arith.constant 0.000000e+00 : f32
      %broadcast_in_dim3A_2164 = vector.broadcast %jit3A_2162 : f32 to vector<16xf32>
      %broadcast_in_dim3A_2165 = vector.broadcast %jit3A_2163 : f32 to vector<16xf32>
      %select_n3A_2166 = arith.select %gt3A_2156, %broadcast_in_dim3A_2164, %broadcast_in_dim3A_2165 : vector<16xi1>, vector<16xf32>
      %add3A_2167 = arith.addf %convert_element_type3A_2161, %select_n3A_2166 : vector<16xf32>
      %sub3A_2168 = arith.constant 1.000000e+00 : f32
      %sub3A_2169 = vector.broadcast %sub3A_2168 : f32 to vector<16xf32>
      %sub3A_2170 = arith.subf %select_n3A_2160, %sub3A_2169 : vector<16xf32>
      %add3A_2171 = arith.constant 1.000000e+00 : f32
      %add3A_2172 = vector.broadcast %add3A_2171 : f32 to vector<16xf32>
      %add3A_2173 = arith.addf %select_n3A_2160, %add3A_2172 : vector<16xf32>
      %div3A_2174 = arith.divf %sub3A_2170, %add3A_2173 : vector<16xf32>
      %mul3A_2175 = arith.mulf %div3A_2174, %div3A_2174 : vector<16xf32>
      %mul3A_2176 = arith.constant 0.222222224 : f32
      %mul3A_2177 = vector.broadcast %mul3A_2176 : f32 to vector<16xf32>
      %mul3A_2178 = arith.mulf %mul3A_2175, %mul3A_2177 : vector<16xf32>
      %add3A_2179 = arith.constant 0.285714298 : f32
      %add3A_2180 = vector.broadcast %add3A_2179 : f32 to vector<16xf32>
      %add3A_2181 = arith.addf %add3A_2180, %mul3A_2178 : vector<16xf32>
      %mul3A_2182 = arith.mulf %mul3A_2175, %add3A_2181 : vector<16xf32>
      %add3A_2183 = arith.constant 0.400000095 : f32
      %add3A_2184 = vector.broadcast %add3A_2183 : f32 to vector<16xf32>
      %add3A_2185 = arith.addf %add3A_2184, %mul3A_2182 : vector<16xf32>
      %mul3A_2186 = arith.mulf %mul3A_2175, %add3A_2185 : vector<16xf32>
      %add3A_2187 = arith.constant 0.666666627 : f32
      %add3A_2188 = vector.broadcast %add3A_2187 : f32 to vector<16xf32>
      %add3A_2189 = arith.addf %add3A_2188, %mul3A_2186 : vector<16xf32>
      %mul3A_2190 = arith.mulf %mul3A_2175, %add3A_2189 : vector<16xf32>
      %add3A_2191 = arith.constant 2.000000e+00 : f32
      %add3A_2192 = vector.broadcast %add3A_2191 : f32 to vector<16xf32>
      %add3A_2193 = arith.addf %add3A_2192, %mul3A_2190 : vector<16xf32>
      %mul3A_2194 = arith.mulf %div3A_2174, %add3A_2193 : vector<16xf32>
      %mul3A_2195 = arith.constant 0.693147182 : f32
      %mul3A_2196 = vector.broadcast %mul3A_2195 : f32 to vector<16xf32>
      %mul3A_2197 = arith.mulf %add3A_2167, %mul3A_2196 : vector<16xf32>
      %add3A_2198 = arith.addf %mul3A_2194, %mul3A_2197 : vector<16xf32>
      %mul3A_2199 = arith.mulf %neg3A_2136, %add3A_2198 : vector<16xf32>
      %mul3A_2200 = arith.constant 1.000000e+01 : f32
      %mul3A_2201 = vector.broadcast %mul3A_2200 : f32 to vector<16xf32>
      %mul3A_2202 = arith.mulf %mul3A_2201, %get3A_2115 : vector<16xf32>
      %add3A_2203 = arith.constant 1.000000e+00 : f32
      %add3A_2204 = vector.broadcast %add3A_2203 : f32 to vector<16xf32>
      %add3A_2205 = arith.addf %add3A_2204, %mul3A_2202 : vector<16xf32>
      %mul3A_2206 = arith.mulf %mul3A_2199, %add3A_2205 : vector<16xf32>
      %add3A_2207 = arith.addf %add3A_2113, %mul3A_2206 : vector<16xf32>
      %get3A_2208 = arith.constant 144 : index
      %get3A_2209 = tpu.vector_load %arg12[%get3A_2208] {strides = array<i32>} : memref<320xf32, #tpu.memory_space<vmem>>, vector<16xf32>,
      %gt3A_2210 = arith.constant 0.000000e+00 : f32
      %gt3A_2211 = vector.broadcast %gt3A_2210 : f32 to vector<16xf32>
      %gt3A_2212 = arith.cmpf ogt, %get3A_2209, %gt3A_2211 : vector<16xf32>
      %get3A_2213 = arith.constant 144 : index
      %get3A_2214 = tpu.vector_load %arg13[%get3A_2213] {strides = array<i32>} : memref<320xf32, #tpu.memory_space<vmem>>, vector<16xf32>,
      %gt3A_2215 = arith.constant 0.000000e+00 : f32
      %gt3A_2216 = vector.broadcast %gt3A_2215 : f32 to vector<16xf32>
      %gt3A_2217 = arith.cmpf ogt, %get3A_2214, %gt3A_2216 : vector<16xf32>
      %or3A_2218 = arith.ori %gt3A_2212, %gt3A_2217 : vector<16xi1>
      %get3A_2219 = arith.constant 464 : index
      %get3A_2220 = tpu.vector_load %arg10[%get3A_2219] {strides = array<i32>} : memref<640xf32, #tpu.memory_space<vmem>>, vector<16xf32>,
      %get3A_2221 = arith.constant 144 : index
      %get3A_2222 = tpu.vector_load %arg10[%get3A_2221] {strides = array<i32>} : memref<640xf32, #tpu.memory_space<vmem>>, vector<16xf32>,
      %select_n3A_2223 = arith.select %or3A_2218, %get3A_2220, %get3A_2222 : vector<16xi1>, vector<16xf32>
      %sub3A_2224 = arith.constant 1.000000e+00 : f32
      %sub3A_2225 = vector.broadcast %sub3A_2224 : f32 to vector<16xf32>
      %sub3A_2226 = arith.subf %sub3A_2225, %select_n3A_2223 : vector<16xf32>
      %mul3A_2227 = arith.mulf %sub3A_2226, %sub3A_2226 : vector<16xf32>
      %neg3A_2228 = arith.constant 0.000000e+00 : f32
      %neg3A_2229 = vector.broadcast %neg3A_2228 : f32 to vector<16xf32>
      %neg3A_2230 = arith.subf %neg3A_2229, %mul3A_2227 : vector<16xf32>
      %bitcast3A_2231 = vector.bitcast %select_n3A_2223 : vector<16xf32> to vector<16xi32>
      %shift_right_logical3A_2232 = arith.constant 23 : i32
      %shift_right_logical3A_2233 = vector.broadcast %shift_right_logical3A_2232 : i32 to vector<16xi32>
      %shift_right_logical3A_2234 = arith.shrui %bitcast3A_2231, %shift_right_logical3A_2233 : vector<16xi32>
      %and3A_2235 = arith.constant 255 : i32
      %and3A_2236 = vector.broadcast %and3A_2235 : i32 to vector<16xi32>
      %and3A_2237 = arith.andi %shift_right_logical3A_2234, %and3A_2236 : vector<16xi32>
      %sub3A_2238 = arith.constant 127 : i32
      %sub3A_2239 = vector.broadcast %sub3A_2238 : i32 to vector<16xi32>
      %sub3A_2240 = arith.subi %and3A_2237, %sub3A_2239 : vector<16xi32>
      %and3A_2241 = arith.constant 8388607 : i32
      %and3A_2242 = vector.broadcast %and3A_2241 : i32 to vector<16xi32>
      %and3A_2243 = arith.andi %bitcast3A_2231, %and3A_2242 : vector<16xi32>
      %or3A_2244 = arith.constant 1065353216 : i32
      %or3A_2245 = vector.broadcast %or3A_2244 : i32 to vector<16xi32>
      %or3A_2246 = arith.ori %and3A_2243, %or3A_2245 : vector<16xi32>
      %bitcast3A_2247 = vector.bitcast %or3A_2246 : vector<16xi32> to vector<16xf32>
      %gt3A_2248 = arith.constant 1.41421354 : f32
      %gt3A_2249 = vector.broadcast %gt3A_2248 : f32 to vector<16xf32>
      %gt3A_2250 = arith.cmpf ogt, %bitcast3A_2247, %gt3A_2249 : vector<16xf32>
      %mul3A_2251 = arith.constant 5.000000e-01 : f32
      %mul3A_2252 = vector.broadcast %mul3A_2251 : f32 to vector<16xf32>
      %mul3A_2253 = arith.mulf %bitcast3A_2247, %mul3A_2252 : vector<16xf32>
      %select_n3A_2254 = arith.select %gt3A_2250, %mul3A_2253, %bitcast3A_2247 : vector<16xi1>, vector<16xf32>
      %convert_element_type3A_2255 = arith.sitofp %sub3A_2240 : vector<16xi32> to vector<16xf32>
      %jit3A_2256 = arith.constant 1.000000e+00 : f32
      %jit3A_2257 = arith.constant 0.000000e+00 : f32
      %broadcast_in_dim3A_2258 = vector.broadcast %jit3A_2256 : f32 to vector<16xf32>
      %broadcast_in_dim3A_2259 = vector.broadcast %jit3A_2257 : f32 to vector<16xf32>
      %select_n3A_2260 = arith.select %gt3A_2250, %broadcast_in_dim3A_2258, %broadcast_in_dim3A_2259 : vector<16xi1>, vector<16xf32>
      %add3A_2261 = arith.addf %convert_element_type3A_2255, %select_n3A_2260 : vector<16xf32>
      %sub3A_2262 = arith.constant 1.000000e+00 : f32
      %sub3A_2263 = vector.broadcast %sub3A_2262 : f32 to vector<16xf32>
      %sub3A_2264 = arith.subf %select_n3A_2254, %sub3A_2263 : vector<16xf32>
      %add3A_2265 = arith.constant 1.000000e+00 : f32
      %add3A_2266 = vector.broadcast %add3A_2265 : f32 to vector<16xf32>
      %add3A_2267 = arith.addf %select_n3A_2254, %add3A_2266 : vector<16xf32>
      %div3A_2268 = arith.divf %sub3A_2264, %add3A_2267 : vector<16xf32>
      %mul3A_2269 = arith.mulf %div3A_2268, %div3A_2268 : vector<16xf32>
      %mul3A_2270 = arith.constant 0.222222224 : f32
      %mul3A_2271 = vector.broadcast %mul3A_2270 : f32 to vector<16xf32>
      %mul3A_2272 = arith.mulf %mul3A_2269, %mul3A_2271 : vector<16xf32>
      %add3A_2273 = arith.constant 0.285714298 : f32
      %add3A_2274 = vector.broadcast %add3A_2273 : f32 to vector<16xf32>
      %add3A_2275 = arith.addf %add3A_2274, %mul3A_2272 : vector<16xf32>
      %mul3A_2276 = arith.mulf %mul3A_2269, %add3A_2275 : vector<16xf32>
      %add3A_2277 = arith.constant 0.400000095 : f32
      %add3A_2278 = vector.broadcast %add3A_2277 : f32 to vector<16xf32>
      %add3A_2279 = arith.addf %add3A_2278, %mul3A_2276 : vector<16xf32>
      %mul3A_2280 = arith.mulf %mul3A_2269, %add3A_2279 : vector<16xf32>
      %add3A_2281 = arith.constant 0.666666627 : f32
      %add3A_2282 = vector.broadcast %add3A_2281 : f32 to vector<16xf32>
      %add3A_2283 = arith.addf %add3A_2282, %mul3A_2280 : vector<16xf32>
      %mul3A_2284 = arith.mulf %mul3A_2269, %add3A_2283 : vector<16xf32>
      %add3A_2285 = arith.constant 2.000000e+00 : f32
      %add3A_2286 = vector.broadcast %add3A_2285 : f32 to vector<16xf32>
      %add3A_2287 = arith.addf %add3A_2286, %mul3A_2284 : vector<16xf32>
      %mul3A_2288 = arith.mulf %div3A_2268, %add3A_2287 : vector<16xf32>
      %mul3A_2289 = arith.constant 0.693147182 : f32
      %mul3A_2290 = vector.broadcast %mul3A_2289 : f32 to vector<16xf32>
      %mul3A_2291 = arith.mulf %add3A_2261, %mul3A_2290 : vector<16xf32>
      %add3A_2292 = arith.addf %mul3A_2288, %mul3A_2291 : vector<16xf32>
      %mul3A_2293 = arith.mulf %neg3A_2230, %add3A_2292 : vector<16xf32>
      %mul3A_2294 = arith.constant 1.000000e+01 : f32
      %mul3A_2295 = vector.broadcast %mul3A_2294 : f32 to vector<16xf32>
      %mul3A_2296 = arith.mulf %mul3A_2295, %get3A_2209 : vector<16xf32>
      %add3A_2297 = arith.constant 1.000000e+00 : f32
      %add3A_2298 = vector.broadcast %add3A_2297 : f32 to vector<16xf32>
      %add3A_2299 = arith.addf %add3A_2298, %mul3A_2296 : vector<16xf32>
      %mul3A_2300 = arith.mulf %mul3A_2293, %add3A_2299 : vector<16xf32>
      %add3A_2301 = arith.addf %add3A_2207, %mul3A_2300 : vector<16xf32>
      %get3A_2302 = arith.constant 160 : index
      %get3A_2303 = tpu.vector_load %arg12[%get3A_2302] {strides = array<i32>} : memref<320xf32, #tpu.memory_space<vmem>>, vector<16xf32>,
      %gt3A_2304 = arith.constant 0.000000e+00 : f32
      %gt3A_2305 = vector.broadcast %gt3A_2304 : f32 to vector<16xf32>
      %gt3A_2306 = arith.cmpf ogt, %get3A_2303, %gt3A_2305 : vector<16xf32>
      %get3A_2307 = arith.constant 160 : index
      %get3A_2308 = tpu.vector_load %arg13[%get3A_2307] {strides = array<i32>} : memref<320xf32, #tpu.memory_space<vmem>>, vector<16xf32>,
      %gt3A_2309 = arith.constant 0.000000e+00 : f32
      %gt3A_2310 = vector.broadcast %gt3A_2309 : f32 to vector<16xf32>
      %gt3A_2311 = arith.cmpf ogt, %get3A_2308, %gt3A_2310 : vector<16xf32>
      %or3A_2312 = arith.ori %gt3A_2306, %gt3A_2311 : vector<16xi1>
      %get3A_2313 = arith.constant 480 : index
      %get3A_2314 = tpu.vector_load %arg10[%get3A_2313] {strides = array<i32>} : memref<640xf32, #tpu.memory_space<vmem>>, vector<16xf32>,
      %get3A_2315 = arith.constant 160 : index
      %get3A_2316 = tpu.vector_load %arg10[%get3A_2315] {strides = array<i32>} : memref<640xf32, #tpu.memory_space<vmem>>, vector<16xf32>,
      %select_n3A_2317 = arith.select %or3A_2312, %get3A_2314, %get3A_2316 : vector<16xi1>, vector<16xf32>
      %sub3A_2318 = arith.constant 1.000000e+00 : f32
      %sub3A_2319 = vector.broadcast %sub3A_2318 : f32 to vector<16xf32>
      %sub3A_2320 = arith.subf %sub3A_2319, %select_n3A_2317 : vector<16xf32>
      %mul3A_2321 = arith.mulf %sub3A_2320, %sub3A_2320 : vector<16xf32>
      %neg3A_2322 = arith.constant 0.000000e+00 : f32
      %neg3A_2323 = vector.broadcast %neg3A_2322 : f32 to vector<16xf32>
      %neg3A_2324 = arith.subf %neg3A_2323, %mul3A_2321 : vector<16xf32>
      %bitcast3A_2325 = vector.bitcast %select_n3A_2317 : vector<16xf32> to vector<16xi32>
      %shift_right_logical3A_2326 = arith.constant 23 : i32
      %shift_right_logical3A_2327 = vector.broadcast %shift_right_logical3A_2326 : i32 to vector<16xi32>
      %shift_right_logical3A_2328 = arith.shrui %bitcast3A_2325, %shift_right_logical3A_2327 : vector<16xi32>
      %and3A_2329 = arith.constant 255 : i32
      %and3A_2330 = vector.broadcast %and3A_2329 : i32 to vector<16xi32>
      %and3A_2331 = arith.andi %shift_right_logical3A_2328, %and3A_2330 : vector<16xi32>
      %sub3A_2332 = arith.constant 127 : i32
      %sub3A_2333 = vector.broadcast %sub3A_2332 : i32 to vector<16xi32>
      %sub3A_2334 = arith.subi %and3A_2331, %sub3A_2333 : vector<16xi32>
      %and3A_2335 = arith.constant 8388607 : i32
      %and3A_2336 = vector.broadcast %and3A_2335 : i32 to vector<16xi32>
      %and3A_2337 = arith.andi %bitcast3A_2325, %and3A_2336 : vector<16xi32>
      %or3A_2338 = arith.constant 1065353216 : i32
      %or3A_2339 = vector.broadcast %or3A_2338 : i32 to vector<16xi32>
      %or3A_2340 = arith.ori %and3A_2337, %or3A_2339 : vector<16xi32>
      %bitcast3A_2341 = vector.bitcast %or3A_2340 : vector<16xi32> to vector<16xf32>
      %gt3A_2342 = arith.constant 1.41421354 : f32
      %gt3A_2343 = vector.broadcast %gt3A_2342 : f32 to vector<16xf32>
      %gt3A_2344 = arith.cmpf ogt, %bitcast3A_2341, %gt3A_2343 : vector<16xf32>
      %mul3A_2345 = arith.constant 5.000000e-01 : f32
      %mul3A_2346 = vector.broadcast %mul3A_2345 : f32 to vector<16xf32>
      %mul3A_2347 = arith.mulf %bitcast3A_2341, %mul3A_2346 : vector<16xf32>
      %select_n3A_2348 = arith.select %gt3A_2344, %mul3A_2347, %bitcast3A_2341 : vector<16xi1>, vector<16xf32>
      %convert_element_type3A_2349 = arith.sitofp %sub3A_2334 : vector<16xi32> to vector<16xf32>
      %jit3A_2350 = arith.constant 1.000000e+00 : f32
      %jit3A_2351 = arith.constant 0.000000e+00 : f32
      %broadcast_in_dim3A_2352 = vector.broadcast %jit3A_2350 : f32 to vector<16xf32>
      %broadcast_in_dim3A_2353 = vector.broadcast %jit3A_2351 : f32 to vector<16xf32>
      %select_n3A_2354 = arith.select %gt3A_2344, %broadcast_in_dim3A_2352, %broadcast_in_dim3A_2353 : vector<16xi1>, vector<16xf32>
      %add3A_2355 = arith.addf %convert_element_type3A_2349, %select_n3A_2354 : vector<16xf32>
      %sub3A_2356 = arith.constant 1.000000e+00 : f32
      %sub3A_2357 = vector.broadcast %sub3A_2356 : f32 to vector<16xf32>
      %sub3A_2358 = arith.subf %select_n3A_2348, %sub3A_2357 : vector<16xf32>
      %add3A_2359 = arith.constant 1.000000e+00 : f32
      %add3A_2360 = vector.broadcast %add3A_2359 : f32 to vector<16xf32>
      %add3A_2361 = arith.addf %select_n3A_2348, %add3A_2360 : vector<16xf32>
      %div3A_2362 = arith.divf %sub3A_2358, %add3A_2361 : vector<16xf32>
      %mul3A_2363 = arith.mulf %div3A_2362, %div3A_2362 : vector<16xf32>
      %mul3A_2364 = arith.constant 0.222222224 : f32
      %mul3A_2365 = vector.broadcast %mul3A_2364 : f32 to vector<16xf32>
      %mul3A_2366 = arith.mulf %mul3A_2363, %mul3A_2365 : vector<16xf32>
      %add3A_2367 = arith.constant 0.285714298 : f32
      %add3A_2368 = vector.broadcast %add3A_2367 : f32 to vector<16xf32>
      %add3A_2369 = arith.addf %add3A_2368, %mul3A_2366 : vector<16xf32>
      %mul3A_2370 = arith.mulf %mul3A_2363, %add3A_2369 : vector<16xf32>
      %add3A_2371 = arith.constant 0.400000095 : f32
      %add3A_2372 = vector.broadcast %add3A_2371 : f32 to vector<16xf32>
      %add3A_2373 = arith.addf %add3A_2372, %mul3A_2370 : vector<16xf32>
      %mul3A_2374 = arith.mulf %mul3A_2363, %add3A_2373 : vector<16xf32>
      %add3A_2375 = arith.constant 0.666666627 : f32
      %add3A_2376 = vector.broadcast %add3A_2375 : f32 to vector<16xf32>
      %add3A_2377 = arith.addf %add3A_2376, %mul3A_2374 : vector<16xf32>
      %mul3A_2378 = arith.mulf %mul3A_2363, %add3A_2377 : vector<16xf32>
      %add3A_2379 = arith.constant 2.000000e+00 : f32
      %add3A_2380 = vector.broadcast %add3A_2379 : f32 to vector<16xf32>
      %add3A_2381 = arith.addf %add3A_2380, %mul3A_2378 : vector<16xf32>
      %mul3A_2382 = arith.mulf %div3A_2362, %add3A_2381 : vector<16xf32>
      %mul3A_2383 = arith.constant 0.693147182 : f32
      %mul3A_2384 = vector.broadcast %mul3A_2383 : f32 to vector<16xf32>
      %mul3A_2385 = arith.mulf %add3A_2355, %mul3A_2384 : vector<16xf32>
      %add3A_2386 = arith.addf %mul3A_2382, %mul3A_2385 : vector<16xf32>
      %mul3A_2387 = arith.mulf %neg3A_2324, %add3A_2386 : vector<16xf32>
      %mul3A_2388 = arith.constant 1.000000e+01 : f32
      %mul3A_2389 = vector.broadcast %mul3A_2388 : f32 to vector<16xf32>
      %mul3A_2390 = arith.mulf %mul3A_2389, %get3A_2303 : vector<16xf32>
      %add3A_2391 = arith.constant 1.000000e+00 : f32
      %add3A_2392 = vector.broadcast %add3A_2391 : f32 to vector<16xf32>
      %add3A_2393 = arith.addf %add3A_2392, %mul3A_2390 : vector<16xf32>
      %mul3A_2394 = arith.mulf %mul3A_2387, %add3A_2393 : vector<16xf32>
      %add3A_2395 = arith.addf %add3A_2301, %mul3A_2394 : vector<16xf32>
      %get3A_2396 = arith.constant 176 : index
      %get3A_2397 = tpu.vector_load %arg12[%get3A_2396] {strides = array<i32>} : memref<320xf32, #tpu.memory_space<vmem>>, vector<16xf32>,
      %gt3A_2398 = arith.constant 0.000000e+00 : f32
      %gt3A_2399 = vector.broadcast %gt3A_2398 : f32 to vector<16xf32>
      %gt3A_2400 = arith.cmpf ogt, %get3A_2397, %gt3A_2399 : vector<16xf32>
      %get3A_2401 = arith.constant 176 : index
      %get3A_2402 = tpu.vector_load %arg13[%get3A_2401] {strides = array<i32>} : memref<320xf32, #tpu.memory_space<vmem>>, vector<16xf32>,
      %gt3A_2403 = arith.constant 0.000000e+00 : f32
      %gt3A_2404 = vector.broadcast %gt3A_2403 : f32 to vector<16xf32>
      %gt3A_2405 = arith.cmpf ogt, %get3A_2402, %gt3A_2404 : vector<16xf32>
      %or3A_2406 = arith.ori %gt3A_2400, %gt3A_2405 : vector<16xi1>
      %get3A_2407 = arith.constant 496 : index
      %get3A_2408 = tpu.vector_load %arg10[%get3A_2407] {strides = array<i32>} : memref<640xf32, #tpu.memory_space<vmem>>, vector<16xf32>,
      %get3A_2409 = arith.constant 176 : index
      %get3A_2410 = tpu.vector_load %arg10[%get3A_2409] {strides = array<i32>} : memref<640xf32, #tpu.memory_space<vmem>>, vector<16xf32>,
      %select_n3A_2411 = arith.select %or3A_2406, %get3A_2408, %get3A_2410 : vector<16xi1>, vector<16xf32>
      %sub3A_2412 = arith.constant 1.000000e+00 : f32
      %sub3A_2413 = vector.broadcast %sub3A_2412 : f32 to vector<16xf32>
      %sub3A_2414 = arith.subf %sub3A_2413, %select_n3A_2411 : vector<16xf32>
      %mul3A_2415 = arith.mulf %sub3A_2414, %sub3A_2414 : vector<16xf32>
      %neg3A_2416 = arith.constant 0.000000e+00 : f32
      %neg3A_2417 = vector.broadcast %neg3A_2416 : f32 to vector<16xf32>
      %neg3A_2418 = arith.subf %neg3A_2417, %mul3A_2415 : vector<16xf32>
      %bitcast3A_2419 = vector.bitcast %select_n3A_2411 : vector<16xf32> to vector<16xi32>
      %shift_right_logical3A_2420 = arith.constant 23 : i32
      %shift_right_logical3A_2421 = vector.broadcast %shift_right_logical3A_2420 : i32 to vector<16xi32>
      %shift_right_logical3A_2422 = arith.shrui %bitcast3A_2419, %shift_right_logical3A_2421 : vector<16xi32>
      %and3A_2423 = arith.constant 255 : i32
      %and3A_2424 = vector.broadcast %and3A_2423 : i32 to vector<16xi32>
      %and3A_2425 = arith.andi %shift_right_logical3A_2422, %and3A_2424 : vector<16xi32>
      %sub3A_2426 = arith.constant 127 : i32
      %sub3A_2427 = vector.broadcast %sub3A_2426 : i32 to vector<16xi32>
      %sub3A_2428 = arith.subi %and3A_2425, %sub3A_2427 : vector<16xi32>
      %and3A_2429 = arith.constant 8388607 : i32
      %and3A_2430 = vector.broadcast %and3A_2429 : i32 to vector<16xi32>
      %and3A_2431 = arith.andi %bitcast3A_2419, %and3A_2430 : vector<16xi32>
      %or3A_2432 = arith.constant 1065353216 : i32
      %or3A_2433 = vector.broadcast %or3A_2432 : i32 to vector<16xi32>
      %or3A_2434 = arith.ori %and3A_2431, %or3A_2433 : vector<16xi32>
      %bitcast3A_2435 = vector.bitcast %or3A_2434 : vector<16xi32> to vector<16xf32>
      %gt3A_2436 = arith.constant 1.41421354 : f32
      %gt3A_2437 = vector.broadcast %gt3A_2436 : f32 to vector<16xf32>
      %gt3A_2438 = arith.cmpf ogt, %bitcast3A_2435, %gt3A_2437 : vector<16xf32>
      %mul3A_2439 = arith.constant 5.000000e-01 : f32
      %mul3A_2440 = vector.broadcast %mul3A_2439 : f32 to vector<16xf32>
      %mul3A_2441 = arith.mulf %bitcast3A_2435, %mul3A_2440 : vector<16xf32>
      %select_n3A_2442 = arith.select %gt3A_2438, %mul3A_2441, %bitcast3A_2435 : vector<16xi1>, vector<16xf32>
      %convert_element_type3A_2443 = arith.sitofp %sub3A_2428 : vector<16xi32> to vector<16xf32>
      %jit3A_2444 = arith.constant 1.000000e+00 : f32
      %jit3A_2445 = arith.constant 0.000000e+00 : f32
      %broadcast_in_dim3A_2446 = vector.broadcast %jit3A_2444 : f32 to vector<16xf32>
      %broadcast_in_dim3A_2447 = vector.broadcast %jit3A_2445 : f32 to vector<16xf32>
      %select_n3A_2448 = arith.select %gt3A_2438, %broadcast_in_dim3A_2446, %broadcast_in_dim3A_2447 : vector<16xi1>, vector<16xf32>
      %add3A_2449 = arith.addf %convert_element_type3A_2443, %select_n3A_2448 : vector<16xf32>
      %sub3A_2450 = arith.constant 1.000000e+00 : f32
      %sub3A_2451 = vector.broadcast %sub3A_2450 : f32 to vector<16xf32>
      %sub3A_2452 = arith.subf %select_n3A_2442, %sub3A_2451 : vector<16xf32>
      %add3A_2453 = arith.constant 1.000000e+00 : f32
      %add3A_2454 = vector.broadcast %add3A_2453 : f32 to vector<16xf32>
      %add3A_2455 = arith.addf %select_n3A_2442, %add3A_2454 : vector<16xf32>
      %div3A_2456 = arith.divf %sub3A_2452, %add3A_2455 : vector<16xf32>
      %mul3A_2457 = arith.mulf %div3A_2456, %div3A_2456 : vector<16xf32>
      %mul3A_2458 = arith.constant 0.222222224 : f32
      %mul3A_2459 = vector.broadcast %mul3A_2458 : f32 to vector<16xf32>
      %mul3A_2460 = arith.mulf %mul3A_2457, %mul3A_2459 : vector<16xf32>
      %add3A_2461 = arith.constant 0.285714298 : f32
      %add3A_2462 = vector.broadcast %add3A_2461 : f32 to vector<16xf32>
      %add3A_2463 = arith.addf %add3A_2462, %mul3A_2460 : vector<16xf32>
      %mul3A_2464 = arith.mulf %mul3A_2457, %add3A_2463 : vector<16xf32>
      %add3A_2465 = arith.constant 0.400000095 : f32
      %add3A_2466 = vector.broadcast %add3A_2465 : f32 to vector<16xf32>
      %add3A_2467 = arith.addf %add3A_2466, %mul3A_2464 : vector<16xf32>
      %mul3A_2468 = arith.mulf %mul3A_2457, %add3A_2467 : vector<16xf32>
      %add3A_2469 = arith.constant 0.666666627 : f32
      %add3A_2470 = vector.broadcast %add3A_2469 : f32 to vector<16xf32>
      %add3A_2471 = arith.addf %add3A_2470, %mul3A_2468 : vector<16xf32>
      %mul3A_2472 = arith.mulf %mul3A_2457, %add3A_2471 : vector<16xf32>
      %add3A_2473 = arith.constant 2.000000e+00 : f32
      %add3A_2474 = vector.broadcast %add3A_2473 : f32 to vector<16xf32>
      %add3A_2475 = arith.addf %add3A_2474, %mul3A_2472 : vector<16xf32>
      %mul3A_2476 = arith.mulf %div3A_2456, %add3A_2475 : vector<16xf32>
      %mul3A_2477 = arith.constant 0.693147182 : f32
      %mul3A_2478 = vector.broadcast %mul3A_2477 : f32 to vector<16xf32>
      %mul3A_2479 = arith.mulf %add3A_2449, %mul3A_2478 : vector<16xf32>
      %add3A_2480 = arith.addf %mul3A_2476, %mul3A_2479 : vector<16xf32>
      %mul3A_2481 = arith.mulf %neg3A_2418, %add3A_2480 : vector<16xf32>
      %mul3A_2482 = arith.constant 1.000000e+01 : f32
      %mul3A_2483 = vector.broadcast %mul3A_2482 : f32 to vector<16xf32>
      %mul3A_2484 = arith.mulf %mul3A_2483, %get3A_2397 : vector<16xf32>
      %add3A_2485 = arith.constant 1.000000e+00 : f32
      %add3A_2486 = vector.broadcast %add3A_2485 : f32 to vector<16xf32>
      %add3A_2487 = arith.addf %add3A_2486, %mul3A_2484 : vector<16xf32>
      %mul3A_2488 = arith.mulf %mul3A_2481, %add3A_2487 : vector<16xf32>
      %add3A_2489 = arith.addf %add3A_2395, %mul3A_2488 : vector<16xf32>
      %get3A_2490 = arith.constant 192 : index
      %get3A_2491 = tpu.vector_load %arg12[%get3A_2490] {strides = array<i32>} : memref<320xf32, #tpu.memory_space<vmem>>, vector<16xf32>,
      %gt3A_2492 = arith.constant 0.000000e+00 : f32
      %gt3A_2493 = vector.broadcast %gt3A_2492 : f32 to vector<16xf32>
      %gt3A_2494 = arith.cmpf ogt, %get3A_2491, %gt3A_2493 : vector<16xf32>
      %get3A_2495 = arith.constant 192 : index
      %get3A_2496 = tpu.vector_load %arg13[%get3A_2495] {strides = array<i32>} : memref<320xf32, #tpu.memory_space<vmem>>, vector<16xf32>,
      %gt3A_2497 = arith.constant 0.000000e+00 : f32
      %gt3A_2498 = vector.broadcast %gt3A_2497 : f32 to vector<16xf32>
      %gt3A_2499 = arith.cmpf ogt, %get3A_2496, %gt3A_2498 : vector<16xf32>
      %or3A_2500 = arith.ori %gt3A_2494, %gt3A_2499 : vector<16xi1>
      %get3A_2501 = arith.constant 512 : index
      %get3A_2502 = tpu.vector_load %arg10[%get3A_2501] {strides = array<i32>} : memref<640xf32, #tpu.memory_space<vmem>>, vector<16xf32>,
      %get3A_2503 = arith.constant 192 : index
      %get3A_2504 = tpu.vector_load %arg10[%get3A_2503] {strides = array<i32>} : memref<640xf32, #tpu.memory_space<vmem>>, vector<16xf32>,
      %select_n3A_2505 = arith.select %or3A_2500, %get3A_2502, %get3A_2504 : vector<16xi1>, vector<16xf32>
      %sub3A_2506 = arith.constant 1.000000e+00 : f32
      %sub3A_2507 = vector.broadcast %sub3A_2506 : f32 to vector<16xf32>
      %sub3A_2508 = arith.subf %sub3A_2507, %select_n3A_2505 : vector<16xf32>
      %mul3A_2509 = arith.mulf %sub3A_2508, %sub3A_2508 : vector<16xf32>
      %neg3A_2510 = arith.constant 0.000000e+00 : f32
      %neg3A_2511 = vector.broadcast %neg3A_2510 : f32 to vector<16xf32>
      %neg3A_2512 = arith.subf %neg3A_2511, %mul3A_2509 : vector<16xf32>
      %bitcast3A_2513 = vector.bitcast %select_n3A_2505 : vector<16xf32> to vector<16xi32>
      %shift_right_logical3A_2514 = arith.constant 23 : i32
      %shift_right_logical3A_2515 = vector.broadcast %shift_right_logical3A_2514 : i32 to vector<16xi32>
      %shift_right_logical3A_2516 = arith.shrui %bitcast3A_2513, %shift_right_logical3A_2515 : vector<16xi32>
      %and3A_2517 = arith.constant 255 : i32
      %and3A_2518 = vector.broadcast %and3A_2517 : i32 to vector<16xi32>
      %and3A_2519 = arith.andi %shift_right_logical3A_2516, %and3A_2518 : vector<16xi32>
      %sub3A_2520 = arith.constant 127 : i32
      %sub3A_2521 = vector.broadcast %sub3A_2520 : i32 to vector<16xi32>
      %sub3A_2522 = arith.subi %and3A_2519, %sub3A_2521 : vector<16xi32>
      %and3A_2523 = arith.constant 8388607 : i32
      %and3A_2524 = vector.broadcast %and3A_2523 : i32 to vector<16xi32>
      %and3A_2525 = arith.andi %bitcast3A_2513, %and3A_2524 : vector<16xi32>
      %or3A_2526 = arith.constant 1065353216 : i32
      %or3A_2527 = vector.broadcast %or3A_2526 : i32 to vector<16xi32>
      %or3A_2528 = arith.ori %and3A_2525, %or3A_2527 : vector<16xi32>
      %bitcast3A_2529 = vector.bitcast %or3A_2528 : vector<16xi32> to vector<16xf32>
      %gt3A_2530 = arith.constant 1.41421354 : f32
      %gt3A_2531 = vector.broadcast %gt3A_2530 : f32 to vector<16xf32>
      %gt3A_2532 = arith.cmpf ogt, %bitcast3A_2529, %gt3A_2531 : vector<16xf32>
      %mul3A_2533 = arith.constant 5.000000e-01 : f32
      %mul3A_2534 = vector.broadcast %mul3A_2533 : f32 to vector<16xf32>
      %mul3A_2535 = arith.mulf %bitcast3A_2529, %mul3A_2534 : vector<16xf32>
      %select_n3A_2536 = arith.select %gt3A_2532, %mul3A_2535, %bitcast3A_2529 : vector<16xi1>, vector<16xf32>
      %convert_element_type3A_2537 = arith.sitofp %sub3A_2522 : vector<16xi32> to vector<16xf32>
      %jit3A_2538 = arith.constant 1.000000e+00 : f32
      %jit3A_2539 = arith.constant 0.000000e+00 : f32
      %broadcast_in_dim3A_2540 = vector.broadcast %jit3A_2538 : f32 to vector<16xf32>
      %broadcast_in_dim3A_2541 = vector.broadcast %jit3A_2539 : f32 to vector<16xf32>
      %select_n3A_2542 = arith.select %gt3A_2532, %broadcast_in_dim3A_2540, %broadcast_in_dim3A_2541 : vector<16xi1>, vector<16xf32>
      %add3A_2543 = arith.addf %convert_element_type3A_2537, %select_n3A_2542 : vector<16xf32>
      %sub3A_2544 = arith.constant 1.000000e+00 : f32
      %sub3A_2545 = vector.broadcast %sub3A_2544 : f32 to vector<16xf32>
      %sub3A_2546 = arith.subf %select_n3A_2536, %sub3A_2545 : vector<16xf32>
      %add3A_2547 = arith.constant 1.000000e+00 : f32
      %add3A_2548 = vector.broadcast %add3A_2547 : f32 to vector<16xf32>
      %add3A_2549 = arith.addf %select_n3A_2536, %add3A_2548 : vector<16xf32>
      %div3A_2550 = arith.divf %sub3A_2546, %add3A_2549 : vector<16xf32>
      %mul3A_2551 = arith.mulf %div3A_2550, %div3A_2550 : vector<16xf32>
      %mul3A_2552 = arith.constant 0.222222224 : f32
      %mul3A_2553 = vector.broadcast %mul3A_2552 : f32 to vector<16xf32>
      %mul3A_2554 = arith.mulf %mul3A_2551, %mul3A_2553 : vector<16xf32>
      %add3A_2555 = arith.constant 0.285714298 : f32
      %add3A_2556 = vector.broadcast %add3A_2555 : f32 to vector<16xf32>
      %add3A_2557 = arith.addf %add3A_2556, %mul3A_2554 : vector<16xf32>
      %mul3A_2558 = arith.mulf %mul3A_2551, %add3A_2557 : vector<16xf32>
      %add3A_2559 = arith.constant 0.400000095 : f32
      %add3A_2560 = vector.broadcast %add3A_2559 : f32 to vector<16xf32>
      %add3A_2561 = arith.addf %add3A_2560, %mul3A_2558 : vector<16xf32>
      %mul3A_2562 = arith.mulf %mul3A_2551, %add3A_2561 : vector<16xf32>
      %add3A_2563 = arith.constant 0.666666627 : f32
      %add3A_2564 = vector.broadcast %add3A_2563 : f32 to vector<16xf32>
      %add3A_2565 = arith.addf %add3A_2564, %mul3A_2562 : vector<16xf32>
      %mul3A_2566 = arith.mulf %mul3A_2551, %add3A_2565 : vector<16xf32>
      %add3A_2567 = arith.constant 2.000000e+00 : f32
      %add3A_2568 = vector.broadcast %add3A_2567 : f32 to vector<16xf32>
      %add3A_2569 = arith.addf %add3A_2568, %mul3A_2566 : vector<16xf32>
      %mul3A_2570 = arith.mulf %div3A_2550, %add3A_2569 : vector<16xf32>
      %mul3A_2571 = arith.constant 0.693147182 : f32
      %mul3A_2572 = vector.broadcast %mul3A_2571 : f32 to vector<16xf32>
      %mul3A_2573 = arith.mulf %add3A_2543, %mul3A_2572 : vector<16xf32>
      %add3A_2574 = arith.addf %mul3A_2570, %mul3A_2573 : vector<16xf32>
      %mul3A_2575 = arith.mulf %neg3A_2512, %add3A_2574 : vector<16xf32>
      %mul3A_2576 = arith.constant 1.000000e+01 : f32
      %mul3A_2577 = vector.broadcast %mul3A_2576 : f32 to vector<16xf32>
      %mul3A_2578 = arith.mulf %mul3A_2577, %get3A_2491 : vector<16xf32>
      %add3A_2579 = arith.constant 1.000000e+00 : f32
      %add3A_2580 = vector.broadcast %add3A_2579 : f32 to vector<16xf32>
      %add3A_2581 = arith.addf %add3A_2580, %mul3A_2578 : vector<16xf32>
      %mul3A_2582 = arith.mulf %mul3A_2575, %add3A_2581 : vector<16xf32>
      %add3A_2583 = arith.addf %add3A_2489, %mul3A_2582 : vector<16xf32>
      %get3A_2584 = arith.constant 208 : index
      %get3A_2585 = tpu.vector_load %arg12[%get3A_2584] {strides = array<i32>} : memref<320xf32, #tpu.memory_space<vmem>>, vector<16xf32>,
      %gt3A_2586 = arith.constant 0.000000e+00 : f32
      %gt3A_2587 = vector.broadcast %gt3A_2586 : f32 to vector<16xf32>
      %gt3A_2588 = arith.cmpf ogt, %get3A_2585, %gt3A_2587 : vector<16xf32>
      %get3A_2589 = arith.constant 208 : index
      %get3A_2590 = tpu.vector_load %arg13[%get3A_2589] {strides = array<i32>} : memref<320xf32, #tpu.memory_space<vmem>>, vector<16xf32>,
      %gt3A_2591 = arith.constant 0.000000e+00 : f32
      %gt3A_2592 = vector.broadcast %gt3A_2591 : f32 to vector<16xf32>
      %gt3A_2593 = arith.cmpf ogt, %get3A_2590, %gt3A_2592 : vector<16xf32>
      %or3A_2594 = arith.ori %gt3A_2588, %gt3A_2593 : vector<16xi1>
      %get3A_2595 = arith.constant 528 : index
      %get3A_2596 = tpu.vector_load %arg10[%get3A_2595] {strides = array<i32>} : memref<640xf32, #tpu.memory_space<vmem>>, vector<16xf32>,
      %get3A_2597 = arith.constant 208 : index
      %get3A_2598 = tpu.vector_load %arg10[%get3A_2597] {strides = array<i32>} : memref<640xf32, #tpu.memory_space<vmem>>, vector<16xf32>,
      %select_n3A_2599 = arith.select %or3A_2594, %get3A_2596, %get3A_2598 : vector<16xi1>, vector<16xf32>
      %sub3A_2600 = arith.constant 1.000000e+00 : f32
      %sub3A_2601 = vector.broadcast %sub3A_2600 : f32 to vector<16xf32>
      %sub3A_2602 = arith.subf %sub3A_2601, %select_n3A_2599 : vector<16xf32>
      %mul3A_2603 = arith.mulf %sub3A_2602, %sub3A_2602 : vector<16xf32>
      %neg3A_2604 = arith.constant 0.000000e+00 : f32
      %neg3A_2605 = vector.broadcast %neg3A_2604 : f32 to vector<16xf32>
      %neg3A_2606 = arith.subf %neg3A_2605, %mul3A_2603 : vector<16xf32>
      %bitcast3A_2607 = vector.bitcast %select_n3A_2599 : vector<16xf32> to vector<16xi32>
      %shift_right_logical3A_2608 = arith.constant 23 : i32
      %shift_right_logical3A_2609 = vector.broadcast %shift_right_logical3A_2608 : i32 to vector<16xi32>
      %shift_right_logical3A_2610 = arith.shrui %bitcast3A_2607, %shift_right_logical3A_2609 : vector<16xi32>
      %and3A_2611 = arith.constant 255 : i32
      %and3A_2612 = vector.broadcast %and3A_2611 : i32 to vector<16xi32>
      %and3A_2613 = arith.andi %shift_right_logical3A_2610, %and3A_2612 : vector<16xi32>
      %sub3A_2614 = arith.constant 127 : i32
      %sub3A_2615 = vector.broadcast %sub3A_2614 : i32 to vector<16xi32>
      %sub3A_2616 = arith.subi %and3A_2613, %sub3A_2615 : vector<16xi32>
      %and3A_2617 = arith.constant 8388607 : i32
      %and3A_2618 = vector.broadcast %and3A_2617 : i32 to vector<16xi32>
      %and3A_2619 = arith.andi %bitcast3A_2607, %and3A_2618 : vector<16xi32>
      %or3A_2620 = arith.constant 1065353216 : i32
      %or3A_2621 = vector.broadcast %or3A_2620 : i32 to vector<16xi32>
      %or3A_2622 = arith.ori %and3A_2619, %or3A_2621 : vector<16xi32>
      %bitcast3A_2623 = vector.bitcast %or3A_2622 : vector<16xi32> to vector<16xf32>
      %gt3A_2624 = arith.constant 1.41421354 : f32
      %gt3A_2625 = vector.broadcast %gt3A_2624 : f32 to vector<16xf32>
      %gt3A_2626 = arith.cmpf ogt, %bitcast3A_2623, %gt3A_2625 : vector<16xf32>
      %mul3A_2627 = arith.constant 5.000000e-01 : f32
      %mul3A_2628 = vector.broadcast %mul3A_2627 : f32 to vector<16xf32>
      %mul3A_2629 = arith.mulf %bitcast3A_2623, %mul3A_2628 : vector<16xf32>
      %select_n3A_2630 = arith.select %gt3A_2626, %mul3A_2629, %bitcast3A_2623 : vector<16xi1>, vector<16xf32>
      %convert_element_type3A_2631 = arith.sitofp %sub3A_2616 : vector<16xi32> to vector<16xf32>
      %jit3A_2632 = arith.constant 1.000000e+00 : f32
      %jit3A_2633 = arith.constant 0.000000e+00 : f32
      %broadcast_in_dim3A_2634 = vector.broadcast %jit3A_2632 : f32 to vector<16xf32>
      %broadcast_in_dim3A_2635 = vector.broadcast %jit3A_2633 : f32 to vector<16xf32>
      %select_n3A_2636 = arith.select %gt3A_2626, %broadcast_in_dim3A_2634, %broadcast_in_dim3A_2635 : vector<16xi1>, vector<16xf32>
      %add3A_2637 = arith.addf %convert_element_type3A_2631, %select_n3A_2636 : vector<16xf32>
      %sub3A_2638 = arith.constant 1.000000e+00 : f32
      %sub3A_2639 = vector.broadcast %sub3A_2638 : f32 to vector<16xf32>
      %sub3A_2640 = arith.subf %select_n3A_2630, %sub3A_2639 : vector<16xf32>
      %add3A_2641 = arith.constant 1.000000e+00 : f32
      %add3A_2642 = vector.broadcast %add3A_2641 : f32 to vector<16xf32>
      %add3A_2643 = arith.addf %select_n3A_2630, %add3A_2642 : vector<16xf32>
      %div3A_2644 = arith.divf %sub3A_2640, %add3A_2643 : vector<16xf32>
      %mul3A_2645 = arith.mulf %div3A_2644, %div3A_2644 : vector<16xf32>
      %mul3A_2646 = arith.constant 0.222222224 : f32
      %mul3A_2647 = vector.broadcast %mul3A_2646 : f32 to vector<16xf32>
      %mul3A_2648 = arith.mulf %mul3A_2645, %mul3A_2647 : vector<16xf32>
      %add3A_2649 = arith.constant 0.285714298 : f32
      %add3A_2650 = vector.broadcast %add3A_2649 : f32 to vector<16xf32>
      %add3A_2651 = arith.addf %add3A_2650, %mul3A_2648 : vector<16xf32>
      %mul3A_2652 = arith.mulf %mul3A_2645, %add3A_2651 : vector<16xf32>
      %add3A_2653 = arith.constant 0.400000095 : f32
      %add3A_2654 = vector.broadcast %add3A_2653 : f32 to vector<16xf32>
      %add3A_2655 = arith.addf %add3A_2654, %mul3A_2652 : vector<16xf32>
      %mul3A_2656 = arith.mulf %mul3A_2645, %add3A_2655 : vector<16xf32>
      %add3A_2657 = arith.constant 0.666666627 : f32
      %add3A_2658 = vector.broadcast %add3A_2657 : f32 to vector<16xf32>
      %add3A_2659 = arith.addf %add3A_2658, %mul3A_2656 : vector<16xf32>
      %mul3A_2660 = arith.mulf %mul3A_2645, %add3A_2659 : vector<16xf32>
      %add3A_2661 = arith.constant 2.000000e+00 : f32
      %add3A_2662 = vector.broadcast %add3A_2661 : f32 to vector<16xf32>
      %add3A_2663 = arith.addf %add3A_2662, %mul3A_2660 : vector<16xf32>
      %mul3A_2664 = arith.mulf %div3A_2644, %add3A_2663 : vector<16xf32>
      %mul3A_2665 = arith.constant 0.693147182 : f32
      %mul3A_2666 = vector.broadcast %mul3A_2665 : f32 to vector<16xf32>
      %mul3A_2667 = arith.mulf %add3A_2637, %mul3A_2666 : vector<16xf32>
      %add3A_2668 = arith.addf %mul3A_2664, %mul3A_2667 : vector<16xf32>
      %mul3A_2669 = arith.mulf %neg3A_2606, %add3A_2668 : vector<16xf32>
      %mul3A_2670 = arith.constant 1.000000e+01 : f32
      %mul3A_2671 = vector.broadcast %mul3A_2670 : f32 to vector<16xf32>
      %mul3A_2672 = arith.mulf %mul3A_2671, %get3A_2585 : vector<16xf32>
      %add3A_2673 = arith.constant 1.000000e+00 : f32
      %add3A_2674 = vector.broadcast %add3A_2673 : f32 to vector<16xf32>
      %add3A_2675 = arith.addf %add3A_2674, %mul3A_2672 : vector<16xf32>
      %mul3A_2676 = arith.mulf %mul3A_2669, %add3A_2675 : vector<16xf32>
      %add3A_2677 = arith.addf %add3A_2583, %mul3A_2676 : vector<16xf32>
      %get3A_2678 = arith.constant 224 : index
      %get3A_2679 = tpu.vector_load %arg12[%get3A_2678] {strides = array<i32>} : memref<320xf32, #tpu.memory_space<vmem>>, vector<16xf32>,
      %gt3A_2680 = arith.constant 0.000000e+00 : f32
      %gt3A_2681 = vector.broadcast %gt3A_2680 : f32 to vector<16xf32>
      %gt3A_2682 = arith.cmpf ogt, %get3A_2679, %gt3A_2681 : vector<16xf32>
      %get3A_2683 = arith.constant 224 : index
      %get3A_2684 = tpu.vector_load %arg13[%get3A_2683] {strides = array<i32>} : memref<320xf32, #tpu.memory_space<vmem>>, vector<16xf32>,
      %gt3A_2685 = arith.constant 0.000000e+00 : f32
      %gt3A_2686 = vector.broadcast %gt3A_2685 : f32 to vector<16xf32>
      %gt3A_2687 = arith.cmpf ogt, %get3A_2684, %gt3A_2686 : vector<16xf32>
      %or3A_2688 = arith.ori %gt3A_2682, %gt3A_2687 : vector<16xi1>
      %get3A_2689 = arith.constant 544 : index
      %get3A_2690 = tpu.vector_load %arg10[%get3A_2689] {strides = array<i32>} : memref<640xf32, #tpu.memory_space<vmem>>, vector<16xf32>,
      %get3A_2691 = arith.constant 224 : index
      %get3A_2692 = tpu.vector_load %arg10[%get3A_2691] {strides = array<i32>} : memref<640xf32, #tpu.memory_space<vmem>>, vector<16xf32>,
      %select_n3A_2693 = arith.select %or3A_2688, %get3A_2690, %get3A_2692 : vector<16xi1>, vector<16xf32>
      %sub3A_2694 = arith.constant 1.000000e+00 : f32
      %sub3A_2695 = vector.broadcast %sub3A_2694 : f32 to vector<16xf32>
      %sub3A_2696 = arith.subf %sub3A_2695, %select_n3A_2693 : vector<16xf32>
      %mul3A_2697 = arith.mulf %sub3A_2696, %sub3A_2696 : vector<16xf32>
      %neg3A_2698 = arith.constant 0.000000e+00 : f32
      %neg3A_2699 = vector.broadcast %neg3A_2698 : f32 to vector<16xf32>
      %neg3A_2700 = arith.subf %neg3A_2699, %mul3A_2697 : vector<16xf32>
      %bitcast3A_2701 = vector.bitcast %select_n3A_2693 : vector<16xf32> to vector<16xi32>
      %shift_right_logical3A_2702 = arith.constant 23 : i32
      %shift_right_logical3A_2703 = vector.broadcast %shift_right_logical3A_2702 : i32 to vector<16xi32>
      %shift_right_logical3A_2704 = arith.shrui %bitcast3A_2701, %shift_right_logical3A_2703 : vector<16xi32>
      %and3A_2705 = arith.constant 255 : i32
      %and3A_2706 = vector.broadcast %and3A_2705 : i32 to vector<16xi32>
      %and3A_2707 = arith.andi %shift_right_logical3A_2704, %and3A_2706 : vector<16xi32>
      %sub3A_2708 = arith.constant 127 : i32
      %sub3A_2709 = vector.broadcast %sub3A_2708 : i32 to vector<16xi32>
      %sub3A_2710 = arith.subi %and3A_2707, %sub3A_2709 : vector<16xi32>
      %and3A_2711 = arith.constant 8388607 : i32
      %and3A_2712 = vector.broadcast %and3A_2711 : i32 to vector<16xi32>
      %and3A_2713 = arith.andi %bitcast3A_2701, %and3A_2712 : vector<16xi32>
      %or3A_2714 = arith.constant 1065353216 : i32
      %or3A_2715 = vector.broadcast %or3A_2714 : i32 to vector<16xi32>
      %or3A_2716 = arith.ori %and3A_2713, %or3A_2715 : vector<16xi32>
      %bitcast3A_2717 = vector.bitcast %or3A_2716 : vector<16xi32> to vector<16xf32>
      %gt3A_2718 = arith.constant 1.41421354 : f32
      %gt3A_2719 = vector.broadcast %gt3A_2718 : f32 to vector<16xf32>
      %gt3A_2720 = arith.cmpf ogt, %bitcast3A_2717, %gt3A_2719 : vector<16xf32>
      %mul3A_2721 = arith.constant 5.000000e-01 : f32
      %mul3A_2722 = vector.broadcast %mul3A_2721 : f32 to vector<16xf32>
      %mul3A_2723 = arith.mulf %bitcast3A_2717, %mul3A_2722 : vector<16xf32>
      %select_n3A_2724 = arith.select %gt3A_2720, %mul3A_2723, %bitcast3A_2717 : vector<16xi1>, vector<16xf32>
      %convert_element_type3A_2725 = arith.sitofp %sub3A_2710 : vector<16xi32> to vector<16xf32>
      %jit3A_2726 = arith.constant 1.000000e+00 : f32
      %jit3A_2727 = arith.constant 0.000000e+00 : f32
      %broadcast_in_dim3A_2728 = vector.broadcast %jit3A_2726 : f32 to vector<16xf32>
      %broadcast_in_dim3A_2729 = vector.broadcast %jit3A_2727 : f32 to vector<16xf32>
      %select_n3A_2730 = arith.select %gt3A_2720, %broadcast_in_dim3A_2728, %broadcast_in_dim3A_2729 : vector<16xi1>, vector<16xf32>
      %add3A_2731 = arith.addf %convert_element_type3A_2725, %select_n3A_2730 : vector<16xf32>
      %sub3A_2732 = arith.constant 1.000000e+00 : f32
      %sub3A_2733 = vector.broadcast %sub3A_2732 : f32 to vector<16xf32>
      %sub3A_2734 = arith.subf %select_n3A_2724, %sub3A_2733 : vector<16xf32>
      %add3A_2735 = arith.constant 1.000000e+00 : f32
      %add3A_2736 = vector.broadcast %add3A_2735 : f32 to vector<16xf32>
      %add3A_2737 = arith.addf %select_n3A_2724, %add3A_2736 : vector<16xf32>
      %div3A_2738 = arith.divf %sub3A_2734, %add3A_2737 : vector<16xf32>
      %mul3A_2739 = arith.mulf %div3A_2738, %div3A_2738 : vector<16xf32>
      %mul3A_2740 = arith.constant 0.222222224 : f32
      %mul3A_2741 = vector.broadcast %mul3A_2740 : f32 to vector<16xf32>
      %mul3A_2742 = arith.mulf %mul3A_2739, %mul3A_2741 : vector<16xf32>
      %add3A_2743 = arith.constant 0.285714298 : f32
      %add3A_2744 = vector.broadcast %add3A_2743 : f32 to vector<16xf32>
      %add3A_2745 = arith.addf %add3A_2744, %mul3A_2742 : vector<16xf32>
      %mul3A_2746 = arith.mulf %mul3A_2739, %add3A_2745 : vector<16xf32>
      %add3A_2747 = arith.constant 0.400000095 : f32
      %add3A_2748 = vector.broadcast %add3A_2747 : f32 to vector<16xf32>
      %add3A_2749 = arith.addf %add3A_2748, %mul3A_2746 : vector<16xf32>
      %mul3A_2750 = arith.mulf %mul3A_2739, %add3A_2749 : vector<16xf32>
      %add3A_2751 = arith.constant 0.666666627 : f32
      %add3A_2752 = vector.broadcast %add3A_2751 : f32 to vector<16xf32>
      %add3A_2753 = arith.addf %add3A_2752, %mul3A_2750 : vector<16xf32>
      %mul3A_2754 = arith.mulf %mul3A_2739, %add3A_2753 : vector<16xf32>
      %add3A_2755 = arith.constant 2.000000e+00 : f32
      %add3A_2756 = vector.broadcast %add3A_2755 : f32 to vector<16xf32>
      %add3A_2757 = arith.addf %add3A_2756, %mul3A_2754 : vector<16xf32>
      %mul3A_2758 = arith.mulf %div3A_2738, %add3A_2757 : vector<16xf32>
      %mul3A_2759 = arith.constant 0.693147182 : f32
      %mul3A_2760 = vector.broadcast %mul3A_2759 : f32 to vector<16xf32>
      %mul3A_2761 = arith.mulf %add3A_2731, %mul3A_2760 : vector<16xf32>
      %add3A_2762 = arith.addf %mul3A_2758, %mul3A_2761 : vector<16xf32>
      %mul3A_2763 = arith.mulf %neg3A_2700, %add3A_2762 : vector<16xf32>
      %mul3A_2764 = arith.constant 1.000000e+01 : f32
      %mul3A_2765 = vector.broadcast %mul3A_2764 : f32 to vector<16xf32>
      %mul3A_2766 = arith.mulf %mul3A_2765, %get3A_2679 : vector<16xf32>
      %add3A_2767 = arith.constant 1.000000e+00 : f32
      %add3A_2768 = vector.broadcast %add3A_2767 : f32 to vector<16xf32>
      %add3A_2769 = arith.addf %add3A_2768, %mul3A_2766 : vector<16xf32>
      %mul3A_2770 = arith.mulf %mul3A_2763, %add3A_2769 : vector<16xf32>
      %add3A_2771 = arith.addf %add3A_2677, %mul3A_2770 : vector<16xf32>
      %get3A_2772 = arith.constant 240 : index
      %get3A_2773 = tpu.vector_load %arg12[%get3A_2772] {strides = array<i32>} : memref<320xf32, #tpu.memory_space<vmem>>, vector<16xf32>,
      %gt3A_2774 = arith.constant 0.000000e+00 : f32
      %gt3A_2775 = vector.broadcast %gt3A_2774 : f32 to vector<16xf32>
      %gt3A_2776 = arith.cmpf ogt, %get3A_2773, %gt3A_2775 : vector<16xf32>
      %get3A_2777 = arith.constant 240 : index
      %get3A_2778 = tpu.vector_load %arg13[%get3A_2777] {strides = array<i32>} : memref<320xf32, #tpu.memory_space<vmem>>, vector<16xf32>,
      %gt3A_2779 = arith.constant 0.000000e+00 : f32
      %gt3A_2780 = vector.broadcast %gt3A_2779 : f32 to vector<16xf32>
      %gt3A_2781 = arith.cmpf ogt, %get3A_2778, %gt3A_2780 : vector<16xf32>
      %or3A_2782 = arith.ori %gt3A_2776, %gt3A_2781 : vector<16xi1>
      %get3A_2783 = arith.constant 560 : index
      %get3A_2784 = tpu.vector_load %arg10[%get3A_2783] {strides = array<i32>} : memref<640xf32, #tpu.memory_space<vmem>>, vector<16xf32>,
      %get3A_2785 = arith.constant 240 : index
      %get3A_2786 = tpu.vector_load %arg10[%get3A_2785] {strides = array<i32>} : memref<640xf32, #tpu.memory_space<vmem>>, vector<16xf32>,
      %select_n3A_2787 = arith.select %or3A_2782, %get3A_2784, %get3A_2786 : vector<16xi1>, vector<16xf32>
      %sub3A_2788 = arith.constant 1.000000e+00 : f32
      %sub3A_2789 = vector.broadcast %sub3A_2788 : f32 to vector<16xf32>
      %sub3A_2790 = arith.subf %sub3A_2789, %select_n3A_2787 : vector<16xf32>
      %mul3A_2791 = arith.mulf %sub3A_2790, %sub3A_2790 : vector<16xf32>
      %neg3A_2792 = arith.constant 0.000000e+00 : f32
      %neg3A_2793 = vector.broadcast %neg3A_2792 : f32 to vector<16xf32>
      %neg3A_2794 = arith.subf %neg3A_2793, %mul3A_2791 : vector<16xf32>
      %bitcast3A_2795 = vector.bitcast %select_n3A_2787 : vector<16xf32> to vector<16xi32>
      %shift_right_logical3A_2796 = arith.constant 23 : i32
      %shift_right_logical3A_2797 = vector.broadcast %shift_right_logical3A_2796 : i32 to vector<16xi32>
      %shift_right_logical3A_2798 = arith.shrui %bitcast3A_2795, %shift_right_logical3A_2797 : vector<16xi32>
      %and3A_2799 = arith.constant 255 : i32
      %and3A_2800 = vector.broadcast %and3A_2799 : i32 to vector<16xi32>
      %and3A_2801 = arith.andi %shift_right_logical3A_2798, %and3A_2800 : vector<16xi32>
      %sub3A_2802 = arith.constant 127 : i32
      %sub3A_2803 = vector.broadcast %sub3A_2802 : i32 to vector<16xi32>
      %sub3A_2804 = arith.subi %and3A_2801, %sub3A_2803 : vector<16xi32>
      %and3A_2805 = arith.constant 8388607 : i32
      %and3A_2806 = vector.broadcast %and3A_2805 : i32 to vector<16xi32>
      %and3A_2807 = arith.andi %bitcast3A_2795, %and3A_2806 : vector<16xi32>
      %or3A_2808 = arith.constant 1065353216 : i32
      %or3A_2809 = vector.broadcast %or3A_2808 : i32 to vector<16xi32>
      %or3A_2810 = arith.ori %and3A_2807, %or3A_2809 : vector<16xi32>
      %bitcast3A_2811 = vector.bitcast %or3A_2810 : vector<16xi32> to vector<16xf32>
      %gt3A_2812 = arith.constant 1.41421354 : f32
      %gt3A_2813 = vector.broadcast %gt3A_2812 : f32 to vector<16xf32>
      %gt3A_2814 = arith.cmpf ogt, %bitcast3A_2811, %gt3A_2813 : vector<16xf32>
      %mul3A_2815 = arith.constant 5.000000e-01 : f32
      %mul3A_2816 = vector.broadcast %mul3A_2815 : f32 to vector<16xf32>
      %mul3A_2817 = arith.mulf %bitcast3A_2811, %mul3A_2816 : vector<16xf32>
      %select_n3A_2818 = arith.select %gt3A_2814, %mul3A_2817, %bitcast3A_2811 : vector<16xi1>, vector<16xf32>
      %convert_element_type3A_2819 = arith.sitofp %sub3A_2804 : vector<16xi32> to vector<16xf32>
      %jit3A_2820 = arith.constant 1.000000e+00 : f32
      %jit3A_2821 = arith.constant 0.000000e+00 : f32
      %broadcast_in_dim3A_2822 = vector.broadcast %jit3A_2820 : f32 to vector<16xf32>
      %broadcast_in_dim3A_2823 = vector.broadcast %jit3A_2821 : f32 to vector<16xf32>
      %select_n3A_2824 = arith.select %gt3A_2814, %broadcast_in_dim3A_2822, %broadcast_in_dim3A_2823 : vector<16xi1>, vector<16xf32>
      %add3A_2825 = arith.addf %convert_element_type3A_2819, %select_n3A_2824 : vector<16xf32>
      %sub3A_2826 = arith.constant 1.000000e+00 : f32
      %sub3A_2827 = vector.broadcast %sub3A_2826 : f32 to vector<16xf32>
      %sub3A_2828 = arith.subf %select_n3A_2818, %sub3A_2827 : vector<16xf32>
      %add3A_2829 = arith.constant 1.000000e+00 : f32
      %add3A_2830 = vector.broadcast %add3A_2829 : f32 to vector<16xf32>
      %add3A_2831 = arith.addf %select_n3A_2818, %add3A_2830 : vector<16xf32>
      %div3A_2832 = arith.divf %sub3A_2828, %add3A_2831 : vector<16xf32>
      %mul3A_2833 = arith.mulf %div3A_2832, %div3A_2832 : vector<16xf32>
      %mul3A_2834 = arith.constant 0.222222224 : f32
      %mul3A_2835 = vector.broadcast %mul3A_2834 : f32 to vector<16xf32>
      %mul3A_2836 = arith.mulf %mul3A_2833, %mul3A_2835 : vector<16xf32>
      %add3A_2837 = arith.constant 0.285714298 : f32
      %add3A_2838 = vector.broadcast %add3A_2837 : f32 to vector<16xf32>
      %add3A_2839 = arith.addf %add3A_2838, %mul3A_2836 : vector<16xf32>
      %mul3A_2840 = arith.mulf %mul3A_2833, %add3A_2839 : vector<16xf32>
      %add3A_2841 = arith.constant 0.400000095 : f32
      %add3A_2842 = vector.broadcast %add3A_2841 : f32 to vector<16xf32>
      %add3A_2843 = arith.addf %add3A_2842, %mul3A_2840 : vector<16xf32>
      %mul3A_2844 = arith.mulf %mul3A_2833, %add3A_2843 : vector<16xf32>
      %add3A_2845 = arith.constant 0.666666627 : f32
      %add3A_2846 = vector.broadcast %add3A_2845 : f32 to vector<16xf32>
      %add3A_2847 = arith.addf %add3A_2846, %mul3A_2844 : vector<16xf32>
      %mul3A_2848 = arith.mulf %mul3A_2833, %add3A_2847 : vector<16xf32>
      %add3A_2849 = arith.constant 2.000000e+00 : f32
      %add3A_2850 = vector.broadcast %add3A_2849 : f32 to vector<16xf32>
      %add3A_2851 = arith.addf %add3A_2850, %mul3A_2848 : vector<16xf32>
      %mul3A_2852 = arith.mulf %div3A_2832, %add3A_2851 : vector<16xf32>
      %mul3A_2853 = arith.constant 0.693147182 : f32
      %mul3A_2854 = vector.broadcast %mul3A_2853 : f32 to vector<16xf32>
      %mul3A_2855 = arith.mulf %add3A_2825, %mul3A_2854 : vector<16xf32>
      %add3A_2856 = arith.addf %mul3A_2852, %mul3A_2855 : vector<16xf32>
      %mul3A_2857 = arith.mulf %neg3A_2794, %add3A_2856 : vector<16xf32>
      %mul3A_2858 = arith.constant 1.000000e+01 : f32
      %mul3A_2859 = vector.broadcast %mul3A_2858 : f32 to vector<16xf32>
      %mul3A_2860 = arith.mulf %mul3A_2859, %get3A_2773 : vector<16xf32>
      %add3A_2861 = arith.constant 1.000000e+00 : f32
      %add3A_2862 = vector.broadcast %add3A_2861 : f32 to vector<16xf32>
      %add3A_2863 = arith.addf %add3A_2862, %mul3A_2860 : vector<16xf32>
      %mul3A_2864 = arith.mulf %mul3A_2857, %add3A_2863 : vector<16xf32>
      %add3A_2865 = arith.addf %add3A_2771, %mul3A_2864 : vector<16xf32>
      %get3A_2866 = arith.constant 256 : index
      %get3A_2867 = tpu.vector_load %arg12[%get3A_2866] {strides = array<i32>} : memref<320xf32, #tpu.memory_space<vmem>>, vector<16xf32>,
      %gt3A_2868 = arith.constant 0.000000e+00 : f32
      %gt3A_2869 = vector.broadcast %gt3A_2868 : f32 to vector<16xf32>
      %gt3A_2870 = arith.cmpf ogt, %get3A_2867, %gt3A_2869 : vector<16xf32>
      %get3A_2871 = arith.constant 256 : index
      %get3A_2872 = tpu.vector_load %arg13[%get3A_2871] {strides = array<i32>} : memref<320xf32, #tpu.memory_space<vmem>>, vector<16xf32>,
      %gt3A_2873 = arith.constant 0.000000e+00 : f32
      %gt3A_2874 = vector.broadcast %gt3A_2873 : f32 to vector<16xf32>
      %gt3A_2875 = arith.cmpf ogt, %get3A_2872, %gt3A_2874 : vector<16xf32>
      %or3A_2876 = arith.ori %gt3A_2870, %gt3A_2875 : vector<16xi1>
      %get3A_2877 = arith.constant 576 : index
      %get3A_2878 = tpu.vector_load %arg10[%get3A_2877] {strides = array<i32>} : memref<640xf32, #tpu.memory_space<vmem>>, vector<16xf32>,
      %get3A_2879 = arith.constant 256 : index
      %get3A_2880 = tpu.vector_load %arg10[%get3A_2879] {strides = array<i32>} : memref<640xf32, #tpu.memory_space<vmem>>, vector<16xf32>,
      %select_n3A_2881 = arith.select %or3A_2876, %get3A_2878, %get3A_2880 : vector<16xi1>, vector<16xf32>
      %sub3A_2882 = arith.constant 1.000000e+00 : f32
      %sub3A_2883 = vector.broadcast %sub3A_2882 : f32 to vector<16xf32>
      %sub3A_2884 = arith.subf %sub3A_2883, %select_n3A_2881 : vector<16xf32>
      %mul3A_2885 = arith.mulf %sub3A_2884, %sub3A_2884 : vector<16xf32>
      %neg3A_2886 = arith.constant 0.000000e+00 : f32
      %neg3A_2887 = vector.broadcast %neg3A_2886 : f32 to vector<16xf32>
      %neg3A_2888 = arith.subf %neg3A_2887, %mul3A_2885 : vector<16xf32>
      %bitcast3A_2889 = vector.bitcast %select_n3A_2881 : vector<16xf32> to vector<16xi32>
      %shift_right_logical3A_2890 = arith.constant 23 : i32
      %shift_right_logical3A_2891 = vector.broadcast %shift_right_logical3A_2890 : i32 to vector<16xi32>
      %shift_right_logical3A_2892 = arith.shrui %bitcast3A_2889, %shift_right_logical3A_2891 : vector<16xi32>
      %and3A_2893 = arith.constant 255 : i32
      %and3A_2894 = vector.broadcast %and3A_2893 : i32 to vector<16xi32>
      %and3A_2895 = arith.andi %shift_right_logical3A_2892, %and3A_2894 : vector<16xi32>
      %sub3A_2896 = arith.constant 127 : i32
      %sub3A_2897 = vector.broadcast %sub3A_2896 : i32 to vector<16xi32>
      %sub3A_2898 = arith.subi %and3A_2895, %sub3A_2897 : vector<16xi32>
      %and3A_2899 = arith.constant 8388607 : i32
      %and3A_2900 = vector.broadcast %and3A_2899 : i32 to vector<16xi32>
      %and3A_2901 = arith.andi %bitcast3A_2889, %and3A_2900 : vector<16xi32>
      %or3A_2902 = arith.constant 1065353216 : i32
      %or3A_2903 = vector.broadcast %or3A_2902 : i32 to vector<16xi32>
      %or3A_2904 = arith.ori %and3A_2901, %or3A_2903 : vector<16xi32>
      %bitcast3A_2905 = vector.bitcast %or3A_2904 : vector<16xi32> to vector<16xf32>
      %gt3A_2906 = arith.constant 1.41421354 : f32
      %gt3A_2907 = vector.broadcast %gt3A_2906 : f32 to vector<16xf32>
      %gt3A_2908 = arith.cmpf ogt, %bitcast3A_2905, %gt3A_2907 : vector<16xf32>
      %mul3A_2909 = arith.constant 5.000000e-01 : f32
      %mul3A_2910 = vector.broadcast %mul3A_2909 : f32 to vector<16xf32>
      %mul3A_2911 = arith.mulf %bitcast3A_2905, %mul3A_2910 : vector<16xf32>
      %select_n3A_2912 = arith.select %gt3A_2908, %mul3A_2911, %bitcast3A_2905 : vector<16xi1>, vector<16xf32>
      %convert_element_type3A_2913 = arith.sitofp %sub3A_2898 : vector<16xi32> to vector<16xf32>
      %jit3A_2914 = arith.constant 1.000000e+00 : f32
      %jit3A_2915 = arith.constant 0.000000e+00 : f32
      %broadcast_in_dim3A_2916 = vector.broadcast %jit3A_2914 : f32 to vector<16xf32>
      %broadcast_in_dim3A_2917 = vector.broadcast %jit3A_2915 : f32 to vector<16xf32>
      %select_n3A_2918 = arith.select %gt3A_2908, %broadcast_in_dim3A_2916, %broadcast_in_dim3A_2917 : vector<16xi1>, vector<16xf32>
      %add3A_2919 = arith.addf %convert_element_type3A_2913, %select_n3A_2918 : vector<16xf32>
      %sub3A_2920 = arith.constant 1.000000e+00 : f32
      %sub3A_2921 = vector.broadcast %sub3A_2920 : f32 to vector<16xf32>
      %sub3A_2922 = arith.subf %select_n3A_2912, %sub3A_2921 : vector<16xf32>
      %add3A_2923 = arith.constant 1.000000e+00 : f32
      %add3A_2924 = vector.broadcast %add3A_2923 : f32 to vector<16xf32>
      %add3A_2925 = arith.addf %select_n3A_2912, %add3A_2924 : vector<16xf32>
      %div3A_2926 = arith.divf %sub3A_2922, %add3A_2925 : vector<16xf32>
      %mul3A_2927 = arith.mulf %div3A_2926, %div3A_2926 : vector<16xf32>
      %mul3A_2928 = arith.constant 0.222222224 : f32
      %mul3A_2929 = vector.broadcast %mul3A_2928 : f32 to vector<16xf32>
      %mul3A_2930 = arith.mulf %mul3A_2927, %mul3A_2929 : vector<16xf32>
      %add3A_2931 = arith.constant 0.285714298 : f32
      %add3A_2932 = vector.broadcast %add3A_2931 : f32 to vector<16xf32>
      %add3A_2933 = arith.addf %add3A_2932, %mul3A_2930 : vector<16xf32>
      %mul3A_2934 = arith.mulf %mul3A_2927, %add3A_2933 : vector<16xf32>
      %add3A_2935 = arith.constant 0.400000095 : f32
      %add3A_2936 = vector.broadcast %add3A_2935 : f32 to vector<16xf32>
      %add3A_2937 = arith.addf %add3A_2936, %mul3A_2934 : vector<16xf32>
      %mul3A_2938 = arith.mulf %mul3A_2927, %add3A_2937 : vector<16xf32>
      %add3A_2939 = arith.constant 0.666666627 : f32
      %add3A_2940 = vector.broadcast %add3A_2939 : f32 to vector<16xf32>
      %add3A_2941 = arith.addf %add3A_2940, %mul3A_2938 : vector<16xf32>
      %mul3A_2942 = arith.mulf %mul3A_2927, %add3A_2941 : vector<16xf32>
      %add3A_2943 = arith.constant 2.000000e+00 : f32
      %add3A_2944 = vector.broadcast %add3A_2943 : f32 to vector<16xf32>
      %add3A_2945 = arith.addf %add3A_2944, %mul3A_2942 : vector<16xf32>
      %mul3A_2946 = arith.mulf %div3A_2926, %add3A_2945 : vector<16xf32>
      %mul3A_2947 = arith.constant 0.693147182 : f32
      %mul3A_2948 = vector.broadcast %mul3A_2947 : f32 to vector<16xf32>
      %mul3A_2949 = arith.mulf %add3A_2919, %mul3A_2948 : vector<16xf32>
      %add3A_2950 = arith.addf %mul3A_2946, %mul3A_2949 : vector<16xf32>
      %mul3A_2951 = arith.mulf %neg3A_2888, %add3A_2950 : vector<16xf32>
      %mul3A_2952 = arith.constant 1.000000e+01 : f32
      %mul3A_2953 = vector.broadcast %mul3A_2952 : f32 to vector<16xf32>
      %mul3A_2954 = arith.mulf %mul3A_2953, %get3A_2867 : vector<16xf32>
      %add3A_2955 = arith.constant 1.000000e+00 : f32
      %add3A_2956 = vector.broadcast %add3A_2955 : f32 to vector<16xf32>
      %add3A_2957 = arith.addf %add3A_2956, %mul3A_2954 : vector<16xf32>
      %mul3A_2958 = arith.mulf %mul3A_2951, %add3A_2957 : vector<16xf32>
      %add3A_2959 = arith.addf %add3A_2865, %mul3A_2958 : vector<16xf32>
      %get3A_2960 = arith.constant 272 : index
      %get3A_2961 = tpu.vector_load %arg12[%get3A_2960] {strides = array<i32>} : memref<320xf32, #tpu.memory_space<vmem>>, vector<16xf32>,
      %gt3A_2962 = arith.constant 0.000000e+00 : f32
      %gt3A_2963 = vector.broadcast %gt3A_2962 : f32 to vector<16xf32>
      %gt3A_2964 = arith.cmpf ogt, %get3A_2961, %gt3A_2963 : vector<16xf32>
      %get3A_2965 = arith.constant 272 : index
      %get3A_2966 = tpu.vector_load %arg13[%get3A_2965] {strides = array<i32>} : memref<320xf32, #tpu.memory_space<vmem>>, vector<16xf32>,
      %gt3A_2967 = arith.constant 0.000000e+00 : f32
      %gt3A_2968 = vector.broadcast %gt3A_2967 : f32 to vector<16xf32>
      %gt3A_2969 = arith.cmpf ogt, %get3A_2966, %gt3A_2968 : vector<16xf32>
      %or3A_2970 = arith.ori %gt3A_2964, %gt3A_2969 : vector<16xi1>
      %get3A_2971 = arith.constant 592 : index
      %get3A_2972 = tpu.vector_load %arg10[%get3A_2971] {strides = array<i32>} : memref<640xf32, #tpu.memory_space<vmem>>, vector<16xf32>,
      %get3A_2973 = arith.constant 272 : index
      %get3A_2974 = tpu.vector_load %arg10[%get3A_2973] {strides = array<i32>} : memref<640xf32, #tpu.memory_space<vmem>>, vector<16xf32>,
      %select_n3A_2975 = arith.select %or3A_2970, %get3A_2972, %get3A_2974 : vector<16xi1>, vector<16xf32>
      %sub3A_2976 = arith.constant 1.000000e+00 : f32
      %sub3A_2977 = vector.broadcast %sub3A_2976 : f32 to vector<16xf32>
      %sub3A_2978 = arith.subf %sub3A_2977, %select_n3A_2975 : vector<16xf32>
      %mul3A_2979 = arith.mulf %sub3A_2978, %sub3A_2978 : vector<16xf32>
      %neg3A_2980 = arith.constant 0.000000e+00 : f32
      %neg3A_2981 = vector.broadcast %neg3A_2980 : f32 to vector<16xf32>
      %neg3A_2982 = arith.subf %neg3A_2981, %mul3A_2979 : vector<16xf32>
      %bitcast3A_2983 = vector.bitcast %select_n3A_2975 : vector<16xf32> to vector<16xi32>
      %shift_right_logical3A_2984 = arith.constant 23 : i32
      %shift_right_logical3A_2985 = vector.broadcast %shift_right_logical3A_2984 : i32 to vector<16xi32>
      %shift_right_logical3A_2986 = arith.shrui %bitcast3A_2983, %shift_right_logical3A_2985 : vector<16xi32>
      %and3A_2987 = arith.constant 255 : i32
      %and3A_2988 = vector.broadcast %and3A_2987 : i32 to vector<16xi32>
      %and3A_2989 = arith.andi %shift_right_logical3A_2986, %and3A_2988 : vector<16xi32>
      %sub3A_2990 = arith.constant 127 : i32
      %sub3A_2991 = vector.broadcast %sub3A_2990 : i32 to vector<16xi32>
      %sub3A_2992 = arith.subi %and3A_2989, %sub3A_2991 : vector<16xi32>
      %and3A_2993 = arith.constant 8388607 : i32
      %and3A_2994 = vector.broadcast %and3A_2993 : i32 to vector<16xi32>
      %and3A_2995 = arith.andi %bitcast3A_2983, %and3A_2994 : vector<16xi32>
      %or3A_2996 = arith.constant 1065353216 : i32
      %or3A_2997 = vector.broadcast %or3A_2996 : i32 to vector<16xi32>
      %or3A_2998 = arith.ori %and3A_2995, %or3A_2997 : vector<16xi32>
      %bitcast3A_2999 = vector.bitcast %or3A_2998 : vector<16xi32> to vector<16xf32>
      %gt3A_3000 = arith.constant 1.41421354 : f32
      %gt3A_3001 = vector.broadcast %gt3A_3000 : f32 to vector<16xf32>
      %gt3A_3002 = arith.cmpf ogt, %bitcast3A_2999, %gt3A_3001 : vector<16xf32>
      %mul3A_3003 = arith.constant 5.000000e-01 : f32
      %mul3A_3004 = vector.broadcast %mul3A_3003 : f32 to vector<16xf32>
      %mul3A_3005 = arith.mulf %bitcast3A_2999, %mul3A_3004 : vector<16xf32>
      %select_n3A_3006 = arith.select %gt3A_3002, %mul3A_3005, %bitcast3A_2999 : vector<16xi1>, vector<16xf32>
      %convert_element_type3A_3007 = arith.sitofp %sub3A_2992 : vector<16xi32> to vector<16xf32>
      %jit3A_3008 = arith.constant 1.000000e+00 : f32
      %jit3A_3009 = arith.constant 0.000000e+00 : f32
      %broadcast_in_dim3A_3010 = vector.broadcast %jit3A_3008 : f32 to vector<16xf32>
      %broadcast_in_dim3A_3011 = vector.broadcast %jit3A_3009 : f32 to vector<16xf32>
      %select_n3A_3012 = arith.select %gt3A_3002, %broadcast_in_dim3A_3010, %broadcast_in_dim3A_3011 : vector<16xi1>, vector<16xf32>
      %add3A_3013 = arith.addf %convert_element_type3A_3007, %select_n3A_3012 : vector<16xf32>
      %sub3A_3014 = arith.constant 1.000000e+00 : f32
      %sub3A_3015 = vector.broadcast %sub3A_3014 : f32 to vector<16xf32>
      %sub3A_3016 = arith.subf %select_n3A_3006, %sub3A_3015 : vector<16xf32>
      %add3A_3017 = arith.constant 1.000000e+00 : f32
      %add3A_3018 = vector.broadcast %add3A_3017 : f32 to vector<16xf32>
      %add3A_3019 = arith.addf %select_n3A_3006, %add3A_3018 : vector<16xf32>
      %div3A_3020 = arith.divf %sub3A_3016, %add3A_3019 : vector<16xf32>
      %mul3A_3021 = arith.mulf %div3A_3020, %div3A_3020 : vector<16xf32>
      %mul3A_3022 = arith.constant 0.222222224 : f32
      %mul3A_3023 = vector.broadcast %mul3A_3022 : f32 to vector<16xf32>
      %mul3A_3024 = arith.mulf %mul3A_3021, %mul3A_3023 : vector<16xf32>
      %add3A_3025 = arith.constant 0.285714298 : f32
      %add3A_3026 = vector.broadcast %add3A_3025 : f32 to vector<16xf32>
      %add3A_3027 = arith.addf %add3A_3026, %mul3A_3024 : vector<16xf32>
      %mul3A_3028 = arith.mulf %mul3A_3021, %add3A_3027 : vector<16xf32>
      %add3A_3029 = arith.constant 0.400000095 : f32
      %add3A_3030 = vector.broadcast %add3A_3029 : f32 to vector<16xf32>
      %add3A_3031 = arith.addf %add3A_3030, %mul3A_3028 : vector<16xf32>
      %mul3A_3032 = arith.mulf %mul3A_3021, %add3A_3031 : vector<16xf32>
      %add3A_3033 = arith.constant 0.666666627 : f32
      %add3A_3034 = vector.broadcast %add3A_3033 : f32 to vector<16xf32>
      %add3A_3035 = arith.addf %add3A_3034, %mul3A_3032 : vector<16xf32>
      %mul3A_3036 = arith.mulf %mul3A_3021, %add3A_3035 : vector<16xf32>
      %add3A_3037 = arith.constant 2.000000e+00 : f32
      %add3A_3038 = vector.broadcast %add3A_3037 : f32 to vector<16xf32>
      %add3A_3039 = arith.addf %add3A_3038, %mul3A_3036 : vector<16xf32>
      %mul3A_3040 = arith.mulf %div3A_3020, %add3A_3039 : vector<16xf32>
      %mul3A_3041 = arith.constant 0.693147182 : f32
      %mul3A_3042 = vector.broadcast %mul3A_3041 : f32 to vector<16xf32>
      %mul3A_3043 = arith.mulf %add3A_3013, %mul3A_3042 : vector<16xf32>
      %add3A_3044 = arith.addf %mul3A_3040, %mul3A_3043 : vector<16xf32>
      %mul3A_3045 = arith.mulf %neg3A_2982, %add3A_3044 : vector<16xf32>
      %mul3A_3046 = arith.constant 1.000000e+01 : f32
      %mul3A_3047 = vector.broadcast %mul3A_3046 : f32 to vector<16xf32>
      %mul3A_3048 = arith.mulf %mul3A_3047, %get3A_2961 : vector<16xf32>
      %add3A_3049 = arith.constant 1.000000e+00 : f32
      %add3A_3050 = vector.broadcast %add3A_3049 : f32 to vector<16xf32>
      %add3A_3051 = arith.addf %add3A_3050, %mul3A_3048 : vector<16xf32>
      %mul3A_3052 = arith.mulf %mul3A_3045, %add3A_3051 : vector<16xf32>
      %add3A_3053 = arith.addf %add3A_2959, %mul3A_3052 : vector<16xf32>
      %get3A_3054 = arith.constant 288 : index
      %get3A_3055 = tpu.vector_load %arg12[%get3A_3054] {strides = array<i32>} : memref<320xf32, #tpu.memory_space<vmem>>, vector<16xf32>,
      %gt3A_3056 = arith.constant 0.000000e+00 : f32
      %gt3A_3057 = vector.broadcast %gt3A_3056 : f32 to vector<16xf32>
      %gt3A_3058 = arith.cmpf ogt, %get3A_3055, %gt3A_3057 : vector<16xf32>
      %get3A_3059 = arith.constant 288 : index
      %get3A_3060 = tpu.vector_load %arg13[%get3A_3059] {strides = array<i32>} : memref<320xf32, #tpu.memory_space<vmem>>, vector<16xf32>,
      %gt3A_3061 = arith.constant 0.000000e+00 : f32
      %gt3A_3062 = vector.broadcast %gt3A_3061 : f32 to vector<16xf32>
      %gt3A_3063 = arith.cmpf ogt, %get3A_3060, %gt3A_3062 : vector<16xf32>
      %or3A_3064 = arith.ori %gt3A_3058, %gt3A_3063 : vector<16xi1>
      %get3A_3065 = arith.constant 608 : index
      %get3A_3066 = tpu.vector_load %arg10[%get3A_3065] {strides = array<i32>} : memref<640xf32, #tpu.memory_space<vmem>>, vector<16xf32>,
      %get3A_3067 = arith.constant 288 : index
      %get3A_3068 = tpu.vector_load %arg10[%get3A_3067] {strides = array<i32>} : memref<640xf32, #tpu.memory_space<vmem>>, vector<16xf32>,
      %select_n3A_3069 = arith.select %or3A_3064, %get3A_3066, %get3A_3068 : vector<16xi1>, vector<16xf32>
      %sub3A_3070 = arith.constant 1.000000e+00 : f32
      %sub3A_3071 = vector.broadcast %sub3A_3070 : f32 to vector<16xf32>
      %sub3A_3072 = arith.subf %sub3A_3071, %select_n3A_3069 : vector<16xf32>
      %mul3A_3073 = arith.mulf %sub3A_3072, %sub3A_3072 : vector<16xf32>
      %neg3A_3074 = arith.constant 0.000000e+00 : f32
      %neg3A_3075 = vector.broadcast %neg3A_3074 : f32 to vector<16xf32>
      %neg3A_3076 = arith.subf %neg3A_3075, %mul3A_3073 : vector<16xf32>
      %bitcast3A_3077 = vector.bitcast %select_n3A_3069 : vector<16xf32> to vector<16xi32>
      %shift_right_logical3A_3078 = arith.constant 23 : i32
      %shift_right_logical3A_3079 = vector.broadcast %shift_right_logical3A_3078 : i32 to vector<16xi32>
      %shift_right_logical3A_3080 = arith.shrui %bitcast3A_3077, %shift_right_logical3A_3079 : vector<16xi32>
      %and3A_3081 = arith.constant 255 : i32
      %and3A_3082 = vector.broadcast %and3A_3081 : i32 to vector<16xi32>
      %and3A_3083 = arith.andi %shift_right_logical3A_3080, %and3A_3082 : vector<16xi32>
      %sub3A_3084 = arith.constant 127 : i32
      %sub3A_3085 = vector.broadcast %sub3A_3084 : i32 to vector<16xi32>
      %sub3A_3086 = arith.subi %and3A_3083, %sub3A_3085 : vector<16xi32>
      %and3A_3087 = arith.constant 8388607 : i32
      %and3A_3088 = vector.broadcast %and3A_3087 : i32 to vector<16xi32>
      %and3A_3089 = arith.andi %bitcast3A_3077, %and3A_3088 : vector<16xi32>
      %or3A_3090 = arith.constant 1065353216 : i32
      %or3A_3091 = vector.broadcast %or3A_3090 : i32 to vector<16xi32>
      %or3A_3092 = arith.ori %and3A_3089, %or3A_3091 : vector<16xi32>
      %bitcast3A_3093 = vector.bitcast %or3A_3092 : vector<16xi32> to vector<16xf32>
      %gt3A_3094 = arith.constant 1.41421354 : f32
      %gt3A_3095 = vector.broadcast %gt3A_3094 : f32 to vector<16xf32>
      %gt3A_3096 = arith.cmpf ogt, %bitcast3A_3093, %gt3A_3095 : vector<16xf32>
      %mul3A_3097 = arith.constant 5.000000e-01 : f32
      %mul3A_3098 = vector.broadcast %mul3A_3097 : f32 to vector<16xf32>
      %mul3A_3099 = arith.mulf %bitcast3A_3093, %mul3A_3098 : vector<16xf32>
      %select_n3A_3100 = arith.select %gt3A_3096, %mul3A_3099, %bitcast3A_3093 : vector<16xi1>, vector<16xf32>
      %convert_element_type3A_3101 = arith.sitofp %sub3A_3086 : vector<16xi32> to vector<16xf32>
      %jit3A_3102 = arith.constant 1.000000e+00 : f32
      %jit3A_3103 = arith.constant 0.000000e+00 : f32
      %broadcast_in_dim3A_3104 = vector.broadcast %jit3A_3102 : f32 to vector<16xf32>
      %broadcast_in_dim3A_3105 = vector.broadcast %jit3A_3103 : f32 to vector<16xf32>
      %select_n3A_3106 = arith.select %gt3A_3096, %broadcast_in_dim3A_3104, %broadcast_in_dim3A_3105 : vector<16xi1>, vector<16xf32>
      %add3A_3107 = arith.addf %convert_element_type3A_3101, %select_n3A_3106 : vector<16xf32>
      %sub3A_3108 = arith.constant 1.000000e+00 : f32
      %sub3A_3109 = vector.broadcast %sub3A_3108 : f32 to vector<16xf32>
      %sub3A_3110 = arith.subf %select_n3A_3100, %sub3A_3109 : vector<16xf32>
      %add3A_3111 = arith.constant 1.000000e+00 : f32
      %add3A_3112 = vector.broadcast %add3A_3111 : f32 to vector<16xf32>
      %add3A_3113 = arith.addf %select_n3A_3100, %add3A_3112 : vector<16xf32>
      %div3A_3114 = arith.divf %sub3A_3110, %add3A_3113 : vector<16xf32>
      %mul3A_3115 = arith.mulf %div3A_3114, %div3A_3114 : vector<16xf32>
      %mul3A_3116 = arith.constant 0.222222224 : f32
      %mul3A_3117 = vector.broadcast %mul3A_3116 : f32 to vector<16xf32>
      %mul3A_3118 = arith.mulf %mul3A_3115, %mul3A_3117 : vector<16xf32>
      %add3A_3119 = arith.constant 0.285714298 : f32
      %add3A_3120 = vector.broadcast %add3A_3119 : f32 to vector<16xf32>
      %add3A_3121 = arith.addf %add3A_3120, %mul3A_3118 : vector<16xf32>
      %mul3A_3122 = arith.mulf %mul3A_3115, %add3A_3121 : vector<16xf32>
      %add3A_3123 = arith.constant 0.400000095 : f32
      %add3A_3124 = vector.broadcast %add3A_3123 : f32 to vector<16xf32>
      %add3A_3125 = arith.addf %add3A_3124, %mul3A_3122 : vector<16xf32>
      %mul3A_3126 = arith.mulf %mul3A_3115, %add3A_3125 : vector<16xf32>
      %add3A_3127 = arith.constant 0.666666627 : f32
      %add3A_3128 = vector.broadcast %add3A_3127 : f32 to vector<16xf32>
      %add3A_3129 = arith.addf %add3A_3128, %mul3A_3126 : vector<16xf32>
      %mul3A_3130 = arith.mulf %mul3A_3115, %add3A_3129 : vector<16xf32>
      %add3A_3131 = arith.constant 2.000000e+00 : f32
      %add3A_3132 = vector.broadcast %add3A_3131 : f32 to vector<16xf32>
      %add3A_3133 = arith.addf %add3A_3132, %mul3A_3130 : vector<16xf32>
      %mul3A_3134 = arith.mulf %div3A_3114, %add3A_3133 : vector<16xf32>
      %mul3A_3135 = arith.constant 0.693147182 : f32
      %mul3A_3136 = vector.broadcast %mul3A_3135 : f32 to vector<16xf32>
      %mul3A_3137 = arith.mulf %add3A_3107, %mul3A_3136 : vector<16xf32>
      %add3A_3138 = arith.addf %mul3A_3134, %mul3A_3137 : vector<16xf32>
      %mul3A_3139 = arith.mulf %neg3A_3076, %add3A_3138 : vector<16xf32>
      %mul3A_3140 = arith.constant 1.000000e+01 : f32
      %mul3A_3141 = vector.broadcast %mul3A_3140 : f32 to vector<16xf32>
      %mul3A_3142 = arith.mulf %mul3A_3141, %get3A_3055 : vector<16xf32>
      %add3A_3143 = arith.constant 1.000000e+00 : f32
      %add3A_3144 = vector.broadcast %add3A_3143 : f32 to vector<16xf32>
      %add3A_3145 = arith.addf %add3A_3144, %mul3A_3142 : vector<16xf32>
      %mul3A_3146 = arith.mulf %mul3A_3139, %add3A_3145 : vector<16xf32>
      %add3A_3147 = arith.addf %add3A_3053, %mul3A_3146 : vector<16xf32>
      %get3A_3148 = arith.constant 304 : index
      %get3A_3149 = tpu.vector_load %arg12[%get3A_3148] {strides = array<i32>} : memref<320xf32, #tpu.memory_space<vmem>>, vector<16xf32>,
      %gt3A_3150 = arith.constant 0.000000e+00 : f32
      %gt3A_3151 = vector.broadcast %gt3A_3150 : f32 to vector<16xf32>
      %gt3A_3152 = arith.cmpf ogt, %get3A_3149, %gt3A_3151 : vector<16xf32>
      %get3A_3153 = arith.constant 304 : index
      %get3A_3154 = tpu.vector_load %arg13[%get3A_3153] {strides = array<i32>} : memref<320xf32, #tpu.memory_space<vmem>>, vector<16xf32>,
      %gt3A_3155 = arith.constant 0.000000e+00 : f32
      %gt3A_3156 = vector.broadcast %gt3A_3155 : f32 to vector<16xf32>
      %gt3A_3157 = arith.cmpf ogt, %get3A_3154, %gt3A_3156 : vector<16xf32>
      %or3A_3158 = arith.ori %gt3A_3152, %gt3A_3157 : vector<16xi1>
      %get3A_3159 = arith.constant 624 : index
      %get3A_3160 = tpu.vector_load %arg10[%get3A_3159] {strides = array<i32>} : memref<640xf32, #tpu.memory_space<vmem>>, vector<16xf32>,
      %get3A_3161 = arith.constant 304 : index
      %get3A_3162 = tpu.vector_load %arg10[%get3A_3161] {strides = array<i32>} : memref<640xf32, #tpu.memory_space<vmem>>, vector<16xf32>,
      %select_n3A_3163 = arith.select %or3A_3158, %get3A_3160, %get3A_3162 : vector<16xi1>, vector<16xf32>
      %sub3A_3164 = arith.constant 1.000000e+00 : f32
      %sub3A_3165 = vector.broadcast %sub3A_3164 : f32 to vector<16xf32>
      %sub3A_3166 = arith.subf %sub3A_3165, %select_n3A_3163 : vector<16xf32>
      %mul3A_3167 = arith.mulf %sub3A_3166, %sub3A_3166 : vector<16xf32>
      %neg3A_3168 = arith.constant 0.000000e+00 : f32
      %neg3A_3169 = vector.broadcast %neg3A_3168 : f32 to vector<16xf32>
      %neg3A_3170 = arith.subf %neg3A_3169, %mul3A_3167 : vector<16xf32>
      %bitcast3A_3171 = vector.bitcast %select_n3A_3163 : vector<16xf32> to vector<16xi32>
      %shift_right_logical3A_3172 = arith.constant 23 : i32
      %shift_right_logical3A_3173 = vector.broadcast %shift_right_logical3A_3172 : i32 to vector<16xi32>
      %shift_right_logical3A_3174 = arith.shrui %bitcast3A_3171, %shift_right_logical3A_3173 : vector<16xi32>
      %and3A_3175 = arith.constant 255 : i32
      %and3A_3176 = vector.broadcast %and3A_3175 : i32 to vector<16xi32>
      %and3A_3177 = arith.andi %shift_right_logical3A_3174, %and3A_3176 : vector<16xi32>
      %sub3A_3178 = arith.constant 127 : i32
      %sub3A_3179 = vector.broadcast %sub3A_3178 : i32 to vector<16xi32>
      %sub3A_3180 = arith.subi %and3A_3177, %sub3A_3179 : vector<16xi32>
      %and3A_3181 = arith.constant 8388607 : i32
      %and3A_3182 = vector.broadcast %and3A_3181 : i32 to vector<16xi32>
      %and3A_3183 = arith.andi %bitcast3A_3171, %and3A_3182 : vector<16xi32>
      %or3A_3184 = arith.constant 1065353216 : i32
      %or3A_3185 = vector.broadcast %or3A_3184 : i32 to vector<16xi32>
      %or3A_3186 = arith.ori %and3A_3183, %or3A_3185 : vector<16xi32>
      %bitcast3A_3187 = vector.bitcast %or3A_3186 : vector<16xi32> to vector<16xf32>
      %gt3A_3188 = arith.constant 1.41421354 : f32
      %gt3A_3189 = vector.broadcast %gt3A_3188 : f32 to vector<16xf32>
      %gt3A_3190 = arith.cmpf ogt, %bitcast3A_3187, %gt3A_3189 : vector<16xf32>
      %mul3A_3191 = arith.constant 5.000000e-01 : f32
      %mul3A_3192 = vector.broadcast %mul3A_3191 : f32 to vector<16xf32>
      %mul3A_3193 = arith.mulf %bitcast3A_3187, %mul3A_3192 : vector<16xf32>
      %select_n3A_3194 = arith.select %gt3A_3190, %mul3A_3193, %bitcast3A_3187 : vector<16xi1>, vector<16xf32>
      %convert_element_type3A_3195 = arith.sitofp %sub3A_3180 : vector<16xi32> to vector<16xf32>
      %jit3A_3196 = arith.constant 1.000000e+00 : f32
      %jit3A_3197 = arith.constant 0.000000e+00 : f32
      %broadcast_in_dim3A_3198 = vector.broadcast %jit3A_3196 : f32 to vector<16xf32>
      %broadcast_in_dim3A_3199 = vector.broadcast %jit3A_3197 : f32 to vector<16xf32>
      %select_n3A_3200 = arith.select %gt3A_3190, %broadcast_in_dim3A_3198, %broadcast_in_dim3A_3199 : vector<16xi1>, vector<16xf32>
      %add3A_3201 = arith.addf %convert_element_type3A_3195, %select_n3A_3200 : vector<16xf32>
      %sub3A_3202 = arith.constant 1.000000e+00 : f32
      %sub3A_3203 = vector.broadcast %sub3A_3202 : f32 to vector<16xf32>
      %sub3A_3204 = arith.subf %select_n3A_3194, %sub3A_3203 : vector<16xf32>
      %add3A_3205 = arith.constant 1.000000e+00 : f32
      %add3A_3206 = vector.broadcast %add3A_3205 : f32 to vector<16xf32>
      %add3A_3207 = arith.addf %select_n3A_3194, %add3A_3206 : vector<16xf32>
      %div3A_3208 = arith.divf %sub3A_3204, %add3A_3207 : vector<16xf32>
      %mul3A_3209 = arith.mulf %div3A_3208, %div3A_3208 : vector<16xf32>
      %mul3A_3210 = arith.constant 0.222222224 : f32
      %mul3A_3211 = vector.broadcast %mul3A_3210 : f32 to vector<16xf32>
      %mul3A_3212 = arith.mulf %mul3A_3209, %mul3A_3211 : vector<16xf32>
      %add3A_3213 = arith.constant 0.285714298 : f32
      %add3A_3214 = vector.broadcast %add3A_3213 : f32 to vector<16xf32>
      %add3A_3215 = arith.addf %add3A_3214, %mul3A_3212 : vector<16xf32>
      %mul3A_3216 = arith.mulf %mul3A_3209, %add3A_3215 : vector<16xf32>
      %add3A_3217 = arith.constant 0.400000095 : f32
      %add3A_3218 = vector.broadcast %add3A_3217 : f32 to vector<16xf32>
      %add3A_3219 = arith.addf %add3A_3218, %mul3A_3216 : vector<16xf32>
      %mul3A_3220 = arith.mulf %mul3A_3209, %add3A_3219 : vector<16xf32>
      %add3A_3221 = arith.constant 0.666666627 : f32
      %add3A_3222 = vector.broadcast %add3A_3221 : f32 to vector<16xf32>
      %add3A_3223 = arith.addf %add3A_3222, %mul3A_3220 : vector<16xf32>
      %mul3A_3224 = arith.mulf %mul3A_3209, %add3A_3223 : vector<16xf32>
      %add3A_3225 = arith.constant 2.000000e+00 : f32
      %add3A_3226 = vector.broadcast %add3A_3225 : f32 to vector<16xf32>
      %add3A_3227 = arith.addf %add3A_3226, %mul3A_3224 : vector<16xf32>
      %mul3A_3228 = arith.mulf %div3A_3208, %add3A_3227 : vector<16xf32>
      %mul3A_3229 = arith.constant 0.693147182 : f32
      %mul3A_3230 = vector.broadcast %mul3A_3229 : f32 to vector<16xf32>
      %mul3A_3231 = arith.mulf %add3A_3201, %mul3A_3230 : vector<16xf32>
      %add3A_3232 = arith.addf %mul3A_3228, %mul3A_3231 : vector<16xf32>
      %mul3A_3233 = arith.mulf %neg3A_3170, %add3A_3232 : vector<16xf32>
      %mul3A_3234 = arith.constant 1.000000e+01 : f32
      %mul3A_3235 = vector.broadcast %mul3A_3234 : f32 to vector<16xf32>
      %mul3A_3236 = arith.mulf %mul3A_3235, %get3A_3149 : vector<16xf32>
      %add3A_3237 = arith.constant 1.000000e+00 : f32
      %add3A_3238 = vector.broadcast %add3A_3237 : f32 to vector<16xf32>
      %add3A_3239 = arith.addf %add3A_3238, %mul3A_3236 : vector<16xf32>
      %mul3A_3240 = arith.mulf %mul3A_3233, %add3A_3239 : vector<16xf32>
      %add3A_3241 = arith.addf %add3A_3147, %mul3A_3240 : vector<16xf32>
      scf.yield %add3A_3241 : vector<16xf32>
    }
    %scan3A_277 = arith.constant 4 : i32
    %swap3A_278 = arith.constant 0 : index
    %swap3A_279 = tpu.vector_load %arg16[%swap3A_278] {strides = array<i32>} : memref<16xf32, #tpu.memory_space<vmem>>, vector<16xf32>,
    tpu.vector_store %arg16[%swap3A_278], %scan3A_276 {strides = array<i32>} : memref<16xf32, #tpu.memory_space<vmem>>, vector<16xf32>,
    %mul3A_280 = arith.constant 16 : i32
    %mul3A_281 = arith.muli %arg0, %mul3A_280 : i32
    %add3A_282 = arith.addi %mul3A_281, %arg1 : i32
    %mul3A_283 = arith.constant 16 : i32
    %mul3A_284 = arith.muli %add3A_282, %mul3A_283 : i32
    "tpu.region"() ({
      %run_scoped3A = tpu.sem_alloc : memref<!tpu.dma_semaphore, #tpu.memory_space<semaphore_mem>>
      %dma_start3A = tpu.memref_slice %arg20[%mul3A_284] : memref<512xf32, #tpu.memory_space<vmem_shared>> -> memref<16xf32, #tpu.memory_space<vmem_shared>>
      %dma_start3A_289 = tpu.memref_slice %arg20[%mul3A_284] : memref<512xf32, #tpu.memory_space<vmem_shared>> -> memref<16xf32, #tpu.memory_space<vmem_shared>>
      tpu.enqueue_dma source(%arg16 : memref<16xf32, #tpu.memory_space<vmem>>) target(%dma_start3A_289 : memref<16xf32, #tpu.memory_space<vmem_shared>>) target_semaphore(%run_scoped3A : memref<!tpu.dma_semaphore, #tpu.memory_space<semaphore_mem>>)
      %dma_wait3A = tpu.memref_slice %arg20[%mul3A_284] : memref<512xf32, #tpu.memory_space<vmem_shared>> -> memref<16xf32, #tpu.memory_space<vmem_shared>>
      %dma_wait3A_290 = tpu.memref_slice %arg20[%mul3A_284] : memref<512xf32, #tpu.memory_space<vmem_shared>> -> memref<16xf32, #tpu.memory_space<vmem_shared>>
      tpu.wait_dma2 semaphore(%run_scoped3A : memref<!tpu.dma_semaphore, #tpu.memory_space<semaphore_mem>>) src(%arg16 : memref<16xf32, #tpu.memory_space<vmem>>) dst(%dma_wait3A_290 : memref<16xf32, #tpu.memory_space<vmem_shared>>)
      tpu.yield
    }) : () -> ()
    %barrier3A = arith.constant 0 : index
    tpu.barrier barrier_id(%barrier3A)
    %eq3A_285 = arith.constant 0 : i32
    %eq3A_286 = arith.cmpi eq, %arg1, %eq3A_285 : i32
    %convert_element_type3A_287 = arith.extui %eq3A_286 : i1 to i32
    %cond3A = arith.constant 0 : i32
    %cond3A_288 = arith.cmpi ne, %convert_element_type3A_287, %cond3A : i32
    scf.if %cond3A_288 {
      %mul3A_289 = arith.constant 16 : i32
      %mul3A_290 = arith.muli %arg0, %mul3A_289 : i32
      %mul3A_291 = arith.constant 16 : i32
      %mul3A_292 = arith.muli %mul3A_290, %mul3A_291 : i32
      "tpu.region"() ({
        %run_scoped3A = tpu.sem_alloc : memref<!tpu.dma_semaphore, #tpu.memory_space<semaphore_mem>>
        %dma_start3A = tpu.memref_slice %arg20[%mul3A_292] : memref<512xf32, #tpu.memory_space<vmem_shared>> -> memref<256xf32, #tpu.memory_space<vmem_shared>>
        %dma_start3A_353 = tpu.memref_slice %arg20[%mul3A_292] : memref<512xf32, #tpu.memory_space<vmem_shared>> -> memref<256xf32, #tpu.memory_space<vmem_shared>>
        tpu.enqueue_dma source(%dma_start3A_353 : memref<256xf32, #tpu.memory_space<vmem_shared>>) target(%arg17 : memref<256xf32, #tpu.memory_space<vmem>>) target_semaphore(%run_scoped3A : memref<!tpu.dma_semaphore, #tpu.memory_space<semaphore_mem>>)
        %dma_wait3A = tpu.memref_slice %arg20[%mul3A_292] : memref<512xf32, #tpu.memory_space<vmem_shared>> -> memref<256xf32, #tpu.memory_space<vmem_shared>>
        %dma_wait3A_354 = tpu.memref_slice %arg20[%mul3A_292] : memref<512xf32, #tpu.memory_space<vmem_shared>> -> memref<256xf32, #tpu.memory_space<vmem_shared>>
        tpu.wait_dma2 semaphore(%run_scoped3A : memref<!tpu.dma_semaphore, #tpu.memory_space<semaphore_mem>>) src(%dma_wait3A_354 : memref<256xf32, #tpu.memory_space<vmem_shared>>) dst(%arg17 : memref<256xf32, #tpu.memory_space<vmem>>)
        tpu.yield
      }) : () -> ()
      %broadcast_in_dim3A_293 = arith.constant 0.000000e+00 : f32
      %broadcast_in_dim3A_294 = vector.broadcast %broadcast_in_dim3A_293 : f32 to vector<16xf32>
      %get3A_295 = arith.constant 0 : index
      %get3A_296 = tpu.vector_load %arg17[%get3A_295] {strides = array<i32>} : memref<256xf32, #tpu.memory_space<vmem>>, vector<16xf32>,
      %add3A_297 = arith.addf %broadcast_in_dim3A_294, %get3A_296 : vector<16xf32>
      %get3A_298 = arith.constant 16 : index
      %get3A_299 = tpu.vector_load %arg17[%get3A_298] {strides = array<i32>} : memref<256xf32, #tpu.memory_space<vmem>>, vector<16xf32>,
      %add3A_300 = arith.addf %add3A_297, %get3A_299 : vector<16xf32>
      %get3A_301 = arith.constant 32 : index
      %get3A_302 = tpu.vector_load %arg17[%get3A_301] {strides = array<i32>} : memref<256xf32, #tpu.memory_space<vmem>>, vector<16xf32>,
      %add3A_303 = arith.addf %add3A_300, %get3A_302 : vector<16xf32>
      %get3A_304 = arith.constant 48 : index
      %get3A_305 = tpu.vector_load %arg17[%get3A_304] {strides = array<i32>} : memref<256xf32, #tpu.memory_space<vmem>>, vector<16xf32>,
      %add3A_306 = arith.addf %add3A_303, %get3A_305 : vector<16xf32>
      %get3A_307 = arith.constant 64 : index
      %get3A_308 = tpu.vector_load %arg17[%get3A_307] {strides = array<i32>} : memref<256xf32, #tpu.memory_space<vmem>>, vector<16xf32>,
      %add3A_309 = arith.addf %add3A_306, %get3A_308 : vector<16xf32>
      %get3A_310 = arith.constant 80 : index
      %get3A_311 = tpu.vector_load %arg17[%get3A_310] {strides = array<i32>} : memref<256xf32, #tpu.memory_space<vmem>>, vector<16xf32>,
      %add3A_312 = arith.addf %add3A_309, %get3A_311 : vector<16xf32>
      %get3A_313 = arith.constant 96 : index
      %get3A_314 = tpu.vector_load %arg17[%get3A_313] {strides = array<i32>} : memref<256xf32, #tpu.memory_space<vmem>>, vector<16xf32>,
      %add3A_315 = arith.addf %add3A_312, %get3A_314 : vector<16xf32>
      %get3A_316 = arith.constant 112 : index
      %get3A_317 = tpu.vector_load %arg17[%get3A_316] {strides = array<i32>} : memref<256xf32, #tpu.memory_space<vmem>>, vector<16xf32>,
      %add3A_318 = arith.addf %add3A_315, %get3A_317 : vector<16xf32>
      %get3A_319 = arith.constant 128 : index
      %get3A_320 = tpu.vector_load %arg17[%get3A_319] {strides = array<i32>} : memref<256xf32, #tpu.memory_space<vmem>>, vector<16xf32>,
      %add3A_321 = arith.addf %add3A_318, %get3A_320 : vector<16xf32>
      %get3A_322 = arith.constant 144 : index
      %get3A_323 = tpu.vector_load %arg17[%get3A_322] {strides = array<i32>} : memref<256xf32, #tpu.memory_space<vmem>>, vector<16xf32>,
      %add3A_324 = arith.addf %add3A_321, %get3A_323 : vector<16xf32>
      %get3A_325 = arith.constant 160 : index
      %get3A_326 = tpu.vector_load %arg17[%get3A_325] {strides = array<i32>} : memref<256xf32, #tpu.memory_space<vmem>>, vector<16xf32>,
      %add3A_327 = arith.addf %add3A_324, %get3A_326 : vector<16xf32>
      %get3A_328 = arith.constant 176 : index
      %get3A_329 = tpu.vector_load %arg17[%get3A_328] {strides = array<i32>} : memref<256xf32, #tpu.memory_space<vmem>>, vector<16xf32>,
      %add3A_330 = arith.addf %add3A_327, %get3A_329 : vector<16xf32>
      %get3A_331 = arith.constant 192 : index
      %get3A_332 = tpu.vector_load %arg17[%get3A_331] {strides = array<i32>} : memref<256xf32, #tpu.memory_space<vmem>>, vector<16xf32>,
      %add3A_333 = arith.addf %add3A_330, %get3A_332 : vector<16xf32>
      %get3A_334 = arith.constant 208 : index
      %get3A_335 = tpu.vector_load %arg17[%get3A_334] {strides = array<i32>} : memref<256xf32, #tpu.memory_space<vmem>>, vector<16xf32>,
      %add3A_336 = arith.addf %add3A_333, %get3A_335 : vector<16xf32>
      %get3A_337 = arith.constant 224 : index
      %get3A_338 = tpu.vector_load %arg17[%get3A_337] {strides = array<i32>} : memref<256xf32, #tpu.memory_space<vmem>>, vector<16xf32>,
      %add3A_339 = arith.addf %add3A_336, %get3A_338 : vector<16xf32>
      %get3A_340 = arith.constant 240 : index
      %get3A_341 = tpu.vector_load %arg17[%get3A_340] {strides = array<i32>} : memref<256xf32, #tpu.memory_space<vmem>>, vector<16xf32>,
      %add3A_342 = arith.addf %add3A_339, %get3A_341 : vector<16xf32>
      %reduce_sum3A = arith.constant true
      %reduce_sum3A_343 = vector.broadcast %reduce_sum3A : i1 to vector<16xi1>
      %reduce_sum3A_344 = tpu.scan <sum>, %add3A_342 masked %reduce_sum3A_343 : vector<16xf32>, vector<16xi1> -> vector<16xf32>
      %reduce_sum3A_345 = vector.extract %reduce_sum3A_344[15] : f32 from vector<16xf32>
      %mul3A_346 = arith.constant 1.250000e-03 : f32
      %mul3A_347 = arith.mulf %reduce_sum3A_345, %mul3A_346 : f32
      %broadcast_in_dim3A_348 = vector.broadcast %mul3A_347 : f32 to vector<16xf32>
      %swap3A_349 = arith.constant 0 : index
      %swap3A_350 = tpu.vector_load %arg18[%swap3A_349] {strides = array<i32>} : memref<16xf32, #tpu.memory_space<vmem>>, vector<16xf32>,
      tpu.vector_store %arg18[%swap3A_349], %broadcast_in_dim3A_348 {strides = array<i32>} : memref<16xf32, #tpu.memory_space<vmem>>, vector<16xf32>,
      %mul3A_351 = arith.constant 16 : i32
      %mul3A_352 = arith.muli %arg0, %mul3A_351 : i32
      "tpu.region"() ({
        %run_scoped3A = tpu.sem_alloc : memref<!tpu.dma_semaphore, #tpu.memory_space<semaphore_mem>>
        %dma_start3A = tpu.memref_slice %arg7[%mul3A_352] : memref<32xf32, #tpu.memory_space<hbm>> -> memref<16xf32, #tpu.memory_space<hbm>>
        %dma_start3A_353 = tpu.memref_slice %arg7[%mul3A_352] : memref<32xf32, #tpu.memory_space<hbm>> -> memref<16xf32, #tpu.memory_space<hbm>>
        tpu.enqueue_dma source(%arg18 : memref<16xf32, #tpu.memory_space<vmem>>) target(%dma_start3A_353 : memref<16xf32, #tpu.memory_space<hbm>>) target_semaphore(%run_scoped3A : memref<!tpu.dma_semaphore, #tpu.memory_space<semaphore_mem>>)
        %dma_wait3A = tpu.memref_slice %arg7[%mul3A_352] : memref<32xf32, #tpu.memory_space<hbm>> -> memref<16xf32, #tpu.memory_space<hbm>>
        %dma_wait3A_354 = tpu.memref_slice %arg7[%mul3A_352] : memref<32xf32, #tpu.memory_space<hbm>> -> memref<16xf32, #tpu.memory_space<hbm>>
        tpu.wait_dma2 semaphore(%run_scoped3A : memref<!tpu.dma_semaphore, #tpu.memory_space<semaphore_mem>>) src(%arg18 : memref<16xf32, #tpu.memory_space<vmem>>) dst(%dma_wait3A_354 : memref<16xf32, #tpu.memory_space<hbm>>)
        tpu.yield
      }) : () -> ()
    } else {
    }
    return
  }
}

</mosaic_0001>

<sc_bundles>
// kernel: kernel.3.cloned.1.call-start
scs
__scs_entry_jumppad:
0x0: {  	(pc) =	sbr.rel $0x88, $3  }
0x1: {  	(tag) =	ssettag $0x0;
	lr =	simm.s32 $0x1  }
0x2: {  	[smem:$0x3F9C] =	sst lr;
	_ =	strace $0xD0000000  }
0x3: {  	_ = 	snop  }
0x4: {  	_ = 	snop  }
0x5: {  	_ = 	snop  }
0x6: {  	_ = 	snop  }
0x7: {  	_ = 	snop  }
__scs_overlays_trampoline_lowered:
0x8: {  	[smem:$0x3FAB] =	sst s0  }
0x9: {  	[smem:$0x3FAC] =	sst s1  }
0xa: {  	[smem:$0x3FAD] =	sst s2  }
0xb: {  	[smem:$0x3FAE] =	sst s3  }
0xc: {  	[smem:$0x3FAF] =	sst s4  }
0xd: {  	[smem:$0x3FB0] =	sst s5  }
0xe: {  	[smem:$0x3FB1] =	sst s6  }
0xf: {  	[smem:$0x3FB2] =	sst s7  }
0x10: {  	[smem:$0x3FB3] =	sst s8  }
0x11: {  	[smem:$0x3FB4] =	sst s9;
	s0 =	simm.s32 @!p0 $0x0  }
0x12: {  	s1 =	sld [smem:$0x3F9A];
	s0 =	simm.s32 @p0 $0x1  }
0x13: {  	[smem:$0x3FB5] =	sst s0;
	s0 =	simm.s32 @!p1 $0x0  }
0x14: {  	s2 =	sld [smem:$0x3F99];
	s0 =	simm.s32 @p1 $0x1  }
0x15: {  	[smem:$0x3FB6] =	sst s0;
	s0 =	simm.s32 @!p2 $0x0  }
0x16: {  	s3 =	sld [smem:$0x3FDB];
	s0 =	simm.s32 @p2 $0x1  }
0x17: {  	s4 =	simm.s32 $0x1BF5;
	[smem:$0x3FB8] =	sst s0  }
0x18: {  	s0 =	sld [smem:$0x3F9B];
	_ =	swait.ge [sflag:s4], $0x0  }
0x19: {  	s7 =	sld [smem:$0x3F9C]  }
0x1a: {  	s8 =	sadd.s32 $0xFFFFE003, lr  }
0x1b: {  	s9 =	sadd.s32 $0xFFFFFEF7, lr;
	s5 =	simm.s32 $0xFFFFFFFF;
	p2 =	slt.u32 s8, $0xFFFFF086  }
0x1c: {  	p1 =	slt.u32 s9, $0xF7A;
	s5 =	simm.s32 @!p2 $0x0  }
0x1d: {  	s5 =	simm.s32 @p1 $0x1;
	p0 =	seq.s32 s7, s2  }
0x1e: {  	s7 =	smul.u32 @!p0 $0xF7A, s2;
	p2 =	seq.s32 @!p0 s5, $0x0  }
0x1f: {  	s9 =	smul.u32 $0xF7A, s1;
	s8 =	simm.s32 @!p0 $0x1BF5;
	p2 =	por !p2, p0  }
0x20: {  	[sflag:s8] =	ssyncset.s32 @!p0 $0xFFFFF086;
	s6 =	sadd.s32 @!p0 s3, s7;
	s7 =	simm.s32 @!p0 $0x108  }
0x21: {  	s3 =	sadd.s32 s3, s9;
	s6 =	sadd.s32 @!p0 $0x88, s6;
	s7 =	simm.s32 @p2 $0x1082  }
0x22: {  	[simem:s7], [sflag:s8] =	dma.local @!p0 [hbm:s6], $0xF7A  }
0x23: {  	s9 =	sor.u32 $0xD0000000, s2;
	s6 =	simm.s32 $0x108;
	_ =	swait.ge @!p0 [sflag:s8], $0x0  }
0x24: {  	s3 =	sadd.s32 $0x88, s3;
	s6 =	simm.s32 @!p1 $0x1082;
	[sflag:s4] =	ssyncset.s32 $0xFFFFF086  }
0x25: {  	[simem:s6], [sflag:s4] =	dma.local [hbm:s3], $0xF7A  }
0x26: {  	[smem:$0x3F9C] =	sst s1;
	(tag) =	ssettag s2;
	_ =	strace s9  }
0x27: {  	s1 =	sld [smem:$0x3FAC]  }
0x28: {  	s2 =	sld [smem:$0x3FAD]  }
0x29: {  	s4 =	sld [smem:$0x3FAF]  }
0x2a: {  	p0 =	seq.s32 s5, $0x0;
	s5 =	sld [smem:$0x3FB0]  }
0x2b: {  	s6 =	sld [smem:$0x3FB1]  }
0x2c: {  	s7 =	sld [smem:$0x3FB2]  }
0x2d: {  	s3 =	simm.s32 $0x108;
	s8 =	sld [smem:$0x3FB3]  }
0x2e: {  	s3 =	simm.s32 @!p0 $0x1082;
	s9 =	sld [smem:$0x3FB4]  }
0x2f: {  	lr =	sadd.s32 s0, s3;
	s0 =	sld [smem:$0x3FAB]  }
0x30: {  	s3 =	sld [smem:$0x3FAE]  }
0x31: {  	[smem:$0x3FB7] =	sst s10  }
0x32: {  	s10 =	sld [smem:$0x3FB5];
	_ =	sdelay $0x3  }
0x33: {  	p0 =	seq.s32 s10, $0x1;
	s10 =	sld [smem:$0x3FB7];
	_ =	sdelay $0x3  }
0x34: {  	[smem:$0x3FB7] =	sst s10  }
0x35: {  	s10 =	sld [smem:$0x3FB6];
	_ =	sdelay $0x3  }
0x36: {  	p1 =	seq.s32 s10, $0x1;
	s10 =	sld [smem:$0x3FB7];
	_ =	sdelay $0x3  }
0x37: {  	[smem:$0x3FB7] =	sst s10  }
0x38: {  	s10 =	sld [smem:$0x3FB8]  }
0x39: {  	_ = 	snop;
	(pc) =	sbr.ind lr, $3  }
0x3a: {  	_ = 	snop  }
0x3b: {  	_ = 	snop  }
0x3c: {  	p2 =	seq.s32 s10, $0x1;
	s10 =	sld [smem:$0x3FB7]  }
0x3d: {  	_ =	shalt  }
0x3e: {  	_ =	shalt  }
0x3f: {  	_ =	shalt  }
0x40: {  	_ =	shalt  }
0x41: {  	_ =	shalt  }
0x42: {  	_ =	shalt  }
0x43: {  	_ =	shalt  }
0x44: {  	_ =	shalt  }
0x45: {  	_ =	shalt  }
0x46: {  	_ =	shalt  }
0x47: {  	_ =	shalt  }
0x48: {  	_ =	shalt  }
0x49: {  	_ =	shalt  }
0x4a: {  	_ =	shalt  }
0x4b: {  	_ =	shalt  }
0x4c: {  	_ =	shalt  }
0x4d: {  	_ =	shalt  }
0x4e: {  	_ =	shalt  }
0x4f: {  	_ =	shalt  }
0x50: {  	_ =	shalt  }
0x51: {  	_ =	shalt  }
0x52: {  	_ =	shalt  }
0x53: {  	_ =	shalt  }
0x54: {  	_ =	shalt  }
0x55: {  	_ =	shalt  }
0x56: {  	_ =	shalt  }
0x57: {  	_ =	shalt  }
0x58: {  	_ =	shalt  }
0x59: {  	_ =	shalt  }
0x5a: {  	_ =	shalt  }
0x5b: {  	_ =	shalt  }
0x5c: {  	_ =	shalt  }
0x5d: {  	_ =	shalt  }
0x5e: {  	_ =	shalt  }
0x5f: {  	_ =	shalt  }
0x60: {  	_ =	shalt  }
0x61: {  	_ =	shalt  }
0x62: {  	_ =	shalt  }
0x63: {  	_ =	shalt  }
0x64: {  	_ =	shalt  }
0x65: {  	_ =	shalt  }
0x66: {  	_ =	shalt  }
0x67: {  	_ =	shalt  }
0x68: {  	_ =	shalt  }
0x69: {  	_ =	shalt  }
0x6a: {  	_ =	shalt  }
0x6b: {  	_ =	shalt  }
0x6c: {  	_ =	shalt  }
0x6d: {  	_ =	shalt  }
0x6e: {  	_ =	shalt  }
0x6f: {  	_ =	shalt  }
0x70: {  	_ =	shalt  }
0x71: {  	_ =	shalt  }
0x72: {  	_ =	shalt  }
0x73: {  	_ =	shalt  }
0x74: {  	_ =	shalt  }
0x75: {  	_ =	shalt  }
0x76: {  	_ =	shalt  }
0x77: {  	_ =	shalt  }
0x78: {  	_ =	shalt  }
0x79: {  	_ =	shalt  }
0x7a: {  	_ =	shalt  }
0x7b: {  	_ =	shalt  }
0x7c: {  	_ =	shalt  }
0x7d: {  	_ =	shalt  }
0x7e: {  	_ =	shalt  }
0x7f: {  	_ =	shalt  }
0x80: {  	_ =	shalt  }
0x81: {  	_ =	shalt  }
0x82: {  	_ =	shalt  }
0x83: {  	_ =	shalt  }
0x84: {  	_ =	shalt  }
0x85: {  	_ =	shalt  }
0x86: {  	_ =	shalt  }
0x87: {  	_ =	shalt  }
.Lfunc_end0:
.L_simem_size_0:
called_computation_lowered:
.L_overlay_start_0:
0x88: {  	s2 =	sld [smem:$0x3FD9]  }
0x89: {  	s3 =	sld [smem:$0x3FFE];
	_ =	sdelay $0x1  }
0x8a: {  	s1 =	srdreg.scid  }
0x8b: {  	s0 =	sand.u32 $0x1, s1  }
0x8c: {  	s14 =	sshll.u32 s0, $0xA;
	s2 =	sadd.s32 s3, s2  }
0x8d: {  	s2 =	sadd.s32 s2, s14  }
0x8e: {  	[smem:$0x3FC3] =	sst s2  }
0x8f: {  	_ = 	snop  }
0x90: {  	s2 =	sld [smem:$0x3FD0];
	_ =	sdelay $0x2  }
0x91: {  	s15 =	simm.s32 $0xA;
	s4 =	simm.s32 $0x10  }
0x92: {  	[smem:s4], [sflag:s15] =	dma.local [hbm:s2], $0x1  }
0x93: {  	_ =	swait.eq [sflag:s15], $0x1  }
0x94: {  	s16 =	sld [smem:$0x10];
	[sflag:s15] =	ssyncset.done $0x0  }
0x95: {  	s17 =	sld [smem:$0x11];
	[sflag:s15] =	ssyncadd.s32 $0xFFFFFFFF  }
0x96: {  	s18 =	sld [smem:$0x12];
	(tm) =	ssettm $0x1  }
0x97: {  	s5 =	sld [smem:$0x3FFB];
	_ =	sdelay $0x3  }
0x98: {  	_ =	strace s5  }
0x99: {  	s5 =	sld [smem:$0x3FFC];
	_ =	sdelay $0x3  }
0x9a: {  	_ =	strace s5  }
0x9b: {  	s5 =	sld [smem:$0x3FFD];
	_ =	sdelay $0x3  }
0x9c: {  	_ =	strace s5  }
0x9d: {  	_ =	strace $0x8FFFFFFF  }
0x9e: {  	s19 =	sld [smem:$0x3FDB];
	_ =	sdelay $0x1  }
0x9f: {  	s6 =	simm.s32 $_scs_section_size  }
0xa0: {  	s7 =	simm.s32 $_size__tile_overlayer_lowered;
	s8 =	simm.s32 $_tile_overlayer_lowered  }
0xa1: {  	s22 =	simm.s32 $0x1BFF;
	s21 =	sshll.u32 s8, $0x1;
	s5 =	sadd.s32 s6, s19  }
0xa2: {  	s9 =	simm.s32 $0x0;
	s20 =	sshll.u32 s7, $0x1;
	s7 =	sadd.s32 s21, s5  }
0xa3: {  	[timem:s9], [sflag:s22] =	dma.local [hbm:s7], s20  }
0xa4: {  	_ =	swait.ge [sflag:s22], s20  }
0xa5: {  	s6 =	ssub.s32 $0x0, s20;
	[sflag:s22] =	ssyncset.done $0x0  }
0xa6: {  	[sflag:s22] =	ssyncadd.s32 s6;
	_ =	sdelay $0x1  }
0xa7: {  	s23 =	simm.s32 $0x1B8B  }
0xa8: {  	_ =	swait.ge [sflag:s23], $0x1  }
0xa9: {  	[sflag:s23] =	ssyncset.done $0x0  }
0xaa: {  	s25 =	simm.s32 $0x1B8E;
	s24 =	sld [smem:$0x3FFE];
	[sflag:s23] =	ssyncadd.s32 $0xFFFFFFFF  }
0xab: {  	s26 =	simm.s32 $execute0_lowered;
	[smem:$0x3FD2] =	sst s25  }
0xac: {  	s7 =	sshll.u32 s26, $0x1;
	_ =	strace $0x80000046;
	[dreg:$0x1] =	wrdreg $0xFFFFFFFF  }
0xad: {  	s28 =	simm.s32 $_size_execute0_lowered;
	s5 =	sadd.s32 s5, s7;
	[dreg:$0x0] =	wrdreg $0x0  }
0xae: {  	s7 =	sshll.u32 s28, $0x1;
	[dreg:$0x2] =	wrdreg s5  }
0xaf: {  	[dreg:$0x3] =	wrdreg s7  }
0xb0: {  	[dreg:$0x4] =	wrdreg $0xC0  }
0xb1: {  	_ =	task [dreg:s9], $0x5FFFF  }
0xb2: {  	[dreg:$0x1] =	wrdreg $0xFFFFFFFF  }
0xb3: {  	[dreg:$0x0] =	wrdreg $0x60  }
0xb4: {  	[dreg:$0x2] =	wrdreg s24  }
0xb5: {  	[dreg:$0x3] =	wrdreg s18  }
0xb6: {  	[dreg:$0x4] =	wrdreg s17  }
0xb7: {  	[dreg:$0x5] =	wrdreg s16  }
0xb8: {  	[dreg:$0x6] =	wrdreg $0x19000  }
0xb9: {  	[dreg:$0x7] =	wrdreg $0x1A000  }
0xba: {  	[dreg:$0x8] =	wrdreg $0x9  }
0xbb: {  	_ =	task.clear_ibuf [dreg:s9], $0x9FFFF;
	_ =	strace $0x90000046  }
0xbc: {  	s29 =	simm.s32 $0x9;
	_ =	strace $0x80000048  }
0xbd: {  	_ =	swait.ge [sflag:s29], $0x1  }
0xbe: {  	[sflag:s29] =	ssyncadd.s32 $0xFFFFFFFF  }
0xbf: {  	_ =	strace $0x90000048  }
0xc0: {  	_ =	sfence  }
0xc1: {  	s30 =	sld [smem:$0x0];
	_ =	sdelay $0x2  }
0xc2: {  	s31 =	sshll.u32 s1, $0xD;
	s1 =	sshrl.u32 s1, $0x2  }
0xc3: {  	s3 =	sand.u32 $0x4000, s31;
	s1 =	sadd.s32 s1, s30  }
0xc4: {  	s0 =	sor.u32 s3, s0;
	s1 =	sshll.u32 s1, $0x11  }
0xc5: {  	s0 =	sor.u32 s1, s0  }
0xc6: {  	s0 =	sadd.s32 $0x8F2B, s0  }
0xc7: {  	[sflag:s0] =	ssyncadd.remote.s32 $0x1  }
0xc8: {  	_ =	sfence.sel $0xFFFF  }
0xc9: {  	[dreg:$0x0] =	wrdreg $0xFFFFFFFF;
	(pc) =	sbr.abs _section_cstart, $3  }
0xca: {  	[dreg:$0x1] =	wrdreg $0xFFFFFFFF  }
0xcb: {  	_ =	task.clear_ibuf [dreg:s9], $0x2FFFF;
	_ =	strace $0x9FFFFFFF  }
0xcc: {  	(tm) =	ssettm $0x7FFFFFFF  }
0xcd: {  	_ =	shalt  }
tec
execute0_lowered:
.L_overlay_start_1:
0x0: {  	(tag) =	ssettag $0x1  }
0x1: {  	v0 =	vimm.f32 $1.500000000e+01;
	vm14 =	vcmask $0x300;
	v1 =	vimm.f32 $3.100000000e+01  }
0x2: {  	vm13 =	vcmask $0x704;
	vm12 =	vcmask $0xB08;
	vm11 =	vcmask $0xF0C  }
0x3: {  	vm10 =	vcmask $0x1310;
	vm9 =	vcmask $0x1714;
	vm8 =	vcmask $0x1B18  }
0x4: {  	vm7 =	vcmask $0x1F1C;
	vm6 =	vcmask $0x2320;
	vm5 =	vcmask $0x2724  }
0x5: {  	vm4 =	vcmask $0x2B28;
	vm3 =	vcmask $0x2F2C;
	vm2 =	vcmask $0x3330  }
0x6: {  	vm1 =	vcmask $0x3734;
	vm0 =	vcmask $0x3B38;
	v4 =	vimm.f32 $6.300000000e+01  }
0x7: {  	v5 =	vimm.f32 $7.900000000e+01;
	v6 =	vimm.f32 $9.500000000e+01;
	v7 =	vimm.f32 $1.110000000e+02  }
0x8: {  	v8 =	vimm.f32 $1.270000000e+02;
	v9 =	vimm.f32 $1.430000000e+02;
	v10 =	vimm.f32 $1.590000000e+02  }
0x9: {  	v11 =	vimm.f32 $1.750000000e+02;
	v12 =	vimm.f32 $1.910000000e+02;
	v13 =	vimm.f32 $2.070000000e+02  }
0xa: {  	v14 =	vimm.f32 $2.230000000e+02;
	v15 =	vimm.f32 $2.390000000e+02;
	v16 =	vimm.f32 $2.550000000e+02  }
0xb: {  	v17 =	vimm.f32 $2.710000000e+02;
	v18 =	vimm.f32 $2.870000000e+02;
	v19 =	vimm.f32 $3.030000000e+02  }
0xc: {  	v20 =	vimm.f32 $3.190000000e+02;
	v22 =	vimm.f32 $0.0e+00;
	v23 =	vlaneseq.u32  }
0xd: {  	v24 =	vimm.f32 $1.000000000e+00;
	v0 =	vsel vm14, $0x0, v0;
	v1 =	vsel vm14, $0x41800000, v1  }
0xe: {  	v4 =	vsel vm14, $0x42400000, v4;
	v5 =	vsel vm14, $0x42800000, v5;
	v6 =	vsel vm14, $0x42A00000, v6  }
0xf: {  	v7 =	vsel vm14, $0x42C00000, v7;
	v8 =	vsel vm14, $0x42E00000, v8;
	v9 =	vsel vm14, $0x43000000, v9  }
0x10: {  	v10 =	vsel vm14, $0x43100000, v10;
	v11 =	vsel vm14, $0x43200000, v11;
	v12 =	vsel vm14, $0x43300000, v12  }
0x11: {  	v13 =	vsel vm14, $0x43400000, v13;
	v14 =	vsel vm14, $0x43500000, v14;
	v15 =	vsel vm14, $0x43600000, v15  }
0x12: {  	v16 =	vsel vm14, $0x43700000, v16;
	v17 =	vsel vm14, $0x43800000, v17;
	v18 =	vsel vm14, $0x43880000, v18  }
0x13: {  	v19 =	vsel vm14, $0x43900000, v19;
	v20 =	vsel vm14, $0x43980000, v20;
	v0 =	vsel vm13, $0x3F800000, v0  }
0x14: {  	v1 =	vsel vm13, $0x41880000, v1;
	v4 =	vsel vm13, $0x42440000, v4;
	v5 =	vsel vm13, $0x42820000, v5  }
0x15: {  	v6 =	vsel vm13, $0x42A20000, v6;
	v7 =	vsel vm13, $0x42C20000, v7;
	v8 =	vsel vm13, $0x42E20000, v8  }
0x16: {  	v9 =	vsel vm13, $0x43010000, v9;
	v10 =	vsel vm13, $0x43110000, v10;
	v11 =	vsel vm13, $0x43210000, v11  }
0x17: {  	v12 =	vsel vm13, $0x43310000, v12;
	v13 =	vsel vm13, $0x43410000, v13;
	v14 =	vsel vm13, $0x43510000, v14  }
0x18: {  	v15 =	vsel vm13, $0x43610000, v15;
	v16 =	vsel vm13, $0x43710000, v16;
	v17 =	vsel vm13, $0x43808000, v17  }
0x19: {  	v18 =	vsel vm13, $0x43888000, v18;
	v19 =	vsel vm13, $0x43908000, v19;
	v20 =	vsel vm13, $0x43988000, v20  }
0x1a: {  	v0 =	vsel vm12, $0x40000000, v0;
	v1 =	vsel vm12, $0x41900000, v1;
	v4 =	vsel vm12, $0x42480000, v4  }
0x1b: {  	v5 =	vsel vm12, $0x42840000, v5;
	v6 =	vsel vm12, $0x42A40000, v6;
	v7 =	vsel vm12, $0x42C40000, v7  }
0x1c: {  	v8 =	vsel vm12, $0x42E40000, v8;
	v9 =	vsel vm12, $0x43020000, v9;
	v10 =	vsel vm12, $0x43120000, v10  }
0x1d: {  	v11 =	vsel vm12, $0x43220000, v11;
	v12 =	vsel vm12, $0x43320000, v12;
	v13 =	vsel vm12, $0x43420000, v13  }
0x1e: {  	v14 =	vsel vm12, $0x43520000, v14;
	v15 =	vsel vm12, $0x43620000, v15;
	v16 =	vsel vm12, $0x43720000, v16  }
0x1f: {  	v17 =	vsel vm12, $0x43810000, v17;
	v18 =	vsel vm12, $0x43890000, v18;
	v19 =	vsel vm12, $0x43910000, v19  }
0x20: {  	v20 =	vsel vm12, $0x43990000, v20;
	v0 =	vsel vm11, $0x40400000, v0;
	v1 =	vsel vm11, $0x41980000, v1  }
0x21: {  	v4 =	vsel vm11, $0x424C0000, v4;
	v5 =	vsel vm11, $0x42860000, v5;
	v6 =	vsel vm11, $0x42A60000, v6  }
0x22: {  	v7 =	vsel vm11, $0x42C60000, v7;
	v8 =	vsel vm11, $0x42E60000, v8;
	v9 =	vsel vm11, $0x43030000, v9  }
0x23: {  	v10 =	vsel vm11, $0x43130000, v10;
	v11 =	vsel vm11, $0x43230000, v11;
	v12 =	vsel vm11, $0x43330000, v12  }
0x24: {  	v13 =	vsel vm11, $0x43430000, v13;
	v14 =	vsel vm11, $0x43530000, v14;
	v15 =	vsel vm11, $0x43630000, v15  }
0x25: {  	v16 =	vsel vm11, $0x43730000, v16;
	v17 =	vsel vm11, $0x43818000, v17;
	v18 =	vsel vm11, $0x43898000, v18  }
0x26: {  	v19 =	vsel vm11, $0x43918000, v19;
	v20 =	vsel vm11, $0x43998000, v20;
	v0 =	vsel vm10, $0x40800000, v0  }
0x27: {  	v1 =	vsel vm10, $0x41A00000, v1;
	v4 =	vsel vm10, $0x42500000, v4;
	v5 =	vsel vm10, $0x42880000, v5  }
0x28: {  	v6 =	vsel vm10, $0x42A80000, v6;
	v7 =	vsel vm10, $0x42C80000, v7;
	v8 =	vsel vm10, $0x42E80000, v8  }
0x29: {  	v9 =	vsel vm10, $0x43040000, v9;
	v10 =	vsel vm10, $0x43140000, v10;
	v11 =	vsel vm10, $0x43240000, v11  }
0x2a: {  	v12 =	vsel vm10, $0x43340000, v12;
	v13 =	vsel vm10, $0x43440000, v13;
	v14 =	vsel vm10, $0x43540000, v14  }
0x2b: {  	v15 =	vsel vm10, $0x43640000, v15;
	v16 =	vsel vm10, $0x43740000, v16;
	v17 =	vsel vm10, $0x43820000, v17  }
0x2c: {  	v18 =	vsel vm10, $0x438A0000, v18;
	v19 =	vsel vm10, $0x43920000, v19;
	v20 =	vsel vm10, $0x439A0000, v20  }
0x2d: {  	s1 =	stileid.u32;
	v0 =	vsel vm9, $0x40A00000, v0;
	v1 =	vsel vm9, $0x41A80000, v1;
	v4 =	vsel vm9, $0x42540000, v4  }
0x2e: {  	s10 =	smul.u32 $0x140, s1;
	v5 =	vsel vm9, $0x428A0000, v5;
	v6 =	vsel vm9, $0x42AA0000, v6;
	v7 =	vsel vm9, $0x42CA0000, v7  }
0x2f: {  	v8 =	vsel vm9, $0x42EA0000, v8;
	v9 =	vsel vm9, $0x43050000, v9;
	v10 =	vsel vm9, $0x43150000, v10  }
0x30: {  	s21 =	sadd.s32 $0x140, s10;
	v11 =	vsel vm9, $0x43250000, v11;
	v12 =	vsel vm9, $0x43350000, v12;
	v13 =	vsel vm9, $0x43450000, v13  }
0x31: {  	s24 =	scvt.s32.f32 s21;
	v14 =	vsel vm9, $0x43550000, v14;
	v15 =	vsel vm9, $0x43650000, v15;
	v16 =	vsel vm9, $0x43750000, v16  }
0x32: {  	v17 =	vsel vm9, $0x43828000, v17;
	v18 =	vsel vm9, $0x438A8000, v18;
	v19 =	vsel vm9, $0x43928000, v19  }
0x33: {  	v20 =	vsel vm9, $0x439A8000, v20;
	v21 =	vmov s24;
	v0 =	vsel vm8, $0x40C00000, v0  }
0x34: {  	v1 =	vsel vm8, $0x41B00000, v1;
	v4 =	vsel vm8, $0x42580000, v4;
	v5 =	vsel vm8, $0x428C0000, v5  }
0x35: {  	v6 =	vsel vm8, $0x42AC0000, v6;
	v7 =	vsel vm8, $0x42CC0000, v7;
	v8 =	vsel vm8, $0x42EC0000, v8  }
0x36: {  	v9 =	vsel vm8, $0x43060000, v9;
	v10 =	vsel vm8, $0x43160000, v10;
	v11 =	vsel vm8, $0x43260000, v11  }
0x37: {  	v12 =	vsel vm8, $0x43360000, v12;
	v13 =	vsel vm8, $0x43460000, v13;
	v14 =	vsel vm8, $0x43560000, v14  }
0x38: {  	v15 =	vsel vm8, $0x43660000, v15;
	v16 =	vsel vm8, $0x43760000, v16;
	v17 =	vsel vm8, $0x43830000, v17  }
0x39: {  	v18 =	vsel vm8, $0x438B0000, v18;
	v19 =	vsel vm8, $0x43930000, v19;
	v20 =	vsel vm8, $0x439B0000, v20  }
0x3a: {  	v0 =	vsel vm7, $0x40E00000, v0;
	v1 =	vsel vm7, $0x41B80000, v1;
	v4 =	vsel vm7, $0x425C0000, v4  }
0x3b: {  	v5 =	vsel vm7, $0x428E0000, v5;
	v6 =	vsel vm7, $0x42AE0000, v6;
	v7 =	vsel vm7, $0x42CE0000, v7  }
0x3c: {  	v8 =	vsel vm7, $0x42EE0000, v8;
	v9 =	vsel vm7, $0x43070000, v9;
	v10 =	vsel vm7, $0x43170000, v10  }
0x3d: {  	v11 =	vsel vm7, $0x43270000, v11;
	v12 =	vsel vm7, $0x43370000, v12;
	v13 =	vsel vm7, $0x43470000, v13  }
0x3e: {  	v14 =	vsel vm7, $0x43570000, v14;
	v15 =	vsel vm7, $0x43670000, v15;
	v16 =	vsel vm7, $0x43770000, v16  }
0x3f: {  	v17 =	vsel vm7, $0x43838000, v17;
	v18 =	vsel vm7, $0x438B8000, v18;
	v19 =	vsel vm7, $0x43938000, v19  }
0x40: {  	v20 =	vsel vm7, $0x439B8000, v20;
	v0 =	vsel vm6, $0x41000000, v0;
	v1 =	vsel vm6, $0x41C00000, v1  }
0x41: {  	v4 =	vsel vm6, $0x42600000, v4;
	v5 =	vsel vm6, $0x42900000, v5;
	v6 =	vsel vm6, $0x42B00000, v6  }
0x42: {  	v7 =	vsel vm6, $0x42D00000, v7;
	v8 =	vsel vm6, $0x42F00000, v8;
	v9 =	vsel vm6, $0x43080000, v9  }
0x43: {  	v10 =	vsel vm6, $0x43180000, v10;
	v11 =	vsel vm6, $0x43280000, v11;
	v12 =	vsel vm6, $0x43380000, v12  }
0x44: {  	v13 =	vsel vm6, $0x43480000, v13;
	v14 =	vsel vm6, $0x43580000, v14;
	v15 =	vsel vm6, $0x43680000, v15  }
0x45: {  	v16 =	vsel vm6, $0x43780000, v16;
	v17 =	vsel vm6, $0x43840000, v17;
	v18 =	vsel vm6, $0x438C0000, v18  }
0x46: {  	v19 =	vsel vm6, $0x43940000, v19;
	v20 =	vsel vm6, $0x439C0000, v20;
	v0 =	vsel vm5, $0x41100000, v0  }
0x47: {  	v1 =	vsel vm5, $0x41C80000, v1;
	v4 =	vsel vm5, $0x42640000, v4;
	v5 =	vsel vm5, $0x42920000, v5  }
0x48: {  	v6 =	vsel vm5, $0x42B20000, v6;
	v7 =	vsel vm5, $0x42D20000, v7;
	v8 =	vsel vm5, $0x42F20000, v8  }
0x49: {  	v9 =	vsel vm5, $0x43090000, v9;
	v10 =	vsel vm5, $0x43190000, v10;
	v11 =	vsel vm5, $0x43290000, v11  }
0x4a: {  	v12 =	vsel vm5, $0x43390000, v12;
	v13 =	vsel vm5, $0x43490000, v13;
	v14 =	vsel vm5, $0x43590000, v14  }
0x4b: {  	v15 =	vsel vm5, $0x43690000, v15;
	v16 =	vsel vm5, $0x43790000, v16;
	v17 =	vsel vm5, $0x43848000, v17  }
0x4c: {  	v18 =	vsel vm5, $0x438C8000, v18;
	v19 =	vsel vm5, $0x43948000, v19;
	v20 =	vsel vm5, $0x439C8000, v20  }
0x4d: {  	v0 =	vsel vm4, $0x41200000, v0;
	v1 =	vsel vm4, $0x41D00000, v1;
	v4 =	vsel vm4, $0x42680000, v4  }
0x4e: {  	v5 =	vsel vm4, $0x42940000, v5;
	v6 =	vsel vm4, $0x42B40000, v6;
	v7 =	vsel vm4, $0x42D40000, v7  }
0x4f: {  	v8 =	vsel vm4, $0x42F40000, v8;
	v9 =	vsel vm4, $0x430A0000, v9;
	v10 =	vsel vm4, $0x431A0000, v10  }
0x50: {  	v11 =	vsel vm4, $0x432A0000, v11;
	v12 =	vsel vm4, $0x433A0000, v12;
	v13 =	vsel vm4, $0x434A0000, v13  }
0x51: {  	v14 =	vsel vm4, $0x435A0000, v14;
	v15 =	vsel vm4, $0x436A0000, v15;
	v16 =	vsel vm4, $0x437A0000, v16  }
0x52: {  	v17 =	vsel vm4, $0x43850000, v17;
	v18 =	vsel vm4, $0x438D0000, v18;
	v19 =	vsel vm4, $0x43950000, v19  }
0x53: {  	v20 =	vsel vm4, $0x439D0000, v20;
	v0 =	vsel vm3, $0x41300000, v0;
	v1 =	vsel vm3, $0x41D80000, v1  }
0x54: {  	v4 =	vsel vm3, $0x426C0000, v4;
	v5 =	vsel vm3, $0x42960000, v5;
	v6 =	vsel vm3, $0x42B60000, v6  }
0x55: {  	v7 =	vsel vm3, $0x42D60000, v7;
	v8 =	vsel vm3, $0x42F60000, v8;
	v9 =	vsel vm3, $0x430B0000, v9  }
0x56: {  	v10 =	vsel vm3, $0x431B0000, v10;
	v11 =	vsel vm3, $0x432B0000, v11;
	v12 =	vsel vm3, $0x433B0000, v12  }
0x57: {  	v13 =	vsel vm3, $0x434B0000, v13;
	v14 =	vsel vm3, $0x435B0000, v14;
	v15 =	vsel vm3, $0x436B0000, v15  }
0x58: {  	v16 =	vsel vm3, $0x437B0000, v16;
	v17 =	vsel vm3, $0x43858000, v17;
	v18 =	vsel vm3, $0x438D8000, v18  }
0x59: {  	v19 =	vsel vm3, $0x43958000, v19;
	v20 =	vsel vm3, $0x439D8000, v20;
	v0 =	vsel vm2, $0x41400000, v0  }
0x5a: {  	v1 =	vsel vm2, $0x41E00000, v1;
	v4 =	vsel vm2, $0x42700000, v4;
	v5 =	vsel vm2, $0x42980000, v5  }
0x5b: {  	v6 =	vsel vm2, $0x42B80000, v6;
	v7 =	vsel vm2, $0x42D80000, v7;
	v8 =	vsel vm2, $0x42F80000, v8  }
0x5c: {  	v9 =	vsel vm2, $0x430C0000, v9;
	v10 =	vsel vm2, $0x431C0000, v10;
	v11 =	vsel vm2, $0x432C0000, v11  }
0x5d: {  	s3 =	rddreg [dreg:$0x0];
	v12 =	vsel vm2, $0x433C0000, v12;
	v13 =	vsel vm2, $0x434C0000, v13;
	v14 =	vsel vm2, $0x435C0000, v14  }
0x5e: {  	s2 =	rddreg [dreg:$0x3];
	v15 =	vsel vm2, $0x436C0000, v15;
	v16 =	vsel vm2, $0x437C0000, v16;
	v17 =	vsel vm2, $0x43860000, v17  }
0x5f: {  	s4 =	rddreg [dreg:$0x4];
	v18 =	vsel vm2, $0x438E0000, v18;
	v19 =	vsel vm2, $0x43960000, v19;
	v20 =	vsel vm2, $0x439E0000, v20  }
0x60: {  	s6 =	rddreg [dreg:$0x5];
	v2 =	vsel vm1, $0x41500000, v0;
	v1 =	vsel vm1, $0x41E80000, v1;
	v4 =	vsel vm1, $0x42740000, v4  }
0x61: {  	s7 =	simm.s32 $0x0;
	s5 =	srdreg.scid;
	s29 =	simm.s32 $0xB80;
	v5 =	vsel vm1, $0x429A0000, v5;
	v6 =	vsel vm1, $0x42BA0000, v6;
	v7 =	vsel vm1, $0x42DA0000, v7  }
0x62: {  	s30 =	simm.s32 $0xB90;
	s31 =	simm.s32 $0xBA0;
	s28 =	simm.s32 $0xCB0;
	v8 =	vsel vm1, $0x42FA0000, v8;
	v9 =	vsel vm1, $0x430D0000, v9;
	v10 =	vsel vm1, $0x431D0000, v10  }
0x63: {  	[smem:$0x7FF] =	sst s7;
	s8 =	sand.u32 $0x1, s5;
	s5 =	sadd.s32 $0x800, s3;
	v11 =	vsel vm1, $0x432D0000, v11;
	v12 =	vsel vm1, $0x433D0000, v12;
	v13 =	vsel vm1, $0x434D0000, v13  }
0x64: {  	s18 =	sshll.u32 s1, $0x7;
	s23 =	sshll.u32 s1, $0x4;
	p0 =	sne.s32 s1, $0x0;
	v14 =	vsel vm1, $0x435D0000, v14;
	v15 =	vsel vm1, $0x436D0000, v15;
	v16 =	vsel vm1, $0x437D0000, v16  }
0x65: {  	s1 =	simm.s32 $0xBC0;
	_ =	strace $0x80000047;
	s9 =	ssub.s32 $0x2, s8;
	v17 =	vsel vm1, $0x43868000, v17;
	v18 =	vsel vm1, $0x438E8000, v18;
	v19 =	vsel vm1, $0x43968000, v19  }
0x66: {  	s16 =	sshll.u32 s8, $0xB;
	s17 =	sshll.u32 s8, $0x2;
	s0 =	scvt.s32.f32 s10;
	v20 =	vsel vm1, $0x439E8000, v20;
	v2 =	vsel vm0, $0x41600000, v2;
	v3 =	vsel vm0, $0x41F00000, v1  }
0x67: {  	s20 =	sshll.u32 s8, $0x8;
	s25 =	sshll.u32 s8, $0x1;
	s8 =	simm.s32 $0xC30;
	v4 =	vsel vm0, $0x42780000, v4;
	v5 =	vsel vm0, $0x429C0000, v5;
	v6 =	vsel vm0, $0x42BC0000, v6  }
0x68: {  	s11 =	sshrl.u32 s10, $0x3;
	s12 =	sshrl.u32 s9, $0x1;
	[dreg:$0xd] =	wrdreg s17;
	v1 =	vadd.f32 s0, v2;
	v2 =	vadd.f32 s0, v3;
	v3 =	vimm.f32 $4.700000000e+01  }
0x69: {  	s19 =	sor.u32 $0xA000, s10;
	[dreg:$0x7] =	wrdreg s10;
	s22 =	sadd.s32 s20, s6;
	v7 =	vsel vm0, $0x42DC0000, v7;
	v8 =	vsel vm0, $0x42FC0000, v8;
	v3 =	vsel vm14, $0x42000000, v3  }
0x6a: {  	s2 =	sadd.s32 s2, s25;
	s25 =	simm.s32 $0x900;
	s20 =	simm.s32 $0xBE0;
	v9 =	vsel vm0, $0x430E0000, v9;
	v10 =	vsel vm0, $0x431E0000, v10;
	v3 =	vsel vm13, $0x42040000, v3  }
0x6b: {  	s10 =	simm.s32 $0xC50;
	s17 =	simm.s32 $0xC70;
	[dreg:$0xf] =	wrdreg s19;
	v11 =	vsel vm0, $0x432E0000, v11;
	v12 =	vsel vm0, $0x433E0000, v12;
	v3 =	vsel vm12, $0x42080000, v3  }
0x6c: {  	s7 =	sadd.s32 s11, s3;
	s3 =	sadd.s32 $0x3A00, s3;
	[dreg:$0x11] =	wrdreg s22;
	v13 =	vsel vm0, $0x434E0000, v13;
	v14 =	vsel vm0, $0x435E0000, v14;
	v3 =	vsel vm11, $0x420C0000, v3  }
0x6d: {  	s6 =	sadd.s32 s23, s22;
	[dreg:$0x13] =	wrdreg s2;
	s19 =	simm.s32 $0x1;
	v15 =	vsel vm0, $0x436E0000, v15;
	v16 =	vsel vm0, $0x437E0000, v16;
	v3 =	vsel vm10, $0x42100000, v3  }
0x6e: {  	s2 =	simm.s32 $0xBD0;
	s21 =	simm.s32 $0xBF0;
	[dreg:$0x8] =	wrdreg s3;
	v17 =	vsel vm0, $0x43870000, v17;
	v18 =	vsel vm0, $0x438F0000, v18;
	v3 =	vsel vm9, $0x42140000, v3  }
0x6f: {  	s22 =	simm.s32 $0xC00;
	s13 =	sadd.s32 $0x3000, s7;
	[dreg:$0x12] =	wrdreg s6;
	v19 =	vsel vm0, $0x43970000, v19;
	v20 =	vsel vm0, $0x439F0000, v20;
	v3 =	vsel vm8, $0x42180000, v3  }
0x70: {  	s23 =	simm.s32 $0xC10;
	s14 =	sadd.s32 $0x3280, s7;
	[dreg:$0x9] =	wrdreg s13;
	v4 =	vadd.f32 s0, v4;
	v5 =	vadd.f32 s0, v5;
	v3 =	vsel vm7, $0x421C0000, v3  }
0x71: {  	s3 =	ssub.s32 s9, s12;
	s15 =	sadd.s32 $0x3500, s7;
	[dreg:$0xa] =	wrdreg s14;
	v6 =	vadd.f32 s0, v6;
	v7 =	vadd.f32 s0, v7;
	v3 =	vsel vm6, $0x42200000, v3  }
0x72: {  	s7 =	sadd.s32 $0x3780, s7;
	s9 =	simm.s32 $0xC40;
	[dreg:$0xb] =	wrdreg s15;
	v8 =	vadd.f32 s0, v8;
	v9 =	vadd.f32 s0, v9;
	v3 =	vsel vm5, $0x42240000, v3  }
0x73: {  	s12 =	simm.s32 $0x0;
	[dreg:$0xc] =	wrdreg s7;
	s7 =	sadd.s32 s16, s4;
	v10 =	vadd.f32 s0, v10;
	v11 =	vadd.f32 s0, v11;
	v3 =	vsel vm4, $0x42280000, v3  }
0x74: {  	s26 =	smax.u32 s3, $0x1;
	s14 =	simm.s32 $0x1700;
	s3 =	simm.s32 $0xBB0;
	v12 =	vadd.f32 s0, v12;
	v13 =	vadd.f32 s0, v13;
	v3 =	vsel vm3, $0x422C0000, v3  }
0x75: {  	s16 =	simm.s32 $0xC60;
	s15 =	simm.s32 $0xC90;
	[dreg:$0xe] =	wrdreg s7;
	v14 =	vadd.f32 s0, v14;
	v15 =	vadd.f32 s0, v15;
	v3 =	vsel vm2, $0x42300000, v3  }
0x76: {  	s24 =	simm.s32 $0xE80;
	s4 =	sadd.s32 s18, s7;
	[dreg:$0x14] =	wrdreg s26;
	v16 =	vadd.f32 s0, v16;
	v17 =	vadd.f32 s0, v17;
	v3 =	vsel vm1, $0x42340000, v3  }
0x77: {  	s26 =	simm.s32 $0x680;
	s7 =	simm.s32 $0xC20;
	s18 =	simm.s32 $0xC80;
	v18 =	vadd.f32 s0, v18;
	v19 =	vadd.f32 s0, v19;
	v3 =	vsel vm0, $0x42380000, v3  }
0x78: {  	[dreg:$0x10] =	wrdreg s4;
	s4 =	simm.s32 $0xCA0;
	v0 =	vmov s0;
	v20 =	vadd.f32 s0, v20;
	v3 =	vadd.f32 s0, v3;
	s0 =	simm.s32 $0xD00  }
.LBB2_1:
0x79: {  	[dreg:$0x15] =	wrdreg s12  }
0x7a: {  	s11 =	simm.s32 $0x0;
	s6 =	rddreg [dreg:$0x9]  }
0x7b: {  	[tilespmem:s11], [sflag:$0x1] =	stream.linear.gather [hbm4b:s6+s11], $0x140, $0x38;
	[tilespmem:$0x1A20] =	vst v63  }
0x7c: {  	_ =	swait.ge [sflag:s19], $0x140  }
0x7d: {  	[sflag:s19] =	ssyncset.done $0x0  }
0x7e: {  	s13 =	simm.s32 $0x140;
	s12 =	rddreg [dreg:$0xa];
	[sflag:s19] =	ssyncadd.s32 $0xFFFFFEC0  }
0x7f: {  	[tilespmem:s13], [sflag:$0x1] =	stream.linear.gather [hbm4b:s12+s11], $0x140, $0x38;
	[tilespmem:$0x1A20] =	vst v63  }
0x80: {  	_ =	swait.ge [sflag:s19], $0x140  }
0x81: {  	[sflag:s19] =	ssyncset.done $0x0  }
0x82: {  	s13 =	simm.s32 $0x280;
	s12 =	rddreg [dreg:$0xb];
	[sflag:s19] =	ssyncadd.s32 $0xFFFFFEC0  }
0x83: {  	[tilespmem:s13], [sflag:$0x1] =	stream.linear.gather [hbm4b:s12+s11], $0x140, $0x38;
	[tilespmem:$0x1A20] =	vst v63  }
0x84: {  	_ =	swait.ge [sflag:s19], $0x140  }
0x85: {  	[sflag:s19] =	ssyncset.done $0x0  }
0x86: {  	s13 =	simm.s32 $0x3C0;
	s12 =	rddreg [dreg:$0xc];
	[sflag:s19] =	ssyncadd.s32 $0xFFFFFEC0  }
0x87: {  	[tilespmem:s13], [sflag:$0x1] =	stream.linear.gather [hbm4b:s12+s11], $0x140, $0x38;
	[tilespmem:$0x1A20] =	vst v63  }
0x88: {  	_ =	swait.ge [sflag:s19], $0x140  }
0x89: {  	[sflag:s19] =	ssyncset.done $0x0  }
0x8a: {  	[sflag:s19] =	ssyncadd.s32 $0xFFFFFEC0  }
0x8b: {  	v61 =	vld [tilespmem:$0x320];
	_ =	sdelay $0x4  }
0x8c: {  	[tilespmem:$0x1FE80] =	vst v61;
	v61 =	vld [tilespmem:$0xA0];
	_ =	sdelay $0x4  }
0x8d: {  	[tilespmem:$0x1FE90] =	vst v61;
	v61 =	vld [tilespmem:$0x460];
	_ =	sdelay $0x4  }
0x8e: {  	[tilespmem:$0x1FEA0] =	vst v61;
	v61 =	vld [tilespmem:$0x1E0];
	_ =	sdelay $0x4  }
0x8f: {  	[tilespmem:$0x1FEB0] =	vst v61;
	v61 =	vld [tilespmem:$0x330];
	_ =	sdelay $0x2  }
0x90: {  	v25 =	vld [tilespmem:$0x280]  }
0x91: {  	v26 =	vld [tilespmem:$0x0]  }
0x92: {  	[tilespmem:$0x1FEC0] =	vst v61;
	v61 =	vld [tilespmem:$0xB0]  }
0x93: {  	v27 =	vld [tilespmem:$0x3C0]  }
0x94: {  	v28 =	vld [tilespmem:$0x140]  }
0x95: {  	v29 =	vld [tilespmem:$0x290]  }
0x96: {  	v30 =	vld [tilespmem:$0x10]  }
0x97: {  	[tilespmem:$0x1FED0] =	vst v61;
	v61 =	vld [tilespmem:$0x470]  }
0x98: {  	v31 =	vld [tilespmem:$0x3D0]  }
0x99: {  	v32 =	vld [tilespmem:$0x150]  }
0x9a: {  	v33 =	vld [tilespmem:$0x2A0]  }
0x9b: {  	v34 =	vld [tilespmem:$0x20]  }
0x9c: {  	[tilespmem:$0x1FEE0] =	vst v61;
	v61 =	vld [tilespmem:$0x1F0]  }
0x9d: {  	v35 =	vld [tilespmem:$0x3E0]  }
0x9e: {  	v36 =	vld [tilespmem:$0x160]  }
0x9f: {  	v37 =	vld [tilespmem:$0x2B0]  }
0xa0: {  	v38 =	vld [tilespmem:$0x30]  }
0xa1: {  	[tilespmem:$0x1FEF0] =	vst v61;
	v61 =	vld [tilespmem:$0x340]  }
0xa2: {  	v39 =	vld [tilespmem:$0x3F0]  }
0xa3: {  	v40 =	vld [tilespmem:$0x170]  }
0xa4: {  	v41 =	vld [tilespmem:$0x2C0]  }
0xa5: {  	v42 =	vld [tilespmem:$0x40]  }
0xa6: {  	[tilespmem:$0x1FF00] =	vst v61;
	v61 =	vld [tilespmem:$0xC0]  }
0xa7: {  	v43 =	vld [tilespmem:$0x400]  }
0xa8: {  	v44 =	vld [tilespmem:$0x180]  }
0xa9: {  	v45 =	vld [tilespmem:$0x2D0]  }
0xaa: {  	v46 =	vld [tilespmem:$0x50]  }
0xab: {  	[tilespmem:$0x1FF10] =	vst v61;
	v61 =	vld [tilespmem:$0x480]  }
0xac: {  	v47 =	vld [tilespmem:$0x410]  }
0xad: {  	v48 =	vld [tilespmem:$0x190]  }
0xae: {  	v49 =	vld [tilespmem:$0x2E0]  }
0xaf: {  	v50 =	vld [tilespmem:$0x60]  }
0xb0: {  	[tilespmem:$0x1FF20] =	vst v61;
	v61 =	vld [tilespmem:$0x200]  }
0xb1: {  	v51 =	vld [tilespmem:$0x420]  }
0xb2: {  	v52 =	vld [tilespmem:$0x1A0]  }
0xb3: {  	v53 =	vld [tilespmem:$0x2F0]  }
0xb4: {  	v54 =	vld [tilespmem:$0x70]  }
0xb5: {  	[tilespmem:$0x1FF30] =	vst v61;
	v61 =	vld [tilespmem:$0x350]  }
0xb6: {  	v55 =	vld [tilespmem:$0x430]  }
0xb7: {  	v56 =	vld [tilespmem:$0x1B0]  }
0xb8: {  	v57 =	vld [tilespmem:$0x300]  }
0xb9: {  	v58 =	vld [tilespmem:$0x80]  }
0xba: {  	[tilespmem:$0x1FF40] =	vst v61;
	v61 =	vld [tilespmem:$0xD0]  }
0xbb: {  	v63 =	vld [tilespmem:$0x310]  }
0xbc: {  	v59 =	vld [tilespmem:$0x440]  }
0xbd: {  	v60 =	vld [tilespmem:$0x1C0]  }
0xbe: {  	v62 =	vld [tilespmem:$0x90]  }
0xbf: {  	[tilespmem:$0x1FF50] =	vst v61;
	v61 =	vld [tilespmem:$0x490]  }
0xc0: {  	[tilespmem:$0x1FE70] =	vst v63;
	v63 =	vld [tilespmem:$0x450]  }
0xc1: {  	[tilespmem:$0x1FE60] =	vst v57;
	v57 =	vld [tilespmem:$0x1D0]  }
0xc2: {  	v25 =	vsub.f32 v25, v26;
	v26 =	vsub.f32 v27, v28;
	v27 =	vld [tilespmem:$0x100]  }
0xc3: {  	v28 =	vsub.f32 v29, v30;
	v30 =	vld [tilespmem:$0x4C0]  }
0xc4: {  	[tilespmem:$0x1FF60] =	vst v61;
	v61 =	vld [tilespmem:$0x210]  }
0xc5: {  	v29 =	vsub.f32 v31, v32;
	v32 =	vld [tilespmem:$0x240]  }
0xc6: {  	v36 =	vsub.f32 v35, v36;
	v35 =	vld [tilespmem:$0x110]  }
0xc7: {  	v38 =	vsub.f32 v37, v38;
	v37 =	vld [tilespmem:$0x250]  }
0xc8: {  	v40 =	vsub.f32 v39, v40;
	v39 =	vld [tilespmem:$0x120]  }
0xc9: {  	v25 =	vmul.f32 v26, v25;
	v26 =	vsub.f32 v33, v34;
	[tilespmem:$0x1FF70] =	vst v61;
	v61 =	vld [tilespmem:$0x360]  }
0xca: {  	v46 =	vsub.f32 v45, v46;
	v45 =	vld [tilespmem:$0x1FE70]  }
0xcb: {  	v43 =	vsub.f32 v43, v44;
	v34 =	vld [tilespmem:$0x390];
	[tilespmem:$0x500] =	vst v25;
	v25 =	vmul.f32 v36, v26;
	v26 =	vsub.f32 v41, v42  }
0xcc: {  	v44 =	vmul.f32 v40, v38;
	v38 =	vld [tilespmem:$0x3A0]  }
0xcd: {  	v51 =	vsub.f32 v51, v52;
	v40 =	vld [tilespmem:$0x4E0];
	[tilespmem:$0x520] =	vst v25;
	v25 =	vmul.f32 v43, v26;
	v26 =	vsub.f32 v49, v50  }
0xce: {  	[tilespmem:$0x1FF80] =	vst v61;
	v61 =	vld [tilespmem:$0xE0]  }
0xcf: {  	[tilespmem:$0x540] =	vst v25;
	v25 =	vmul.f32 v51, v26;
	v26 =	vld [tilespmem:$0x1FE60]  }
0xd0: {  	v36 =	vld [tilespmem:$0x4D0]  }
0xd1: {  	v41 =	vld [tilespmem:$0x260]  }
0xd2: {  	v42 =	vld [tilespmem:$0x3B0]  }
0xd3: {  	v48 =	vsub.f32 v47, v48;
	[tilespmem:$0x1FF90] =	vst v61;
	v61 =	vld [tilespmem:$0x4A0]  }
0xd4: {  	v60 =	vsub.f32 v59, v60;
	v47 =	vld [tilespmem:$0x1FE90];
	v26 =	vsub.f32 v26, v58  }
0xd5: {  	v52 =	vmul.f32 v48, v46;
	v48 =	vld [tilespmem:$0x1FEA0]  }
0xd6: {  	[tilespmem:$0x560] =	vst v25;
	v25 =	vmul.f32 v60, v26;
	v26 =	vld [tilespmem:$0x1FE80]  }
0xd7: {  	v49 =	vld [tilespmem:$0x1FEB0]  }
0xd8: {  	[tilespmem:$0x1FFA0] =	vst v61;
	v61 =	vld [tilespmem:$0x220]  }
0xd9: {  	v43 =	vld [tilespmem:$0x130]  }
0xda: {  	v51 =	vld [tilespmem:$0x1FEC0]  }
0xdb: {  	v54 =	vsub.f32 v53, v54;
	[tilespmem:$0x550] =	vst v52;
	v52 =	vld [tilespmem:$0x1FED0]  }
0xdc: {  	v26 =	vsub.f32 v26, v47;
	v31 =	vsub.f32 v48, v49;
	v53 =	vld [tilespmem:$0x1FEE0]  }
0xdd: {  	[tilespmem:$0x1FFB0] =	vst v61;
	v61 =	vld [tilespmem:$0x370]  }
0xde: {  	v56 =	vsub.f32 v55, v56;
	[tilespmem:$0x580] =	vst v25;
	v25 =	vmul.f32 v31, v26;
	v26 =	vld [tilespmem:$0x1FF00]  }
0xdf: {  	v55 =	vld [tilespmem:$0x1FF10]  }
0xe0: {  	[tilespmem:$0x530] =	vst v44;
	v44 =	vmul.f32 v56, v54;
	v56 =	vld [tilespmem:$0x1FF20]  }
0xe1: {  	v46 =	vsub.f32 v63, v57;
	v57 =	vld [tilespmem:$0x1FF30]  }
0xe2: {  	[tilespmem:$0x1FFC0] =	vst v61;
	v61 =	vld [tilespmem:$0xF0]  }
0xe3: {  	v54 =	vld [tilespmem:$0x1FEF0]  }
0xe4: {  	v59 =	vld [tilespmem:$0x1FF40]  }
0xe5: {  	v60 =	vld [tilespmem:$0x1FF50]  }
0xe6: {  	v28 =	vmul.f32 v29, v28;
	v29 =	vsub.f32 v45, v62;
	v62 =	vld [tilespmem:$0x1FF60]  }
0xe7: {  	v26 =	vsub.f32 v26, v55;
	v31 =	vsub.f32 v56, v57;
	[tilespmem:$0x1FFD0] =	vst v61;
	v61 =	vld [tilespmem:$0x4B0]  }
0xe8: {  	v63 =	vld [tilespmem:$0x1FF70]  }
0xe9: {  	v50 =	vmul.f32 v46, v29;
	[tilespmem:$0x5A0] =	vst v25;
	v25 =	vmul.f32 v31, v26;
	v26 =	vld [tilespmem:$0x1FF80]  }
0xea: {  	v49 =	vld [tilespmem:$0x1FF90]  }
0xeb: {  	[tilespmem:$0x590] =	vst v50;
	v50 =	vld [tilespmem:$0x1FFA0]  }
0xec: {  	[tilespmem:$0x1FFE0] =	vst v61;
	v61 =	vld [tilespmem:$0x230]  }
0xed: {  	v29 =	vsub.f32 v51, v52;
	v51 =	vld [tilespmem:$0x1FFB0]  }
0xee: {  	v33 =	vsub.f32 v53, v54;
	v54 =	vld [tilespmem:$0x1FFC0]  }
0xef: {  	v55 =	vld [tilespmem:$0x1FFD0]  }
0xf0: {  	v56 =	vld [tilespmem:$0x1FFE0]  }
0xf1: {  	[tilespmem:$0x1FFF0] =	vst v61;
	v61 =	vld [tilespmem:$0x380]  }
0xf2: {  	v57 =	vld [tilespmem:$0x1FFF0]  }
0xf3: {  	[tilespmem:$0x510] =	vst v28;
	v48 =	vld [tilespmem:$0x4F0];
	v58 =	vmul.f32 v33, v29;
	v29 =	vsub.f32 v59, v60;
	v33 =	vsub.f32 v62, v63  }
0xf4: {  	[tilespmem:$0x570] =	vst v44;
	v52 =	vld [tilespmem:$0x270];
	v26 =	vsub.f32 v26, v49;
	v31 =	vsub.f32 v50, v51  }
0xf5: {  	[tilespmem:$0x5B0] =	vst v58;
	v59 =	vsub.f32 v34, v35;
	v60 =	vsub.f32 v36, v37;
	v53 =	vmul.f32 v33, v29  }
0xf6: {  	[tilespmem:$0x5C0] =	vst v25;
	v25 =	vmul.f32 v31, v26;
	v26 =	vsub.f32 v61, v27;
	v27 =	vsub.f32 v30, v32  }
0xf7: {  	[tilespmem:$0x5D0] =	vst v53;
	v29 =	vsub.f32 v54, v55;
	v61 =	vmul.f32 v60, v59;
	v33 =	vsub.f32 v56, v57  }
0xf8: {  	[tilespmem:$0x5E0] =	vst v25;
	v25 =	vmul.f32 v27, v26;
	v26 =	vsub.f32 v38, v39;
	v27 =	vsub.f32 v40, v41  }
0xf9: {  	v62 =	vsub.f32 v42, v43;
	v63 =	vsub.f32 v48, v52;
	[tilespmem:$0x610] =	vst v61;
	v58 =	vmul.f32 v33, v29  }
0xfa: {  	[tilespmem:$0x600] =	vst v25;
	v25 =	vmul.f32 v27, v26  }
0xfb: {  	v26 =	vmul.f32 v63, v62;
	[tilespmem:$0x5F0] =	vst v58  }
0xfc: {  	[tilespmem:$0x620] =	vst v25  }
0xfd: {  	s13 =	simm.s32 $0x1880;
	s12 =	rddreg [dreg:$0x2];
	[tilespmem:$0x630] =	vst v26  }
0xfe: {  	[tilespmem:s13], [sflag:$0x1] =	stream.linear.gather [hbm4b:s12+s11], $0x80, $0x38;
	[tilespmem:$0x1A20] =	vst v63  }
0xff: {  	_ =	swait.ge [sflag:s19], $0x80  }
0x100: {  	[sflag:s19] =	ssyncset.done $0x0  }
0x101: {  	[sflag:s19] =	ssyncadd.s32 $0xFFFFFF80  }
0x102: {  	s13 =	rddreg [dreg:$0x1]  }
0x103: {  	v25 =	vld [tilespmem:$0x1880];
	[tilespmem:s14], [sflag:$0x1] =	stream.linear.gather [hbm4b:s13+s11], $0x80, $0x38  }
0x104: {  	_ =	swait.ge [sflag:s19], $0x80  }
0x105: {  	[sflag:s19] =	ssyncset.done $0x0  }
0x106: {  	s6 =	simm.s32 $0x0;
	v26 =	vimm.f32 $0.0e+00;
	[sflag:s19] =	ssyncadd.s32 $0xFFFFFF80  }
.LBB2_2:
0x107: {  	s11 =	rddreg [dreg:$0xd]  }
0x108: {  	s13 =	sadd.s32 s11, s6  }
0x109: {  	s12 =	rddreg [dreg:$0x8];
	s11 =	sshll.u32 s13, $0x5  }
0x10a: {  	s12 =	sadd.s32 s12, s11;
	s11 =	simm.s32 $0x0  }
0x10b: {  	[tilespmem:s25], [sflag:$0x1] =	stream.linear.gather [hbm4b:s12+s11], $0x100, $0x38;
	[tilespmem:$0x1A20] =	vst v63  }
0x10c: {  	s14 =	smul.u32 $0x1400, s13;
	_ =	swait.ge [sflag:s19], $0x100  }
0x10d: {  	s12 =	rddreg [dreg:$0x7]  }
0x10e: {  	s12 =	sadd.s32 s12, s14  }
0x10f: {  	[sflag:s19] =	ssyncset.done $0x0;
	s12 =	sshrl.u32 s12, $0x3  }
0x110: {  	[sflag:s19] =	ssyncadd.s32 $0xFFFFFF00;
	s12 =	sadd.s32 s5, s12  }
0x111: {  	[tilespmem:s26], [sflag:$0x1] =	stream.linear.gather [hbm4b:s12+s11], $0x140, $0x38;
	[tilespmem:$0x1A20] =	vst v63  }
0x112: {  	_ =	swait.ge [sflag:s19], $0x140  }
0x113: {  	s12 =	rddreg [dreg:$0xf]  }
0x114: {  	s12 =	sadd.s32 s14, s12  }
0x115: {  	[sflag:s19] =	ssyncset.done $0x0;
	s12 =	sshrl.u32 s12, $0x3  }
0x116: {  	[sflag:s19] =	ssyncadd.s32 $0xFFFFFEC0;
	s14 =	simm.s32 $0x7C0;
	s12 =	sadd.s32 s5, s12  }
0x117: {  	[tilespmem:s14], [sflag:$0x1] =	stream.linear.gather [hbm4b:s12+s11], $0x140, $0x38;
	[tilespmem:$0x1A20] =	vst v63  }
0x118: {  	_ =	swait.ge [sflag:s19], $0x140  }
0x119: {  	[sflag:s19] =	ssyncset.done $0x0  }
0x11a: {  	[sflag:s19] =	ssyncadd.s32 $0xFFFFFEC0  }
0x11b: {  	[tilespmem:$0xB80] =	vst v22  }
0x11c: {  	[tilespmem:$0xD00] =	vst v22  }
0x11d: {  	[tilespmem:$0xB90] =	vst v22  }
0x11e: {  	[tilespmem:$0xD10] =	vst v22  }
0x11f: {  	[tilespmem:$0xBA0] =	vst v22  }
0x120: {  	[tilespmem:$0xD20] =	vst v22  }
0x121: {  	[tilespmem:$0xBB0] =	vst v22  }
0x122: {  	[tilespmem:$0xD30] =	vst v22  }
0x123: {  	[tilespmem:$0xBC0] =	vst v22  }
0x124: {  	[tilespmem:$0xD40] =	vst v22  }
0x125: {  	[tilespmem:$0xBD0] =	vst v22  }
0x126: {  	[tilespmem:$0xD50] =	vst v22  }
0x127: {  	[tilespmem:$0xBE0] =	vst v22  }
0x128: {  	[tilespmem:$0xD60] =	vst v22  }
0x129: {  	[tilespmem:$0xBF0] =	vst v22  }
0x12a: {  	[tilespmem:$0xD70] =	vst v22  }
0x12b: {  	[tilespmem:$0xC00] =	vst v22  }
0x12c: {  	[tilespmem:$0xD80] =	vst v22  }
0x12d: {  	[tilespmem:$0xC10] =	vst v22  }
0x12e: {  	[tilespmem:$0xD90] =	vst v22  }
0x12f: {  	[tilespmem:$0xC20] =	vst v22  }
0x130: {  	[tilespmem:$0xDA0] =	vst v22  }
0x131: {  	[tilespmem:$0xC30] =	vst v22  }
0x132: {  	[tilespmem:$0xDB0] =	vst v22  }
0x133: {  	[tilespmem:$0xC40] =	vst v22  }
0x134: {  	[tilespmem:$0xDC0] =	vst v22  }
0x135: {  	[tilespmem:$0xC50] =	vst v22  }
0x136: {  	[tilespmem:$0xDD0] =	vst v22  }
0x137: {  	[tilespmem:$0xC60] =	vst v22  }
0x138: {  	v27 =	vld [tilespmem:$0x980];
	[tilespmem:$0xDE0] =	vst v22  }
0x139: {  	v28 =	vld [tilespmem:$0x9C0];
	[tilespmem:$0xC70] =	vst v22  }
0x13a: {  	v29 =	vld [tilespmem:$0x900];
	[tilespmem:$0xDF0] =	vst v22  }
0x13b: {  	[tilespmem:$0xC80] =	vst v22  }
0x13c: {  	v30 =	vld [tilespmem:$0x940];
	[tilespmem:$0xE00] =	vst v22  }
0x13d: {  	v32 =	vld [tilespmem:$0x9D0];
	[tilespmem:$0xC90] =	vst v22;
	v27 =	vmul.f32 $5.000000000e-01, v27  }
0x13e: {  	v31 =	vld [tilespmem:$0x990];
	[tilespmem:$0xE10] =	vst v22;
	v28 =	vmul.f32 $5.000000000e-01, v28  }
0x13f: {  	v36 =	vld [tilespmem:$0x950];
	[tilespmem:$0xCA0] =	vst v22;
	v33 =	vsub.f32 v29, v27;
	v29 =	vadd.f32 v27, v29  }
0x140: {  	v34 =	vld [tilespmem:$0x910];
	[tilespmem:$0xE20] =	vst v22;
	v27 =	vadd.f32 v27, v27;
	v50 =	vadd.f32 v28, v28  }
0x141: {  	v52 =	vld [tilespmem:$0x9A0];
	[tilespmem:$0xCB0] =	vst v22  }
0x142: {  	v53 =	vld [tilespmem:$0x9E0];
	[tilespmem:$0xA80] =	vst v29;
	v27 =	vmul.f32 v50, v27;
	v29 =	vmul.f32 $5.000000000e-01, v32  }
0x143: {  	v54 =	vld [tilespmem:$0x920];
	[tilespmem:$0xE30] =	vst v22;
	v51 =	vmul.f32 $5.000000000e-01, v31;
	v35 =	vsub.f32 v30, v28;
	v28 =	vadd.f32 v28, v30  }
0x144: {  	[tilespmem:$0xB00] =	vst v27;
	v27 =	vsub.f32 v36, v29  }
0x145: {  	[tilespmem:$0xAC0] =	vst v28;
	v28 =	vsub.f32 v34, v51  }
0x146: {  	v55 =	vld [tilespmem:$0x960];
	v56 =	vadd.f32 v29, v29;
	[tilespmem:$0xA50] =	vst v27;
	v27 =	vadd.f32 v29, v36;
	v29 =	vmul.f32 $5.000000000e-01, v52  }
0x147: {  	v59 =	vld [tilespmem:$0x9F0];
	[tilespmem:$0xA10] =	vst v28;
	v28 =	vadd.f32 v51, v51  }
0x148: {  	v57 =	vld [tilespmem:$0x9B0];
	v58 =	vmul.f32 $5.000000000e-01, v53;
	[tilespmem:$0xAD0] =	vst v27;
	v27 =	vsub.f32 v54, v29  }
0x149: {  	v61 =	vld [tilespmem:$0x970];
	[tilespmem:$0xA00] =	vst v33;
	v28 =	vmul.f32 v56, v28;
	v33 =	vadd.f32 v29, v54  }
0x14a: {  	v60 =	vld [tilespmem:$0x930];
	[tilespmem:$0xA20] =	vst v27;
	v27 =	vadd.f32 v29, v29;
	v29 =	vadd.f32 v58, v58  }
0x14b: {  	[tilespmem:$0xB10] =	vst v28;
	v28 =	vsub.f32 v55, v58  }
0x14c: {  	[tilespmem:$0xA40] =	vst v35;
	v27 =	vmul.f32 v29, v27;
	v29 =	vmul.f32 $5.000000000e-01, v59  }
0x14d: {  	v62 =	vmul.f32 $5.000000000e-01, v57;
	[tilespmem:$0xA60] =	vst v28;
	v28 =	vadd.f32 v58, v55  }
0x14e: {  	[tilespmem:$0xB20] =	vst v27;
	v27 =	vsub.f32 v61, v29  }
0x14f: {  	[tilespmem:$0xAE0] =	vst v28;
	v28 =	vsub.f32 v60, v62  }
0x150: {  	[tilespmem:$0xA70] =	vst v27;
	v27 =	vadd.f32 v29, v61  }
0x151: {  	v31 =	vadd.f32 v62, v60;
	v34 =	vadd.f32 v51, v34;
	[tilespmem:$0xA30] =	vst v28  }
0x152: {  	v28 =	vadd.f32 v62, v62;
	v63 =	vadd.f32 v29, v29;
	[tilespmem:$0xAF0] =	vst v27;
	v27 =	vmov s13  }
0x153: {  	[tilespmem:$0xAB0] =	vst v31  }
0x154: {  	[tilespmem:$0xA90] =	vst v34;
	v28 =	vmul.f32 v63, v28  }
0x155: {  	[tilespmem:$0xAA0] =	vst v33  }
0x156: {  	s14 =	simm.s32 $0x1700;
	[tilespmem:$0xB30] =	vst v28  }
0x157: {  	v27 =	vld.idx.msk [tilespmem:v27+s14+$0x0], $0xffff  }
.LBB2_3:
0x158: {  	v28 =	vmov s11  }
0x159: {  	v29 =	vor.u32 $0x100, v28  }
0x15a: {  	v34 =	vld [tilespmem:$0x0];
	v30 =	vor.u32 $0x140, v28  }
0x15b: {  	v35 =	vld [tilespmem:$0x140];
	v31 =	vor.u32 $0x180, v28  }
0x15c: {  	v36 =	vld [tilespmem:$0x280];
	v32 =	vor.u32 $0x1C0, v28  }
0x15d: {  	v37 =	vld [tilespmem:$0x3C0]  }
0x15e: {  	v33 =	vld.idx.msk [tilespmem:v29+s25+$0x0], $0xffff  }
0x15f: {  	v30 =	vld.idx.msk [tilespmem:v30+s25+$0x0], $0xffff  }
0x160: {  	v31 =	vld.idx.msk [tilespmem:v31+s25+$0x0], $0xffff;
	v29 =	vor.u32 $0x200, v28  }
0x161: {  	v32 =	vld.idx.msk [tilespmem:v32+s25+$0x0], $0xffff;
	_ =	sdelay $0x2  }
0x162: {  	v38 =	vld [tilespmem:$0x500]  }
0x163: {  	v29 =	vld.idx.msk [tilespmem:v29+s25+$0x0], $0xffff;
	v34 =	vmax.f32 v34, v33  }
0x164: {  	v35 =	vmax.f32 v35, v30;
	v36 =	vmin.f32 v36, v31;
	v37 =	vmin.f32 v37, v32  }
0x165: {  	v34 =	vsub.f32 v36, v34;
	v35 =	vsub.f32 v37, v35;
	_ =	sdelay $0x1  }
0x166: {  	v34 =	vmax.f32 v34, $0.0e+00;
	v35 =	vmax.f32 v35, $0.0e+00  }
0x167: {  	v34 =	vmul.f32 v35, v34;
	v49 =	vadd.f32 v38, v29;
	_ =	sdelay $0x1  }
0x168: {  	v35 =	vsub.f32 v49, v34;
	_ =	sdelay $0x1  }
0x169: {  	(erf) = vrcp.f32 v35;
	_ =	sdelay $0x8  }
0x16a: {  	v35 =	vpop (erf)  }
0x16b: {  	v34 =	vmul.f32 v35, v34;
	_ =	sdelay $0x1  }
0x16c: {  	vm0 =	vlt.s32 v28, v27;
	vm1 =	vgt.f32 v34, v25  }
0x16d: {  	vm1 =	vmand vm0, vm1  }
0x16e: {  	v50 =	vsel vm1, $0x3F800000, v22  }
0x16f: {  	[tilespmem:s29+$0x0] =	vst.add.f32.msk $0xffff, v50  }
0x170: {  	v35 =	vld [tilespmem:$0x10]  }
0x171: {  	v51 =	vld [tilespmem:$0x150]  }
0x172: {  	v52 =	vld [tilespmem:$0x290]  }
0x173: {  	v53 =	vld [tilespmem:$0x3D0];
	_ =	sdelay $0x3  }
0x174: {  	v39 =	vld [tilespmem:$0x510];
	v35 =	vmax.f32 v35, v33  }
0x175: {  	v36 =	vmax.f32 v51, v30;
	v37 =	vmin.f32 v52, v31;
	v38 =	vmin.f32 v53, v32  }
0x176: {  	v35 =	vsub.f32 v37, v35;
	v36 =	vsub.f32 v38, v36;
	_ =	sdelay $0x1  }
0x177: {  	v35 =	vmax.f32 v35, $0.0e+00;
	v36 =	vmax.f32 v36, $0.0e+00  }
0x178: {  	v54 =	vadd.f32 v39, v29;
	v35 =	vmul.f32 v36, v35;
	_ =	sdelay $0x1  }
0x179: {  	v36 =	vsub.f32 v54, v35;
	_ =	sdelay $0x1  }
0x17a: {  	(erf) = vrcp.f32 v36;
	_ =	sdelay $0x8  }
0x17b: {  	v36 =	vpop (erf)  }
0x17c: {  	v35 =	vmul.f32 v36, v35;
	_ =	sdelay $0x1  }
0x17d: {  	vm12 =	vgt.f32 v35, v25  }
0x17e: {  	vm1 =	vmand vm0, vm12  }
0x17f: {  	v55 =	vsel vm1, $0x3F800000, v22  }
0x180: {  	[tilespmem:s30+$0x0] =	vst.add.f32.msk $0xffff, v55  }
0x181: {  	v36 =	vld [tilespmem:$0x20]  }
0x182: {  	v56 =	vld [tilespmem:$0x160]  }
0x183: {  	v57 =	vld [tilespmem:$0x2A0]  }
0x184: {  	v58 =	vld [tilespmem:$0x3E0];
	_ =	sdelay $0x3  }
0x185: {  	v40 =	vld [tilespmem:$0x520];
	v36 =	vmax.f32 v36, v33  }
0x186: {  	v37 =	vmax.f32 v56, v30;
	v38 =	vmin.f32 v57, v31;
	v39 =	vmin.f32 v58, v32  }
0x187: {  	v36 =	vsub.f32 v38, v36;
	v37 =	vsub.f32 v39, v37;
	_ =	sdelay $0x1  }
0x188: {  	v36 =	vmax.f32 v36, $0.0e+00;
	v37 =	vmax.f32 v37, $0.0e+00  }
0x189: {  	v59 =	vadd.f32 v40, v29;
	v36 =	vmul.f32 v37, v36;
	_ =	sdelay $0x1  }
0x18a: {  	v37 =	vsub.f32 v59, v36;
	_ =	sdelay $0x1  }
0x18b: {  	(erf) = vrcp.f32 v37;
	_ =	sdelay $0x8  }
0x18c: {  	v37 =	vpop (erf)  }
0x18d: {  	v36 =	vmul.f32 v37, v36;
	_ =	sdelay $0x1  }
0x18e: {  	vm13 =	vgt.f32 v36, v25  }
0x18f: {  	vm1 =	vmand vm0, vm13  }
0x190: {  	v60 =	vsel vm1, $0x3F800000, v22  }
0x191: {  	[tilespmem:s31+$0x0] =	vst.add.f32.msk $0xffff, v60  }
0x192: {  	v37 =	vld [tilespmem:$0x30]  }
0x193: {  	v61 =	vld [tilespmem:$0x170]  }
0x194: {  	v62 =	vld [tilespmem:$0x2B0]  }
0x195: {  	v63 =	vld [tilespmem:$0x3F0];
	_ =	sdelay $0x3  }
0x196: {  	v41 =	vld [tilespmem:$0x530];
	v37 =	vmax.f32 v37, v33  }
0x197: {  	v38 =	vmax.f32 v61, v30;
	v39 =	vmin.f32 v62, v31;
	v40 =	vmin.f32 v63, v32  }
0x198: {  	v37 =	vsub.f32 v39, v37;
	v38 =	vsub.f32 v40, v38;
	_ =	sdelay $0x1  }
0x199: {  	v37 =	vmax.f32 v37, $0.0e+00;
	v38 =	vmax.f32 v38, $0.0e+00  }
0x19a: {  	v44 =	vadd.f32 v41, v29;
	v37 =	vmul.f32 v38, v37;
	_ =	sdelay $0x1  }
0x19b: {  	v38 =	vsub.f32 v44, v37;
	_ =	sdelay $0x1  }
0x19c: {  	(erf) = vrcp.f32 v38;
	_ =	sdelay $0x8  }
0x19d: {  	v38 =	vpop (erf)  }
0x19e: {  	v37 =	vmul.f32 v38, v37;
	_ =	sdelay $0x1  }
0x19f: {  	vm14 =	vgt.f32 v37, v25  }
0x1a0: {  	vm1 =	vmand vm0, vm14  }
0x1a1: {  	v45 =	vsel vm1, $0x3F800000, v22  }
0x1a2: {  	[tilespmem:s3+$0x0] =	vst.add.f32.msk $0xffff, v45  }
0x1a3: {  	v38 =	vld [tilespmem:$0x40]  }
0x1a4: {  	v46 =	vld [tilespmem:$0x180]  }
0x1a5: {  	v47 =	vld [tilespmem:$0x2C0]  }
0x1a6: {  	v48 =	vld [tilespmem:$0x400];
	_ =	sdelay $0x3  }
0x1a7: {  	v42 =	vld [tilespmem:$0x540];
	v38 =	vmax.f32 v38, v33  }
0x1a8: {  	v39 =	vmax.f32 v46, v30;
	v40 =	vmin.f32 v47, v31;
	v41 =	vmin.f32 v48, v32  }
0x1a9: {  	v38 =	vsub.f32 v40, v38;
	v39 =	vsub.f32 v41, v39;
	_ =	sdelay $0x1  }
0x1aa: {  	v38 =	vmax.f32 v38, $0.0e+00;
	v39 =	vmax.f32 v39, $0.0e+00  }
0x1ab: {  	v49 =	vadd.f32 v42, v29;
	v38 =	vmul.f32 v39, v38;
	_ =	sdelay $0x1  }
0x1ac: {  	v39 =	vsub.f32 v49, v38;
	_ =	sdelay $0x1  }
0x1ad: {  	(erf) = vrcp.f32 v39;
	_ =	sdelay $0x8  }
0x1ae: {  	v39 =	vpop (erf)  }
0x1af: {  	v38 =	vmul.f32 v39, v38;
	_ =	sdelay $0x1  }
0x1b0: {  	vm15 =	vgt.f32 v38, v25  }
0x1b1: {  	vm1 =	vmand vm0, vm15  }
0x1b2: {  	v50 =	vsel vm1, $0x3F800000, v22  }
0x1b3: {  	[tilespmem:s1+$0x0] =	vst.add.f32.msk $0xffff, v50  }
0x1b4: {  	v39 =	vld [tilespmem:$0x50]  }
0x1b5: {  	v51 =	vld [tilespmem:$0x190]  }
0x1b6: {  	v52 =	vld [tilespmem:$0x2D0]  }
0x1b7: {  	v53 =	vld [tilespmem:$0x410];
	_ =	sdelay $0x3  }
0x1b8: {  	v43 =	vld [tilespmem:$0x550];
	v39 =	vmax.f32 v39, v33  }
0x1b9: {  	v40 =	vmax.f32 v51, v30;
	v41 =	vmin.f32 v52, v31;
	v42 =	vmin.f32 v53, v32  }
0x1ba: {  	v39 =	vsub.f32 v41, v39;
	v40 =	vsub.f32 v42, v40;
	_ =	sdelay $0x1  }
0x1bb: {  	v39 =	vmax.f32 v39, $0.0e+00;
	v40 =	vmax.f32 v40, $0.0e+00  }
0x1bc: {  	v54 =	vadd.f32 v43, v29;
	v39 =	vmul.f32 v40, v39;
	_ =	sdelay $0x1  }
0x1bd: {  	v40 =	vsub.f32 v54, v39;
	_ =	sdelay $0x1  }
0x1be: {  	(erf) = vrcp.f32 v40;
	_ =	sdelay $0x8  }
0x1bf: {  	v40 =	vpop (erf)  }
0x1c0: {  	v39 =	vmul.f32 v40, v39;
	_ =	sdelay $0x1  }
0x1c1: {  	vm4 =	vgt.f32 v39, v25  }
0x1c2: {  	vm1 =	vmand vm0, vm4  }
0x1c3: {  	v55 =	vsel vm1, $0x3F800000, v22  }
0x1c4: {  	[tilespmem:s2+$0x0] =	vst.add.f32.msk $0xffff, v55  }
0x1c5: {  	v40 =	vld [tilespmem:$0x60]  }
0x1c6: {  	v56 =	vld [tilespmem:$0x1A0]  }
0x1c7: {  	v57 =	vld [tilespmem:$0x2E0]  }
0x1c8: {  	v58 =	vld [tilespmem:$0x420];
	_ =	sdelay $0x3  }
0x1c9: {  	v44 =	vld [tilespmem:$0x560];
	v40 =	vmax.f32 v40, v33  }
0x1ca: {  	v41 =	vmax.f32 v56, v30;
	v42 =	vmin.f32 v57, v31;
	v43 =	vmin.f32 v58, v32  }
0x1cb: {  	v40 =	vsub.f32 v42, v40;
	v41 =	vsub.f32 v43, v41;
	_ =	sdelay $0x1  }
0x1cc: {  	v40 =	vmax.f32 v40, $0.0e+00;
	v41 =	vmax.f32 v41, $0.0e+00  }
0x1cd: {  	v59 =	vadd.f32 v44, v29;
	v40 =	vmul.f32 v41, v40;
	_ =	sdelay $0x1  }
0x1ce: {  	v41 =	vsub.f32 v59, v40;
	_ =	sdelay $0x1  }
0x1cf: {  	(erf) = vrcp.f32 v41;
	_ =	sdelay $0x8  }
0x1d0: {  	v41 =	vpop (erf)  }
0x1d1: {  	v40 =	vmul.f32 v41, v40;
	_ =	sdelay $0x1  }
0x1d2: {  	vm5 =	vgt.f32 v40, v25  }
0x1d3: {  	vm1 =	vmand vm0, vm5  }
0x1d4: {  	v60 =	vsel vm1, $0x3F800000, v22  }
0x1d5: {  	[tilespmem:s20+$0x0] =	vst.add.f32.msk $0xffff, v60  }
0x1d6: {  	v41 =	vld [tilespmem:$0x70]  }
0x1d7: {  	v61 =	vld [tilespmem:$0x1B0]  }
0x1d8: {  	v62 =	vld [tilespmem:$0x2F0]  }
0x1d9: {  	v63 =	vld [tilespmem:$0x430];
	_ =	sdelay $0x3  }
0x1da: {  	v45 =	vld [tilespmem:$0x570];
	v41 =	vmax.f32 v41, v33  }
0x1db: {  	v42 =	vmax.f32 v61, v30;
	v43 =	vmin.f32 v62, v31;
	v44 =	vmin.f32 v63, v32  }
0x1dc: {  	v41 =	vsub.f32 v43, v41;
	v42 =	vsub.f32 v44, v42;
	_ =	sdelay $0x1  }
0x1dd: {  	v41 =	vmax.f32 v41, $0.0e+00;
	v42 =	vmax.f32 v42, $0.0e+00  }
0x1de: {  	v46 =	vadd.f32 v45, v29;
	v41 =	vmul.f32 v42, v41;
	_ =	sdelay $0x1  }
0x1df: {  	v42 =	vsub.f32 v46, v41;
	_ =	sdelay $0x1  }
0x1e0: {  	(erf) = vrcp.f32 v42;
	_ =	sdelay $0x8  }
0x1e1: {  	v42 =	vpop (erf)  }
0x1e2: {  	v41 =	vmul.f32 v42, v41;
	_ =	sdelay $0x1  }
0x1e3: {  	vm6 =	vgt.f32 v41, v25  }
0x1e4: {  	vm1 =	vmand vm0, vm6  }
0x1e5: {  	v47 =	vsel vm1, $0x3F800000, v22  }
0x1e6: {  	[tilespmem:s21+$0x0] =	vst.add.f32.msk $0xffff, v47  }
0x1e7: {  	v42 =	vld [tilespmem:$0x80]  }
0x1e8: {  	v48 =	vld [tilespmem:$0x1C0]  }
0x1e9: {  	v49 =	vld [tilespmem:$0x300]  }
0x1ea: {  	v50 =	vld [tilespmem:$0x440];
	_ =	sdelay $0x3  }
0x1eb: {  	v46 =	vld [tilespmem:$0x580];
	v42 =	vmax.f32 v42, v33  }
0x1ec: {  	v43 =	vmax.f32 v48, v30;
	v44 =	vmin.f32 v49, v31;
	v45 =	vmin.f32 v50, v32  }
0x1ed: {  	v42 =	vsub.f32 v44, v42;
	v43 =	vsub.f32 v45, v43;
	_ =	sdelay $0x1  }
0x1ee: {  	v42 =	vmax.f32 v42, $0.0e+00;
	v43 =	vmax.f32 v43, $0.0e+00  }
0x1ef: {  	v51 =	vadd.f32 v46, v29;
	v42 =	vmul.f32 v43, v42;
	_ =	sdelay $0x1  }
0x1f0: {  	v43 =	vsub.f32 v51, v42;
	_ =	sdelay $0x1  }
0x1f1: {  	(erf) = vrcp.f32 v43;
	_ =	sdelay $0x8  }
0x1f2: {  	v43 =	vpop (erf)  }
0x1f3: {  	v42 =	vmul.f32 v43, v42;
	_ =	sdelay $0x1  }
0x1f4: {  	vm7 =	vgt.f32 v42, v25  }
0x1f5: {  	vm1 =	vmand vm0, vm7  }
0x1f6: {  	v52 =	vsel vm1, $0x3F800000, v22  }
0x1f7: {  	[tilespmem:s22+$0x0] =	vst.add.f32.msk $0xffff, v52  }
0x1f8: {  	v43 =	vld [tilespmem:$0x90]  }
0x1f9: {  	v53 =	vld [tilespmem:$0x1D0]  }
0x1fa: {  	v54 =	vld [tilespmem:$0x310]  }
0x1fb: {  	v55 =	vld [tilespmem:$0x450];
	_ =	sdelay $0x3  }
0x1fc: {  	v47 =	vld [tilespmem:$0x590];
	v43 =	vmax.f32 v43, v33  }
0x1fd: {  	v44 =	vmax.f32 v53, v30;
	v45 =	vmin.f32 v54, v31;
	v46 =	vmin.f32 v55, v32  }
0x1fe: {  	v43 =	vsub.f32 v45, v43;
	v44 =	vsub.f32 v46, v44;
	_ =	sdelay $0x1  }
0x1ff: {  	v43 =	vmax.f32 v43, $0.0e+00;
	v44 =	vmax.f32 v44, $0.0e+00  }
0x200: {  	v56 =	vadd.f32 v47, v29;
	v43 =	vmul.f32 v44, v43;
	_ =	sdelay $0x1  }
0x201: {  	v44 =	vsub.f32 v56, v43;
	_ =	sdelay $0x1  }
0x202: {  	(erf) = vrcp.f32 v44;
	_ =	sdelay $0x8  }
0x203: {  	v44 =	vpop (erf)  }
0x204: {  	v43 =	vmul.f32 v44, v43;
	_ =	sdelay $0x1  }
0x205: {  	vm8 =	vgt.f32 v43, v25  }
0x206: {  	vm1 =	vmand vm0, vm8  }
0x207: {  	v57 =	vsel vm1, $0x3F800000, v22  }
0x208: {  	[tilespmem:s23+$0x0] =	vst.add.f32.msk $0xffff, v57  }
0x209: {  	v44 =	vld [tilespmem:$0xA0]  }
0x20a: {  	v58 =	vld [tilespmem:$0x1E0]  }
0x20b: {  	v59 =	vld [tilespmem:$0x320]  }
0x20c: {  	v60 =	vld [tilespmem:$0x460];
	_ =	sdelay $0x3  }
0x20d: {  	v48 =	vld [tilespmem:$0x5A0];
	v44 =	vmax.f32 v44, v33  }
0x20e: {  	v45 =	vmax.f32 v58, v30;
	v46 =	vmin.f32 v59, v31;
	v47 =	vmin.f32 v60, v32  }
0x20f: {  	v44 =	vsub.f32 v46, v44;
	v45 =	vsub.f32 v47, v45;
	_ =	sdelay $0x1  }
0x210: {  	v44 =	vmax.f32 v44, $0.0e+00;
	v45 =	vmax.f32 v45, $0.0e+00  }
0x211: {  	v61 =	vadd.f32 v48, v29;
	v44 =	vmul.f32 v45, v44;
	_ =	sdelay $0x1  }
0x212: {  	v45 =	vsub.f32 v61, v44;
	_ =	sdelay $0x1  }
0x213: {  	(erf) = vrcp.f32 v45;
	_ =	sdelay $0x8  }
0x214: {  	v45 =	vpop (erf)  }
0x215: {  	v44 =	vmul.f32 v45, v44;
	_ =	sdelay $0x1  }
0x216: {  	vm9 =	vgt.f32 v44, v25  }
0x217: {  	vm1 =	vmand vm0, vm9  }
0x218: {  	v62 =	vsel vm1, $0x3F800000, v22  }
0x219: {  	[tilespmem:s7+$0x0] =	vst.add.f32.msk $0xffff, v62  }
0x21a: {  	v45 =	vld [tilespmem:$0xB0]  }
0x21b: {  	v63 =	vld [tilespmem:$0x1F0]  }
0x21c: {  	v52 =	vld [tilespmem:$0x330]  }
0x21d: {  	v53 =	vld [tilespmem:$0x470];
	_ =	sdelay $0x3  }
0x21e: {  	v49 =	vld [tilespmem:$0x5B0];
	v45 =	vmax.f32 v45, v33  }
0x21f: {  	v46 =	vmax.f32 v63, v30;
	v47 =	vmin.f32 v52, v31;
	v48 =	vmin.f32 v53, v32  }
0x220: {  	v45 =	vsub.f32 v47, v45;
	v46 =	vsub.f32 v48, v46;
	_ =	sdelay $0x1  }
0x221: {  	v45 =	vmax.f32 v45, $0.0e+00;
	v46 =	vmax.f32 v46, $0.0e+00  }
0x222: {  	v54 =	vadd.f32 v49, v29;
	v45 =	vmul.f32 v46, v45;
	_ =	sdelay $0x1  }
0x223: {  	v46 =	vsub.f32 v54, v45;
	_ =	sdelay $0x1  }
0x224: {  	(erf) = vrcp.f32 v46;
	_ =	sdelay $0x8  }
0x225: {  	v46 =	vpop (erf)  }
0x226: {  	v45 =	vmul.f32 v46, v45;
	_ =	sdelay $0x1  }
0x227: {  	vm10 =	vgt.f32 v45, v25  }
0x228: {  	vm1 =	vmand vm0, vm10  }
0x229: {  	v55 =	vsel vm1, $0x3F800000, v22  }
0x22a: {  	[tilespmem:s8+$0x0] =	vst.add.f32.msk $0xffff, v55  }
0x22b: {  	v46 =	vld [tilespmem:$0xC0]  }
0x22c: {  	v56 =	vld [tilespmem:$0x200]  }
0x22d: {  	v57 =	vld [tilespmem:$0x340]  }
0x22e: {  	v58 =	vld [tilespmem:$0x480];
	_ =	sdelay $0x3  }
0x22f: {  	v50 =	vld [tilespmem:$0x5C0];
	v46 =	vmax.f32 v46, v33  }
0x230: {  	v47 =	vmax.f32 v56, v30;
	v48 =	vmin.f32 v57, v31;
	v49 =	vmin.f32 v58, v32  }
0x231: {  	v46 =	vsub.f32 v48, v46;
	v47 =	vsub.f32 v49, v47;
	_ =	sdelay $0x1  }
0x232: {  	v46 =	vmax.f32 v46, $0.0e+00;
	v47 =	vmax.f32 v47, $0.0e+00  }
0x233: {  	v59 =	vadd.f32 v50, v29;
	v46 =	vmul.f32 v47, v46;
	_ =	sdelay $0x1  }
0x234: {  	v47 =	vsub.f32 v59, v46;
	_ =	sdelay $0x1  }
0x235: {  	(erf) = vrcp.f32 v47;
	_ =	sdelay $0x8  }
0x236: {  	v47 =	vpop (erf)  }
0x237: {  	v46 =	vmul.f32 v47, v46;
	_ =	sdelay $0x1  }
0x238: {  	vm11 =	vgt.f32 v46, v25  }
0x239: {  	vm1 =	vmand vm0, vm11  }
0x23a: {  	v60 =	vsel vm1, $0x3F800000, v22  }
0x23b: {  	[tilespmem:s9+$0x0] =	vst.add.f32.msk $0xffff, v60  }
0x23c: {  	v47 =	vld [tilespmem:$0xD0]  }
0x23d: {  	v61 =	vld [tilespmem:$0x210]  }
0x23e: {  	v62 =	vld [tilespmem:$0x350]  }
0x23f: {  	v63 =	vld [tilespmem:$0x490];
	_ =	sdelay $0x3  }
0x240: {  	v51 =	vld [tilespmem:$0x5D0];
	v47 =	vmax.f32 v47, v33  }
0x241: {  	v48 =	vmax.f32 v61, v30;
	v49 =	vmin.f32 v62, v31;
	v50 =	vmin.f32 v63, v32  }
0x242: {  	v47 =	vsub.f32 v49, v47;
	v48 =	vsub.f32 v50, v48;
	_ =	sdelay $0x1  }
0x243: {  	v47 =	vmax.f32 v47, $0.0e+00;
	v48 =	vmax.f32 v48, $0.0e+00  }
0x244: {  	v54 =	vadd.f32 v51, v29;
	v47 =	vmul.f32 v48, v47;
	_ =	sdelay $0x1  }
0x245: {  	v48 =	vsub.f32 v54, v47;
	_ =	sdelay $0x1  }
0x246: {  	(erf) = vrcp.f32 v48;
	_ =	sdelay $0x8  }
0x247: {  	v48 =	vpop (erf)  }
0x248: {  	v47 =	vmul.f32 v48, v47;
	_ =	sdelay $0x1  }
0x249: {  	vm12 =	vgt.f32 v47, v25  }
0x24a: {  	vm1 =	vmand vm0, vm12  }
0x24b: {  	v55 =	vsel vm1, $0x3F800000, v22  }
0x24c: {  	[tilespmem:s10+$0x0] =	vst.add.f32.msk $0xffff, v55  }
0x24d: {  	v48 =	vld [tilespmem:$0xE0]  }
0x24e: {  	v56 =	vld [tilespmem:$0x220]  }
0x24f: {  	v57 =	vld [tilespmem:$0x360]  }
0x250: {  	v58 =	vld [tilespmem:$0x4A0];
	_ =	sdelay $0x3  }
0x251: {  	v52 =	vld [tilespmem:$0x5E0];
	v48 =	vmax.f32 v48, v33  }
0x252: {  	v49 =	vmax.f32 v56, v30;
	v50 =	vmin.f32 v57, v31;
	v51 =	vmin.f32 v58, v32  }
0x253: {  	v48 =	vsub.f32 v50, v48;
	v49 =	vsub.f32 v51, v49;
	_ =	sdelay $0x1  }
0x254: {  	v48 =	vmax.f32 v48, $0.0e+00;
	v49 =	vmax.f32 v49, $0.0e+00  }
0x255: {  	v59 =	vadd.f32 v52, v29;
	v48 =	vmul.f32 v49, v48;
	_ =	sdelay $0x1  }
0x256: {  	v49 =	vsub.f32 v59, v48;
	_ =	sdelay $0x1  }
0x257: {  	(erf) = vrcp.f32 v49;
	_ =	sdelay $0x8  }
0x258: {  	v49 =	vpop (erf)  }
0x259: {  	v48 =	vmul.f32 v49, v48;
	_ =	sdelay $0x1  }
0x25a: {  	vm13 =	vgt.f32 v48, v25  }
0x25b: {  	vm1 =	vmand vm0, vm13  }
0x25c: {  	v60 =	vsel vm1, $0x3F800000, v22  }
0x25d: {  	[tilespmem:s16+$0x0] =	vst.add.f32.msk $0xffff, v60  }
0x25e: {  	v49 =	vld [tilespmem:$0xF0]  }
0x25f: {  	v61 =	vld [tilespmem:$0x230]  }
0x260: {  	v62 =	vld [tilespmem:$0x370]  }
0x261: {  	v63 =	vld [tilespmem:$0x4B0];
	_ =	sdelay $0x3  }
0x262: {  	v53 =	vld [tilespmem:$0x5F0];
	v49 =	vmax.f32 v49, v33  }
0x263: {  	v50 =	vmax.f32 v61, v30;
	v51 =	vmin.f32 v62, v31;
	v52 =	vmin.f32 v63, v32  }
0x264: {  	v49 =	vsub.f32 v51, v49;
	v50 =	vsub.f32 v52, v50;
	_ =	sdelay $0x1  }
0x265: {  	v49 =	vmax.f32 v49, $0.0e+00;
	v50 =	vmax.f32 v50, $0.0e+00  }
0x266: {  	v56 =	vadd.f32 v53, v29;
	v49 =	vmul.f32 v50, v49;
	_ =	sdelay $0x1  }
0x267: {  	v50 =	vsub.f32 v56, v49;
	_ =	sdelay $0x1  }
0x268: {  	(erf) = vrcp.f32 v50;
	_ =	sdelay $0x8  }
0x269: {  	v50 =	vpop (erf)  }
0x26a: {  	v49 =	vmul.f32 v50, v49;
	_ =	sdelay $0x1  }
0x26b: {  	vm14 =	vgt.f32 v49, v25  }
0x26c: {  	vm1 =	vmand vm0, vm14  }
0x26d: {  	v57 =	vsel vm1, $0x3F800000, v22  }
0x26e: {  	[tilespmem:s17+$0x0] =	vst.add.f32.msk $0xffff, v57  }
0x26f: {  	v50 =	vld [tilespmem:$0x100]  }
0x270: {  	v58 =	vld [tilespmem:$0x240]  }
0x271: {  	v59 =	vld [tilespmem:$0x380]  }
0x272: {  	v60 =	vld [tilespmem:$0x4C0];
	_ =	sdelay $0x3  }
0x273: {  	v54 =	vld [tilespmem:$0x600];
	v50 =	vmax.f32 v50, v33  }
0x274: {  	v51 =	vmax.f32 v58, v30;
	v52 =	vmin.f32 v59, v31;
	v53 =	vmin.f32 v60, v32  }
0x275: {  	v50 =	vsub.f32 v52, v50;
	v51 =	vsub.f32 v53, v51;
	_ =	sdelay $0x1  }
0x276: {  	v50 =	vmax.f32 v50, $0.0e+00;
	v51 =	vmax.f32 v51, $0.0e+00  }
0x277: {  	v61 =	vadd.f32 v54, v29;
	v50 =	vmul.f32 v51, v50;
	_ =	sdelay $0x1  }
0x278: {  	v51 =	vsub.f32 v61, v50;
	_ =	sdelay $0x1  }
0x279: {  	(erf) = vrcp.f32 v51;
	_ =	sdelay $0x8  }
0x27a: {  	v51 =	vpop (erf)  }
0x27b: {  	v50 =	vmul.f32 v51, v50;
	_ =	sdelay $0x1  }
0x27c: {  	vm15 =	vgt.f32 v50, v25  }
0x27d: {  	vm1 =	vmand vm0, vm15  }
0x27e: {  	v62 =	vsel vm1, $0x3F800000, v22  }
0x27f: {  	[tilespmem:s18+$0x0] =	vst.add.f32.msk $0xffff, v62  }
0x280: {  	v51 =	vld [tilespmem:$0x110]  }
0x281: {  	v63 =	vld [tilespmem:$0x250]  }
0x282: {  	v57 =	vld [tilespmem:$0x390]  }
0x283: {  	v58 =	vld [tilespmem:$0x4D0];
	_ =	sdelay $0x3  }
0x284: {  	v55 =	vld [tilespmem:$0x610];
	v51 =	vmax.f32 v51, v33  }
0x285: {  	v52 =	vmax.f32 v63, v30;
	v53 =	vmin.f32 v57, v31;
	v54 =	vmin.f32 v58, v32  }
0x286: {  	v51 =	vsub.f32 v53, v51;
	v52 =	vsub.f32 v54, v52;
	_ =	sdelay $0x1  }
0x287: {  	v51 =	vmax.f32 v51, $0.0e+00;
	v52 =	vmax.f32 v52, $0.0e+00  }
0x288: {  	v59 =	vadd.f32 v55, v29;
	v51 =	vmul.f32 v52, v51;
	_ =	sdelay $0x1  }
0x289: {  	v52 =	vsub.f32 v59, v51;
	_ =	sdelay $0x1  }
0x28a: {  	(erf) = vrcp.f32 v52;
	_ =	sdelay $0x8  }
0x28b: {  	v52 =	vpop (erf)  }
0x28c: {  	v51 =	vmul.f32 v52, v51;
	_ =	sdelay $0x1  }
0x28d: {  	vm4 =	vgt.f32 v51, v25  }
0x28e: {  	vm1 =	vmand vm0, vm4  }
0x28f: {  	v60 =	vsel vm1, $0x3F800000, v22  }
0x290: {  	[tilespmem:s15+$0x0] =	vst.add.f32.msk $0xffff, v60  }
0x291: {  	v52 =	vld [tilespmem:$0x120]  }
0x292: {  	v61 =	vld [tilespmem:$0x260]  }
0x293: {  	v62 =	vld [tilespmem:$0x3A0]  }
0x294: {  	v63 =	vld [tilespmem:$0x4E0];
	_ =	sdelay $0x3  }
0x295: {  	v56 =	vld [tilespmem:$0x620];
	v52 =	vmax.f32 v52, v33  }
0x296: {  	v53 =	vmax.f32 v61, v30;
	v54 =	vmin.f32 v62, v31;
	v55 =	vmin.f32 v63, v32  }
0x297: {  	v52 =	vsub.f32 v54, v52;
	v53 =	vsub.f32 v55, v53;
	_ =	sdelay $0x1  }
0x298: {  	v52 =	vmax.f32 v52, $0.0e+00;
	v53 =	vmax.f32 v53, $0.0e+00  }
0x299: {  	v59 =	vadd.f32 v56, v29;
	v52 =	vmul.f32 v53, v52;
	_ =	sdelay $0x1  }
0x29a: {  	v53 =	vsub.f32 v59, v52;
	_ =	sdelay $0x1  }
0x29b: {  	(erf) = vrcp.f32 v53;
	_ =	sdelay $0x8  }
0x29c: {  	v53 =	vpop (erf)  }
0x29d: {  	v52 =	vmul.f32 v53, v52;
	_ =	sdelay $0x1  }
0x29e: {  	vm5 =	vgt.f32 v52, v25  }
0x29f: {  	vm1 =	vmand vm0, vm5  }
0x2a0: {  	v60 =	vsel vm1, $0x3F800000, v22  }
0x2a1: {  	[tilespmem:s4+$0x0] =	vst.add.f32.msk $0xffff, v60  }
0x2a2: {  	v53 =	vld [tilespmem:$0x130]  }
0x2a3: {  	v61 =	vld [tilespmem:$0x270]  }
0x2a4: {  	v62 =	vld [tilespmem:$0x3B0]  }
0x2a5: {  	v63 =	vld [tilespmem:$0x4F0];
	_ =	sdelay $0x3  }
0x2a6: {  	v59 =	vld [tilespmem:$0x630];
	v33 =	vmax.f32 v53, v33  }
0x2a7: {  	v30 =	vmax.f32 v61, v30;
	v31 =	vmin.f32 v62, v31;
	v32 =	vmin.f32 v63, v32  }
0x2a8: {  	v54 =	vmax.f32 v34, $-1.000000020e+30;
	v31 =	vsub.f32 v31, v33;
	v30 =	vsub.f32 v32, v30  }
0x2a9: {  	v60 =	vmax.f32 v54, v35  }
0x2aa: {  	v61 =	vmax.f32 v60, v36;
	v31 =	vmax.f32 v31, $0.0e+00;
	v30 =	vmax.f32 v30, $0.0e+00  }
0x2ab: {  	v29 =	vadd.f32 v59, v29;
	v62 =	vmax.f32 v61, v37;
	v30 =	vmul.f32 v30, v31  }
0x2ac: {  	v63 =	vmax.f32 v62, v38  }
0x2ad: {  	v53 =	vmax.f32 v63, v39;
	v29 =	vsub.f32 v29, v30  }
0x2ae: {  	v56 =	vmax.f32 v53, v40  }
0x2af: {  	v57 =	vmax.f32 v56, v41;
	(erf) = vrcp.f32 v29  }
0x2b0: {  	vm6 =	vgt.f32 v34, $-1.000000020e+30;
	v29 =	vmax.f32 v57, v42  }
0x2b1: {  	v34 =	vnsel vm6, $0x0, v1;
	vm7 =	vgt.f32 v35, v54;
	v59 =	vmax.f32 v29, v43  }
0x2b2: {  	v34 =	vsel vm7, v2, v34;
	vm8 =	vgt.f32 v36, v60;
	v60 =	vmax.f32 v59, v44  }
0x2b3: {  	v34 =	vsel vm8, v3, v34;
	vm9 =	vgt.f32 v37, v61;
	v61 =	vmax.f32 v60, v45  }
0x2b4: {  	v34 =	vsel vm9, v4, v34;
	vm10 =	vgt.f32 v38, v62;
	v62 =	vmax.f32 v61, v46  }
0x2b5: {  	v34 =	vsel vm10, v5, v34;
	vm11 =	vgt.f32 v39, v63;
	v63 =	vmax.f32 v62, v47  }
0x2b6: {  	v34 =	vsel vm11, v6, v34;
	vm12 =	vgt.f32 v40, v53;
	v53 =	vmax.f32 v63, v48  }
0x2b7: {  	v34 =	vsel vm12, v7, v34;
	vm13 =	vgt.f32 v41, v56;
	v54 =	vmax.f32 v53, v49  }
0x2b8: {  	v34 =	vsel vm13, v8, v34;
	v55 =	vmax.f32 v54, v50;
	v56 =	vpop (erf)  }
0x2b9: {  	vm14 =	vgt.f32 v42, v57;
	v58 =	vmax.f32 v55, v51;
	v30 =	vmul.f32 v56, v30  }
0x2ba: {  	v34 =	vsel vm14, v9, v34;
	vm15 =	vgt.f32 v43, v29;
	v29 =	vmax.f32 v58, v52  }
0x2bb: {  	v34 =	vsel vm15, v10, v34;
	vm4 =	vgt.f32 v44, v59;
	v59 =	vmax.f32 v29, v30  }
0x2bc: {  	v34 =	vsel vm4, v11, v34;
	vm5 =	vgt.f32 v45, v60;
	(xrf0) =	vmax.scan.msk.f32 $0xffff, v59  }
0x2bd: {  	v32 =	vsel vm5, v12, v34;
	vm6 =	vgt.f32 v46, v61  }
0x2be: {  	v32 =	vsel vm6, v13, v32;
	vm7 =	vgt.f32 v47, v62  }
0x2bf: {  	v32 =	vsel vm7, v14, v32;
	vm8 =	vgt.f32 v48, v63  }
0x2c0: {  	v31 =	vsel vm8, v15, v32;
	vm9 =	vgt.f32 v49, v53  }
0x2c1: {  	v31 =	vsel vm9, v16, v31;
	vm10 =	vgt.f32 v50, v54  }
0x2c2: {  	v31 =	vsel vm10, v17, v31;
	vm11 =	vgt.f32 v51, v55;
	v60, _, _ =	vpop (xrf0)  }
0x2c3: {  	v31 =	vsel vm11, v18, v31;
	vm12 =	vgt.f32 v52, v58;
	v32 =	vbroadcast v60, $0xF  }
0x2c4: {  	v31 =	vsel vm12, v19, v31;
	vm13 =	vgt.f32 v30, v29  }
0x2c5: {  	v29 =	vsel vm13, v20, v31;
	vm14 =	veq.f32 v59, v32  }
0x2c6: {  	v29 =	vnsel vm14, $0x4F6E6B28, v29  }
0x2c7: {  	(xrf0) =	vmin.scan.msk.f32 $0xffff, v29;
	_ =	sdelay $0x3  }
0x2c8: {  	p1 =	sne.s32 s11, $0x31;
	vm15 =	vgt.f32 v30, v25;
	v29 =	vor.u32 $0x40, v28  }
.Ltmp0:
0x2c9: {  	vm0 =	vmand vm0, vm15;
	(pc) =	sbr.rel @p1 .LBB2_3-.Ltmp0, $4  }
0x2ca: {  	v61 =	vsel vm0, $0x3F800000, v22;
	v62, _, _ =	vpop (xrf0)  }
0x2cb: {  	[tilespmem:s28+$0x0] =	vst.add.f32.msk $0xffff, v61;
	v63 =	vbroadcast v62, $0xF  }
0x2cc: {  	[tilespmem:v28+s24+$0x0] =	vst.idx.msk $0x1, v32  }
0x2cd: {  	s11 =	sadd.s32 $0x1, s11;
	[tilespmem:v29+s24+$0x0] =	vst.idx.msk $0x1, v63  }
0x2ce: {  	s11 =	rddreg [dreg:$0x10]  }
0x2cf: {  	[spmem:s11] =	stream.linear.scatter [tilespmem:s24], [sflag:$0x1], $0x80, $0x38;
	[tilespmem:$0x1A20] =	vst v63  }
0x2d0: {  	_ =	swait.ge [sflag:s19], $0x80  }
0x2d1: {  	[sflag:s19] =	ssyncset.done $0x0  }
0x2d2: {  	[sflag:s19] =	ssyncadd.s32 $0xFFFFFF80  }
0x2d3: {  	[bflag:$0x0] =	sbarrier.arrive $0xFFFF  }
0x2d4: {  	s12 =	simm.s32 $0xF00;
	s14 =	rddreg [dreg:$0xe]  }
0x2d5: {  	[tilespmem:s12], [sflag:$0x1] =	stream.linear.gather [spmem:s14], $0x800, $0x38;
	[tilespmem:$0x1A20] =	vst v63  }
0x2d6: {  	_ =	swait.ge [sflag:s19], $0x800  }
0x2d7: {  	[sflag:s19] =	ssyncset.done $0x0  }
0x2d8: {  	[sflag:s19] =	ssyncadd.s32 $0xFFFFF800  }
0x2d9: {  	[bflag:$0x0] =	sbarrier.arrive $0xFFFF  }
0x2da: {  	v28 =	vld [tilespmem:$0xF00]  }
0x2db: {  	v29 =	vld [tilespmem:$0xF40]  }
0x2dc: {  	v30 =	vld [tilespmem:$0xF80]  }
0x2dd: {  	v31 =	vld [tilespmem:$0xFC0]  }
0x2de: {  	v32 =	vld [tilespmem:$0x1000]  }
0x2df: {  	v33 =	vld [tilespmem:$0x1040]  }
0x2e0: {  	v34 =	vld [tilespmem:$0x1080]  }
0x2e1: {  	v35 =	vld [tilespmem:$0x10C0]  }
0x2e2: {  	v36 =	vld [tilespmem:$0x1100]  }
0x2e3: {  	v37 =	vld [tilespmem:$0x1140]  }
0x2e4: {  	v38 =	vld [tilespmem:$0x1180]  }
0x2e5: {  	v39 =	vld [tilespmem:$0x11C0]  }
0x2e6: {  	v40 =	vld [tilespmem:$0x1200]  }
0x2e7: {  	v41 =	vld [tilespmem:$0x1240]  }
0x2e8: {  	v42 =	vld [tilespmem:$0x1280]  }
0x2e9: {  	v43 =	vld [tilespmem:$0x12C0]  }
0x2ea: {  	v44 =	vld [tilespmem:$0x1300]  }
0x2eb: {  	v45 =	vld [tilespmem:$0x1340]  }
0x2ec: {  	v46 =	vld [tilespmem:$0x1380]  }
0x2ed: {  	v47 =	vld [tilespmem:$0x13C0]  }
0x2ee: {  	v48 =	vld [tilespmem:$0x1400];
	vm0 =	vgt.f32 v28, $-1.000000020e+30;
	v28 =	vmax.f32 v28, $-1.000000020e+30  }
0x2ef: {  	v62 =	vld [tilespmem:$0x1440];
	v29 =	vnsel vm0, $0x0, v29;
	vm9 =	vgt.f32 v30, v28;
	v28 =	vmax.f32 v28, v30  }
0x2f0: {  	v63 =	vld [tilespmem:$0x1480];
	v29 =	vsel vm9, v31, v29;
	vm10 =	vgt.f32 v32, v28;
	v28 =	vmax.f32 v28, v32  }
0x2f1: {  	v49 =	vld [tilespmem:$0x14C0];
	v29 =	vsel vm10, v33, v29;
	vm11 =	vgt.f32 v34, v28;
	v28 =	vmax.f32 v28, v34  }
0x2f2: {  	v50 =	vld [tilespmem:$0x1500];
	v29 =	vsel vm11, v35, v29;
	vm12 =	vgt.f32 v36, v28;
	v28 =	vmax.f32 v28, v36  }
0x2f3: {  	v51 =	vld [tilespmem:$0x1540];
	v29 =	vsel vm12, v37, v29;
	vm13 =	vgt.f32 v38, v28;
	v28 =	vmax.f32 v28, v38  }
0x2f4: {  	v52 =	vld [tilespmem:$0x1580];
	v29 =	vsel vm13, v39, v29;
	vm14 =	vgt.f32 v40, v28;
	v28 =	vmax.f32 v28, v40  }
0x2f5: {  	v53 =	vld [tilespmem:$0x15C0];
	v29 =	vsel vm14, v41, v29;
	vm15 =	vgt.f32 v42, v28;
	v28 =	vmax.f32 v28, v42  }
0x2f6: {  	v54 =	vld [tilespmem:$0x1600];
	v29 =	vsel vm15, v43, v29;
	vm4 =	vgt.f32 v44, v28;
	v28 =	vmax.f32 v28, v44  }
0x2f7: {  	v55 =	vld [tilespmem:$0x1640];
	v29 =	vsel vm4, v45, v29;
	vm5 =	vgt.f32 v46, v28;
	v28 =	vmax.f32 v28, v46  }
0x2f8: {  	v56 =	vld [tilespmem:$0x1680];
	v29 =	vsel vm5, v47, v29;
	vm6 =	vgt.f32 v48, v28;
	v28 =	vmax.f32 v28, v48  }
0x2f9: {  	v57 =	vld [tilespmem:$0x16C0];
	v29 =	vsel vm6, v62, v29;
	vm7 =	vgt.f32 v63, v28;
	v28 =	vmax.f32 v28, v63  }
0x2fa: {  	v29 =	vsel vm7, v49, v29;
	vm8 =	vgt.f32 v50, v28;
	v28 =	vmax.f32 v28, v50  }
0x2fb: {  	v29 =	vsel vm8, v51, v29;
	vm9 =	vgt.f32 v52, v28;
	v28 =	vmax.f32 v28, v52  }
0x2fc: {  	v29 =	vsel vm9, v53, v29;
	vm10 =	vgt.f32 v54, v28;
	v28 =	vmax.f32 v28, v54  }
0x2fd: {  	v29 =	vsel vm10, v55, v29;
	vm11 =	vgt.f32 v56, v28  }
0x2fe: {  	v28 =	vmax.f32 v28, v56;
	v29 =	vsel vm11, v57, v29  }
0x2ff: {  	vm12 =	vgt.s32 v27, v23;
	vm1 =	vle.f32 v28, v25;
	v58 =	vsub.f32 v29, v0  }
0x300: {  	vm0 =	vmand vm12, vm1;
	vm13 =	vge.f32 v29, v0  }
0x301: {  	vm14 =	vlt.f32 v29, v21;
	vm0 =	vmand vm0, vm13;
	v28 =	vtrunc.f32 v58  }
0x302: {  	vm1 =	vmand vm14, vm0;
	v28 =	vcvt.f32.s32 v28;
	_ =	sdelay $0x5  }
0x303: {  	[tilespmem:v28+s0+$0x0] =	vst.idx.msk vm1, v24  }
0x304: {  	v29 =	vld [tilespmem:$0xF10]  }
0x305: {  	v30 =	vld [tilespmem:$0xF50]  }
0x306: {  	v59 =	vld [tilespmem:$0xF90]  }
0x307: {  	v32 =	vld [tilespmem:$0xFD0]  }
0x308: {  	v60 =	vld [tilespmem:$0x1010]  }
0x309: {  	v34 =	vld [tilespmem:$0x1050]  }
0x30a: {  	v61 =	vld [tilespmem:$0x1090]  }
0x30b: {  	v36 =	vld [tilespmem:$0x10D0]  }
0x30c: {  	v62 =	vld [tilespmem:$0x1110]  }
0x30d: {  	v38 =	vld [tilespmem:$0x1150]  }
0x30e: {  	v63 =	vld [tilespmem:$0x1190]  }
0x30f: {  	v40 =	vld [tilespmem:$0x11D0]  }
0x310: {  	v41 =	vld [tilespmem:$0x1210]  }
0x311: {  	v52 =	vld [tilespmem:$0x1250]  }
0x312: {  	v53 =	vld [tilespmem:$0x1290]  }
0x313: {  	v54 =	vld [tilespmem:$0x12D0]  }
0x314: {  	v55 =	vld [tilespmem:$0x1310]  }
0x315: {  	v56 =	vld [tilespmem:$0x1350]  }
0x316: {  	v57 =	vld [tilespmem:$0x1390]  }
0x317: {  	v58 =	vld [tilespmem:$0x13D0]  }
0x318: {  	v49 =	vld [tilespmem:$0x1410];
	vm15 =	vgt.f32 v29, $-1.000000020e+30;
	v29 =	vmax.f32 v29, $-1.000000020e+30  }
0x319: {  	v50 =	vld [tilespmem:$0x1590];
	v30 =	vnsel vm15, $0x0, v30;
	vm4 =	vgt.f32 v59, v29;
	v29 =	vmax.f32 v29, v59  }
0x31a: {  	v51 =	vld [tilespmem:$0x15D0];
	v30 =	vsel vm4, v32, v30;
	vm5 =	vgt.f32 v60, v29;
	v29 =	vmax.f32 v29, v60  }
0x31b: {  	v59 =	vld [tilespmem:$0x1450];
	v30 =	vsel vm5, v34, v30;
	vm6 =	vgt.f32 v61, v29;
	v29 =	vmax.f32 v29, v61  }
0x31c: {  	v60 =	vld [tilespmem:$0x1490];
	v30 =	vsel vm6, v36, v30;
	vm7 =	vgt.f32 v62, v29;
	v29 =	vmax.f32 v29, v62  }
0x31d: {  	v61 =	vld [tilespmem:$0x14D0];
	v30 =	vsel vm7, v38, v30;
	vm8 =	vgt.f32 v63, v29;
	v29 =	vmax.f32 v29, v63  }
0x31e: {  	v62 =	vld [tilespmem:$0x1510];
	v30 =	vsel vm8, v40, v30;
	vm9 =	vgt.f32 v41, v29;
	v29 =	vmax.f32 v29, v41  }
0x31f: {  	v63 =	vld [tilespmem:$0x1550];
	v30 =	vsel vm9, v52, v30;
	vm10 =	vgt.f32 v53, v29;
	v29 =	vmax.f32 v29, v53  }
0x320: {  	v52 =	vld [tilespmem:$0x1610];
	v30 =	vsel vm10, v54, v30;
	vm11 =	vgt.f32 v55, v29;
	v29 =	vmax.f32 v29, v55  }
0x321: {  	v53 =	vld [tilespmem:$0x1650];
	v30 =	vsel vm11, v56, v30;
	vm12 =	vgt.f32 v57, v29;
	v29 =	vmax.f32 v29, v57  }
0x322: {  	v54 =	vld [tilespmem:$0x1690];
	v30 =	vsel vm12, v58, v30;
	vm13 =	vgt.f32 v49, v29;
	v29 =	vmax.f32 v29, v49  }
0x323: {  	v55 =	vld [tilespmem:$0x16D0];
	v30 =	vsel vm13, v59, v30;
	vm14 =	vgt.f32 v60, v29;
	v29 =	vmax.f32 v29, v60  }
0x324: {  	v30 =	vsel vm14, v61, v30;
	vm15 =	vgt.f32 v62, v29;
	v29 =	vmax.f32 v29, v62  }
0x325: {  	v30 =	vsel vm15, v63, v30;
	vm4 =	vgt.f32 v50, v29;
	v29 =	vmax.f32 v29, v50  }
0x326: {  	v30 =	vsel vm4, v51, v30;
	vm5 =	vgt.f32 v52, v29;
	v29 =	vmax.f32 v29, v52  }
0x327: {  	v30 =	vsel vm5, v53, v30;
	vm6 =	vgt.f32 v54, v29  }
0x328: {  	v56 =	vor.u32 $0x10, v23;
	v29 =	vmax.f32 v29, v54;
	v30 =	vsel vm6, v55, v30  }
0x329: {  	vm7 =	vgt.s32 v27, v56;
	vm2 =	vle.f32 v29, v25;
	v57 =	vsub.f32 v30, v0  }
0x32a: {  	vm0 =	vmand vm7, vm2;
	vm8 =	vge.f32 v30, v0  }
0x32b: {  	vm9 =	vlt.f32 v30, v21;
	vm0 =	vmand vm0, vm8;
	v29 =	vtrunc.f32 v57  }
0x32c: {  	vm0 =	vmand vm9, vm0;
	v29 =	vcvt.f32.s32 v29  }
0x32d: {  	v28 =	vadd.s32 $0x140, v28;
	_ =	sdelay $0x4  }
0x32e: {  	v28 =	vld.idx.msk [tilespmem:v28+s26+$0x0], vm1;
	[tilespmem:v29+s0+$0x0] =	vst.idx.msk vm0, v24  }
0x32f: {  	v30 =	vld [tilespmem:$0xF20]  }
0x330: {  	v31 =	vld [tilespmem:$0xF60]  }
0x331: {  	v58 =	vld [tilespmem:$0xFA0]  }
0x332: {  	v33 =	vld [tilespmem:$0xFE0]  }
0x333: {  	v59 =	vld [tilespmem:$0x1020]  }
0x334: {  	v35 =	vld [tilespmem:$0x1060]  }
0x335: {  	v60 =	vld [tilespmem:$0x10A0]  }
0x336: {  	v37 =	vld [tilespmem:$0x10E0]  }
0x337: {  	v61 =	vld [tilespmem:$0x1120]  }
0x338: {  	v39 =	vld [tilespmem:$0x1160]  }
0x339: {  	v62 =	vld [tilespmem:$0x11A0]  }
0x33a: {  	v41 =	vld [tilespmem:$0x11E0]  }
0x33b: {  	v63 =	vld [tilespmem:$0x1220]  }
0x33c: {  	v43 =	vld [tilespmem:$0x1260]  }
0x33d: {  	v52 =	vld [tilespmem:$0x12A0]  }
0x33e: {  	v53 =	vld [tilespmem:$0x12E0]  }
0x33f: {  	v54 =	vld [tilespmem:$0x1320]  }
0x340: {  	v55 =	vld [tilespmem:$0x1360]  }
0x341: {  	v56 =	vld [tilespmem:$0x13A0]  }
0x342: {  	v57 =	vld [tilespmem:$0x13E0]  }
0x343: {  	v50 =	vld [tilespmem:$0x1420];
	vm10 =	vgt.f32 v30, $-1.000000020e+30;
	v30 =	vmax.f32 v30, $-1.000000020e+30  }
0x344: {  	v51 =	vld [tilespmem:$0x15E0];
	v31 =	vnsel vm10, $0x0, v31;
	vm11 =	vgt.f32 v58, v30;
	v30 =	vmax.f32 v30, v58  }
0x345: {  	v58 =	vld [tilespmem:$0x1460];
	v31 =	vsel vm11, v33, v31;
	vm12 =	vgt.f32 v59, v30;
	v30 =	vmax.f32 v30, v59  }
0x346: {  	v59 =	vld [tilespmem:$0x14A0];
	v31 =	vsel vm12, v35, v31;
	vm13 =	vgt.f32 v60, v30;
	v30 =	vmax.f32 v30, v60  }
0x347: {  	v60 =	vld [tilespmem:$0x14E0];
	v31 =	vsel vm13, v37, v31;
	vm14 =	vgt.f32 v61, v30;
	v30 =	vmax.f32 v30, v61  }
0x348: {  	v61 =	vld [tilespmem:$0x1520];
	v31 =	vsel vm14, v39, v31;
	vm15 =	vgt.f32 v62, v30;
	v30 =	vmax.f32 v30, v62  }
0x349: {  	v62 =	vld [tilespmem:$0x1560];
	v31 =	vsel vm15, v41, v31;
	vm4 =	vgt.f32 v63, v30;
	v30 =	vmax.f32 v30, v63  }
0x34a: {  	v63 =	vld [tilespmem:$0x15A0];
	v31 =	vsel vm4, v43, v31;
	vm5 =	vgt.f32 v52, v30;
	v30 =	vmax.f32 v30, v52  }
0x34b: {  	v52 =	vld [tilespmem:$0x1620];
	v31 =	vsel vm5, v53, v31;
	vm6 =	vgt.f32 v54, v30;
	v30 =	vmax.f32 v30, v54  }
0x34c: {  	v53 =	vld [tilespmem:$0x1660];
	v31 =	vsel vm6, v55, v31;
	vm7 =	vgt.f32 v56, v30;
	v30 =	vmax.f32 v30, v56  }
0x34d: {  	v54 =	vld [tilespmem:$0x16A0];
	v31 =	vsel vm7, v57, v31;
	vm8 =	vgt.f32 v50, v30;
	v30 =	vmax.f32 v30, v50  }
0x34e: {  	v55 =	vld [tilespmem:$0x16E0];
	v31 =	vsel vm8, v58, v31;
	vm9 =	vgt.f32 v59, v30;
	v30 =	vmax.f32 v30, v59  }
0x34f: {  	v31 =	vsel vm9, v60, v31;
	vm10 =	vgt.f32 v61, v30;
	v30 =	vmax.f32 v30, v61  }
0x350: {  	v31 =	vsel vm10, v62, v31;
	vm11 =	vgt.f32 v63, v30;
	v30 =	vmax.f32 v30, v63  }
0x351: {  	v31 =	vsel vm11, v51, v31;
	vm12 =	vgt.f32 v52, v30;
	v30 =	vmax.f32 v30, v52  }
0x352: {  	v31 =	vsel vm12, v53, v31;
	vm13 =	vgt.f32 v54, v30  }
0x353: {  	v56 =	vor.u32 $0x20, v23;
	v30 =	vmax.f32 v30, v54;
	v31 =	vsel vm13, v55, v31  }
0x354: {  	vm14 =	vgt.s32 v27, v56;
	vm3 =	vle.f32 v30, v25;
	v57 =	vsub.f32 v31, v0  }
0x355: {  	vm2 =	vmand vm14, vm3;
	vm15 =	vge.f32 v31, v0  }
0x356: {  	vm6 =	vlt.f32 v31, v21;
	vm2 =	vmand vm2, vm15;
	v30 =	vtrunc.f32 v57  }
0x357: {  	vm2 =	vmand vm6, vm2;
	v30 =	vcvt.f32.s32 v30  }
0x358: {  	v29 =	vadd.s32 $0x140, v29;
	_ =	sdelay $0x4  }
0x359: {  	v29 =	vld.idx.msk [tilespmem:v29+s26+$0x0], vm0;
	[tilespmem:v30+s0+$0x0] =	vst.idx.msk vm2, v24  }
0x35a: {  	v58 =	vand.u32 $0x7FFFFF, v28;
	v32 =	vld [tilespmem:$0xF30]  }
0x35b: {  	v31 =	vor.u32 $0x3F800000, v58;
	v33 =	vld [tilespmem:$0xF70]  }
0x35c: {  	v59 =	vmul.f32 $5.000000000e-01, v31;
	v60 =	vld [tilespmem:$0xFB0]  }
0x35d: {  	vm4 =	vgt.f32 v31, $1.414213540e+00;
	v36 =	vld [tilespmem:$0xFF0]  }
0x35e: {  	v31 =	vsel vm4, v59, v31;
	v34 =	vld [tilespmem:$0x1030]  }
0x35f: {  	v61 =	vadd.f32 $1.000000000e+00, v31;
	v62 =	vld [tilespmem:$0x1070]  }
0x360: {  	v39 =	vld [tilespmem:$0x10B0]  }
0x361: {  	(erf) = vrcp.f32 v61;
	v63 =	vld [tilespmem:$0x10F0]  }
0x362: {  	v40 =	vld [tilespmem:$0x1130]  }
0x363: {  	v41 =	vld [tilespmem:$0x1170]  }
0x364: {  	v52 =	vld [tilespmem:$0x11B0]  }
0x365: {  	v53 =	vld [tilespmem:$0x11F0]  }
0x366: {  	v30 =	vadd.s32 $0x140, v30;
	v54 =	vld [tilespmem:$0x1230]  }
0x367: {  	v55 =	vld [tilespmem:$0x1270]  }
0x368: {  	v56 =	vld [tilespmem:$0x12B0]  }
0x369: {  	v31 =	vadd.f32 $-1.000000000e+00, v31;
	v47 =	vld [tilespmem:$0x12F0]  }
0x36a: {  	v58 =	vld [tilespmem:$0x1330];
	v57 =	vpop (erf);
	vm7 =	vgt.f32 v32, $-1.000000020e+30;
	v32 =	vmax.f32 v32, $-1.000000020e+30  }
0x36b: {  	v37 =	vld.idx.msk [tilespmem:v30+s26+$0x0], vm2;
	v31 =	vmul.f32 v57, v31;
	v33 =	vnsel vm7, $0x0, v33;
	vm8 =	vgt.f32 v60, v32  }
0x36c: {  	v45 =	vshrl.u32 v28, $0x17;
	v59 =	vld [tilespmem:$0x1370];
	v32 =	vmax.f32 v32, v60;
	v33 =	vsel vm8, v36, v33  }
0x36d: {  	v61 =	vld [tilespmem:$0x13F0];
	vm9 =	vgt.f32 v34, v32;
	v32 =	vmax.f32 v32, v34;
	v36 =	vmul.f32 v31, v31  }
0x36e: {  	v51 =	vld [tilespmem:$0x14B0];
	v33 =	vsel vm9, v62, v33;
	vm10 =	vgt.f32 v39, v32;
	v32 =	vmax.f32 v32, v39  }
0x36f: {  	v28 =	vsub.f32 $1.000000000e+00, v28;
	v60 =	vld [tilespmem:$0x13B0];
	v33 =	vsel vm10, v63, v33;
	vm11 =	vgt.f32 v40, v32  }
0x370: {  	v57 =	vld [tilespmem:$0x15F0];
	v32 =	vmax.f32 v32, v40;
	v42 =	vand.u32 $0x7FFFFF, v37;
	v50 =	vmul.f32 $2.222222240e-01, v36  }
0x371: {  	v62 =	vld [tilespmem:$0x1430];
	v33 =	vsel vm11, v41, v33;
	vm12 =	vgt.f32 v52, v32;
	v32 =	vmax.f32 v32, v52  }
0x372: {  	v63 =	vld [tilespmem:$0x1470];
	v33 =	vsel vm12, v53, v33;
	vm13 =	vgt.f32 v54, v32;
	v32 =	vmax.f32 v32, v54  }
0x373: {  	v52 =	vld [tilespmem:$0x14F0];
	v54 =	vand.u32 $0x7FFFFF, v29;
	v39 =	vadd.f32 $2.857142980e-01, v50;
	v33 =	vsel vm13, v55, v33  }
0x374: {  	v53 =	vld [tilespmem:$0x1530];
	v43 =	vor.u32 $0x3F800000, v54;
	vm14 =	vgt.f32 v56, v32;
	v32 =	vmax.f32 v32, v56  }
0x375: {  	v55 =	vld [tilespmem:$0x1570];
	v33 =	vsel vm14, v47, v33;
	vm15 =	vgt.f32 v58, v32;
	v32 =	vmax.f32 v32, v58  }
0x376: {  	v56 =	vld [tilespmem:$0x15B0];
	v33 =	vsel vm15, v59, v33;
	vm7 =	vgt.f32 v60, v32;
	v32 =	vmax.f32 v32, v60  }
0x377: {  	v58 =	vld [tilespmem:$0x1630];
	v59 =	vmul.f32 $5.000000000e-01, v43;
	v33 =	vsel vm7, v61, v33;
	vm8 =	vgt.f32 v62, v32  }
0x378: {  	vm5 =	vgt.f32 v43, $1.414213540e+00;
	v60 =	vld [tilespmem:$0x1670];
	v32 =	vmax.f32 v32, v62;
	v33 =	vsel vm8, v63, v33  }
0x379: {  	v61 =	vld [tilespmem:$0x16B0];
	vm9 =	vgt.f32 v51, v32;
	v32 =	vmax.f32 v32, v51;
	v35 =	vsel vm5, v59, v43  }
0x37a: {  	v62 =	vld [tilespmem:$0x16F0];
	v33 =	vsel vm9, v52, v33;
	vm10 =	vgt.f32 v53, v32;
	v32 =	vmax.f32 v32, v53  }
0x37b: {  	v40 =	vadd.f32 $1.000000000e+00, v35;
	v33 =	vsel vm10, v55, v33;
	vm11 =	vgt.f32 v56, v32  }
0x37c: {  	v41 =	vmul.f32 v39, v36;
	v32 =	vmax.f32 v32, v56;
	v33 =	vsel vm11, v57, v33  }
0x37d: {  	vm12 =	vgt.f32 v58, v32;
	v32 =	vmax.f32 v32, v58;
	(erf) = vrcp.f32 v40  }
0x37e: {  	v63 =	vor.u32 $0x30, v23;
	v33 =	vsel vm12, v60, v33;
	vm13 =	vgt.f32 v61, v32  }
0x37f: {  	vm14 =	vgt.s32 v27, v63;
	v32 =	vmax.f32 v32, v61;
	v33 =	vsel vm13, v62, v33  }
0x380: {  	vm6 =	vle.f32 v32, v25;
	v32 =	vor.u32 $0x3F800000, v42;
	v27 =	vsub.f32 v33, v0  }
0x381: {  	vm3 =	vmand vm14, vm6;
	vm15 =	vge.f32 v33, v0;
	vm9 =	vlt.f32 v33, v21  }
0x382: {  	v44 =	vmul.f32 $5.000000000e-01, v32;
	vm3 =	vmand vm3, vm15;
	v27 =	vtrunc.f32 v27  }
0x383: {  	vm10 =	vgt.f32 v32, $1.414213540e+00;
	vm3 =	vmand vm9, vm3;
	v27 =	vcvt.f32.s32 v27  }
0x384: {  	v28 =	vmul.f32 v28, v28;
	v30 =	vadd.f32 $4.000000950e-01, v41;
	v32 =	vsel vm10, v44, v32  }
0x385: {  	v35 =	vadd.f32 $-1.000000000e+00, v35;
	v34 =	vadd.f32 $1.000000000e+00, v32;
	v43 =	vadd.s32 $0x140, v27  }
0x386: {  	v38 =	vand.u32 $0xFF, v45;
	v30 =	vmul.f32 v30, v36;
	v46 =	vpop (erf)  }
0x387: {  	v28 =	vsub.f32 $0.0e+00, v28;
	(erf) = vrcp.f32 v34;
	v35 =	vmul.f32 v46, v35  }
0x388: {  	v47 =	vsel vm4, $0x3F800000, v22;
	v63 =	vsel vm5, $0x3F800000, v22;
	v30 =	vadd.f32 $6.666666270e-01, v30  }
0x389: {  	v57 =	vsub.f32 $1.000000000e+00, v29;
	[tilespmem:v27+s0+$0x0] =	vst.idx.msk vm3, v24;
	v27 =	vadd.s32 $0xFFFFFF81, v38;
	v48 =	vmul.f32 v35, v35  }
0x38a: {  	v29 =	vshrl.u32 v29, $0x17;
	v30 =	vmul.f32 v30, v36;
	v33 =	vld.idx.msk [tilespmem:v43+s26+$0x0], vm3;
	v27 =	vcvt.s32.f32 v27  }
0x38b: {  	v46 =	vshrl.u32 v37, $0x17;
	v37 =	vsub.f32 $1.000000000e+00, v37;
	v58 =	vld [tilespmem:$0xD00];
	v51 =	vmul.f32 $2.222222240e-01, v48  }
0x38c: {  	v30 =	vadd.f32 $2.000000000e+00, v30;
	v38 =	vmul.f32 v57, v57;
	v57 =	vld [tilespmem:$0xD20];
	v27 =	vadd.f32 v27, v47  }
0x38d: {  	v32 =	vadd.f32 $-1.000000000e+00, v32;
	v37 =	vmul.f32 v37, v37;
	v53 =	vadd.f32 $2.857142980e-01, v51  }
0x38e: {  	v30 =	vmul.f32 v30, v31;
	v38 =	vsub.f32 $0.0e+00, v38;
	v27 =	vmul.f32 $6.931471820e-01, v27  }
0x38f: {  	v37 =	vsub.f32 $0.0e+00, v37;
	v49 =	vand.u32 $0x7FFFFF, v33;
	v55 =	vmul.f32 v53, v48  }
0x390: {  	v56 =	vpop (erf);
	vm13 =	vgt.f32 v58, $0.0e+00;
	v50 =	vor.u32 $0x3F800000, v49;
	v27 =	vadd.f32 v30, v27;
	v30 =	vld [tilespmem:$0xB80]  }
0x391: {  	vm9 =	vgt.f32 v57, $0.0e+00;
	v32 =	vmul.f32 v56, v32;
	v52 =	vmul.f32 $5.000000000e-01, v50  }
0x392: {  	vm11 =	vgt.f32 v50, $1.414213540e+00;
	v27 =	vmul.f32 v27, v28;
	v28 =	vadd.f32 $4.000000950e-01, v55  }
0x393: {  	v60 =	vld [tilespmem:$0x7C0];
	v56 =	vsel vm10, $0x3F800000, v22;
	v59 =	vmul.f32 v32, v32;
	v31 =	vsel vm11, v52, v50  }
0x394: {  	v61 =	vld [tilespmem:$0x680];
	v54 =	vadd.f32 $1.000000000e+00, v31;
	v27 =	vmul.f32 $1.000000000e+01, v27;
	v28 =	vmul.f32 v28, v48  }
0x395: {  	v62 =	vmul.f32 $2.222222240e-01, v59;
	v31 =	vadd.f32 $-1.000000000e+00, v31;
	vm12 =	vgt.f32 v30, $0.0e+00  }
0x396: {  	v30 =	vmul.f32 $1.000000000e+01, v30;
	(erf) = vrcp.f32 v54;
	v41 =	vnsel vm1, $0x0, v27  }
0x397: {  	v27 =	vand.u32 $0xFF, v29;
	v28 =	vadd.f32 $6.666666270e-01, v28;
	v42 =	vadd.f32 $2.857142980e-01, v62  }
0x398: {  	vm1 =	vmor vm12, vm13;
	v29 =	vand.u32 $0xFF, v46;
	v27 =	vadd.s32 $0xFFFFFF81, v27  }
0x399: {  	v36 =	vsel vm1, v60, v61;
	v29 =	vadd.s32 $0xFFFFFF81, v29;
	v61 =	vsel vm11, $0x3F800000, v22  }
0x39a: {  	v28 =	vmul.f32 v28, v48;
	v45 =	vmul.f32 v42, v59;
	v48 =	vand.u32 $0x7FFFFF, v36  }
0x39b: {  	v50 =	vld [tilespmem:$0xD10];
	v26 =	vadd.f32 v41, v26;
	v27 =	vcvt.s32.f32 v27;
	v49 =	vor.u32 $0x3F800000, v48  }
0x39c: {  	v29 =	vcvt.s32.f32 v29;
	v34 =	vadd.f32 $4.000000950e-01, v45;
	v42 =	vmul.f32 $5.000000000e-01, v49  }
0x39d: {  	v27 =	vadd.f32 v27, v63;
	v28 =	vadd.f32 $2.000000000e+00, v28;
	vm1 =	vgt.f32 v49, $1.414213540e+00  }
0x39e: {  	v53 =	vld [tilespmem:$0x7D0];
	v29 =	vadd.f32 v29, v56;
	v34 =	vmul.f32 v34, v59;
	v40 =	vsel vm1, v42, v49  }
0x39f: {  	v35 =	vmul.f32 v28, v35;
	v28 =	vld [tilespmem:$0xB90];
	v27 =	vmul.f32 $6.931471820e-01, v27;
	v52 =	vadd.f32 $1.000000000e+00, v40  }
0x3a0: {  	v54 =	vld [tilespmem:$0x690];
	v30 =	vadd.f32 $1.000000000e+00, v30;
	vm15 =	vgt.f32 v50, $0.0e+00;
	v34 =	vadd.f32 $6.666666270e-01, v34  }
0x3a1: {  	v29 =	vmul.f32 $6.931471820e-01, v29;
	v35 =	vadd.f32 v35, v27;
	v27 =	vld [tilespmem:$0xBA0];
	v47 =	vpop (erf);
	(erf) = vrcp.f32 v52  }
0x3a2: {  	v40 =	vadd.f32 $-1.000000000e+00, v40;
	v31 =	vmul.f32 v47, v31;
	v34 =	vmul.f32 v34, v59  }
0x3a3: {  	v35 =	vmul.f32 v35, v38;
	v59 =	vshrl.u32 v33, $0x17;
	v33 =	vsub.f32 $1.000000000e+00, v33  }
0x3a4: {  	vm14 =	vgt.f32 v28, $0.0e+00;
	v28 =	vmul.f32 $1.000000000e+01, v28;
	v43 =	vmul.f32 v31, v31  }
0x3a5: {  	vm5 =	vmor vm14, vm15;
	v34 =	vadd.f32 $2.000000000e+00, v34;
	v35 =	vmul.f32 $1.000000000e+01, v35  }
0x3a6: {  	v52 =	vmul.f32 v33, v33;
	v38 =	vsel vm5, v53, v54;
	vm8 =	vgt.f32 v27, $0.0e+00  }
0x3a7: {  	v28 =	vadd.f32 $1.000000000e+00, v28;
	v27 =	vmul.f32 $1.000000000e+01, v27;
	v51 =	vmul.f32 $2.222222240e-01, v43  }
0x3a8: {  	v32 =	vmul.f32 v34, v32;
	v60 =	vand.u32 $0x7FFFFF, v38;
	vm5 =	vmor vm8, vm9  }
0x3a9: {  	v35 =	vnsel vm0, $0x0, v35;
	v42 =	vor.u32 $0x3F800000, v60;
	v55 =	vadd.f32 $2.857142980e-01, v51  }
0x3aa: {  	v26 =	vadd.f32 v35, v26;
	v62 =	vmul.f32 $5.000000000e-01, v42;
	v29 =	vadd.f32 v32, v29  }
0x3ab: {  	vm10 =	vgt.f32 v42, $1.414213540e+00;
	v32 =	vsub.f32 $0.0e+00, v52;
	v39 =	vmul.f32 v55, v43  }
0x3ac: {  	v52 =	vsel vm1, $0x3F800000, v22;
	v63 =	vpop (erf);
	v42 =	vsel vm10, v62, v42;
	v37 =	vmul.f32 v29, v37  }
0x3ad: {  	v50 =	vld [tilespmem:$0x6A0];
	v40 =	vmul.f32 v63, v40;
	v49 =	vadd.f32 $1.000000000e+00, v42;
	v58 =	vadd.f32 $4.000000950e-01, v39  }
0x3ae: {  	v29 =	vld [tilespmem:$0xBB0];
	v60 =	vadd.f32 $-1.000000000e+00, v42;
	v39 =	vand.u32 $0xFF, v59;
	v37 =	vmul.f32 $1.000000000e+01, v37  }
0x3af: {  	v48 =	vld [tilespmem:$0x7E0];
	v39 =	vadd.s32 $0xFFFFFF81, v39;
	v51 =	vmul.f32 v40, v40;
	v34 =	vmul.f32 v58, v43  }
0x3b0: {  	(erf) = vrcp.f32 v49;
	v49 =	vshrl.u32 v36, $0x17;
	v39 =	vcvt.s32.f32 v39  }
0x3b1: {  	v36 =	vsub.f32 $1.000000000e+00, v36;
	v37 =	vnsel vm2, $0x0, v37;
	v34 =	vadd.f32 $6.666666270e-01, v34  }
0x3b2: {  	v35 =	vand.u32 $0xFF, v49;
	v53 =	vmul.f32 $2.222222240e-01, v51;
	v39 =	vadd.f32 v39, v61  }
0x3b3: {  	vm12 =	vgt.f32 v29, $0.0e+00;
	v35 =	vadd.s32 $0xFFFFFF81, v35;
	v34 =	vmul.f32 v34, v43  }
0x3b4: {  	v58 =	vld [tilespmem:$0xD30];
	v36 =	vmul.f32 v36, v36;
	v54 =	vmul.f32 $6.931471820e-01, v39;
	v39 =	vsel vm5, v48, v50  }
0x3b5: {  	v29 =	vmul.f32 $1.000000000e+01, v29;
	v55 =	vand.u32 $0x7FFFFF, v39;
	v34 =	vadd.f32 $2.000000000e+00, v34  }
0x3b6: {  	v35 =	vcvt.s32.f32 v35;
	v33 =	vadd.f32 $2.857142980e-01, v53;
	v56 =	vor.u32 $0x3F800000, v55  }
0x3b7: {  	v63 =	vld [tilespmem:$0x7F0];
	v26 =	vadd.f32 v37, v26;
	v57 =	vmul.f32 $5.000000000e-01, v56;
	v31 =	vmul.f32 v34, v31  }
0x3b8: {  	v29 =	vadd.f32 $1.000000000e+00, v29;
	v48 =	vld [tilespmem:$0x6B0];
	v33 =	vmul.f32 v33, v51;
	vm11 =	vgt.f32 v56, $1.414213540e+00  }
0x3b9: {  	vm13 =	vgt.f32 v58, $0.0e+00;
	v34 =	vsel vm11, v57, v56;
	v31 =	vadd.f32 v31, v54  }
0x3ba: {  	vm0 =	vmor vm12, vm13;
	v59 =	vadd.f32 $4.000000950e-01, v33;
	v61 =	vpop (erf);
	v62 =	vadd.f32 $1.000000000e+00, v34  }
0x3bb: {  	v33 =	vmul.f32 v61, v60;
	v61 =	vsub.f32 $1.000000000e+00, v38;
	v31 =	vmul.f32 v31, v32  }
0x3bc: {  	v38 =	vshrl.u32 v38, $0x17;
	v32 =	vmul.f32 v59, v51;
	(erf) = vrcp.f32 v62  }
0x3bd: {  	v35 =	vadd.f32 v35, v52;
	v41 =	vsel vm0, v63, v48;
	v38 =	vand.u32 $0xFF, v38  }
0x3be: {  	v63 =	vld [tilespmem:$0xD40];
	v50 =	vmul.f32 v33, v33;
	v31 =	vmul.f32 $1.000000000e+01, v31;
	v32 =	vadd.f32 $6.666666270e-01, v32  }
0x3bf: {  	v56 =	vsub.f32 $0.0e+00, v36;
	v53 =	vand.u32 $0x7FFFFF, v41;
	v38 =	vadd.s32 $0xFFFFFF81, v38  }
0x3c0: {  	v31 =	vnsel vm3, $0x0, v31;
	v32 =	vmul.f32 v32, v51;
	v51 =	vmul.f32 $2.222222240e-01, v50  }
0x3c1: {  	v34 =	vadd.f32 $-1.000000000e+00, v34;
	v38 =	vcvt.s32.f32 v38;
	v42 =	vadd.f32 v31, v26  }
0x3c2: {  	v31 =	vmul.f32 v61, v61;
	v32 =	vadd.f32 $2.000000000e+00, v32;
	v37 =	vadd.f32 $2.857142980e-01, v51  }
0x3c3: {  	vm4 =	vgt.f32 v63, $0.0e+00;
	v26 =	vmul.f32 $6.931471820e-01, v35;
	v61 =	vsel vm11, $0x3F800000, v22  }
0x3c4: {  	v31 =	vsub.f32 $0.0e+00, v31;
	v32 =	vmul.f32 v32, v40;
	v37 =	vmul.f32 v37, v50  }
0x3c5: {  	v40 =	vor.u32 $0x3F800000, v53;
	v53 =	vshrl.u32 v39, $0x17;
	v39 =	vsub.f32 $1.000000000e+00, v39;
	v54 =	vpop (erf)  }
0x3c6: {  	v55 =	vmul.f32 $5.000000000e-01, v40;
	v37 =	vadd.f32 $4.000000950e-01, v37;
	v34 =	vmul.f32 v54, v34  }
0x3c7: {  	vm14 =	vgt.f32 v40, $1.414213540e+00;
	v26 =	vadd.f32 v32, v26;
	v54 =	vand.u32 $0xFF, v53  }
0x3c8: {  	v57 =	vsel vm14, v55, v40;
	v58 =	vmul.f32 v37, v50;
	v59 =	vmul.f32 v34, v34  }
0x3c9: {  	v60 =	vadd.f32 $1.000000000e+00, v57;
	v40 =	vmul.f32 v26, v56;
	v26 =	vld [tilespmem:$0xBC0];
	v37 =	vadd.s32 $0xFFFFFF81, v54  }
0x3ca: {  	v49 =	vld [tilespmem:$0x6C0];
	v39 =	vmul.f32 v39, v39;
	v32 =	vadd.f32 $-1.000000000e+00, v57;
	v37 =	vcvt.s32.f32 v37  }
0x3cb: {  	v54 =	vld [tilespmem:$0xD60];
	v35 =	vadd.f32 $6.666666270e-01, v58;
	v62 =	vmul.f32 $2.222222240e-01, v59;
	(erf) = vrcp.f32 v60  }
0x3cc: {  	v48 =	vld [tilespmem:$0x800];
	v39 =	vsub.f32 $0.0e+00, v39;
	v30 =	vmul.f32 v40, v30;
	v37 =	vadd.f32 v37, v61  }
0x3cd: {  	v58 =	vld [tilespmem:$0xD50];
	v35 =	vmul.f32 v35, v50;
	v43 =	vadd.f32 $2.857142980e-01, v62;
	v50 =	vsel vm10, $0x3F800000, v22  }
0x3ce: {  	v30 =	vadd.f32 v30, v42;
	v38 =	vadd.f32 v38, v50;
	vm15 =	vgt.f32 v26, $0.0e+00  }
0x3cf: {  	v37 =	vmul.f32 $6.931471820e-01, v37;
	v35 =	vadd.f32 $2.000000000e+00, v35;
	v43 =	vmul.f32 v43, v59  }
0x3d0: {  	vm11 =	vgt.f32 v54, $0.0e+00;
	v26 =	vmul.f32 $1.000000000e+01, v26;
	vm1 =	vmor vm15, vm4  }
0x3d1: {  	v52 =	vmul.f32 $6.931471820e-01, v38;
	v33 =	vmul.f32 v35, v33;
	v51 =	vadd.f32 $4.000000950e-01, v43  }
0x3d2: {  	vm8 =	vgt.f32 v58, $0.0e+00;
	v26 =	vadd.f32 $1.000000000e+00, v26;
	v43 =	vsel vm1, v48, v49  }
0x3d3: {  	v44 =	vand.u32 $0x7FFFFF, v43;
	v35 =	vmul.f32 v51, v59;
	v33 =	vadd.f32 v33, v52  }
0x3d4: {  	v44 =	vor.u32 $0x3F800000, v44;
	v51 =	vshrl.u32 v41, $0x17;
	v41 =	vsub.f32 $1.000000000e+00, v41;
	v55 =	vpop (erf)  }
0x3d5: {  	v56 =	vmul.f32 $5.000000000e-01, v44;
	vm6 =	vgt.f32 v44, $1.414213540e+00;
	v32 =	vmul.f32 v55, v32  }
0x3d6: {  	v40 =	vand.u32 $0xFF, v51;
	v35 =	vadd.f32 $6.666666270e-01, v35;
	v33 =	vmul.f32 v33, v31  }
0x3d7: {  	v31 =	vld [tilespmem:$0xBD0];
	v40 =	vadd.s32 $0xFFFFFF81, v40;
	v55 =	vsel vm14, $0x3F800000, v22;
	v57 =	vmul.f32 v32, v32  }
0x3d8: {  	v63 =	vld [tilespmem:$0x6D0];
	v58 =	vmul.f32 v41, v41;
	v38 =	vsel vm6, v56, v44;
	v35 =	vmul.f32 v35, v59  }
0x3d9: {  	v60 =	vld [tilespmem:$0x810];
	v40 =	vcvt.s32.f32 v40;
	v59 =	vadd.f32 $1.000000000e+00, v38;
	v62 =	vmul.f32 $2.222222240e-01, v57  }
0x3da: {  	v33 =	vmul.f32 v33, v28;
	v38 =	vadd.f32 $-1.000000000e+00, v38;
	v35 =	vadd.f32 $2.000000000e+00, v35  }
0x3db: {  	v28 =	vld [tilespmem:$0xBE0];
	v40 =	vadd.f32 v40, v55;
	(erf) = vrcp.f32 v59;
	v47 =	vadd.f32 $2.857142980e-01, v62  }
0x3dc: {  	v33 =	vadd.f32 v33, v30;
	vm7 =	vgt.f32 v31, $0.0e+00;
	v34 =	vmul.f32 v35, v34  }
0x3dd: {  	v30 =	vsub.f32 $0.0e+00, v58;
	vm2 =	vmor vm7, vm8;
	v35 =	vmul.f32 v47, v57  }
0x3de: {  	v61 =	vmul.f32 $6.931471820e-01, v40;
	v34 =	vadd.f32 v34, v37;
	v37 =	vsel vm2, v60, v63  }
0x3df: {  	v31 =	vmul.f32 $1.000000000e+01, v31;
	v48 =	vand.u32 $0x7FFFFF, v37;
	v35 =	vadd.f32 $4.000000950e-01, v35  }
0x3e0: {  	vm10 =	vgt.f32 v28, $0.0e+00;
	v60 =	vadd.f32 $1.000000000e+00, v27;
	v27 =	vld [tilespmem:$0xBF0];
	v49 =	vor.u32 $0x3F800000, v48  }
0x3e1: {  	v31 =	vadd.f32 $1.000000000e+00, v31;
	v63 =	vld [tilespmem:$0xD70];
	v50 =	vmul.f32 $5.000000000e-01, v49;
	v35 =	vmul.f32 v35, v57  }
0x3e2: {  	v28 =	vmul.f32 $1.000000000e+01, v28;
	v34 =	vmul.f32 v34, v39;
	vm9 =	vgt.f32 v49, $1.414213540e+00  }
0x3e3: {  	v51 =	vld [tilespmem:$0x6F0];
	vm0 =	vmor vm10, vm11;
	v39 =	vsel vm9, v50, v49;
	v35 =	vadd.f32 $6.666666270e-01, v35  }
0x3e4: {  	v56 =	vld [tilespmem:$0x820];
	v28 =	vadd.f32 $1.000000000e+00, v28;
	v34 =	vmul.f32 v34, v60;
	v52 =	vpop (erf);
	v53 =	vadd.f32 $1.000000000e+00, v39  }
0x3e5: {  	vm12 =	vgt.f32 v27, $0.0e+00;
	v50 =	vld [tilespmem:$0x830];
	v38 =	vmul.f32 v52, v38;
	v35 =	vmul.f32 v35, v57  }
0x3e6: {  	vm13 =	vgt.f32 v63, $0.0e+00;
	v39 =	vadd.f32 $-1.000000000e+00, v39;
	(erf) = vrcp.f32 v53;
	v57 =	vld [tilespmem:$0x6E0]  }
0x3e7: {  	vm3 =	vmor vm12, vm13;
	v45 =	vmul.f32 v38, v38;
	v35 =	vadd.f32 $2.000000000e+00, v35  }
0x3e8: {  	v52 =	vsub.f32 $1.000000000e+00, v43;
	v33 =	vadd.f32 v34, v33;
	v53 =	vshrl.u32 v43, $0x17  }
0x3e9: {  	v42 =	vand.u32 $0xFF, v53;
	v59 =	vmul.f32 $2.222222240e-01, v45;
	v32 =	vmul.f32 v35, v32  }
0x3ea: {  	v44 =	vmul.f32 v52, v52;
	v42 =	vadd.s32 $0xFFFFFF81, v42;
	v36 =	vsel vm3, v50, v51  }
0x3eb: {  	v62 =	vadd.f32 $2.857142980e-01, v59;
	v40 =	vsel vm0, v56, v57;
	v32 =	vadd.f32 v32, v61  }
0x3ec: {  	v42 =	vcvt.s32.f32 v42;
	v58 =	vand.u32 $0x7FFFFF, v36;
	v47 =	vand.u32 $0x7FFFFF, v40  }
0x3ed: {  	v46 =	vmul.f32 v62, v45;
	v30 =	vmul.f32 v32, v30;
	v32 =	vor.u32 $0x3F800000, v47  }
0x3ee: {  	v59 =	vor.u32 $0x3F800000, v58;
	v56 =	vsel vm6, $0x3F800000, v22;
	v49 =	vmul.f32 $5.000000000e-01, v32  }
0x3ef: {  	vm15 =	vgt.f32 v59, $1.414213540e+00;
	v35 =	vadd.f32 $4.000000950e-01, v46;
	v48 =	vpop (erf);
	vm14 =	vgt.f32 v32, $1.414213540e+00  }
0x3f0: {  	v41 =	vadd.f32 v42, v56;
	v39 =	vmul.f32 v48, v39;
	v32 =	vsel vm14, v49, v32  }
0x3f1: {  	v61 =	vsub.f32 $0.0e+00, v44;
	v35 =	vmul.f32 v35, v45;
	v54 =	vadd.f32 $1.000000000e+00, v32  }
0x3f2: {  	v46 =	vmul.f32 $5.000000000e-01, v59;
	v49 =	vshrl.u32 v37, $0x17;
	v43 =	vmul.f32 v39, v39  }
0x3f3: {  	v35 =	vadd.f32 $6.666666270e-01, v35;
	v50 =	vand.u32 $0xFF, v49;
	(erf) = vrcp.f32 v54  }
0x3f4: {  	v29 =	vmul.f32 v30, v29;
	v30 =	vadd.s32 $0xFFFFFF81, v50;
	v55 =	vmul.f32 $2.222222240e-01, v43  }
0x3f5: {  	v56 =	vsel vm9, $0x3F800000, v22;
	v35 =	vmul.f32 v35, v45;
	v53 =	vcvt.s32.f32 v30;
	v30 =	vld [tilespmem:$0xC00]  }
0x3f6: {  	v42 =	vsel vm15, v46, v59;
	v37 =	vsub.f32 $1.000000000e+00, v37;
	v57 =	vadd.f32 $2.857142980e-01, v55  }
0x3f7: {  	v60 =	vmul.f32 $6.931471820e-01, v41;
	v48 =	vadd.f32 $1.000000000e+00, v42;
	v35 =	vadd.f32 $2.000000000e+00, v35;
	v55 =	vld [tilespmem:$0xD80]  }
0x3f8: {  	v32 =	vadd.f32 $-1.000000000e+00, v32;
	v37 =	vmul.f32 v37, v37;
	v45 =	vmul.f32 v57, v43  }
0x3f9: {  	v59 =	vld [tilespmem:$0x700];
	v29 =	vadd.f32 v29, v33;
	v35 =	vmul.f32 v35, v38;
	v38 =	vadd.f32 v53, v56  }
0x3fa: {  	v37 =	vsub.f32 $0.0e+00, v37;
	v57 =	vld [tilespmem:$0x840];
	vm4 =	vgt.f32 v30, $0.0e+00;
	v62 =	vadd.f32 $4.000000950e-01, v45  }
0x3fb: {  	v30 =	vmul.f32 $1.000000000e+01, v30;
	v63 =	vadd.f32 v35, v60;
	v38 =	vmul.f32 $6.931471820e-01, v38  }
0x3fc: {  	vm5 =	vgt.f32 v55, $0.0e+00;
	v44 =	vmul.f32 v62, v43;
	v51 =	vpop (erf);
	(erf) = vrcp.f32 v48  }
0x3fd: {  	v30 =	vadd.f32 $1.000000000e+00, v30;
	v41 =	vmul.f32 v63, v61;
	v62 =	vadd.f32 $-1.000000000e+00, v42;
	v63 =	vld [tilespmem:$0xD90]  }
0x3fe: {  	vm1 =	vmor vm4, vm5;
	v52 =	vadd.f32 $6.666666270e-01, v44;
	v32 =	vmul.f32 v51, v32  }
0x3ff: {  	v60 =	vmul.f32 v41, v26;
	v26 =	vld [tilespmem:$0xC10];
	v41 =	vsel vm1, v57, v59;
	v57 =	vsub.f32 $1.000000000e+00, v40  }
0x400: {  	v40 =	vshrl.u32 v40, $0x17;
	v49 =	vand.u32 $0x7FFFFF, v41;
	v54 =	vmul.f32 v52, v43  }
0x401: {  	v40 =	vand.u32 $0xFF, v40;
	v35 =	vmul.f32 v32, v32;
	v52 =	vld [tilespmem:$0x850];
	v33 =	vadd.f32 v60, v29  }
0x402: {  	v59 =	vadd.s32 $0xFFFFFF81, v40;
	vm7 =	vgt.f32 v63, $0.0e+00;
	v34 =	vadd.f32 $2.000000000e+00, v54;
	v54 =	vld [tilespmem:$0x710]  }
0x403: {  	v63 =	vshrl.u32 v36, $0x17;
	v36 =	vsub.f32 $1.000000000e+00, v36;
	v58 =	vmul.f32 $2.222222240e-01, v35  }
0x404: {  	v60 =	vsel vm14, $0x3F800000, v22;
	vm6 =	vgt.f32 v26, $0.0e+00;
	v34 =	vmul.f32 v34, v39  }
0x405: {  	v36 =	vmul.f32 v36, v36;
	v61 =	vadd.f32 $2.857142980e-01, v58;
	vm2 =	vmor vm6, vm7;
	v48 =	vpop (erf)  }
0x406: {  	v58 =	vmul.f32 v57, v57;
	v34 =	vadd.f32 v34, v38;
	v38 =	vmul.f32 v48, v62  }
0x407: {  	v36 =	vsub.f32 $0.0e+00, v36;
	v39 =	vmul.f32 v61, v35;
	v40 =	vsel vm2, v52, v54  }
0x408: {  	v34 =	vmul.f32 v34, v37;
	v37 =	vor.u32 $0x3F800000, v49;
	v50 =	vmul.f32 v38, v38  }
0x409: {  	v39 =	vadd.f32 $4.000000950e-01, v39;
	v44 =	vand.u32 $0x7FFFFF, v40;
	v51 =	vmul.f32 $5.000000000e-01, v37  }
0x40a: {  	v46 =	vshrl.u32 v40, $0x17;
	vm8 =	vgt.f32 v37, $1.414213540e+00;
	v53 =	vmul.f32 $2.222222240e-01, v50  }
0x40b: {  	v61 =	vor.u32 $0x3F800000, v44;
	v44 =	vand.u32 $0xFF, v63;
	v37 =	vsel vm8, v51, v37  }
0x40c: {  	v52 =	vld [tilespmem:$0xDA0];
	v39 =	vmul.f32 v39, v35;
	v56 =	vadd.f32 $1.000000000e+00, v37;
	v29 =	vadd.f32 $2.857142980e-01, v53  }
0x40d: {  	v31 =	vmul.f32 v34, v31;
	v62 =	vmul.f32 $5.000000000e-01, v61;
	v48 =	vadd.s32 $0xFFFFFF81, v44  }
0x40e: {  	v55 =	vadd.f32 $6.666666270e-01, v39;
	(erf) = vrcp.f32 v56;
	v29 =	vmul.f32 v29, v50  }
0x40f: {  	vm9 =	vgt.f32 v61, $1.414213540e+00;
	v42 =	vcvt.s32.f32 v48;
	v51 =	vsel vm15, $0x3F800000, v22  }
0x410: {  	v39 =	vcvt.s32.f32 v59;
	v34 =	vmul.f32 v55, v35;
	v29 =	vadd.f32 $4.000000950e-01, v29  }
0x411: {  	v37 =	vadd.f32 $-1.000000000e+00, v37;
	v31 =	vadd.f32 v31, v33;
	vm11 =	vgt.f32 v52, $0.0e+00  }
0x412: {  	v59 =	vld [tilespmem:$0xDB0];
	v42 =	vadd.f32 v42, v51;
	v34 =	vadd.f32 $2.000000000e+00, v34;
	v29 =	vmul.f32 v29, v50  }
0x413: {  	v39 =	vadd.f32 v39, v60;
	v35 =	vsub.f32 $0.0e+00, v58;
	v58 =	vmul.f32 $1.000000000e+01, v27;
	v27 =	vld [tilespmem:$0xC30]  }
0x414: {  	v32 =	vmul.f32 v34, v32;
	v34 =	vsel vm9, v62, v61;
	v29 =	vadd.f32 $6.666666270e-01, v29  }
0x415: {  	v52 =	vshrl.u32 v41, $0x17;
	v39 =	vmul.f32 $6.931471820e-01, v39;
	v49 =	vadd.f32 $1.000000000e+00, v34  }
0x416: {  	v55 =	vmul.f32 $6.931471820e-01, v42;
	v60 =	vadd.f32 $1.000000000e+00, v58;
	v43 =	vmul.f32 v29, v50  }
0x417: {  	vm13 =	vgt.f32 v59, $0.0e+00;
	v32 =	vadd.f32 v32, v39;
	v50 =	vpop (erf);
	(erf) = vrcp.f32 v49;
	v29 =	vld [tilespmem:$0xC20]  }
0x418: {  	v53 =	vld [tilespmem:$0x860];
	vm12 =	vgt.f32 v27, $0.0e+00;
	v37 =	vmul.f32 v50, v37;
	v43 =	vadd.f32 $2.000000000e+00, v43  }
0x419: {  	v56 =	vld [tilespmem:$0x720];
	v27 =	vmul.f32 $1.000000000e+01, v27;
	v32 =	vmul.f32 v32, v35;
	v50 =	vsub.f32 $1.000000000e+00, v41  }
0x41a: {  	v34 =	vadd.f32 $-1.000000000e+00, v34;
	v39 =	vmul.f32 v37, v37;
	v54 =	vmul.f32 v43, v38  }
0x41b: {  	v27 =	vadd.f32 $1.000000000e+00, v27;
	v28 =	vmul.f32 v32, v28;
	v44 =	vmul.f32 v50, v50  }
0x41c: {  	v57 =	vmul.f32 $2.222222240e-01, v39;
	vm10 =	vgt.f32 v29, $0.0e+00;
	v33 =	vadd.f32 v54, v55  }
0x41d: {  	v48 =	vld [tilespmem:$0x870];
	v28 =	vadd.f32 v28, v31;
	v50 =	vsub.f32 $1.000000000e+00, v40;
	vm2 =	vmor vm10, vm11  }
0x41e: {  	v49 =	vld [tilespmem:$0x730];
	v35 =	vadd.f32 $2.857142980e-01, v57;
	v38 =	vsel vm2, v53, v56;
	v33 =	vmul.f32 v33, v36  }
0x41f: {  	v29 =	vmul.f32 $1.000000000e+01, v29;
	vm2 =	vmor vm12, vm13;
	v62 =	vand.u32 $0x7FFFFF, v38  }
0x420: {  	v35 =	vmul.f32 v35, v39;
	v61 =	vpop (erf);
	v63 =	vor.u32 $0x3F800000, v62;
	v32 =	vmul.f32 v33, v60  }
0x421: {  	v56 =	vsel vm8, $0x3F800000, v22;
	v33 =	vmul.f32 v61, v34;
	v36 =	vmul.f32 $5.000000000e-01, v63  }
0x422: {  	v29 =	vadd.f32 $1.000000000e+00, v29;
	vm14 =	vgt.f32 v63, $1.414213540e+00;
	v35 =	vadd.f32 $4.000000950e-01, v35  }
0x423: {  	v41 =	vsel vm2, v48, v49;
	v51 =	vmul.f32 v33, v33;
	v34 =	vsel vm14, v36, v63  }
0x424: {  	v36 =	vand.u32 $0xFF, v52;
	v35 =	vmul.f32 v35, v39;
	v53 =	vadd.f32 $1.000000000e+00, v34  }
0x425: {  	v43 =	vand.u32 $0x7FFFFF, v41;
	v36 =	vadd.s32 $0xFFFFFF81, v36;
	v54 =	vmul.f32 $2.222222240e-01, v51  }
0x426: {  	v36 =	vcvt.s32.f32 v36;
	v35 =	vadd.f32 $6.666666270e-01, v35;
	(erf) = vrcp.f32 v53;
	v53 =	vld [tilespmem:$0xDC0]  }
0x427: {  	v57 =	vor.u32 $0x3F800000, v43;
	v61 =	vsub.f32 $0.0e+00, v44;
	v55 =	vadd.f32 $2.857142980e-01, v54  }
0x428: {  	v59 =	vmul.f32 $5.000000000e-01, v57;
	v36 =	vadd.f32 v36, v56;
	v35 =	vmul.f32 v35, v39  }
0x429: {  	vm15 =	vgt.f32 v57, $1.414213540e+00;
	v28 =	vadd.f32 v32, v28;
	v39 =	vmul.f32 v55, v51  }
0x42a: {  	v34 =	vadd.f32 $-1.000000000e+00, v34;
	v36 =	vmul.f32 $6.931471820e-01, v36;
	v35 =	vadd.f32 $2.000000000e+00, v35  }
0x42b: {  	v60 =	vadd.f32 $4.000000950e-01, v39;
	v39 =	vand.u32 $0xFF, v46;
	vm5 =	vgt.f32 v53, $0.0e+00  }
0x42c: {  	v53 =	vld [tilespmem:$0xDD0];
	v58 =	vmul.f32 v35, v37;
	v35 =	vsel vm15, v59, v57;
	v48 =	vadd.s32 $0xFFFFFF81, v39  }
0x42d: {  	v39 =	vmul.f32 v50, v50;
	v62 =	vmul.f32 v60, v51;
	v63 =	vadd.f32 $1.000000000e+00, v35  }
0x42e: {  	v49 =	vcvt.s32.f32 v48;
	v60 =	vadd.f32 $-1.000000000e+00, v35;
	v31 =	vadd.f32 v58, v36  }
0x42f: {  	v58 =	vsub.f32 $0.0e+00, v39;
	v36 =	vadd.f32 $6.666666270e-01, v62;
	v47 =	vpop (erf);
	(erf) = vrcp.f32 v63  }
0x430: {  	v63 =	vsub.f32 $1.000000000e+00, v38;
	v38 =	vshrl.u32 v38, $0x17;
	v32 =	vmul.f32 v31, v61  }
0x431: {  	v34 =	vmul.f32 v47, v34;
	v31 =	vld [tilespmem:$0xC40];
	v38 =	vand.u32 $0xFF, v38;
	vm8 =	vgt.f32 v53, $0.0e+00  }
0x432: {  	v55 =	vld [tilespmem:$0x880];
	v47 =	vshrl.u32 v41, $0x17;
	v41 =	vsub.f32 $1.000000000e+00, v41;
	v36 =	vmul.f32 v36, v51  }
0x433: {  	v57 =	vld [tilespmem:$0x740];
	v51 =	vsel vm9, $0x3F800000, v22;
	v37 =	vmul.f32 v63, v63;
	v42 =	vmul.f32 v34, v34  }
0x434: {  	v63 =	vmul.f32 $1.000000000e+01, v26;
	v52 =	vadd.f32 v49, v51;
	v36 =	vadd.f32 $2.000000000e+00, v36  }
0x435: {  	v38 =	vadd.s32 $0xFFFFFF81, v38;
	v30 =	vmul.f32 v32, v30;
	v54 =	vmul.f32 $2.222222240e-01, v42  }
0x436: {  	v32 =	vmul.f32 $6.931471820e-01, v52;
	v56 =	vmul.f32 v36, v33;
	vm4 =	vgt.f32 v31, $0.0e+00  }
0x437: {  	v48 =	vand.u32 $0xFF, v47;
	v59 =	vadd.f32 $2.857142980e-01, v54;
	vm0 =	vmor vm4, vm5  }
0x438: {  	v28 =	vadd.f32 v30, v28;
	v30 =	vadd.f32 v56, v32;
	v33 =	vsel vm0, v55, v57;
	v62 =	vpop (erf)  }
0x439: {  	v61 =	vmul.f32 v59, v42;
	v52 =	vand.u32 $0x7FFFFF, v33;
	v32 =	vmul.f32 v62, v60  }
0x43a: {  	v38 =	vcvt.s32.f32 v38;
	v36 =	vmul.f32 v30, v58;
	v30 =	vld [tilespmem:$0xC50];
	v40 =	vor.u32 $0x3F800000, v52  }
0x43b: {  	v56 =	vld [tilespmem:$0x890];
	v35 =	vadd.f32 $4.000000950e-01, v61;
	v55 =	vmul.f32 $5.000000000e-01, v40;
	v39 =	vmul.f32 v32, v32  }
0x43c: {  	v41 =	vmul.f32 v41, v41;
	v37 =	vsub.f32 $0.0e+00, v37;
	v57 =	vld [tilespmem:$0x750];
	vm6 =	vgt.f32 v40, $1.414213540e+00  }
0x43d: {  	v35 =	vmul.f32 v35, v42;
	v40 =	vsel vm6, v55, v40;
	v54 =	vmul.f32 $2.222222240e-01, v39  }
0x43e: {  	v41 =	vsub.f32 $0.0e+00, v41;
	v58 =	vsel vm14, $0x3F800000, v22;
	v59 =	vadd.f32 $1.000000000e+00, v40  }
0x43f: {  	v51 =	vld [tilespmem:$0xDE0];
	v35 =	vadd.f32 $6.666666270e-01, v35;
	vm7 =	vgt.f32 v30, $0.0e+00;
	v44 =	vadd.f32 $2.857142980e-01, v54  }
0x440: {  	v38 =	vadd.f32 v38, v58;
	(erf) = vrcp.f32 v59;
	vm0 =	vmor vm7, vm8  }
0x441: {  	v35 =	vmul.f32 v35, v42;
	v43 =	vsel vm0, v56, v57;
	v44 =	vmul.f32 v44, v39  }
0x442: {  	v31 =	vmul.f32 $1.000000000e+01, v31;
	v61 =	vmul.f32 $6.931471820e-01, v38;
	v62 =	vand.u32 $0x7FFFFF, v43  }
0x443: {  	v35 =	vadd.f32 $2.000000000e+00, v35;
	v38 =	vor.u32 $0x3F800000, v62;
	v60 =	vadd.f32 $4.000000950e-01, v44  }
0x444: {  	vm11 =	vgt.f32 v51, $0.0e+00;
	v31 =	vadd.f32 $1.000000000e+00, v31;
	v46 =	vmul.f32 $5.000000000e-01, v38  }
0x445: {  	v52 =	vsel vm15, $0x3F800000, v22;
	v34 =	vmul.f32 v35, v34;
	v26 =	vmul.f32 v60, v39  }
0x446: {  	v40 =	vadd.f32 $-1.000000000e+00, v40;
	vm9 =	vgt.f32 v38, $1.414213540e+00;
	v44 =	vadd.f32 $1.000000000e+00, v63  }
0x447: {  	v35 =	vsel vm9, v46, v38;
	v34 =	vadd.f32 v34, v61;
	v26 =	vadd.f32 $6.666666270e-01, v26  }
0x448: {  	v36 =	vmul.f32 v36, v44;
	v50 =	vadd.f32 $1.000000000e+00, v35;
	v35 =	vadd.f32 $-1.000000000e+00, v35  }
0x449: {  	v34 =	vmul.f32 v34, v37;
	v37 =	vadd.s32 $0xFFFFFF81, v48;
	v53 =	vpop (erf);
	v49 =	vmul.f32 v26, v39  }
0x44a: {  	v28 =	vadd.f32 v36, v28;
	v48 =	vld [tilespmem:$0xDF0];
	v37 =	vcvt.s32.f32 v37;
	v40 =	vmul.f32 v53, v40  }
0x44b: {  	(erf) = vrcp.f32 v50;
	v26 =	vld [tilespmem:$0xC60];
	v53 =	vsel vm6, $0x3F800000, v22;
	v29 =	vmul.f32 v34, v29  }
0x44c: {  	v55 =	vld [tilespmem:$0x760];
	v38 =	vadd.f32 $2.000000000e+00, v49;
	v37 =	vadd.f32 v37, v52;
	v56 =	vmul.f32 v40, v40  }
0x44d: {  	v54 =	vld [tilespmem:$0x8A0];
	v49 =	vsub.f32 $1.000000000e+00, v33;
	v33 =	vshrl.u32 v33, $0x17;
	v29 =	vadd.f32 v29, v28  }
0x44e: {  	v33 =	vand.u32 $0xFF, v33;
	v32 =	vmul.f32 v38, v32;
	v37 =	vmul.f32 $6.931471820e-01, v37  }
0x44f: {  	v57 =	vmul.f32 $2.222222240e-01, v56;
	v42 =	vmul.f32 v49, v49;
	v33 =	vadd.s32 $0xFFFFFF81, v33  }
0x450: {  	v28 =	vld [tilespmem:$0xC70];
	vm14 =	vgt.f32 v48, $0.0e+00;
	vm10 =	vgt.f32 v26, $0.0e+00;
	v33 =	vcvt.s32.f32 v33  }
0x451: {  	v26 =	vmul.f32 $1.000000000e+01, v26;
	v32 =	vadd.f32 v32, v37;
	vm1 =	vmor vm10, vm11  }
0x452: {  	v37 =	vadd.f32 $2.857142980e-01, v57;
	v34 =	vsel vm1, v54, v55;
	v54 =	vsub.f32 $0.0e+00, v42  }
0x453: {  	v50 =	vld [tilespmem:$0x8B0];
	v33 =	vadd.f32 v33, v53;
	v26 =	vadd.f32 $1.000000000e+00, v26;
	v39 =	vand.u32 $0x7FFFFF, v34  }
0x454: {  	v52 =	vld [tilespmem:$0x770];
	v32 =	vmul.f32 v32, v41;
	v58 =	vmul.f32 v37, v56;
	v39 =	vor.u32 $0x3F800000, v39  }
0x455: {  	v59 =	vpop (erf);
	vm13 =	vgt.f32 v28, $0.0e+00;
	v28 =	vmul.f32 $1.000000000e+01, v28;
	v60 =	vmul.f32 $5.000000000e-01, v39  }
0x456: {  	v35 =	vmul.f32 v59, v35;
	vm1 =	vmor vm13, vm14;
	vm12 =	vgt.f32 v39, $1.414213540e+00  }
0x457: {  	v33 =	vmul.f32 $6.931471820e-01, v33;
	v36 =	vadd.f32 $4.000000950e-01, v58;
	v61 =	vsel vm12, v60, v39  }
0x458: {  	v27 =	vmul.f32 v32, v27;
	v62 =	vmul.f32 v35, v35;
	v63 =	vadd.f32 $1.000000000e+00, v61  }
0x459: {  	v32 =	vsel vm1, v50, v52;
	v50 =	vld [tilespmem:$0xE00];
	v28 =	vadd.f32 $1.000000000e+00, v28;
	v36 =	vmul.f32 v36, v56  }
0x45a: {  	v44 =	vand.u32 $0x7FFFFF, v32;
	v51 =	vmul.f32 $2.222222240e-01, v62;
	(erf) = vrcp.f32 v63  }
0x45b: {  	v58 =	vor.u32 $0x3F800000, v44;
	v27 =	vadd.f32 v27, v29;
	v36 =	vadd.f32 $6.666666270e-01, v36  }
0x45c: {  	v29 =	vld [tilespmem:$0xC80];
	v37 =	vadd.f32 $-1.000000000e+00, v61;
	v44 =	vmul.f32 $5.000000000e-01, v58;
	v45 =	vadd.f32 $2.857142980e-01, v51  }
0x45d: {  	vm15 =	vgt.f32 v58, $1.414213540e+00;
	v61 =	vsub.f32 $1.000000000e+00, v43;
	v36 =	vmul.f32 v36, v56  }
0x45e: {  	v42 =	vsel vm15, v44, v58;
	vm5 =	vgt.f32 v50, $0.0e+00;
	v55 =	vmul.f32 v45, v62  }
0x45f: {  	v56 =	vshrl.u32 v43, $0x17;
	v44 =	vadd.f32 $1.000000000e+00, v42;
	v36 =	vadd.f32 $2.000000000e+00, v36  }
0x460: {  	v57 =	vand.u32 $0xFF, v56;
	v45 =	vmul.f32 v61, v61;
	v41 =	vadd.f32 $4.000000950e-01, v55  }
0x461: {  	vm4 =	vgt.f32 v29, $0.0e+00;
	v29 =	vmul.f32 $1.000000000e+01, v29;
	v36 =	vmul.f32 v36, v40  }
0x462: {  	vm0 =	vmor vm4, vm5;
	v48 =	vsub.f32 $0.0e+00, v45;
	v41 =	vmul.f32 v41, v62  }
0x463: {  	v29 =	vadd.f32 $1.000000000e+00, v29;
	v40 =	vadd.s32 $0xFFFFFF81, v57;
	v57 =	vld [tilespmem:$0xE10];
	v33 =	vadd.f32 v36, v33;
	v59 =	vpop (erf)  }
0x464: {  	v41 =	vadd.f32 $6.666666270e-01, v41;
	(erf) = vrcp.f32 v44;
	v37 =	vmul.f32 v59, v37  }
0x465: {  	v40 =	vcvt.s32.f32 v40;
	v33 =	vmul.f32 v33, v54;
	v54 =	vadd.f32 $-1.000000000e+00, v42  }
0x466: {  	v60 =	vmul.f32 v41, v62;
	v62 =	vsel vm9, $0x3F800000, v22;
	v39 =	vmul.f32 v37, v37  }
0x467: {  	v41 =	vmul.f32 $1.000000000e+01, v30;
	v40 =	vadd.f32 v40, v62;
	v31 =	vmul.f32 v33, v31  }
0x468: {  	v59 =	vsel vm12, $0x3F800000, v22;
	vm7 =	vgt.f32 v57, $0.0e+00;
	v30 =	vld [tilespmem:$0xCA0];
	v63 =	vmul.f32 $2.222222240e-01, v39  }
0x469: {  	v36 =	vadd.f32 $2.000000000e+00, v60;
	v46 =	vmul.f32 $6.931471820e-01, v40;
	v40 =	vadd.f32 v31, v27  }
0x46a: {  	v53 =	vld [tilespmem:$0x780];
	v27 =	vshrl.u32 v34, $0x17;
	v34 =	vsub.f32 $1.000000000e+00, v34;
	v47 =	vadd.f32 $2.857142980e-01, v63  }
0x46b: {  	v41 =	vadd.f32 $1.000000000e+00, v41;
	v31 =	vld [tilespmem:$0xCB0];
	v35 =	vmul.f32 v36, v35;
	v27 =	vand.u32 $0xFF, v27  }
0x46c: {  	v55 =	vadd.s32 $0xFFFFFF81, v27;
	v27 =	vld [tilespmem:$0xC90];
	v34 =	vmul.f32 v34, v34;
	v49 =	vmul.f32 v47, v39  }
0x46d: {  	v51 =	vld [tilespmem:$0x8C0];
	vm11 =	vgt.f32 v30, $0.0e+00;
	v35 =	vadd.f32 v35, v46;
	v58 =	vcvt.s32.f32 v55;
	v56 =	vpop (erf)  }
0x46e: {  	v62 =	vld [tilespmem:$0x790];
	v34 =	vsub.f32 $0.0e+00, v34;
	v43 =	vmul.f32 v56, v54;
	v52 =	vadd.f32 $4.000000950e-01, v49  }
0x46f: {  	v60 =	vld [tilespmem:$0x8D0];
	v35 =	vmul.f32 v35, v48;
	v63 =	vadd.f32 v58, v59;
	v58 =	vshrl.u32 v32, $0x17  }
0x470: {  	vm12 =	vgt.f32 v31, $0.0e+00;
	v46 =	vmul.f32 v43, v43;
	v33 =	vmul.f32 v52, v39  }
0x471: {  	v32 =	vsub.f32 $1.000000000e+00, v32;
	v31 =	vmul.f32 $1.000000000e+01, v31;
	vm6 =	vgt.f32 v27, $0.0e+00  }
0x472: {  	v48 =	vmul.f32 $2.222222240e-01, v46;
	v61 =	vadd.f32 $6.666666270e-01, v33;
	v33 =	vsel vm0, v51, v53  }
0x473: {  	v59 =	vand.u32 $0xFF, v58;
	vm0 =	vmor vm6, vm7;
	v47 =	vand.u32 $0x7FFFFF, v33  }
0x474: {  	v51 =	vadd.f32 $2.857142980e-01, v48;
	v42 =	vsel vm0, v60, v62;
	v38 =	vor.u32 $0x3F800000, v47  }
0x475: {  	v39 =	vmul.f32 v61, v39;
	v44 =	vand.u32 $0x7FFFFF, v42;
	v49 =	vmul.f32 $5.000000000e-01, v38  }
0x476: {  	v36 =	vmul.f32 $6.931471820e-01, v63;
	vm8 =	vgt.f32 v38, $1.414213540e+00;
	v44 =	vor.u32 $0x3F800000, v44  }
0x477: {  	v54 =	vld [tilespmem:$0xE20];
	v50 =	vadd.f32 $2.000000000e+00, v39;
	v39 =	vmul.f32 v51, v46;
	v38 =	vsel vm8, v49, v38  }
0x478: {  	v57 =	vld [tilespmem:$0x7A0];
	v35 =	vmul.f32 v35, v41;
	v55 =	vmul.f32 $5.000000000e-01, v44;
	v53 =	vadd.f32 $1.000000000e+00, v38  }
0x479: {  	v32 =	vmul.f32 v32, v32;
	v61 =	vld [tilespmem:$0xE30];
	vm9 =	vgt.f32 v44, $1.414213540e+00;
	v39 =	vadd.f32 $4.000000950e-01, v39  }
0x47a: {  	v56 =	vld [tilespmem:$0x8E0];
	v52 =	vmul.f32 v50, v37;
	v37 =	vsel vm9, v55, v44;
	(erf) = vrcp.f32 v53  }
0x47b: {  	v63 =	vld [tilespmem:$0x8F0];
	v27 =	vmul.f32 $1.000000000e+01, v27;
	v60 =	vadd.f32 $1.000000000e+00, v37;
	v39 =	vmul.f32 v39, v46  }
0x47c: {  	v32 =	vsub.f32 $0.0e+00, v32;
	vm10 =	vgt.f32 v54, $0.0e+00;
	v62 =	vadd.s32 $0xFFFFFF81, v59;
	v51 =	vld [tilespmem:$0x7B0]  }
0x47d: {  	vm0 =	vmor vm11, vm10;
	(erf) = vrcp.f32 v60;
	v39 =	vadd.f32 $6.666666270e-01, v39  }
0x47e: {  	v38 =	vadd.f32 $-1.000000000e+00, v38;
	vm13 =	vgt.f32 v61, $0.0e+00;
	v37 =	vadd.f32 $-1.000000000e+00, v37  }
0x47f: {  	v36 =	vadd.f32 v52, v36;
	v39 =	vmul.f32 v39, v46;
	v46 =	vsel vm0, v56, v57  }
0x480: {  	v52 =	vsel vm15, $0x3F800000, v22;
	vm0 =	vmor vm12, vm13;
	v54 =	vand.u32 $0x7FFFFF, v46  }
0x481: {  	v34 =	vmul.f32 v36, v34;
	v41 =	vsel vm0, v63, v51;
	v55 =	vor.u32 $0x3F800000, v54  }
0x482: {  	v39 =	vadd.f32 $2.000000000e+00, v39;
	v44 =	vand.u32 $0x7FFFFF, v41;
	v56 =	vmul.f32 $5.000000000e-01, v55  }
0x483: {  	v36 =	vcvt.s32.f32 v62;
	v44 =	vor.u32 $0x3F800000, v44;
	vm14 =	vgt.f32 v55, $1.414213540e+00;
	v53 =	vpop (erf)  }
0x484: {  	v39 =	vmul.f32 v39, v43;
	v43 =	vsel vm14, v56, v55;
	v38 =	vmul.f32 v53, v38  }
0x485: {  	v36 =	vadd.f32 v36, v52;
	v57 =	vmul.f32 $5.000000000e-01, v44;
	v60 =	vadd.f32 $1.000000000e+00, v43  }
0x486: {  	v26 =	vmul.f32 v34, v26;
	vm15 =	vgt.f32 v44, $1.414213540e+00;
	v59 =	vpop (erf);
	v45 =	vmul.f32 v38, v38  }
0x487: {  	v44 =	vsel vm15, v57, v44;
	v37 =	vmul.f32 v59, v37;
	(erf) = vrcp.f32 v60  }
0x488: {  	v36 =	vmul.f32 $6.931471820e-01, v36;
	v62 =	vadd.f32 $1.000000000e+00, v44;
	v58 =	vmul.f32 $2.222222240e-01, v45  }
0x489: {  	v51 =	vshrl.u32 v33, $0x17;
	v33 =	vsub.f32 $1.000000000e+00, v33;
	v47 =	vmul.f32 v37, v37  }
0x48a: {  	v36 =	vadd.f32 v39, v36;
	(erf) = vrcp.f32 v62;
	v61 =	vadd.f32 $2.857142980e-01, v58  }
0x48b: {  	v35 =	vadd.f32 v35, v40;
	v33 =	vmul.f32 v33, v33;
	v48 =	vmul.f32 $2.222222240e-01, v47  }
0x48c: {  	v27 =	vadd.f32 $1.000000000e+00, v27;
	v32 =	vmul.f32 v36, v32;
	v63 =	vmul.f32 v61, v45  }
0x48d: {  	v50 =	vsel vm8, $0x3F800000, v22;
	v26 =	vadd.f32 v26, v35;
	v34 =	vadd.f32 $2.857142980e-01, v48  }
0x48e: {  	v33 =	vsub.f32 $0.0e+00, v33;
	v28 =	vmul.f32 v32, v28;
	v39 =	vadd.f32 $4.000000950e-01, v63  }
0x48f: {  	v53 =	vadd.f32 $-1.000000000e+00, v43;
	v32 =	vand.u32 $0xFF, v51;
	v34 =	vmul.f32 v34, v47  }
0x490: {  	v55 =	vadd.s32 $0xFFFFFF81, v32;
	v26 =	vadd.f32 v28, v26;
	v54 =	vpop (erf);
	v49 =	vmul.f32 v39, v45  }
0x491: {  	v28 =	vcvt.s32.f32 v55;
	v34 =	vadd.f32 $4.000000950e-01, v34;
	v35 =	vmul.f32 v54, v53  }
0x492: {  	v57 =	vsel vm9, $0x3F800000, v22;
	v58 =	vadd.f32 $-1.000000000e+00, v44;
	v52 =	vadd.f32 $6.666666270e-01, v49  }
0x493: {  	v28 =	vadd.f32 v28, v50;
	v60 =	vpop (erf);
	v34 =	vmul.f32 v34, v47;
	v59 =	vmul.f32 v35, v35  }
0x494: {  	v61 =	vshrl.u32 v42, $0x17;
	v40 =	vmul.f32 v60, v58;
	v56 =	vmul.f32 v52, v45  }
0x495: {  	v42 =	vsub.f32 $1.000000000e+00, v42;
	v34 =	vadd.f32 $6.666666270e-01, v34;
	v62 =	vmul.f32 $2.222222240e-01, v59  }
0x496: {  	v28 =	vmul.f32 $6.931471820e-01, v28;
	v63 =	vmul.f32 v40, v40;
	v32 =	vadd.f32 $2.000000000e+00, v56  }
0x497: {  	v50 =	vmul.f32 v42, v42;
	v34 =	vmul.f32 v34, v47;
	v43 =	vadd.f32 $2.857142980e-01, v62  }
0x498: {  	v47 =	vmul.f32 $2.222222240e-01, v63;
	v32 =	vmul.f32 v32, v38;
	v38 =	vand.u32 $0xFF, v61  }
0x499: {  	v34 =	vadd.f32 $2.000000000e+00, v34;
	v48 =	vmul.f32 v43, v59;
	v38 =	vadd.s32 $0xFFFFFF81, v38  }
0x49a: {  	v38 =	vcvt.s32.f32 v38;
	v28 =	vadd.f32 v32, v28;
	v32 =	vadd.f32 $2.857142980e-01, v47  }
0x49b: {  	v55 =	vshrl.u32 v41, $0x17;
	v51 =	vsub.f32 $0.0e+00, v50;
	v49 =	vadd.f32 $4.000000950e-01, v48  }
0x49c: {  	v34 =	vmul.f32 v34, v37;
	v36 =	vadd.f32 v38, v57;
	v32 =	vmul.f32 v32, v63  }
0x49d: {  	v52 =	vshrl.u32 v46, $0x17;
	v37 =	vmul.f32 v49, v59;
	v28 =	vmul.f32 v28, v33  }
0x49e: {  	v53 =	vand.u32 $0xFF, v52;
	v36 =	vmul.f32 $6.931471820e-01, v36;
	v32 =	vadd.f32 $4.000000950e-01, v32  }
0x49f: {  	v37 =	vadd.f32 $6.666666270e-01, v37;
	v28 =	vmul.f32 v28, v29;
	v29 =	vadd.s32 $0xFFFFFF81, v53  }
0x4a0: {  	v58 =	vsel vm15, $0x3F800000, v22;
	v29 =	vcvt.s32.f32 v29;
	v32 =	vmul.f32 v32, v63  }
0x4a1: {  	v56 =	vsel vm14, $0x3F800000, v22;
	v34 =	vadd.f32 v34, v36;
	v54 =	vmul.f32 v37, v59  }
0x4a2: {  	v36 =	vand.u32 $0xFF, v55;
	v29 =	vadd.f32 v29, v56;
	v32 =	vadd.f32 $6.666666270e-01, v32  }
0x4a3: {  	v36 =	vadd.s32 $0xFFFFFF81, v36;
	v33 =	vmul.f32 v34, v51;
	v34 =	vadd.f32 $2.000000000e+00, v54  }
0x4a4: {  	v57 =	vsub.f32 $1.000000000e+00, v46;
	v36 =	vcvt.s32.f32 v36;
	v32 =	vmul.f32 v32, v63  }
0x4a5: {  	v59 =	vsub.f32 $1.000000000e+00, v41;
	v29 =	vmul.f32 $6.931471820e-01, v29;
	v34 =	vmul.f32 v34, v35  }
0x4a6: {  	v36 =	vadd.f32 v36, v58;
	v35 =	vmul.f32 v57, v57;
	v32 =	vadd.f32 $2.000000000e+00, v32  }
0x4a7: {  	v60 =	vmul.f32 $1.000000000e+01, v30;
	v61 =	vmul.f32 v59, v59;
	v29 =	vadd.f32 v34, v29  }
0x4a8: {  	v35 =	vsub.f32 $0.0e+00, v35;
	v36 =	vmul.f32 $6.931471820e-01, v36;
	v32 =	vmul.f32 v32, v40  }
0x4a9: {  	v26 =	vadd.f32 v28, v26;
	v28 =	vadd.f32 $1.000000000e+00, v60;
	v27 =	vmul.f32 v33, v27  }
0x4aa: {  	s6 =	sadd.s32 $0x1, s6;
	v30 =	vsub.f32 $0.0e+00, v61;
	v29 =	vmul.f32 v29, v35;
	v32 =	vadd.f32 v32, v36  }
0x4ab: {  	p1 =	sne.s32 s6, $0x4;
	v63 =	vadd.f32 $1.000000000e+00, v31  }
.Ltmp1:
0x4ac: {  	v26 =	vadd.f32 v27, v26;
	v27 =	vmul.f32 v29, v28;
	v62 =	vmul.f32 v32, v30;
	(pc) =	sbr.rel @p1 .LBB2_2-.Ltmp1, $3  }
0x4ad: {  	_ = 	snop  }
0x4ae: {  	v26 =	vadd.f32 v27, v26;
	v27 =	vmul.f32 v62, v63;
	_ =	sdelay $0x1  }
0x4af: {  	v26 =	vadd.f32 v27, v26  }
0x4b0: {  	_ = 	snop  }
0x4b1: {  	s6 =	rddreg [dreg:$0x12];
	s14 =	simm.s32 $0x1700;
	[tilespmem:$0x1700] =	vst v26  }
0x4b2: {  	[spmem:s6] =	stream.linear.scatter [tilespmem:s14], [sflag:$0x1], $0x10, $0x38;
	[tilespmem:$0x1A20] =	vst v63  }
0x4b3: {  	_ =	swait.ge [sflag:s19], $0x10  }
0x4b4: {  	[sflag:s19] =	ssyncset.done $0x0  }
0x4b5: {  	[sflag:s19] =	ssyncadd.s32 $0xFFFFFFF0  }
0x4b6: {  	[bflag:$0x0] =	sbarrier.arrive $0xFFFF  }
0x4b7: {  	s6 =	simm.s32 @!p0 $0x1780;
	s11 =	rddreg [dreg:$0x11]  }
0x4b8: {  	[tilespmem:s6], [sflag:$0x1] =	stream.linear.gather @!p0 [spmem:s11], $0x100, $0x38;
	[tilespmem:$0x1A20] =	vst v63  }
0x4b9: {  	s6 =	simm.s32 @!p0 $0x1  }
0x4ba: {  	_ =	swait.ge @!p0 [sflag:s6], $0x100  }
0x4bb: {  	[sflag:s6] =	ssyncset.done @!p0 $0x0  }
0x4bc: {  	[sflag:s6] =	ssyncadd.s32 @!p0 $0xFFFFFF00  }
0x4bd: {  	v25 =	vld @!p0 [tilespmem:$0x1780];
	_ =	sdelay $0x1  }
0x4be: {  	v26 =	vld @!p0 [tilespmem:$0x1790];
	_ =	sdelay $0x1  }
0x4bf: {  	v27 =	vld @!p0 [tilespmem:$0x17A0]  }
0x4c0: {  	v25 =	vadd.f32 @!p0 $0.0e+00, v25  }
0x4c1: {  	v28 =	vld @!p0 [tilespmem:$0x17B0]  }
0x4c2: {  	v25 =	vadd.f32 @!p0 v26, v25  }
0x4c3: {  	v26 =	vld @!p0 [tilespmem:$0x17C0]  }
0x4c4: {  	v25 =	vadd.f32 @!p0 v27, v25  }
0x4c5: {  	v27 =	vld @!p0 [tilespmem:$0x17D0]  }
0x4c6: {  	v25 =	vadd.f32 @!p0 v28, v25  }
0x4c7: {  	v28 =	vld @!p0 [tilespmem:$0x17E0]  }
0x4c8: {  	v25 =	vadd.f32 @!p0 v26, v25  }
0x4c9: {  	v26 =	vld @!p0 [tilespmem:$0x17F0]  }
0x4ca: {  	v25 =	vadd.f32 @!p0 v27, v25  }
0x4cb: {  	v27 =	vld @!p0 [tilespmem:$0x1800]  }
0x4cc: {  	v25 =	vadd.f32 @!p0 v28, v25  }
0x4cd: {  	v28 =	vld @!p0 [tilespmem:$0x1810]  }
0x4ce: {  	v25 =	vadd.f32 @!p0 v26, v25  }
0x4cf: {  	v26 =	vld @!p0 [tilespmem:$0x1820]  }
0x4d0: {  	v25 =	vadd.f32 @!p0 v27, v25  }
0x4d1: {  	v27 =	vld @!p0 [tilespmem:$0x1830]  }
0x4d2: {  	v25 =	vadd.f32 @!p0 v28, v25  }
0x4d3: {  	v28 =	vld @!p0 [tilespmem:$0x1840]  }
0x4d4: {  	v25 =	vadd.f32 @!p0 v26, v25  }
0x4d5: {  	v26 =	vld @!p0 [tilespmem:$0x1850]  }
0x4d6: {  	v25 =	vadd.f32 @!p0 v27, v25  }
0x4d7: {  	v27 =	vld @!p0 [tilespmem:$0x1860]  }
0x4d8: {  	v25 =	vadd.f32 @!p0 v28, v25  }
0x4d9: {  	v28 =	vld @!p0 [tilespmem:$0x1870]  }
0x4da: {  	v25 =	vadd.f32 @!p0 v26, v25;
	_ =	sdelay $0x1  }
0x4db: {  	v25 =	vadd.f32 @!p0 v27, v25;
	_ =	sdelay $0x1  }
0x4dc: {  	v25 =	vadd.f32 @!p0 v28, v25;
	_ =	sdelay $0x1  }
0x4dd: {  	(xrf2) =	vadd.scan.msk.f32 @!p0 $0xffff, v25;
	_ =	sdelay $0x9  }
0x4de: {  	v25, _, _ =	vpop @!p0 (xrf2)  }
0x4df: {  	(v2sf) =	vpush @!p0 v25, $0xF;
	_ =	sdelay $0xe  }
0x4e0: {  	s11 =	spop @!p0 (v2sf)  }
0x4e1: {  	s11 =	smul.f32 @!p0 $1.249999970e-03, s11;
	_ =	sdelay $0x1  }
0x4e2: {  	v25 =	vmov @!p0 s11  }
0x4e3: {  	s12 =	simm.s32 @!p0 $0x1880;
	s13 =	rddreg [dreg:$0x13];
	s11 =	simm.s32 @!p0 $0x0;
	[tilespmem:$0x1880] =	vst @!p0 v25  }
0x4e4: {  	[hbm4b:s13+s11] =	stream.linear.scatter @!p0 [tilespmem:s12], [sflag:$0x1], $0x10, $0x38;
	[tilespmem:$0x1A20] =	vst v63  }
0x4e5: {  	_ =	swait.ge @!p0 [sflag:s6], $0x10  }
0x4e6: {  	s11 =	rddreg [dreg:$0x15]  }
0x4e7: {  	s13 =	rddreg [dreg:$0x14];
	s12 =	sadd.s32 $0x1, s11  }
0x4e8: {  	p1 =	sne.s32 s12, s13  }
.Ltmp2:
0x4e9: {  	_ = 	snop;
	(pc) =	sbr.rel @p1 .LBB2_1-.Ltmp2, $3  }
0x4ea: {  	_ =	sdelay $0x1  }
0x4eb: {  	[sflag:s6] =	ssyncset.done @!p0 $0x0  }
0x4ec: {  	[sflag:s6] =	ssyncadd.s32 @!p0 $0xFFFFFFF0  }
0x4ed: {  	_ =	sfence.sel $0x180000  }
0x4ee: {  	[bflag:$0x0] =	sbarrier.arrive $0xFFFF  }
0x4ef: {  	_ =	strace $0x90000047  }
0x4f0: {  	[bflag:$0x2] =	sbarrier.arrive $0xFFFF  }
0x4f1: {  	s0 =	rddreg [dreg:$0x6]  }
0x4f2: {  	s0 =	sadd.s32 @!p0 $0x100000, s0  }
0x4f3: {  	[sflag:s0] =	ssyncadd.tile.s32 @!p0 $0x1;
	_ =	shalt  }
.Lfunc_end2:
_tile_overlayer_lowered:
.L_overlay_start_2:
0x4f4: {  	(tag) =	ssettag $0x2  }
0x4f5: {  	s0 =	rddreg [dreg:$0x0];
	s2 =	stileid.u32  }
0x4f6: {  	s1 =	rddreg [dreg:$0x1];
	p0 =	sne.s32 s2, $0x0  }
0x4f7: {  	s3 =	rddreg [dreg:$0x2];
	[bflag:$0x3] =	sbarrier.arrive $0xFFFF;
	s2 =	simm.s32 @!p0 $0x1C01  }
0x4f8: {  	[timem:s3], [sflag:s2] =	dma.local @!p0 [hbm:s0], s1  }
0x4f9: {  	s0 =	simm.s32 @!p0 $0x1  }
0x4fa: {  	_ =	swait.ge @!p0 [sflag:s0], s1  }
0x4fb: {  	s1 =	ssub.s32 @!p0 $0x0, s1;
	[sflag:s0] =	ssyncset.done @!p0 $0x0  }
0x4fc: {  	[sflag:s0] =	ssyncadd.s32 @!p0 s1  }
0x4fd: {  	[bflag:$0x3] =	sbarrier.arrive $0xFFFF  }
0x4fe: {  	_ =	shalt  }

</sc_bundles>
